<compile_context>
chip_gen: v7x
topology: tpu7x:2x2x1
jax: 0.10.2.dev20260603
libtpu: 0.0.44.dev20260713+nightly
codegen_flags: <defaults>
</compile_context>

<pallas_src>
import functools

import jax
import jax.numpy as jnp
from jax import lax
from jax.experimental import pallas as pl
from jax.experimental.pallas import tpu as pltpu
from jax.experimental.pallas import tpu_sc as plsc

_B = 128
_D = 768
_LANES = 128
_SUB = _D // _LANES
_POOL = 36
_TOPK = 5
_EPL = 20
_HALF = _EPL // 2
_NSEL = _TOPK * _HALF
_PAD = 56
_NIDX = _SUB * _PAD
_SROWS = _B * _NIDX
_PSUB = _POOL * _EPL * _SUB


def _tc_body(x_ref, k2_ref, k3_ref, rk2_ref, rv2_ref, rk3_ref, rv3_ref,
             loss_ref):
    x = x_ref[...]
    q = x / jnp.maximum(jnp.sqrt(jnp.sum(x * x, axis=1, keepdims=True)),
                        1e-12)
    j = lax.broadcasted_iota(jnp.int32, (_B, _NIDX), 1)
    c6 = j // _PAD
    rr = j % _PAD
    seg = rr // _HALF
    valid = rr < _NSEL
    mod = (rr % _HALF) * _SUB + c6
    bi = lax.broadcasted_iota(jnp.int32, (_B, _NIDX), 0)
    pad_idx = (j + bi * 97) % _PSUB
    iota_p = lax.broadcasted_iota(jnp.int32, (_B, _POOL), 1).astype(
        jnp.float32)
    loss_sum = jnp.float32(0.0)
    for k_ref, rk_ref, rv_ref in ((k2_ref, rk2_ref, rv2_ref),
                                  (k3_ref, rk3_ref, rv3_ref)):
        kk = k_ref[...]
        nk = kk / jnp.maximum(
            jnp.sqrt(jnp.sum(kk * kk, axis=1, keepdims=True)), 1e-12)
        cos = lax.dot_general(q, nk, (((1,), (1,)), ((), ())),
                              preferred_element_type=jnp.float32)
        work = cos
        idxs = []
        for _ in range(_TOPK):
            m = jnp.max(work, axis=1, keepdims=True)
            idx = jnp.min(
                jnp.where(work == m, iota_p, jnp.float32(_POOL)),
                axis=1, keepdims=True)
            idxs.append(idx)
            work = jnp.where(iota_p == idx, -jnp.inf, work)
        colsum = jnp.sum(cos, axis=0, keepdims=True)
        sel = jnp.float32(0.0)
        rows_f = jnp.zeros((_B, _NIDX), jnp.float32)
        for t in range(_TOPK):
            sel = sel + jnp.sum(jnp.where(iota_p == idxs[t], colsum, 0.0))
            rows_f = rows_f + jnp.where(
                seg == t, jnp.broadcast_to(idxs[t], (_B, _NIDX)), 0.0)
        rows_k = rows_f.astype(jnp.int32) * (_EPL * _SUB) + mod
        rk_ref[...] = jnp.where(valid, rows_k, pad_idx)
        rv_ref[...] = jnp.where(valid, rows_k + _HALF * _SUB, pad_idx)
        loss_sum = loss_sum + (1.0 - sel / jnp.float32(_B * _B * _TOPK))
    loss_ref[...] = jnp.full((8, 128), loss_sum / jnp.float32(3.0),
                             jnp.float32)


def _tc_select(x, k2, k3):
    return pl.pallas_call(
        _tc_body,
        out_shape=(
            jax.ShapeDtypeStruct((_B, _NIDX), jnp.int32),
            jax.ShapeDtypeStruct((_B, _NIDX), jnp.int32),
            jax.ShapeDtypeStruct((_B, _NIDX), jnp.int32),
            jax.ShapeDtypeStruct((_B, _NIDX), jnp.int32),
            jax.ShapeDtypeStruct((8, 128), jnp.float32),
        ),
    )(x, k2, k3)


_NB = 4


def _sc_gather(pool2, pool3, rk2, rv2, rk3, rv3):
    info = plsc.get_sparse_core_info()
    nw = info.num_cores * info.num_subcores
    rpw = _SROWS // nw
    chs = rpw // 8
    nch = rpw // chs
    out_t = jax.ShapeDtypeStruct((_SROWS, _LANES), jnp.float32)
    mesh = plsc.VectorSubcoreMesh(core_axis_name="c", subcore_axis_name="s")

    @functools.partial(
        pl.kernel,
        mesh=mesh,
        out_type=[out_t] * 4,
        scratch_types=(
            [pltpu.VMEM((chs,), jnp.int32)] * _NB
            + [pltpu.VMEM((_NB, chs, _LANES), jnp.float32)]
            + [pltpu.SemaphoreType.DMA] * (2 * _NB)
        ),
    )
    def k(p2_h, p3_h, rk2_h, rv2_h, rk3_h, rv3_h, ok2, ov2, ok3, ov3,
          *scr):
        idxs = scr[:_NB]
        bufs = scr[_NB]
        gsems = scr[_NB + 1:2 * _NB + 1]
        wsems = scr[2 * _NB + 1:]
        wid = lax.axis_index("s") * info.num_cores + lax.axis_index("c")
        base = wid * rpw
        steps = []
        for pool, rows, out in ((p2_h, rk2_h, ok2), (p2_h, rv2_h, ov2),
                                (p3_h, rk3_h, ok3), (p3_h, rv3_h, ov3)):
            for c in range(nch):
                steps.append((pool, rows, out, c))
        n = len(steps)

        def start_gather(s, b):
            pool, rows, _, c = steps[s]
            pltpu.sync_copy(rows.at[pl.ds(base + c * chs, chs)], idxs[b])
            return pltpu.async_copy(pool.at[idxs[b]], bufs.at[b],
                                    gsems[b])

        def start_write(s, b):
            _, _, out, c = steps[s]
            return pltpu.async_copy(
                bufs.at[b], out.at[pl.ds(base + c * chs, chs)], wsems[b])

        g = [None] * _NB
        w = [None] * _NB
        for s in range(n):
            b = s % _NB
            if w[b] is not None:
                w[b].wait()
                w[b] = None
            g[b] = start_gather(s, b)
            d = s - (_NB - 1)
            if d >= 0:
                bd = d % _NB
                g[bd].wait()
                w[bd] = start_write(d, bd)
        for d in range(max(0, n - (_NB - 1)), n):
            bd = d % _NB
            g[bd].wait()
            w[bd] = start_write(d, bd)
        for b in range(_NB):
            if w[b] is not None:
                w[b].wait()

    return k(pool2, pool3, rk2, rv2, rk3, rv3)


_BPG = 8


def _relayout_body(ik_ref, iv_ref, ok_ref, ov_ref):
    for src, dst in ((ik_ref, ok_ref), (iv_ref, ov_ref)):
        for bb in range(_BPG):
            for c in range(_SUB):
                dst[bb, :, pl.ds(c * _LANES, _LANES)] = src[
                    pl.ds(bb * _NIDX + c * _PAD, _NSEL), :]


def _tc_relayout(gk, gv):
    out_t = jax.ShapeDtypeStruct((_B, _NSEL, _D), jnp.float32)
    spec_in = pl.BlockSpec((_BPG * _NIDX, _LANES), lambda b: (b, 0))
    spec_out = pl.BlockSpec((_BPG, _NSEL, _D), lambda b: (b, 0, 0))
    return pl.pallas_call(
        _relayout_body,
        grid=(_B // _BPG,),
        in_specs=[spec_in] * 2,
        out_specs=[spec_out] * 2,
        out_shape=[out_t] * 2,
    )(gk, gv)


def kernel(x_querry, g_p_0, g_p_1, e_p_2, e_k_2, e_p_3, e_k_3, e_p_4,
           e_k_4):
    del e_p_4, e_k_4
    rk2, rv2, rk3, rv3, loss2d = _tc_select(x_querry, e_k_2, e_k_3)
    gk2, gv2, gk3, gv3 = _sc_gather(
        e_p_2.reshape(_PSUB, _LANES), e_p_3.reshape(_PSUB, _LANES),
        rk2.reshape(-1), rv2.reshape(-1), rk3.reshape(-1), rv3.reshape(-1))
    ok2, ov2 = _tc_relayout(gk2, gv2)
    ok3, ov3 = _tc_relayout(gk3, gv3)
    half_g = 3
    pk0 = jnp.broadcast_to(g_p_0[None, :half_g, :], (_B, half_g, _D))
    pv0 = jnp.broadcast_to(g_p_0[None, half_g:, :], (_B, half_g, _D))
    pk1 = jnp.broadcast_to(g_p_1[None, :half_g, :], (_B, half_g, _D))
    pv1 = jnp.broadcast_to(g_p_1[None, half_g:, :], (_B, half_g, _D))
    return (pk0, pv0, pk1, pv1, ok2, ov2, ok3, ov3, loss2d[0, 0])

# --- scband reference (transcript-rebuilt; emitter-appended) ---
"""Pipeline reference for scband-dual-prompt-3075196584396 (READ-ONLY COPY).

The authoritative reference and input builder live on the scoring server;
editing this copy changes nothing except your own understanding.
"""

import jax, jax.numpy as jnp
import numpy as np

B = 128
EMBED_DIM = 768
KEY_DIM = 768
TOP_K = 5
G_P_LEN = 6
E_P_LEN = 20
POOL = 36
G_LAYERS = [0, 1]
E_LAYERS = [2, 3, 4]


def _normalize(x, axis):
    # matches torch.nn.functional.normalize (p=2, eps=1e-12)
    n = jnp.linalg.norm(x, ord=2, axis=axis, keepdims=True)
    return x / jnp.maximum(n, 1e-12)


def setup_inputs(seed: int = 0) -> dict:
    key = jax.random.key(seed)
    ks = jax.random.split(key, 10)
    u = lambda k, shape: jax.random.uniform(k, shape, dtype=jnp.float32, minval=-1.0, maxval=1.0)
    inp = {}
    inp['x_querry'] = jax.random.normal(ks[0], (B, KEY_DIM), dtype=jnp.float32)
    inp['g_p_0'] = u(ks[1], (G_P_LEN, EMBED_DIM))
    inp['g_p_1'] = u(ks[2], (G_P_LEN, EMBED_DIM))
    inp['e_p_2'] = u(ks[3], (POOL, E_P_LEN, EMBED_DIM))
    inp['e_k_2'] = u(ks[4], (POOL, KEY_DIM))
    inp['e_p_3'] = u(ks[5], (POOL, E_P_LEN, EMBED_DIM))
    inp['e_k_3'] = u(ks[6], (POOL, KEY_DIM))
    inp['e_p_4'] = u(ks[7], (POOL, E_P_LEN, EMBED_DIM))
    inp['e_k_4'] = u(ks[8], (POOL, KEY_DIM))
    return inp


def reference(x_querry, g_p_0, g_p_1, e_p_2, e_k_2, e_p_3, e_k_3, e_p_4, e_k_4):
    # training=True, task_id_bootstrap=False path of DualPrompt.forward
    Bq = x_querry.shape[0]
    g_ps = {0: g_p_0, 1: g_p_1}
    e_ps = {2: (e_p_2, e_k_2), 3: (e_p_3, e_k_3), 4: (e_p_4, e_k_4)}
    q = jax.lax.stop_gradient(_normalize(x_querry, 1))
    outs = []
    total_loss = jnp.float32(0.0)
    max_layer = max(G_LAYERS + E_LAYERS)  # NOTE: range(max) skips last e-layer, faithful to source
    for l in range(max_layer):
        loss = jnp.float32(0.0)
        e_valid = l in E_LAYERS
        g_valid = l in G_LAYERS
        Ek = Ev = Gk = Gv = None
        if e_valid:
            p, K = e_ps[l]
            n_K = _normalize(K, 1)
            cos_sim = jnp.einsum('bj,kj->bk', q, n_K)
            _, k_idx = jax.lax.top_k(cos_sim, TOP_K)
            # torch: cos_sim[:, k_idx] -> [B, B, TOP_K]
            loss = jnp.mean(1.0 - jnp.take(cos_sim, k_idx, axis=1))
            P_ = jnp.take(p, k_idx, axis=0)  # [B, TOP_K, E_P_LEN, D]
            i = E_P_LEN // 2
            Ek = P_[:, :, :i, :].reshape(Bq, -1, EMBED_DIM)
            Ev = P_[:, :, i:, :].reshape(Bq, -1, EMBED_DIM)
        if g_valid:
            j = G_P_LEN // 2
            P_ = jnp.broadcast_to(g_ps[l][None, :, :], (Bq, G_P_LEN, EMBED_DIM))
            Gk = P_[:, :j, :]
            Gv = P_[:, j:, :]
        if e_valid and g_valid:
            Pk = jnp.concatenate((Ek, Gk), axis=1)
            Pv = jnp.concatenate((Ev, Gv), axis=1)
        elif e_valid:
            Pk, Pv = Ek, Ev
        elif g_valid:
            Pk, Pv = Gk, Gv
        else:
            Pk, Pv = None, None
        outs.append(Pk)
        outs.append(Pv)
        total_loss = total_loss + loss
    return (*outs, total_loss / len(E_LAYERS))

if __name__ == "__main__":
    import jax
    _d = setup_inputs()
    print(jax.jit(kernel)(*tuple(_d.values())))

</pallas_src>

<mosaic_0001>
#map = affine_map<(d0, d1) -> (0, 0)>
#map1 = affine_map<(d0, d1) -> (0)>
module attributes {stable_mosaic.version = 14 : i64} {
  func.func @k(%arg0: i32, %arg1: i32, %arg2: memref<4320x128xf32, #tpu.memory_space<hbm>>, %arg3: memref<4320x128xf32, #tpu.memory_space<hbm>>, %arg4: memref<43008xi32, #tpu.memory_space<hbm>>, %arg5: memref<43008xi32, #tpu.memory_space<hbm>>, %arg6: memref<43008xi32, #tpu.memory_space<hbm>>, %arg7: memref<43008xi32, #tpu.memory_space<hbm>>, %arg8: memref<43008x128xf32, #tpu.memory_space<hbm>>, %arg9: memref<43008x128xf32, #tpu.memory_space<hbm>>, %arg10: memref<43008x128xf32, #tpu.memory_space<hbm>>, %arg11: memref<43008x128xf32, #tpu.memory_space<hbm>>, %arg12: memref<168xi32, #tpu.memory_space<vmem>>, %arg13: memref<168xi32, #tpu.memory_space<vmem>>, %arg14: memref<168xi32, #tpu.memory_space<vmem>>, %arg15: memref<168xi32, #tpu.memory_space<vmem>>, %arg16: memref<4x168x128xf32, #tpu.memory_space<vmem>>, %arg17: memref<!tpu.dma_semaphore, #tpu.memory_space<semaphore_mem>>, %arg18: memref<!tpu.dma_semaphore, #tpu.memory_space<semaphore_mem>>, %arg19: memref<!tpu.dma_semaphore, #tpu.memory_space<semaphore_mem>>, %arg20: memref<!tpu.dma_semaphore, #tpu.memory_space<semaphore_mem>>, %arg21: memref<!tpu.dma_semaphore, #tpu.memory_space<semaphore_mem>>, %arg22: memref<!tpu.dma_semaphore, #tpu.memory_space<semaphore_mem>>, %arg23: memref<!tpu.dma_semaphore, #tpu.memory_space<semaphore_mem>>, %arg24: memref<!tpu.dma_semaphore, #tpu.memory_space<semaphore_mem>>) attributes {dimension_semantics = [#tpu.dimension_semantics<core_parallel>, #tpu.dimension_semantics<subcore_parallel>], iteration_bounds = array<i64: 2, 16>, scalar_prefetch = 0 : i64, scratch_operands = 13 : i64, tpu.core_type = #tpu.core_type<sc_vector_subcore>, window_params = [{transform_indices = #map}, {transform_indices = #map}, {transform_indices = #map1}, {transform_indices = #map1}, {transform_indices = #map1}, {transform_indices = #map1}, {transform_indices = #map}, {transform_indices = #map}, {transform_indices = #map}, {transform_indices = #map}]} {
    %mul3A = arith.constant 2 : i32
    %mul3A_0 = arith.muli %arg1, %mul3A : i32
    %add3A = arith.addi %mul3A_0, %arg0 : i32
    %mul3A_1 = arith.constant 1344 : i32
    %mul3A_2 = arith.muli %add3A, %mul3A_1 : i32
    %add3A_3 = arith.constant 0 : i32
    %add3A_4 = arith.addi %mul3A_2, %add3A_3 : i32
    "tpu.region"() ({
      %run_scoped3A = tpu.sem_alloc : memref<!tpu.dma_semaphore, #tpu.memory_space<semaphore_mem>>
      %dma_start3A_1473 = tpu.memref_slice %arg4[%add3A_4] : memref<43008xi32, #tpu.memory_space<hbm>> -> memref<168xi32, #tpu.memory_space<hbm>>
      %dma_start3A_1474 = tpu.memref_slice %arg4[%add3A_4] : memref<43008xi32, #tpu.memory_space<hbm>> -> memref<168xi32, #tpu.memory_space<hbm>>
      tpu.enqueue_dma source(%dma_start3A_1474 : memref<168xi32, #tpu.memory_space<hbm>>) target(%arg12 : memref<168xi32, #tpu.memory_space<vmem>>) target_semaphore(%run_scoped3A : memref<!tpu.dma_semaphore, #tpu.memory_space<semaphore_mem>>)
      %dma_wait3A_1475 = tpu.memref_slice %arg4[%add3A_4] : memref<43008xi32, #tpu.memory_space<hbm>> -> memref<168xi32, #tpu.memory_space<hbm>>
      %dma_wait3A_1476 = tpu.memref_slice %arg4[%add3A_4] : memref<43008xi32, #tpu.memory_space<hbm>> -> memref<168xi32, #tpu.memory_space<hbm>>
      tpu.wait_dma2 semaphore(%run_scoped3A : memref<!tpu.dma_semaphore, #tpu.memory_space<semaphore_mem>>) src(%dma_wait3A_1476 : memref<168xi32, #tpu.memory_space<hbm>>) dst(%arg12 : memref<168xi32, #tpu.memory_space<vmem>>)
      tpu.yield
    }) : () -> ()
    %dma_start3A = arith.constant 0 : i32
    %dma_start3A_5 = arith.constant 0 : i32
    %dma_start3A_6 = arith.constant 0 : i32
    %dma_start3A_7 = tpu.memref_slice %arg16[%dma_start3A, %dma_start3A_5, %dma_start3A_6] : memref<4x168x128xf32, #tpu.memory_space<vmem>> -> memref<1x168x128xf32, #tpu.memory_space<vmem>>
    %dma_start3A_8 = tpu.memref_squeeze %dma_start3A_7 : memref<1x168x128xf32, #tpu.memory_space<vmem>> -> memref<168x128xf32, #tpu.memory_space<vmem>>
    %dma_start3A_9 = arith.constant 0 : i32
    %dma_start3A_10 = arith.constant 0 : i32
    %dma_start3A_11 = tpu.memref_slice %arg2[%dma_start3A_9, %dma_start3A_10] : memref<4320x128xf32, #tpu.memory_space<hbm>> -> memref<4320x128xf32, #tpu.memory_space<hbm>>
    tpu.enqueue_indirect_dma source(%dma_start3A_11 : memref<4320x128xf32, #tpu.memory_space<hbm>>) target(%dma_start3A_8 : memref<168x128xf32, #tpu.memory_space<vmem>>) offsets(%arg12 : memref<168xi32, #tpu.memory_space<vmem>>) semaphore(%arg17 : memref<!tpu.dma_semaphore, #tpu.memory_space<semaphore_mem>>)
    %add3A_12 = arith.constant 168 : i32
    %add3A_13 = arith.addi %mul3A_2, %add3A_12 : i32
    "tpu.region"() ({
      %run_scoped3A = tpu.sem_alloc : memref<!tpu.dma_semaphore, #tpu.memory_space<semaphore_mem>>
      %dma_start3A_1473 = tpu.memref_slice %arg4[%add3A_13] : memref<43008xi32, #tpu.memory_space<hbm>> -> memref<168xi32, #tpu.memory_space<hbm>>
      %dma_start3A_1474 = tpu.memref_slice %arg4[%add3A_13] : memref<43008xi32, #tpu.memory_space<hbm>> -> memref<168xi32, #tpu.memory_space<hbm>>
      tpu.enqueue_dma source(%dma_start3A_1474 : memref<168xi32, #tpu.memory_space<hbm>>) target(%arg13 : memref<168xi32, #tpu.memory_space<vmem>>) target_semaphore(%run_scoped3A : memref<!tpu.dma_semaphore, #tpu.memory_space<semaphore_mem>>)
      %dma_wait3A_1475 = tpu.memref_slice %arg4[%add3A_13] : memref<43008xi32, #tpu.memory_space<hbm>> -> memref<168xi32, #tpu.memory_space<hbm>>
      %dma_wait3A_1476 = tpu.memref_slice %arg4[%add3A_13] : memref<43008xi32, #tpu.memory_space<hbm>> -> memref<168xi32, #tpu.memory_space<hbm>>
      tpu.wait_dma2 semaphore(%run_scoped3A : memref<!tpu.dma_semaphore, #tpu.memory_space<semaphore_mem>>) src(%dma_wait3A_1476 : memref<168xi32, #tpu.memory_space<hbm>>) dst(%arg13 : memref<168xi32, #tpu.memory_space<vmem>>)
      tpu.yield
    }) : () -> ()
    %dma_start3A_14 = arith.constant 1 : i32
    %dma_start3A_15 = arith.constant 0 : i32
    %dma_start3A_16 = arith.constant 0 : i32
    %dma_start3A_17 = tpu.memref_slice %arg16[%dma_start3A_14, %dma_start3A_15, %dma_start3A_16] : memref<4x168x128xf32, #tpu.memory_space<vmem>> -> memref<1x168x128xf32, #tpu.memory_space<vmem>>
    %dma_start3A_18 = tpu.memref_squeeze %dma_start3A_17 : memref<1x168x128xf32, #tpu.memory_space<vmem>> -> memref<168x128xf32, #tpu.memory_space<vmem>>
    %dma_start3A_19 = arith.constant 0 : i32
    %dma_start3A_20 = arith.constant 0 : i32
    %dma_start3A_21 = tpu.memref_slice %arg2[%dma_start3A_19, %dma_start3A_20] : memref<4320x128xf32, #tpu.memory_space<hbm>> -> memref<4320x128xf32, #tpu.memory_space<hbm>>
    tpu.enqueue_indirect_dma source(%dma_start3A_21 : memref<4320x128xf32, #tpu.memory_space<hbm>>) target(%dma_start3A_18 : memref<168x128xf32, #tpu.memory_space<vmem>>) offsets(%arg13 : memref<168xi32, #tpu.memory_space<vmem>>) semaphore(%arg18 : memref<!tpu.dma_semaphore, #tpu.memory_space<semaphore_mem>>)
    %add3A_22 = arith.constant 336 : i32
    %add3A_23 = arith.addi %mul3A_2, %add3A_22 : i32
    "tpu.region"() ({
      %run_scoped3A = tpu.sem_alloc : memref<!tpu.dma_semaphore, #tpu.memory_space<semaphore_mem>>
      %dma_start3A_1473 = tpu.memref_slice %arg4[%add3A_23] : memref<43008xi32, #tpu.memory_space<hbm>> -> memref<168xi32, #tpu.memory_space<hbm>>
      %dma_start3A_1474 = tpu.memref_slice %arg4[%add3A_23] : memref<43008xi32, #tpu.memory_space<hbm>> -> memref<168xi32, #tpu.memory_space<hbm>>
      tpu.enqueue_dma source(%dma_start3A_1474 : memref<168xi32, #tpu.memory_space<hbm>>) target(%arg14 : memref<168xi32, #tpu.memory_space<vmem>>) target_semaphore(%run_scoped3A : memref<!tpu.dma_semaphore, #tpu.memory_space<semaphore_mem>>)
      %dma_wait3A_1475 = tpu.memref_slice %arg4[%add3A_23] : memref<43008xi32, #tpu.memory_space<hbm>> -> memref<168xi32, #tpu.memory_space<hbm>>
      %dma_wait3A_1476 = tpu.memref_slice %arg4[%add3A_23] : memref<43008xi32, #tpu.memory_space<hbm>> -> memref<168xi32, #tpu.memory_space<hbm>>
      tpu.wait_dma2 semaphore(%run_scoped3A : memref<!tpu.dma_semaphore, #tpu.memory_space<semaphore_mem>>) src(%dma_wait3A_1476 : memref<168xi32, #tpu.memory_space<hbm>>) dst(%arg14 : memref<168xi32, #tpu.memory_space<vmem>>)
      tpu.yield
    }) : () -> ()
    %dma_start3A_24 = arith.constant 2 : i32
    %dma_start3A_25 = arith.constant 0 : i32
    %dma_start3A_26 = arith.constant 0 : i32
    %dma_start3A_27 = tpu.memref_slice %arg16[%dma_start3A_24, %dma_start3A_25, %dma_start3A_26] : memref<4x168x128xf32, #tpu.memory_space<vmem>> -> memref<1x168x128xf32, #tpu.memory_space<vmem>>
    %dma_start3A_28 = tpu.memref_squeeze %dma_start3A_27 : memref<1x168x128xf32, #tpu.memory_space<vmem>> -> memref<168x128xf32, #tpu.memory_space<vmem>>
    %dma_start3A_29 = arith.constant 0 : i32
    %dma_start3A_30 = arith.constant 0 : i32
    %dma_start3A_31 = tpu.memref_slice %arg2[%dma_start3A_29, %dma_start3A_30] : memref<4320x128xf32, #tpu.memory_space<hbm>> -> memref<4320x128xf32, #tpu.memory_space<hbm>>
    tpu.enqueue_indirect_dma source(%dma_start3A_31 : memref<4320x128xf32, #tpu.memory_space<hbm>>) target(%dma_start3A_28 : memref<168x128xf32, #tpu.memory_space<vmem>>) offsets(%arg14 : memref<168xi32, #tpu.memory_space<vmem>>) semaphore(%arg19 : memref<!tpu.dma_semaphore, #tpu.memory_space<semaphore_mem>>)
    %add3A_32 = arith.constant 504 : i32
    %add3A_33 = arith.addi %mul3A_2, %add3A_32 : i32
    "tpu.region"() ({
      %run_scoped3A = tpu.sem_alloc : memref<!tpu.dma_semaphore, #tpu.memory_space<semaphore_mem>>
      %dma_start3A_1473 = tpu.memref_slice %arg4[%add3A_33] : memref<43008xi32, #tpu.memory_space<hbm>> -> memref<168xi32, #tpu.memory_space<hbm>>
      %dma_start3A_1474 = tpu.memref_slice %arg4[%add3A_33] : memref<43008xi32, #tpu.memory_space<hbm>> -> memref<168xi32, #tpu.memory_space<hbm>>
      tpu.enqueue_dma source(%dma_start3A_1474 : memref<168xi32, #tpu.memory_space<hbm>>) target(%arg15 : memref<168xi32, #tpu.memory_space<vmem>>) target_semaphore(%run_scoped3A : memref<!tpu.dma_semaphore, #tpu.memory_space<semaphore_mem>>)
      %dma_wait3A_1475 = tpu.memref_slice %arg4[%add3A_33] : memref<43008xi32, #tpu.memory_space<hbm>> -> memref<168xi32, #tpu.memory_space<hbm>>
      %dma_wait3A_1476 = tpu.memref_slice %arg4[%add3A_33] : memref<43008xi32, #tpu.memory_space<hbm>> -> memref<168xi32, #tpu.memory_space<hbm>>
      tpu.wait_dma2 semaphore(%run_scoped3A : memref<!tpu.dma_semaphore, #tpu.memory_space<semaphore_mem>>) src(%dma_wait3A_1476 : memref<168xi32, #tpu.memory_space<hbm>>) dst(%arg15 : memref<168xi32, #tpu.memory_space<vmem>>)
      tpu.yield
    }) : () -> ()
    %dma_start3A_34 = arith.constant 3 : i32
    %dma_start3A_35 = arith.constant 0 : i32
    %dma_start3A_36 = arith.constant 0 : i32
    %dma_start3A_37 = tpu.memref_slice %arg16[%dma_start3A_34, %dma_start3A_35, %dma_start3A_36] : memref<4x168x128xf32, #tpu.memory_space<vmem>> -> memref<1x168x128xf32, #tpu.memory_space<vmem>>
    %dma_start3A_38 = tpu.memref_squeeze %dma_start3A_37 : memref<1x168x128xf32, #tpu.memory_space<vmem>> -> memref<168x128xf32, #tpu.memory_space<vmem>>
    %dma_start3A_39 = arith.constant 0 : i32
    %dma_start3A_40 = arith.constant 0 : i32
    %dma_start3A_41 = tpu.memref_slice %arg2[%dma_start3A_39, %dma_start3A_40] : memref<4320x128xf32, #tpu.memory_space<hbm>> -> memref<4320x128xf32, #tpu.memory_space<hbm>>
    tpu.enqueue_indirect_dma source(%dma_start3A_41 : memref<4320x128xf32, #tpu.memory_space<hbm>>) target(%dma_start3A_38 : memref<168x128xf32, #tpu.memory_space<vmem>>) offsets(%arg15 : memref<168xi32, #tpu.memory_space<vmem>>) semaphore(%arg20 : memref<!tpu.dma_semaphore, #tpu.memory_space<semaphore_mem>>)
    %dma_wait3A = arith.constant 0 : i32
    %dma_wait3A_42 = arith.constant 0 : i32
    %dma_wait3A_43 = arith.constant 0 : i32
    %dma_wait3A_44 = tpu.memref_slice %arg16[%dma_wait3A, %dma_wait3A_42, %dma_wait3A_43] : memref<4x168x128xf32, #tpu.memory_space<vmem>> -> memref<1x168x128xf32, #tpu.memory_space<vmem>>
    %dma_wait3A_45 = tpu.memref_squeeze %dma_wait3A_44 : memref<1x168x128xf32, #tpu.memory_space<vmem>> -> memref<168x128xf32, #tpu.memory_space<vmem>>
    %dma_wait3A_46 = arith.constant 0 : i32
    %dma_wait3A_47 = arith.constant 0 : i32
    %dma_wait3A_48 = tpu.memref_slice %arg2[%dma_wait3A_46, %dma_wait3A_47] : memref<4320x128xf32, #tpu.memory_space<hbm>> -> memref<4320x128xf32, #tpu.memory_space<hbm>>
    tpu.wait_indirect_dma semaphore(%arg17 : memref<!tpu.dma_semaphore, #tpu.memory_space<semaphore_mem>>) src(%dma_wait3A_48 : memref<4320x128xf32, #tpu.memory_space<hbm>>) dst(%dma_wait3A_45 : memref<168x128xf32, #tpu.memory_space<vmem>>)
    %add3A_49 = arith.constant 0 : i32
    %add3A_50 = arith.addi %mul3A_2, %add3A_49 : i32
    %dma_start3A_51 = arith.constant 0 : i32
    %dma_start3A_52 = arith.constant 0 : i32
    %dma_start3A_53 = arith.constant 0 : i32
    %dma_start3A_54 = tpu.memref_slice %arg16[%dma_start3A_51, %dma_start3A_52, %dma_start3A_53] : memref<4x168x128xf32, #tpu.memory_space<vmem>> -> memref<1x168x128xf32, #tpu.memory_space<vmem>>
    %dma_start3A_55 = tpu.memref_squeeze %dma_start3A_54 : memref<1x168x128xf32, #tpu.memory_space<vmem>> -> memref<168x128xf32, #tpu.memory_space<vmem>>
    %dma_start3A_56 = arith.constant 0 : i32
    %dma_start3A_57 = tpu.memref_slice %arg8[%add3A_50, %dma_start3A_56] : memref<43008x128xf32, #tpu.memory_space<hbm>> -> memref<168x128xf32, #tpu.memory_space<hbm>>
    %dma_start3A_58 = arith.constant 0 : i32
    %dma_start3A_59 = tpu.memref_slice %arg8[%add3A_50, %dma_start3A_58] : memref<43008x128xf32, #tpu.memory_space<hbm>> -> memref<168x128xf32, #tpu.memory_space<hbm>>
    %dma_start3A_60 = arith.constant 0 : i32
    %dma_start3A_61 = arith.constant 0 : i32
    %dma_start3A_62 = tpu.memref_slice %arg16[%dma_start3A_51, %dma_start3A_60, %dma_start3A_61] : memref<4x168x128xf32, #tpu.memory_space<vmem>> -> memref<1x168x128xf32, #tpu.memory_space<vmem>>
    %dma_start3A_63 = tpu.memref_squeeze %dma_start3A_62 : memref<1x168x128xf32, #tpu.memory_space<vmem>> -> memref<168x128xf32, #tpu.memory_space<vmem>>
    tpu.enqueue_dma source(%dma_start3A_63 : memref<168x128xf32, #tpu.memory_space<vmem>>) target(%dma_start3A_59 : memref<168x128xf32, #tpu.memory_space<hbm>>) target_semaphore(%arg21 : memref<!tpu.dma_semaphore, #tpu.memory_space<semaphore_mem>>)
    %dma_wait3A_64 = arith.constant 0 : i32
    %dma_wait3A_65 = arith.constant 0 : i32
    %dma_wait3A_66 = arith.constant 0 : i32
    %dma_wait3A_67 = tpu.memref_slice %arg16[%dma_wait3A_64, %dma_wait3A_65, %dma_wait3A_66] : memref<4x168x128xf32, #tpu.memory_space<vmem>> -> memref<1x168x128xf32, #tpu.memory_space<vmem>>
    %dma_wait3A_68 = tpu.memref_squeeze %dma_wait3A_67 : memref<1x168x128xf32, #tpu.memory_space<vmem>> -> memref<168x128xf32, #tpu.memory_space<vmem>>
    %dma_wait3A_69 = arith.constant 0 : i32
    %dma_wait3A_70 = tpu.memref_slice %arg8[%add3A_50, %dma_wait3A_69] : memref<43008x128xf32, #tpu.memory_space<hbm>> -> memref<168x128xf32, #tpu.memory_space<hbm>>
    %dma_wait3A_71 = arith.constant 0 : i32
    %dma_wait3A_72 = tpu.memref_slice %arg8[%add3A_50, %dma_wait3A_71] : memref<43008x128xf32, #tpu.memory_space<hbm>> -> memref<168x128xf32, #tpu.memory_space<hbm>>
    %dma_wait3A_73 = arith.constant 0 : i32
    %dma_wait3A_74 = arith.constant 0 : i32
    %dma_wait3A_75 = tpu.memref_slice %arg16[%dma_wait3A_64, %dma_wait3A_73, %dma_wait3A_74] : memref<4x168x128xf32, #tpu.memory_space<vmem>> -> memref<1x168x128xf32, #tpu.memory_space<vmem>>
    %dma_wait3A_76 = tpu.memref_squeeze %dma_wait3A_75 : memref<1x168x128xf32, #tpu.memory_space<vmem>> -> memref<168x128xf32, #tpu.memory_space<vmem>>
    tpu.wait_dma2 semaphore(%arg21 : memref<!tpu.dma_semaphore, #tpu.memory_space<semaphore_mem>>) src(%dma_wait3A_76 : memref<168x128xf32, #tpu.memory_space<vmem>>) dst(%dma_wait3A_72 : memref<168x128xf32, #tpu.memory_space<hbm>>)
    %add3A_77 = arith.constant 672 : i32
    %add3A_78 = arith.addi %mul3A_2, %add3A_77 : i32
    "tpu.region"() ({
      %run_scoped3A = tpu.sem_alloc : memref<!tpu.dma_semaphore, #tpu.memory_space<semaphore_mem>>
      %dma_start3A_1473 = tpu.memref_slice %arg4[%add3A_78] : memref<43008xi32, #tpu.memory_space<hbm>> -> memref<168xi32, #tpu.memory_space<hbm>>
      %dma_start3A_1474 = tpu.memref_slice %arg4[%add3A_78] : memref<43008xi32, #tpu.memory_space<hbm>> -> memref<168xi32, #tpu.memory_space<hbm>>
      tpu.enqueue_dma source(%dma_start3A_1474 : memref<168xi32, #tpu.memory_space<hbm>>) target(%arg12 : memref<168xi32, #tpu.memory_space<vmem>>) target_semaphore(%run_scoped3A : memref<!tpu.dma_semaphore, #tpu.memory_space<semaphore_mem>>)
      %dma_wait3A_1475 = tpu.memref_slice %arg4[%add3A_78] : memref<43008xi32, #tpu.memory_space<hbm>> -> memref<168xi32, #tpu.memory_space<hbm>>
      %dma_wait3A_1476 = tpu.memref_slice %arg4[%add3A_78] : memref<43008xi32, #tpu.memory_space<hbm>> -> memref<168xi32, #tpu.memory_space<hbm>>
      tpu.wait_dma2 semaphore(%run_scoped3A : memref<!tpu.dma_semaphore, #tpu.memory_space<semaphore_mem>>) src(%dma_wait3A_1476 : memref<168xi32, #tpu.memory_space<hbm>>) dst(%arg12 : memref<168xi32, #tpu.memory_space<vmem>>)
      tpu.yield
    }) : () -> ()
    %dma_start3A_79 = arith.constant 0 : i32
    %dma_start3A_80 = arith.constant 0 : i32
    %dma_start3A_81 = arith.constant 0 : i32
    %dma_start3A_82 = tpu.memref_slice %arg16[%dma_start3A_79, %dma_start3A_80, %dma_start3A_81] : memref<4x168x128xf32, #tpu.memory_space<vmem>> -> memref<1x168x128xf32, #tpu.memory_space<vmem>>
    %dma_start3A_83 = tpu.memref_squeeze %dma_start3A_82 : memref<1x168x128xf32, #tpu.memory_space<vmem>> -> memref<168x128xf32, #tpu.memory_space<vmem>>
    %dma_start3A_84 = arith.constant 0 : i32
    %dma_start3A_85 = arith.constant 0 : i32
    %dma_start3A_86 = tpu.memref_slice %arg2[%dma_start3A_84, %dma_start3A_85] : memref<4320x128xf32, #tpu.memory_space<hbm>> -> memref<4320x128xf32, #tpu.memory_space<hbm>>
    tpu.enqueue_indirect_dma source(%dma_start3A_86 : memref<4320x128xf32, #tpu.memory_space<hbm>>) target(%dma_start3A_83 : memref<168x128xf32, #tpu.memory_space<vmem>>) offsets(%arg12 : memref<168xi32, #tpu.memory_space<vmem>>) semaphore(%arg17 : memref<!tpu.dma_semaphore, #tpu.memory_space<semaphore_mem>>)
    %dma_wait3A_87 = arith.constant 1 : i32
    %dma_wait3A_88 = arith.constant 0 : i32
    %dma_wait3A_89 = arith.constant 0 : i32
    %dma_wait3A_90 = tpu.memref_slice %arg16[%dma_wait3A_87, %dma_wait3A_88, %dma_wait3A_89] : memref<4x168x128xf32, #tpu.memory_space<vmem>> -> memref<1x168x128xf32, #tpu.memory_space<vmem>>
    %dma_wait3A_91 = tpu.memref_squeeze %dma_wait3A_90 : memref<1x168x128xf32, #tpu.memory_space<vmem>> -> memref<168x128xf32, #tpu.memory_space<vmem>>
    %dma_wait3A_92 = arith.constant 0 : i32
    %dma_wait3A_93 = arith.constant 0 : i32
    %dma_wait3A_94 = tpu.memref_slice %arg2[%dma_wait3A_92, %dma_wait3A_93] : memref<4320x128xf32, #tpu.memory_space<hbm>> -> memref<4320x128xf32, #tpu.memory_space<hbm>>
    tpu.wait_indirect_dma semaphore(%arg18 : memref<!tpu.dma_semaphore, #tpu.memory_space<semaphore_mem>>) src(%dma_wait3A_94 : memref<4320x128xf32, #tpu.memory_space<hbm>>) dst(%dma_wait3A_91 : memref<168x128xf32, #tpu.memory_space<vmem>>)
    %add3A_95 = arith.constant 168 : i32
    %add3A_96 = arith.addi %mul3A_2, %add3A_95 : i32
    %dma_start3A_97 = arith.constant 1 : i32
    %dma_start3A_98 = arith.constant 0 : i32
    %dma_start3A_99 = arith.constant 0 : i32
    %dma_start3A_100 = tpu.memref_slice %arg16[%dma_start3A_97, %dma_start3A_98, %dma_start3A_99] : memref<4x168x128xf32, #tpu.memory_space<vmem>> -> memref<1x168x128xf32, #tpu.memory_space<vmem>>
    %dma_start3A_101 = tpu.memref_squeeze %dma_start3A_100 : memref<1x168x128xf32, #tpu.memory_space<vmem>> -> memref<168x128xf32, #tpu.memory_space<vmem>>
    %dma_start3A_102 = arith.constant 0 : i32
    %dma_start3A_103 = tpu.memref_slice %arg8[%add3A_96, %dma_start3A_102] : memref<43008x128xf32, #tpu.memory_space<hbm>> -> memref<168x128xf32, #tpu.memory_space<hbm>>
    %dma_start3A_104 = arith.constant 0 : i32
    %dma_start3A_105 = tpu.memref_slice %arg8[%add3A_96, %dma_start3A_104] : memref<43008x128xf32, #tpu.memory_space<hbm>> -> memref<168x128xf32, #tpu.memory_space<hbm>>
    %dma_start3A_106 = arith.constant 0 : i32
    %dma_start3A_107 = arith.constant 0 : i32
    %dma_start3A_108 = tpu.memref_slice %arg16[%dma_start3A_97, %dma_start3A_106, %dma_start3A_107] : memref<4x168x128xf32, #tpu.memory_space<vmem>> -> memref<1x168x128xf32, #tpu.memory_space<vmem>>
    %dma_start3A_109 = tpu.memref_squeeze %dma_start3A_108 : memref<1x168x128xf32, #tpu.memory_space<vmem>> -> memref<168x128xf32, #tpu.memory_space<vmem>>
    tpu.enqueue_dma source(%dma_start3A_109 : memref<168x128xf32, #tpu.memory_space<vmem>>) target(%dma_start3A_105 : memref<168x128xf32, #tpu.memory_space<hbm>>) target_semaphore(%arg22 : memref<!tpu.dma_semaphore, #tpu.memory_space<semaphore_mem>>)
    %dma_wait3A_110 = arith.constant 1 : i32
    %dma_wait3A_111 = arith.constant 0 : i32
    %dma_wait3A_112 = arith.constant 0 : i32
    %dma_wait3A_113 = tpu.memref_slice %arg16[%dma_wait3A_110, %dma_wait3A_111, %dma_wait3A_112] : memref<4x168x128xf32, #tpu.memory_space<vmem>> -> memref<1x168x128xf32, #tpu.memory_space<vmem>>
    %dma_wait3A_114 = tpu.memref_squeeze %dma_wait3A_113 : memref<1x168x128xf32, #tpu.memory_space<vmem>> -> memref<168x128xf32, #tpu.memory_space<vmem>>
    %dma_wait3A_115 = arith.constant 0 : i32
    %dma_wait3A_116 = tpu.memref_slice %arg8[%add3A_96, %dma_wait3A_115] : memref<43008x128xf32, #tpu.memory_space<hbm>> -> memref<168x128xf32, #tpu.memory_space<hbm>>
    %dma_wait3A_117 = arith.constant 0 : i32
    %dma_wait3A_118 = tpu.memref_slice %arg8[%add3A_96, %dma_wait3A_117] : memref<43008x128xf32, #tpu.memory_space<hbm>> -> memref<168x128xf32, #tpu.memory_space<hbm>>
    %dma_wait3A_119 = arith.constant 0 : i32
    %dma_wait3A_120 = arith.constant 0 : i32
    %dma_wait3A_121 = tpu.memref_slice %arg16[%dma_wait3A_110, %dma_wait3A_119, %dma_wait3A_120] : memref<4x168x128xf32, #tpu.memory_space<vmem>> -> memref<1x168x128xf32, #tpu.memory_space<vmem>>
    %dma_wait3A_122 = tpu.memref_squeeze %dma_wait3A_121 : memref<1x168x128xf32, #tpu.memory_space<vmem>> -> memref<168x128xf32, #tpu.memory_space<vmem>>
    tpu.wait_dma2 semaphore(%arg22 : memref<!tpu.dma_semaphore, #tpu.memory_space<semaphore_mem>>) src(%dma_wait3A_122 : memref<168x128xf32, #tpu.memory_space<vmem>>) dst(%dma_wait3A_118 : memref<168x128xf32, #tpu.memory_space<hbm>>)
    %add3A_123 = arith.constant 840 : i32
    %add3A_124 = arith.addi %mul3A_2, %add3A_123 : i32
    "tpu.region"() ({
      %run_scoped3A = tpu.sem_alloc : memref<!tpu.dma_semaphore, #tpu.memory_space<semaphore_mem>>
      %dma_start3A_1473 = tpu.memref_slice %arg4[%add3A_124] : memref<43008xi32, #tpu.memory_space<hbm>> -> memref<168xi32, #tpu.memory_space<hbm>>
      %dma_start3A_1474 = tpu.memref_slice %arg4[%add3A_124] : memref<43008xi32, #tpu.memory_space<hbm>> -> memref<168xi32, #tpu.memory_space<hbm>>
      tpu.enqueue_dma source(%dma_start3A_1474 : memref<168xi32, #tpu.memory_space<hbm>>) target(%arg13 : memref<168xi32, #tpu.memory_space<vmem>>) target_semaphore(%run_scoped3A : memref<!tpu.dma_semaphore, #tpu.memory_space<semaphore_mem>>)
      %dma_wait3A_1475 = tpu.memref_slice %arg4[%add3A_124] : memref<43008xi32, #tpu.memory_space<hbm>> -> memref<168xi32, #tpu.memory_space<hbm>>
      %dma_wait3A_1476 = tpu.memref_slice %arg4[%add3A_124] : memref<43008xi32, #tpu.memory_space<hbm>> -> memref<168xi32, #tpu.memory_space<hbm>>
      tpu.wait_dma2 semaphore(%run_scoped3A : memref<!tpu.dma_semaphore, #tpu.memory_space<semaphore_mem>>) src(%dma_wait3A_1476 : memref<168xi32, #tpu.memory_space<hbm>>) dst(%arg13 : memref<168xi32, #tpu.memory_space<vmem>>)
      tpu.yield
    }) : () -> ()
    %dma_start3A_125 = arith.constant 1 : i32
    %dma_start3A_126 = arith.constant 0 : i32
    %dma_start3A_127 = arith.constant 0 : i32
    %dma_start3A_128 = tpu.memref_slice %arg16[%dma_start3A_125, %dma_start3A_126, %dma_start3A_127] : memref<4x168x128xf32, #tpu.memory_space<vmem>> -> memref<1x168x128xf32, #tpu.memory_space<vmem>>
    %dma_start3A_129 = tpu.memref_squeeze %dma_start3A_128 : memref<1x168x128xf32, #tpu.memory_space<vmem>> -> memref<168x128xf32, #tpu.memory_space<vmem>>
    %dma_start3A_130 = arith.constant 0 : i32
    %dma_start3A_131 = arith.constant 0 : i32
    %dma_start3A_132 = tpu.memref_slice %arg2[%dma_start3A_130, %dma_start3A_131] : memref<4320x128xf32, #tpu.memory_space<hbm>> -> memref<4320x128xf32, #tpu.memory_space<hbm>>
    tpu.enqueue_indirect_dma source(%dma_start3A_132 : memref<4320x128xf32, #tpu.memory_space<hbm>>) target(%dma_start3A_129 : memref<168x128xf32, #tpu.memory_space<vmem>>) offsets(%arg13 : memref<168xi32, #tpu.memory_space<vmem>>) semaphore(%arg18 : memref<!tpu.dma_semaphore, #tpu.memory_space<semaphore_mem>>)
    %dma_wait3A_133 = arith.constant 2 : i32
    %dma_wait3A_134 = arith.constant 0 : i32
    %dma_wait3A_135 = arith.constant 0 : i32
    %dma_wait3A_136 = tpu.memref_slice %arg16[%dma_wait3A_133, %dma_wait3A_134, %dma_wait3A_135] : memref<4x168x128xf32, #tpu.memory_space<vmem>> -> memref<1x168x128xf32, #tpu.memory_space<vmem>>
    %dma_wait3A_137 = tpu.memref_squeeze %dma_wait3A_136 : memref<1x168x128xf32, #tpu.memory_space<vmem>> -> memref<168x128xf32, #tpu.memory_space<vmem>>
    %dma_wait3A_138 = arith.constant 0 : i32
    %dma_wait3A_139 = arith.constant 0 : i32
    %dma_wait3A_140 = tpu.memref_slice %arg2[%dma_wait3A_138, %dma_wait3A_139] : memref<4320x128xf32, #tpu.memory_space<hbm>> -> memref<4320x128xf32, #tpu.memory_space<hbm>>
    tpu.wait_indirect_dma semaphore(%arg19 : memref<!tpu.dma_semaphore, #tpu.memory_space<semaphore_mem>>) src(%dma_wait3A_140 : memref<4320x128xf32, #tpu.memory_space<hbm>>) dst(%dma_wait3A_137 : memref<168x128xf32, #tpu.memory_space<vmem>>)
    %add3A_141 = arith.constant 336 : i32
    %add3A_142 = arith.addi %mul3A_2, %add3A_141 : i32
    %dma_start3A_143 = arith.constant 2 : i32
    %dma_start3A_144 = arith.constant 0 : i32
    %dma_start3A_145 = arith.constant 0 : i32
    %dma_start3A_146 = tpu.memref_slice %arg16[%dma_start3A_143, %dma_start3A_144, %dma_start3A_145] : memref<4x168x128xf32, #tpu.memory_space<vmem>> -> memref<1x168x128xf32, #tpu.memory_space<vmem>>
    %dma_start3A_147 = tpu.memref_squeeze %dma_start3A_146 : memref<1x168x128xf32, #tpu.memory_space<vmem>> -> memref<168x128xf32, #tpu.memory_space<vmem>>
    %dma_start3A_148 = arith.constant 0 : i32
    %dma_start3A_149 = tpu.memref_slice %arg8[%add3A_142, %dma_start3A_148] : memref<43008x128xf32, #tpu.memory_space<hbm>> -> memref<168x128xf32, #tpu.memory_space<hbm>>
    %dma_start3A_150 = arith.constant 0 : i32
    %dma_start3A_151 = tpu.memref_slice %arg8[%add3A_142, %dma_start3A_150] : memref<43008x128xf32, #tpu.memory_space<hbm>> -> memref<168x128xf32, #tpu.memory_space<hbm>>
    %dma_start3A_152 = arith.constant 0 : i32
    %dma_start3A_153 = arith.constant 0 : i32
    %dma_start3A_154 = tpu.memref_slice %arg16[%dma_start3A_143, %dma_start3A_152, %dma_start3A_153] : memref<4x168x128xf32, #tpu.memory_space<vmem>> -> memref<1x168x128xf32, #tpu.memory_space<vmem>>
    %dma_start3A_155 = tpu.memref_squeeze %dma_start3A_154 : memref<1x168x128xf32, #tpu.memory_space<vmem>> -> memref<168x128xf32, #tpu.memory_space<vmem>>
    tpu.enqueue_dma source(%dma_start3A_155 : memref<168x128xf32, #tpu.memory_space<vmem>>) target(%dma_start3A_151 : memref<168x128xf32, #tpu.memory_space<hbm>>) target_semaphore(%arg23 : memref<!tpu.dma_semaphore, #tpu.memory_space<semaphore_mem>>)
    %dma_wait3A_156 = arith.constant 2 : i32
    %dma_wait3A_157 = arith.constant 0 : i32
    %dma_wait3A_158 = arith.constant 0 : i32
    %dma_wait3A_159 = tpu.memref_slice %arg16[%dma_wait3A_156, %dma_wait3A_157, %dma_wait3A_158] : memref<4x168x128xf32, #tpu.memory_space<vmem>> -> memref<1x168x128xf32, #tpu.memory_space<vmem>>
    %dma_wait3A_160 = tpu.memref_squeeze %dma_wait3A_159 : memref<1x168x128xf32, #tpu.memory_space<vmem>> -> memref<168x128xf32, #tpu.memory_space<vmem>>
    %dma_wait3A_161 = arith.constant 0 : i32
    %dma_wait3A_162 = tpu.memref_slice %arg8[%add3A_142, %dma_wait3A_161] : memref<43008x128xf32, #tpu.memory_space<hbm>> -> memref<168x128xf32, #tpu.memory_space<hbm>>
    %dma_wait3A_163 = arith.constant 0 : i32
    %dma_wait3A_164 = tpu.memref_slice %arg8[%add3A_142, %dma_wait3A_163] : memref<43008x128xf32, #tpu.memory_space<hbm>> -> memref<168x128xf32, #tpu.memory_space<hbm>>
    %dma_wait3A_165 = arith.constant 0 : i32
    %dma_wait3A_166 = arith.constant 0 : i32
    %dma_wait3A_167 = tpu.memref_slice %arg16[%dma_wait3A_156, %dma_wait3A_165, %dma_wait3A_166] : memref<4x168x128xf32, #tpu.memory_space<vmem>> -> memref<1x168x128xf32, #tpu.memory_space<vmem>>
    %dma_wait3A_168 = tpu.memref_squeeze %dma_wait3A_167 : memref<1x168x128xf32, #tpu.memory_space<vmem>> -> memref<168x128xf32, #tpu.memory_space<vmem>>
    tpu.wait_dma2 semaphore(%arg23 : memref<!tpu.dma_semaphore, #tpu.memory_space<semaphore_mem>>) src(%dma_wait3A_168 : memref<168x128xf32, #tpu.memory_space<vmem>>) dst(%dma_wait3A_164 : memref<168x128xf32, #tpu.memory_space<hbm>>)
    %add3A_169 = arith.constant 1008 : i32
    %add3A_170 = arith.addi %mul3A_2, %add3A_169 : i32
    "tpu.region"() ({
      %run_scoped3A = tpu.sem_alloc : memref<!tpu.dma_semaphore, #tpu.memory_space<semaphore_mem>>
      %dma_start3A_1473 = tpu.memref_slice %arg4[%add3A_170] : memref<43008xi32, #tpu.memory_space<hbm>> -> memref<168xi32, #tpu.memory_space<hbm>>
      %dma_start3A_1474 = tpu.memref_slice %arg4[%add3A_170] : memref<43008xi32, #tpu.memory_space<hbm>> -> memref<168xi32, #tpu.memory_space<hbm>>
      tpu.enqueue_dma source(%dma_start3A_1474 : memref<168xi32, #tpu.memory_space<hbm>>) target(%arg14 : memref<168xi32, #tpu.memory_space<vmem>>) target_semaphore(%run_scoped3A : memref<!tpu.dma_semaphore, #tpu.memory_space<semaphore_mem>>)
      %dma_wait3A_1475 = tpu.memref_slice %arg4[%add3A_170] : memref<43008xi32, #tpu.memory_space<hbm>> -> memref<168xi32, #tpu.memory_space<hbm>>
      %dma_wait3A_1476 = tpu.memref_slice %arg4[%add3A_170] : memref<43008xi32, #tpu.memory_space<hbm>> -> memref<168xi32, #tpu.memory_space<hbm>>
      tpu.wait_dma2 semaphore(%run_scoped3A : memref<!tpu.dma_semaphore, #tpu.memory_space<semaphore_mem>>) src(%dma_wait3A_1476 : memref<168xi32, #tpu.memory_space<hbm>>) dst(%arg14 : memref<168xi32, #tpu.memory_space<vmem>>)
      tpu.yield
    }) : () -> ()
    %dma_start3A_171 = arith.constant 2 : i32
    %dma_start3A_172 = arith.constant 0 : i32
    %dma_start3A_173 = arith.constant 0 : i32
    %dma_start3A_174 = tpu.memref_slice %arg16[%dma_start3A_171, %dma_start3A_172, %dma_start3A_173] : memref<4x168x128xf32, #tpu.memory_space<vmem>> -> memref<1x168x128xf32, #tpu.memory_space<vmem>>
    %dma_start3A_175 = tpu.memref_squeeze %dma_start3A_174 : memref<1x168x128xf32, #tpu.memory_space<vmem>> -> memref<168x128xf32, #tpu.memory_space<vmem>>
    %dma_start3A_176 = arith.constant 0 : i32
    %dma_start3A_177 = arith.constant 0 : i32
    %dma_start3A_178 = tpu.memref_slice %arg2[%dma_start3A_176, %dma_start3A_177] : memref<4320x128xf32, #tpu.memory_space<hbm>> -> memref<4320x128xf32, #tpu.memory_space<hbm>>
    tpu.enqueue_indirect_dma source(%dma_start3A_178 : memref<4320x128xf32, #tpu.memory_space<hbm>>) target(%dma_start3A_175 : memref<168x128xf32, #tpu.memory_space<vmem>>) offsets(%arg14 : memref<168xi32, #tpu.memory_space<vmem>>) semaphore(%arg19 : memref<!tpu.dma_semaphore, #tpu.memory_space<semaphore_mem>>)
    %dma_wait3A_179 = arith.constant 3 : i32
    %dma_wait3A_180 = arith.constant 0 : i32
    %dma_wait3A_181 = arith.constant 0 : i32
    %dma_wait3A_182 = tpu.memref_slice %arg16[%dma_wait3A_179, %dma_wait3A_180, %dma_wait3A_181] : memref<4x168x128xf32, #tpu.memory_space<vmem>> -> memref<1x168x128xf32, #tpu.memory_space<vmem>>
    %dma_wait3A_183 = tpu.memref_squeeze %dma_wait3A_182 : memref<1x168x128xf32, #tpu.memory_space<vmem>> -> memref<168x128xf32, #tpu.memory_space<vmem>>
    %dma_wait3A_184 = arith.constant 0 : i32
    %dma_wait3A_185 = arith.constant 0 : i32
    %dma_wait3A_186 = tpu.memref_slice %arg2[%dma_wait3A_184, %dma_wait3A_185] : memref<4320x128xf32, #tpu.memory_space<hbm>> -> memref<4320x128xf32, #tpu.memory_space<hbm>>
    tpu.wait_indirect_dma semaphore(%arg20 : memref<!tpu.dma_semaphore, #tpu.memory_space<semaphore_mem>>) src(%dma_wait3A_186 : memref<4320x128xf32, #tpu.memory_space<hbm>>) dst(%dma_wait3A_183 : memref<168x128xf32, #tpu.memory_space<vmem>>)
    %add3A_187 = arith.constant 504 : i32
    %add3A_188 = arith.addi %mul3A_2, %add3A_187 : i32
    %dma_start3A_189 = arith.constant 3 : i32
    %dma_start3A_190 = arith.constant 0 : i32
    %dma_start3A_191 = arith.constant 0 : i32
    %dma_start3A_192 = tpu.memref_slice %arg16[%dma_start3A_189, %dma_start3A_190, %dma_start3A_191] : memref<4x168x128xf32, #tpu.memory_space<vmem>> -> memref<1x168x128xf32, #tpu.memory_space<vmem>>
    %dma_start3A_193 = tpu.memref_squeeze %dma_start3A_192 : memref<1x168x128xf32, #tpu.memory_space<vmem>> -> memref<168x128xf32, #tpu.memory_space<vmem>>
    %dma_start3A_194 = arith.constant 0 : i32
    %dma_start3A_195 = tpu.memref_slice %arg8[%add3A_188, %dma_start3A_194] : memref<43008x128xf32, #tpu.memory_space<hbm>> -> memref<168x128xf32, #tpu.memory_space<hbm>>
    %dma_start3A_196 = arith.constant 0 : i32
    %dma_start3A_197 = tpu.memref_slice %arg8[%add3A_188, %dma_start3A_196] : memref<43008x128xf32, #tpu.memory_space<hbm>> -> memref<168x128xf32, #tpu.memory_space<hbm>>
    %dma_start3A_198 = arith.constant 0 : i32
    %dma_start3A_199 = arith.constant 0 : i32
    %dma_start3A_200 = tpu.memref_slice %arg16[%dma_start3A_189, %dma_start3A_198, %dma_start3A_199] : memref<4x168x128xf32, #tpu.memory_space<vmem>> -> memref<1x168x128xf32, #tpu.memory_space<vmem>>
    %dma_start3A_201 = tpu.memref_squeeze %dma_start3A_200 : memref<1x168x128xf32, #tpu.memory_space<vmem>> -> memref<168x128xf32, #tpu.memory_space<vmem>>
    tpu.enqueue_dma source(%dma_start3A_201 : memref<168x128xf32, #tpu.memory_space<vmem>>) target(%dma_start3A_197 : memref<168x128xf32, #tpu.memory_space<hbm>>) target_semaphore(%arg24 : memref<!tpu.dma_semaphore, #tpu.memory_space<semaphore_mem>>)
    %dma_wait3A_202 = arith.constant 3 : i32
    %dma_wait3A_203 = arith.constant 0 : i32
    %dma_wait3A_204 = arith.constant 0 : i32
    %dma_wait3A_205 = tpu.memref_slice %arg16[%dma_wait3A_202, %dma_wait3A_203, %dma_wait3A_204] : memref<4x168x128xf32, #tpu.memory_space<vmem>> -> memref<1x168x128xf32, #tpu.memory_space<vmem>>
    %dma_wait3A_206 = tpu.memref_squeeze %dma_wait3A_205 : memref<1x168x128xf32, #tpu.memory_space<vmem>> -> memref<168x128xf32, #tpu.memory_space<vmem>>
    %dma_wait3A_207 = arith.constant 0 : i32
    %dma_wait3A_208 = tpu.memref_slice %arg8[%add3A_188, %dma_wait3A_207] : memref<43008x128xf32, #tpu.memory_space<hbm>> -> memref<168x128xf32, #tpu.memory_space<hbm>>
    %dma_wait3A_209 = arith.constant 0 : i32
    %dma_wait3A_210 = tpu.memref_slice %arg8[%add3A_188, %dma_wait3A_209] : memref<43008x128xf32, #tpu.memory_space<hbm>> -> memref<168x128xf32, #tpu.memory_space<hbm>>
    %dma_wait3A_211 = arith.constant 0 : i32
    %dma_wait3A_212 = arith.constant 0 : i32
    %dma_wait3A_213 = tpu.memref_slice %arg16[%dma_wait3A_202, %dma_wait3A_211, %dma_wait3A_212] : memref<4x168x128xf32, #tpu.memory_space<vmem>> -> memref<1x168x128xf32, #tpu.memory_space<vmem>>
    %dma_wait3A_214 = tpu.memref_squeeze %dma_wait3A_213 : memref<1x168x128xf32, #tpu.memory_space<vmem>> -> memref<168x128xf32, #tpu.memory_space<vmem>>
    tpu.wait_dma2 semaphore(%arg24 : memref<!tpu.dma_semaphore, #tpu.memory_space<semaphore_mem>>) src(%dma_wait3A_214 : memref<168x128xf32, #tpu.memory_space<vmem>>) dst(%dma_wait3A_210 : memref<168x128xf32, #tpu.memory_space<hbm>>)
    %add3A_215 = arith.constant 1176 : i32
    %add3A_216 = arith.addi %mul3A_2, %add3A_215 : i32
    "tpu.region"() ({
      %run_scoped3A = tpu.sem_alloc : memref<!tpu.dma_semaphore, #tpu.memory_space<semaphore_mem>>
      %dma_start3A_1473 = tpu.memref_slice %arg4[%add3A_216] : memref<43008xi32, #tpu.memory_space<hbm>> -> memref<168xi32, #tpu.memory_space<hbm>>
      %dma_start3A_1474 = tpu.memref_slice %arg4[%add3A_216] : memref<43008xi32, #tpu.memory_space<hbm>> -> memref<168xi32, #tpu.memory_space<hbm>>
      tpu.enqueue_dma source(%dma_start3A_1474 : memref<168xi32, #tpu.memory_space<hbm>>) target(%arg15 : memref<168xi32, #tpu.memory_space<vmem>>) target_semaphore(%run_scoped3A : memref<!tpu.dma_semaphore, #tpu.memory_space<semaphore_mem>>)
      %dma_wait3A_1475 = tpu.memref_slice %arg4[%add3A_216] : memref<43008xi32, #tpu.memory_space<hbm>> -> memref<168xi32, #tpu.memory_space<hbm>>
      %dma_wait3A_1476 = tpu.memref_slice %arg4[%add3A_216] : memref<43008xi32, #tpu.memory_space<hbm>> -> memref<168xi32, #tpu.memory_space<hbm>>
      tpu.wait_dma2 semaphore(%run_scoped3A : memref<!tpu.dma_semaphore, #tpu.memory_space<semaphore_mem>>) src(%dma_wait3A_1476 : memref<168xi32, #tpu.memory_space<hbm>>) dst(%arg15 : memref<168xi32, #tpu.memory_space<vmem>>)
      tpu.yield
    }) : () -> ()
    %dma_start3A_217 = arith.constant 3 : i32
    %dma_start3A_218 = arith.constant 0 : i32
    %dma_start3A_219 = arith.constant 0 : i32
    %dma_start3A_220 = tpu.memref_slice %arg16[%dma_start3A_217, %dma_start3A_218, %dma_start3A_219] : memref<4x168x128xf32, #tpu.memory_space<vmem>> -> memref<1x168x128xf32, #tpu.memory_space<vmem>>
    %dma_start3A_221 = tpu.memref_squeeze %dma_start3A_220 : memref<1x168x128xf32, #tpu.memory_space<vmem>> -> memref<168x128xf32, #tpu.memory_space<vmem>>
    %dma_start3A_222 = arith.constant 0 : i32
    %dma_start3A_223 = arith.constant 0 : i32
    %dma_start3A_224 = tpu.memref_slice %arg2[%dma_start3A_222, %dma_start3A_223] : memref<4320x128xf32, #tpu.memory_space<hbm>> -> memref<4320x128xf32, #tpu.memory_space<hbm>>
    tpu.enqueue_indirect_dma source(%dma_start3A_224 : memref<4320x128xf32, #tpu.memory_space<hbm>>) target(%dma_start3A_221 : memref<168x128xf32, #tpu.memory_space<vmem>>) offsets(%arg15 : memref<168xi32, #tpu.memory_space<vmem>>) semaphore(%arg20 : memref<!tpu.dma_semaphore, #tpu.memory_space<semaphore_mem>>)
    %dma_wait3A_225 = arith.constant 0 : i32
    %dma_wait3A_226 = arith.constant 0 : i32
    %dma_wait3A_227 = arith.constant 0 : i32
    %dma_wait3A_228 = tpu.memref_slice %arg16[%dma_wait3A_225, %dma_wait3A_226, %dma_wait3A_227] : memref<4x168x128xf32, #tpu.memory_space<vmem>> -> memref<1x168x128xf32, #tpu.memory_space<vmem>>
    %dma_wait3A_229 = tpu.memref_squeeze %dma_wait3A_228 : memref<1x168x128xf32, #tpu.memory_space<vmem>> -> memref<168x128xf32, #tpu.memory_space<vmem>>
    %dma_wait3A_230 = arith.constant 0 : i32
    %dma_wait3A_231 = arith.constant 0 : i32
    %dma_wait3A_232 = tpu.memref_slice %arg2[%dma_wait3A_230, %dma_wait3A_231] : memref<4320x128xf32, #tpu.memory_space<hbm>> -> memref<4320x128xf32, #tpu.memory_space<hbm>>
    tpu.wait_indirect_dma semaphore(%arg17 : memref<!tpu.dma_semaphore, #tpu.memory_space<semaphore_mem>>) src(%dma_wait3A_232 : memref<4320x128xf32, #tpu.memory_space<hbm>>) dst(%dma_wait3A_229 : memref<168x128xf32, #tpu.memory_space<vmem>>)
    %add3A_233 = arith.constant 672 : i32
    %add3A_234 = arith.addi %mul3A_2, %add3A_233 : i32
    %dma_start3A_235 = arith.constant 0 : i32
    %dma_start3A_236 = arith.constant 0 : i32
    %dma_start3A_237 = arith.constant 0 : i32
    %dma_start3A_238 = tpu.memref_slice %arg16[%dma_start3A_235, %dma_start3A_236, %dma_start3A_237] : memref<4x168x128xf32, #tpu.memory_space<vmem>> -> memref<1x168x128xf32, #tpu.memory_space<vmem>>
    %dma_start3A_239 = tpu.memref_squeeze %dma_start3A_238 : memref<1x168x128xf32, #tpu.memory_space<vmem>> -> memref<168x128xf32, #tpu.memory_space<vmem>>
    %dma_start3A_240 = arith.constant 0 : i32
    %dma_start3A_241 = tpu.memref_slice %arg8[%add3A_234, %dma_start3A_240] : memref<43008x128xf32, #tpu.memory_space<hbm>> -> memref<168x128xf32, #tpu.memory_space<hbm>>
    %dma_start3A_242 = arith.constant 0 : i32
    %dma_start3A_243 = tpu.memref_slice %arg8[%add3A_234, %dma_start3A_242] : memref<43008x128xf32, #tpu.memory_space<hbm>> -> memref<168x128xf32, #tpu.memory_space<hbm>>
    %dma_start3A_244 = arith.constant 0 : i32
    %dma_start3A_245 = arith.constant 0 : i32
    %dma_start3A_246 = tpu.memref_slice %arg16[%dma_start3A_235, %dma_start3A_244, %dma_start3A_245] : memref<4x168x128xf32, #tpu.memory_space<vmem>> -> memref<1x168x128xf32, #tpu.memory_space<vmem>>
    %dma_start3A_247 = tpu.memref_squeeze %dma_start3A_246 : memref<1x168x128xf32, #tpu.memory_space<vmem>> -> memref<168x128xf32, #tpu.memory_space<vmem>>
    tpu.enqueue_dma source(%dma_start3A_247 : memref<168x128xf32, #tpu.memory_space<vmem>>) target(%dma_start3A_243 : memref<168x128xf32, #tpu.memory_space<hbm>>) target_semaphore(%arg21 : memref<!tpu.dma_semaphore, #tpu.memory_space<semaphore_mem>>)
    %dma_wait3A_248 = arith.constant 0 : i32
    %dma_wait3A_249 = arith.constant 0 : i32
    %dma_wait3A_250 = arith.constant 0 : i32
    %dma_wait3A_251 = tpu.memref_slice %arg16[%dma_wait3A_248, %dma_wait3A_249, %dma_wait3A_250] : memref<4x168x128xf32, #tpu.memory_space<vmem>> -> memref<1x168x128xf32, #tpu.memory_space<vmem>>
    %dma_wait3A_252 = tpu.memref_squeeze %dma_wait3A_251 : memref<1x168x128xf32, #tpu.memory_space<vmem>> -> memref<168x128xf32, #tpu.memory_space<vmem>>
    %dma_wait3A_253 = arith.constant 0 : i32
    %dma_wait3A_254 = tpu.memref_slice %arg8[%add3A_234, %dma_wait3A_253] : memref<43008x128xf32, #tpu.memory_space<hbm>> -> memref<168x128xf32, #tpu.memory_space<hbm>>
    %dma_wait3A_255 = arith.constant 0 : i32
    %dma_wait3A_256 = tpu.memref_slice %arg8[%add3A_234, %dma_wait3A_255] : memref<43008x128xf32, #tpu.memory_space<hbm>> -> memref<168x128xf32, #tpu.memory_space<hbm>>
    %dma_wait3A_257 = arith.constant 0 : i32
    %dma_wait3A_258 = arith.constant 0 : i32
    %dma_wait3A_259 = tpu.memref_slice %arg16[%dma_wait3A_248, %dma_wait3A_257, %dma_wait3A_258] : memref<4x168x128xf32, #tpu.memory_space<vmem>> -> memref<1x168x128xf32, #tpu.memory_space<vmem>>
    %dma_wait3A_260 = tpu.memref_squeeze %dma_wait3A_259 : memref<1x168x128xf32, #tpu.memory_space<vmem>> -> memref<168x128xf32, #tpu.memory_space<vmem>>
    tpu.wait_dma2 semaphore(%arg21 : memref<!tpu.dma_semaphore, #tpu.memory_space<semaphore_mem>>) src(%dma_wait3A_260 : memref<168x128xf32, #tpu.memory_space<vmem>>) dst(%dma_wait3A_256 : memref<168x128xf32, #tpu.memory_space<hbm>>)
    %add3A_261 = arith.constant 0 : i32
    %add3A_262 = arith.addi %mul3A_2, %add3A_261 : i32
    "tpu.region"() ({
      %run_scoped3A = tpu.sem_alloc : memref<!tpu.dma_semaphore, #tpu.memory_space<semaphore_mem>>
      %dma_start3A_1473 = tpu.memref_slice %arg5[%add3A_262] : memref<43008xi32, #tpu.memory_space<hbm>> -> memref<168xi32, #tpu.memory_space<hbm>>
      %dma_start3A_1474 = tpu.memref_slice %arg5[%add3A_262] : memref<43008xi32, #tpu.memory_space<hbm>> -> memref<168xi32, #tpu.memory_space<hbm>>
      tpu.enqueue_dma source(%dma_start3A_1474 : memref<168xi32, #tpu.memory_space<hbm>>) target(%arg12 : memref<168xi32, #tpu.memory_space<vmem>>) target_semaphore(%run_scoped3A : memref<!tpu.dma_semaphore, #tpu.memory_space<semaphore_mem>>)
      %dma_wait3A_1475 = tpu.memref_slice %arg5[%add3A_262] : memref<43008xi32, #tpu.memory_space<hbm>> -> memref<168xi32, #tpu.memory_space<hbm>>
      %dma_wait3A_1476 = tpu.memref_slice %arg5[%add3A_262] : memref<43008xi32, #tpu.memory_space<hbm>> -> memref<168xi32, #tpu.memory_space<hbm>>
      tpu.wait_dma2 semaphore(%run_scoped3A : memref<!tpu.dma_semaphore, #tpu.memory_space<semaphore_mem>>) src(%dma_wait3A_1476 : memref<168xi32, #tpu.memory_space<hbm>>) dst(%arg12 : memref<168xi32, #tpu.memory_space<vmem>>)
      tpu.yield
    }) : () -> ()
    %dma_start3A_263 = arith.constant 0 : i32
    %dma_start3A_264 = arith.constant 0 : i32
    %dma_start3A_265 = arith.constant 0 : i32
    %dma_start3A_266 = tpu.memref_slice %arg16[%dma_start3A_263, %dma_start3A_264, %dma_start3A_265] : memref<4x168x128xf32, #tpu.memory_space<vmem>> -> memref<1x168x128xf32, #tpu.memory_space<vmem>>
    %dma_start3A_267 = tpu.memref_squeeze %dma_start3A_266 : memref<1x168x128xf32, #tpu.memory_space<vmem>> -> memref<168x128xf32, #tpu.memory_space<vmem>>
    %dma_start3A_268 = arith.constant 0 : i32
    %dma_start3A_269 = arith.constant 0 : i32
    %dma_start3A_270 = tpu.memref_slice %arg2[%dma_start3A_268, %dma_start3A_269] : memref<4320x128xf32, #tpu.memory_space<hbm>> -> memref<4320x128xf32, #tpu.memory_space<hbm>>
    tpu.enqueue_indirect_dma source(%dma_start3A_270 : memref<4320x128xf32, #tpu.memory_space<hbm>>) target(%dma_start3A_267 : memref<168x128xf32, #tpu.memory_space<vmem>>) offsets(%arg12 : memref<168xi32, #tpu.memory_space<vmem>>) semaphore(%arg17 : memref<!tpu.dma_semaphore, #tpu.memory_space<semaphore_mem>>)
    %dma_wait3A_271 = arith.constant 1 : i32
    %dma_wait3A_272 = arith.constant 0 : i32
    %dma_wait3A_273 = arith.constant 0 : i32
    %dma_wait3A_274 = tpu.memref_slice %arg16[%dma_wait3A_271, %dma_wait3A_272, %dma_wait3A_273] : memref<4x168x128xf32, #tpu.memory_space<vmem>> -> memref<1x168x128xf32, #tpu.memory_space<vmem>>
    %dma_wait3A_275 = tpu.memref_squeeze %dma_wait3A_274 : memref<1x168x128xf32, #tpu.memory_space<vmem>> -> memref<168x128xf32, #tpu.memory_space<vmem>>
    %dma_wait3A_276 = arith.constant 0 : i32
    %dma_wait3A_277 = arith.constant 0 : i32
    %dma_wait3A_278 = tpu.memref_slice %arg2[%dma_wait3A_276, %dma_wait3A_277] : memref<4320x128xf32, #tpu.memory_space<hbm>> -> memref<4320x128xf32, #tpu.memory_space<hbm>>
    tpu.wait_indirect_dma semaphore(%arg18 : memref<!tpu.dma_semaphore, #tpu.memory_space<semaphore_mem>>) src(%dma_wait3A_278 : memref<4320x128xf32, #tpu.memory_space<hbm>>) dst(%dma_wait3A_275 : memref<168x128xf32, #tpu.memory_space<vmem>>)
    %add3A_279 = arith.constant 840 : i32
    %add3A_280 = arith.addi %mul3A_2, %add3A_279 : i32
    %dma_start3A_281 = arith.constant 1 : i32
    %dma_start3A_282 = arith.constant 0 : i32
    %dma_start3A_283 = arith.constant 0 : i32
    %dma_start3A_284 = tpu.memref_slice %arg16[%dma_start3A_281, %dma_start3A_282, %dma_start3A_283] : memref<4x168x128xf32, #tpu.memory_space<vmem>> -> memref<1x168x128xf32, #tpu.memory_space<vmem>>
    %dma_start3A_285 = tpu.memref_squeeze %dma_start3A_284 : memref<1x168x128xf32, #tpu.memory_space<vmem>> -> memref<168x128xf32, #tpu.memory_space<vmem>>
    %dma_start3A_286 = arith.constant 0 : i32
    %dma_start3A_287 = tpu.memref_slice %arg8[%add3A_280, %dma_start3A_286] : memref<43008x128xf32, #tpu.memory_space<hbm>> -> memref<168x128xf32, #tpu.memory_space<hbm>>
    %dma_start3A_288 = arith.constant 0 : i32
    %dma_start3A_289 = tpu.memref_slice %arg8[%add3A_280, %dma_start3A_288] : memref<43008x128xf32, #tpu.memory_space<hbm>> -> memref<168x128xf32, #tpu.memory_space<hbm>>
    %dma_start3A_290 = arith.constant 0 : i32
    %dma_start3A_291 = arith.constant 0 : i32
    %dma_start3A_292 = tpu.memref_slice %arg16[%dma_start3A_281, %dma_start3A_290, %dma_start3A_291] : memref<4x168x128xf32, #tpu.memory_space<vmem>> -> memref<1x168x128xf32, #tpu.memory_space<vmem>>
    %dma_start3A_293 = tpu.memref_squeeze %dma_start3A_292 : memref<1x168x128xf32, #tpu.memory_space<vmem>> -> memref<168x128xf32, #tpu.memory_space<vmem>>
    tpu.enqueue_dma source(%dma_start3A_293 : memref<168x128xf32, #tpu.memory_space<vmem>>) target(%dma_start3A_289 : memref<168x128xf32, #tpu.memory_space<hbm>>) target_semaphore(%arg22 : memref<!tpu.dma_semaphore, #tpu.memory_space<semaphore_mem>>)
    %dma_wait3A_294 = arith.constant 1 : i32
    %dma_wait3A_295 = arith.constant 0 : i32
    %dma_wait3A_296 = arith.constant 0 : i32
    %dma_wait3A_297 = tpu.memref_slice %arg16[%dma_wait3A_294, %dma_wait3A_295, %dma_wait3A_296] : memref<4x168x128xf32, #tpu.memory_space<vmem>> -> memref<1x168x128xf32, #tpu.memory_space<vmem>>
    %dma_wait3A_298 = tpu.memref_squeeze %dma_wait3A_297 : memref<1x168x128xf32, #tpu.memory_space<vmem>> -> memref<168x128xf32, #tpu.memory_space<vmem>>
    %dma_wait3A_299 = arith.constant 0 : i32
    %dma_wait3A_300 = tpu.memref_slice %arg8[%add3A_280, %dma_wait3A_299] : memref<43008x128xf32, #tpu.memory_space<hbm>> -> memref<168x128xf32, #tpu.memory_space<hbm>>
    %dma_wait3A_301 = arith.constant 0 : i32
    %dma_wait3A_302 = tpu.memref_slice %arg8[%add3A_280, %dma_wait3A_301] : memref<43008x128xf32, #tpu.memory_space<hbm>> -> memref<168x128xf32, #tpu.memory_space<hbm>>
    %dma_wait3A_303 = arith.constant 0 : i32
    %dma_wait3A_304 = arith.constant 0 : i32
    %dma_wait3A_305 = tpu.memref_slice %arg16[%dma_wait3A_294, %dma_wait3A_303, %dma_wait3A_304] : memref<4x168x128xf32, #tpu.memory_space<vmem>> -> memref<1x168x128xf32, #tpu.memory_space<vmem>>
    %dma_wait3A_306 = tpu.memref_squeeze %dma_wait3A_305 : memref<1x168x128xf32, #tpu.memory_space<vmem>> -> memref<168x128xf32, #tpu.memory_space<vmem>>
    tpu.wait_dma2 semaphore(%arg22 : memref<!tpu.dma_semaphore, #tpu.memory_space<semaphore_mem>>) src(%dma_wait3A_306 : memref<168x128xf32, #tpu.memory_space<vmem>>) dst(%dma_wait3A_302 : memref<168x128xf32, #tpu.memory_space<hbm>>)
    %add3A_307 = arith.constant 168 : i32
    %add3A_308 = arith.addi %mul3A_2, %add3A_307 : i32
    "tpu.region"() ({
      %run_scoped3A = tpu.sem_alloc : memref<!tpu.dma_semaphore, #tpu.memory_space<semaphore_mem>>
      %dma_start3A_1473 = tpu.memref_slice %arg5[%add3A_308] : memref<43008xi32, #tpu.memory_space<hbm>> -> memref<168xi32, #tpu.memory_space<hbm>>
      %dma_start3A_1474 = tpu.memref_slice %arg5[%add3A_308] : memref<43008xi32, #tpu.memory_space<hbm>> -> memref<168xi32, #tpu.memory_space<hbm>>
      tpu.enqueue_dma source(%dma_start3A_1474 : memref<168xi32, #tpu.memory_space<hbm>>) target(%arg13 : memref<168xi32, #tpu.memory_space<vmem>>) target_semaphore(%run_scoped3A : memref<!tpu.dma_semaphore, #tpu.memory_space<semaphore_mem>>)
      %dma_wait3A_1475 = tpu.memref_slice %arg5[%add3A_308] : memref<43008xi32, #tpu.memory_space<hbm>> -> memref<168xi32, #tpu.memory_space<hbm>>
      %dma_wait3A_1476 = tpu.memref_slice %arg5[%add3A_308] : memref<43008xi32, #tpu.memory_space<hbm>> -> memref<168xi32, #tpu.memory_space<hbm>>
      tpu.wait_dma2 semaphore(%run_scoped3A : memref<!tpu.dma_semaphore, #tpu.memory_space<semaphore_mem>>) src(%dma_wait3A_1476 : memref<168xi32, #tpu.memory_space<hbm>>) dst(%arg13 : memref<168xi32, #tpu.memory_space<vmem>>)
      tpu.yield
    }) : () -> ()
    %dma_start3A_309 = arith.constant 1 : i32
    %dma_start3A_310 = arith.constant 0 : i32
    %dma_start3A_311 = arith.constant 0 : i32
    %dma_start3A_312 = tpu.memref_slice %arg16[%dma_start3A_309, %dma_start3A_310, %dma_start3A_311] : memref<4x168x128xf32, #tpu.memory_space<vmem>> -> memref<1x168x128xf32, #tpu.memory_space<vmem>>
    %dma_start3A_313 = tpu.memref_squeeze %dma_start3A_312 : memref<1x168x128xf32, #tpu.memory_space<vmem>> -> memref<168x128xf32, #tpu.memory_space<vmem>>
    %dma_start3A_314 = arith.constant 0 : i32
    %dma_start3A_315 = arith.constant 0 : i32
    %dma_start3A_316 = tpu.memref_slice %arg2[%dma_start3A_314, %dma_start3A_315] : memref<4320x128xf32, #tpu.memory_space<hbm>> -> memref<4320x128xf32, #tpu.memory_space<hbm>>
    tpu.enqueue_indirect_dma source(%dma_start3A_316 : memref<4320x128xf32, #tpu.memory_space<hbm>>) target(%dma_start3A_313 : memref<168x128xf32, #tpu.memory_space<vmem>>) offsets(%arg13 : memref<168xi32, #tpu.memory_space<vmem>>) semaphore(%arg18 : memref<!tpu.dma_semaphore, #tpu.memory_space<semaphore_mem>>)
    %dma_wait3A_317 = arith.constant 2 : i32
    %dma_wait3A_318 = arith.constant 0 : i32
    %dma_wait3A_319 = arith.constant 0 : i32
    %dma_wait3A_320 = tpu.memref_slice %arg16[%dma_wait3A_317, %dma_wait3A_318, %dma_wait3A_319] : memref<4x168x128xf32, #tpu.memory_space<vmem>> -> memref<1x168x128xf32, #tpu.memory_space<vmem>>
    %dma_wait3A_321 = tpu.memref_squeeze %dma_wait3A_320 : memref<1x168x128xf32, #tpu.memory_space<vmem>> -> memref<168x128xf32, #tpu.memory_space<vmem>>
    %dma_wait3A_322 = arith.constant 0 : i32
    %dma_wait3A_323 = arith.constant 0 : i32
    %dma_wait3A_324 = tpu.memref_slice %arg2[%dma_wait3A_322, %dma_wait3A_323] : memref<4320x128xf32, #tpu.memory_space<hbm>> -> memref<4320x128xf32, #tpu.memory_space<hbm>>
    tpu.wait_indirect_dma semaphore(%arg19 : memref<!tpu.dma_semaphore, #tpu.memory_space<semaphore_mem>>) src(%dma_wait3A_324 : memref<4320x128xf32, #tpu.memory_space<hbm>>) dst(%dma_wait3A_321 : memref<168x128xf32, #tpu.memory_space<vmem>>)
    %add3A_325 = arith.constant 1008 : i32
    %add3A_326 = arith.addi %mul3A_2, %add3A_325 : i32
    %dma_start3A_327 = arith.constant 2 : i32
    %dma_start3A_328 = arith.constant 0 : i32
    %dma_start3A_329 = arith.constant 0 : i32
    %dma_start3A_330 = tpu.memref_slice %arg16[%dma_start3A_327, %dma_start3A_328, %dma_start3A_329] : memref<4x168x128xf32, #tpu.memory_space<vmem>> -> memref<1x168x128xf32, #tpu.memory_space<vmem>>
    %dma_start3A_331 = tpu.memref_squeeze %dma_start3A_330 : memref<1x168x128xf32, #tpu.memory_space<vmem>> -> memref<168x128xf32, #tpu.memory_space<vmem>>
    %dma_start3A_332 = arith.constant 0 : i32
    %dma_start3A_333 = tpu.memref_slice %arg8[%add3A_326, %dma_start3A_332] : memref<43008x128xf32, #tpu.memory_space<hbm>> -> memref<168x128xf32, #tpu.memory_space<hbm>>
    %dma_start3A_334 = arith.constant 0 : i32
    %dma_start3A_335 = tpu.memref_slice %arg8[%add3A_326, %dma_start3A_334] : memref<43008x128xf32, #tpu.memory_space<hbm>> -> memref<168x128xf32, #tpu.memory_space<hbm>>
    %dma_start3A_336 = arith.constant 0 : i32
    %dma_start3A_337 = arith.constant 0 : i32
    %dma_start3A_338 = tpu.memref_slice %arg16[%dma_start3A_327, %dma_start3A_336, %dma_start3A_337] : memref<4x168x128xf32, #tpu.memory_space<vmem>> -> memref<1x168x128xf32, #tpu.memory_space<vmem>>
    %dma_start3A_339 = tpu.memref_squeeze %dma_start3A_338 : memref<1x168x128xf32, #tpu.memory_space<vmem>> -> memref<168x128xf32, #tpu.memory_space<vmem>>
    tpu.enqueue_dma source(%dma_start3A_339 : memref<168x128xf32, #tpu.memory_space<vmem>>) target(%dma_start3A_335 : memref<168x128xf32, #tpu.memory_space<hbm>>) target_semaphore(%arg23 : memref<!tpu.dma_semaphore, #tpu.memory_space<semaphore_mem>>)
    %dma_wait3A_340 = arith.constant 2 : i32
    %dma_wait3A_341 = arith.constant 0 : i32
    %dma_wait3A_342 = arith.constant 0 : i32
    %dma_wait3A_343 = tpu.memref_slice %arg16[%dma_wait3A_340, %dma_wait3A_341, %dma_wait3A_342] : memref<4x168x128xf32, #tpu.memory_space<vmem>> -> memref<1x168x128xf32, #tpu.memory_space<vmem>>
    %dma_wait3A_344 = tpu.memref_squeeze %dma_wait3A_343 : memref<1x168x128xf32, #tpu.memory_space<vmem>> -> memref<168x128xf32, #tpu.memory_space<vmem>>
    %dma_wait3A_345 = arith.constant 0 : i32
    %dma_wait3A_346 = tpu.memref_slice %arg8[%add3A_326, %dma_wait3A_345] : memref<43008x128xf32, #tpu.memory_space<hbm>> -> memref<168x128xf32, #tpu.memory_space<hbm>>
    %dma_wait3A_347 = arith.constant 0 : i32
    %dma_wait3A_348 = tpu.memref_slice %arg8[%add3A_326, %dma_wait3A_347] : memref<43008x128xf32, #tpu.memory_space<hbm>> -> memref<168x128xf32, #tpu.memory_space<hbm>>
    %dma_wait3A_349 = arith.constant 0 : i32
    %dma_wait3A_350 = arith.constant 0 : i32
    %dma_wait3A_351 = tpu.memref_slice %arg16[%dma_wait3A_340, %dma_wait3A_349, %dma_wait3A_350] : memref<4x168x128xf32, #tpu.memory_space<vmem>> -> memref<1x168x128xf32, #tpu.memory_space<vmem>>
    %dma_wait3A_352 = tpu.memref_squeeze %dma_wait3A_351 : memref<1x168x128xf32, #tpu.memory_space<vmem>> -> memref<168x128xf32, #tpu.memory_space<vmem>>
    tpu.wait_dma2 semaphore(%arg23 : memref<!tpu.dma_semaphore, #tpu.memory_space<semaphore_mem>>) src(%dma_wait3A_352 : memref<168x128xf32, #tpu.memory_space<vmem>>) dst(%dma_wait3A_348 : memref<168x128xf32, #tpu.memory_space<hbm>>)
    %add3A_353 = arith.constant 336 : i32
    %add3A_354 = arith.addi %mul3A_2, %add3A_353 : i32
    "tpu.region"() ({
      %run_scoped3A = tpu.sem_alloc : memref<!tpu.dma_semaphore, #tpu.memory_space<semaphore_mem>>
      %dma_start3A_1473 = tpu.memref_slice %arg5[%add3A_354] : memref<43008xi32, #tpu.memory_space<hbm>> -> memref<168xi32, #tpu.memory_space<hbm>>
      %dma_start3A_1474 = tpu.memref_slice %arg5[%add3A_354] : memref<43008xi32, #tpu.memory_space<hbm>> -> memref<168xi32, #tpu.memory_space<hbm>>
      tpu.enqueue_dma source(%dma_start3A_1474 : memref<168xi32, #tpu.memory_space<hbm>>) target(%arg14 : memref<168xi32, #tpu.memory_space<vmem>>) target_semaphore(%run_scoped3A : memref<!tpu.dma_semaphore, #tpu.memory_space<semaphore_mem>>)
      %dma_wait3A_1475 = tpu.memref_slice %arg5[%add3A_354] : memref<43008xi32, #tpu.memory_space<hbm>> -> memref<168xi32, #tpu.memory_space<hbm>>
      %dma_wait3A_1476 = tpu.memref_slice %arg5[%add3A_354] : memref<43008xi32, #tpu.memory_space<hbm>> -> memref<168xi32, #tpu.memory_space<hbm>>
      tpu.wait_dma2 semaphore(%run_scoped3A : memref<!tpu.dma_semaphore, #tpu.memory_space<semaphore_mem>>) src(%dma_wait3A_1476 : memref<168xi32, #tpu.memory_space<hbm>>) dst(%arg14 : memref<168xi32, #tpu.memory_space<vmem>>)
      tpu.yield
    }) : () -> ()
    %dma_start3A_355 = arith.constant 2 : i32
    %dma_start3A_356 = arith.constant 0 : i32
    %dma_start3A_357 = arith.constant 0 : i32
    %dma_start3A_358 = tpu.memref_slice %arg16[%dma_start3A_355, %dma_start3A_356, %dma_start3A_357] : memref<4x168x128xf32, #tpu.memory_space<vmem>> -> memref<1x168x128xf32, #tpu.memory_space<vmem>>
    %dma_start3A_359 = tpu.memref_squeeze %dma_start3A_358 : memref<1x168x128xf32, #tpu.memory_space<vmem>> -> memref<168x128xf32, #tpu.memory_space<vmem>>
    %dma_start3A_360 = arith.constant 0 : i32
    %dma_start3A_361 = arith.constant 0 : i32
    %dma_start3A_362 = tpu.memref_slice %arg2[%dma_start3A_360, %dma_start3A_361] : memref<4320x128xf32, #tpu.memory_space<hbm>> -> memref<4320x128xf32, #tpu.memory_space<hbm>>
    tpu.enqueue_indirect_dma source(%dma_start3A_362 : memref<4320x128xf32, #tpu.memory_space<hbm>>) target(%dma_start3A_359 : memref<168x128xf32, #tpu.memory_space<vmem>>) offsets(%arg14 : memref<168xi32, #tpu.memory_space<vmem>>) semaphore(%arg19 : memref<!tpu.dma_semaphore, #tpu.memory_space<semaphore_mem>>)
    %dma_wait3A_363 = arith.constant 3 : i32
    %dma_wait3A_364 = arith.constant 0 : i32
    %dma_wait3A_365 = arith.constant 0 : i32
    %dma_wait3A_366 = tpu.memref_slice %arg16[%dma_wait3A_363, %dma_wait3A_364, %dma_wait3A_365] : memref<4x168x128xf32, #tpu.memory_space<vmem>> -> memref<1x168x128xf32, #tpu.memory_space<vmem>>
    %dma_wait3A_367 = tpu.memref_squeeze %dma_wait3A_366 : memref<1x168x128xf32, #tpu.memory_space<vmem>> -> memref<168x128xf32, #tpu.memory_space<vmem>>
    %dma_wait3A_368 = arith.constant 0 : i32
    %dma_wait3A_369 = arith.constant 0 : i32
    %dma_wait3A_370 = tpu.memref_slice %arg2[%dma_wait3A_368, %dma_wait3A_369] : memref<4320x128xf32, #tpu.memory_space<hbm>> -> memref<4320x128xf32, #tpu.memory_space<hbm>>
    tpu.wait_indirect_dma semaphore(%arg20 : memref<!tpu.dma_semaphore, #tpu.memory_space<semaphore_mem>>) src(%dma_wait3A_370 : memref<4320x128xf32, #tpu.memory_space<hbm>>) dst(%dma_wait3A_367 : memref<168x128xf32, #tpu.memory_space<vmem>>)
    %add3A_371 = arith.constant 1176 : i32
    %add3A_372 = arith.addi %mul3A_2, %add3A_371 : i32
    %dma_start3A_373 = arith.constant 3 : i32
    %dma_start3A_374 = arith.constant 0 : i32
    %dma_start3A_375 = arith.constant 0 : i32
    %dma_start3A_376 = tpu.memref_slice %arg16[%dma_start3A_373, %dma_start3A_374, %dma_start3A_375] : memref<4x168x128xf32, #tpu.memory_space<vmem>> -> memref<1x168x128xf32, #tpu.memory_space<vmem>>
    %dma_start3A_377 = tpu.memref_squeeze %dma_start3A_376 : memref<1x168x128xf32, #tpu.memory_space<vmem>> -> memref<168x128xf32, #tpu.memory_space<vmem>>
    %dma_start3A_378 = arith.constant 0 : i32
    %dma_start3A_379 = tpu.memref_slice %arg8[%add3A_372, %dma_start3A_378] : memref<43008x128xf32, #tpu.memory_space<hbm>> -> memref<168x128xf32, #tpu.memory_space<hbm>>
    %dma_start3A_380 = arith.constant 0 : i32
    %dma_start3A_381 = tpu.memref_slice %arg8[%add3A_372, %dma_start3A_380] : memref<43008x128xf32, #tpu.memory_space<hbm>> -> memref<168x128xf32, #tpu.memory_space<hbm>>
    %dma_start3A_382 = arith.constant 0 : i32
    %dma_start3A_383 = arith.constant 0 : i32
    %dma_start3A_384 = tpu.memref_slice %arg16[%dma_start3A_373, %dma_start3A_382, %dma_start3A_383] : memref<4x168x128xf32, #tpu.memory_space<vmem>> -> memref<1x168x128xf32, #tpu.memory_space<vmem>>
    %dma_start3A_385 = tpu.memref_squeeze %dma_start3A_384 : memref<1x168x128xf32, #tpu.memory_space<vmem>> -> memref<168x128xf32, #tpu.memory_space<vmem>>
    tpu.enqueue_dma source(%dma_start3A_385 : memref<168x128xf32, #tpu.memory_space<vmem>>) target(%dma_start3A_381 : memref<168x128xf32, #tpu.memory_space<hbm>>) target_semaphore(%arg24 : memref<!tpu.dma_semaphore, #tpu.memory_space<semaphore_mem>>)
    %dma_wait3A_386 = arith.constant 3 : i32
    %dma_wait3A_387 = arith.constant 0 : i32
    %dma_wait3A_388 = arith.constant 0 : i32
    %dma_wait3A_389 = tpu.memref_slice %arg16[%dma_wait3A_386, %dma_wait3A_387, %dma_wait3A_388] : memref<4x168x128xf32, #tpu.memory_space<vmem>> -> memref<1x168x128xf32, #tpu.memory_space<vmem>>
    %dma_wait3A_390 = tpu.memref_squeeze %dma_wait3A_389 : memref<1x168x128xf32, #tpu.memory_space<vmem>> -> memref<168x128xf32, #tpu.memory_space<vmem>>
    %dma_wait3A_391 = arith.constant 0 : i32
    %dma_wait3A_392 = tpu.memref_slice %arg8[%add3A_372, %dma_wait3A_391] : memref<43008x128xf32, #tpu.memory_space<hbm>> -> memref<168x128xf32, #tpu.memory_space<hbm>>
    %dma_wait3A_393 = arith.constant 0 : i32
    %dma_wait3A_394 = tpu.memref_slice %arg8[%add3A_372, %dma_wait3A_393] : memref<43008x128xf32, #tpu.memory_space<hbm>> -> memref<168x128xf32, #tpu.memory_space<hbm>>
    %dma_wait3A_395 = arith.constant 0 : i32
    %dma_wait3A_396 = arith.constant 0 : i32
    %dma_wait3A_397 = tpu.memref_slice %arg16[%dma_wait3A_386, %dma_wait3A_395, %dma_wait3A_396] : memref<4x168x128xf32, #tpu.memory_space<vmem>> -> memref<1x168x128xf32, #tpu.memory_space<vmem>>
    %dma_wait3A_398 = tpu.memref_squeeze %dma_wait3A_397 : memref<1x168x128xf32, #tpu.memory_space<vmem>> -> memref<168x128xf32, #tpu.memory_space<vmem>>
    tpu.wait_dma2 semaphore(%arg24 : memref<!tpu.dma_semaphore, #tpu.memory_space<semaphore_mem>>) src(%dma_wait3A_398 : memref<168x128xf32, #tpu.memory_space<vmem>>) dst(%dma_wait3A_394 : memref<168x128xf32, #tpu.memory_space<hbm>>)
    %add3A_399 = arith.constant 504 : i32
    %add3A_400 = arith.addi %mul3A_2, %add3A_399 : i32
    "tpu.region"() ({
      %run_scoped3A = tpu.sem_alloc : memref<!tpu.dma_semaphore, #tpu.memory_space<semaphore_mem>>
      %dma_start3A_1473 = tpu.memref_slice %arg5[%add3A_400] : memref<43008xi32, #tpu.memory_space<hbm>> -> memref<168xi32, #tpu.memory_space<hbm>>
      %dma_start3A_1474 = tpu.memref_slice %arg5[%add3A_400] : memref<43008xi32, #tpu.memory_space<hbm>> -> memref<168xi32, #tpu.memory_space<hbm>>
      tpu.enqueue_dma source(%dma_start3A_1474 : memref<168xi32, #tpu.memory_space<hbm>>) target(%arg15 : memref<168xi32, #tpu.memory_space<vmem>>) target_semaphore(%run_scoped3A : memref<!tpu.dma_semaphore, #tpu.memory_space<semaphore_mem>>)
      %dma_wait3A_1475 = tpu.memref_slice %arg5[%add3A_400] : memref<43008xi32, #tpu.memory_space<hbm>> -> memref<168xi32, #tpu.memory_space<hbm>>
      %dma_wait3A_1476 = tpu.memref_slice %arg5[%add3A_400] : memref<43008xi32, #tpu.memory_space<hbm>> -> memref<168xi32, #tpu.memory_space<hbm>>
      tpu.wait_dma2 semaphore(%run_scoped3A : memref<!tpu.dma_semaphore, #tpu.memory_space<semaphore_mem>>) src(%dma_wait3A_1476 : memref<168xi32, #tpu.memory_space<hbm>>) dst(%arg15 : memref<168xi32, #tpu.memory_space<vmem>>)
      tpu.yield
    }) : () -> ()
    %dma_start3A_401 = arith.constant 3 : i32
    %dma_start3A_402 = arith.constant 0 : i32
    %dma_start3A_403 = arith.constant 0 : i32
    %dma_start3A_404 = tpu.memref_slice %arg16[%dma_start3A_401, %dma_start3A_402, %dma_start3A_403] : memref<4x168x128xf32, #tpu.memory_space<vmem>> -> memref<1x168x128xf32, #tpu.memory_space<vmem>>
    %dma_start3A_405 = tpu.memref_squeeze %dma_start3A_404 : memref<1x168x128xf32, #tpu.memory_space<vmem>> -> memref<168x128xf32, #tpu.memory_space<vmem>>
    %dma_start3A_406 = arith.constant 0 : i32
    %dma_start3A_407 = arith.constant 0 : i32
    %dma_start3A_408 = tpu.memref_slice %arg2[%dma_start3A_406, %dma_start3A_407] : memref<4320x128xf32, #tpu.memory_space<hbm>> -> memref<4320x128xf32, #tpu.memory_space<hbm>>
    tpu.enqueue_indirect_dma source(%dma_start3A_408 : memref<4320x128xf32, #tpu.memory_space<hbm>>) target(%dma_start3A_405 : memref<168x128xf32, #tpu.memory_space<vmem>>) offsets(%arg15 : memref<168xi32, #tpu.memory_space<vmem>>) semaphore(%arg20 : memref<!tpu.dma_semaphore, #tpu.memory_space<semaphore_mem>>)
    %dma_wait3A_409 = arith.constant 0 : i32
    %dma_wait3A_410 = arith.constant 0 : i32
    %dma_wait3A_411 = arith.constant 0 : i32
    %dma_wait3A_412 = tpu.memref_slice %arg16[%dma_wait3A_409, %dma_wait3A_410, %dma_wait3A_411] : memref<4x168x128xf32, #tpu.memory_space<vmem>> -> memref<1x168x128xf32, #tpu.memory_space<vmem>>
    %dma_wait3A_413 = tpu.memref_squeeze %dma_wait3A_412 : memref<1x168x128xf32, #tpu.memory_space<vmem>> -> memref<168x128xf32, #tpu.memory_space<vmem>>
    %dma_wait3A_414 = arith.constant 0 : i32
    %dma_wait3A_415 = arith.constant 0 : i32
    %dma_wait3A_416 = tpu.memref_slice %arg2[%dma_wait3A_414, %dma_wait3A_415] : memref<4320x128xf32, #tpu.memory_space<hbm>> -> memref<4320x128xf32, #tpu.memory_space<hbm>>
    tpu.wait_indirect_dma semaphore(%arg17 : memref<!tpu.dma_semaphore, #tpu.memory_space<semaphore_mem>>) src(%dma_wait3A_416 : memref<4320x128xf32, #tpu.memory_space<hbm>>) dst(%dma_wait3A_413 : memref<168x128xf32, #tpu.memory_space<vmem>>)
    %add3A_417 = arith.constant 0 : i32
    %add3A_418 = arith.addi %mul3A_2, %add3A_417 : i32
    %dma_start3A_419 = arith.constant 0 : i32
    %dma_start3A_420 = arith.constant 0 : i32
    %dma_start3A_421 = arith.constant 0 : i32
    %dma_start3A_422 = tpu.memref_slice %arg16[%dma_start3A_419, %dma_start3A_420, %dma_start3A_421] : memref<4x168x128xf32, #tpu.memory_space<vmem>> -> memref<1x168x128xf32, #tpu.memory_space<vmem>>
    %dma_start3A_423 = tpu.memref_squeeze %dma_start3A_422 : memref<1x168x128xf32, #tpu.memory_space<vmem>> -> memref<168x128xf32, #tpu.memory_space<vmem>>
    %dma_start3A_424 = arith.constant 0 : i32
    %dma_start3A_425 = tpu.memref_slice %arg9[%add3A_418, %dma_start3A_424] : memref<43008x128xf32, #tpu.memory_space<hbm>> -> memref<168x128xf32, #tpu.memory_space<hbm>>
    %dma_start3A_426 = arith.constant 0 : i32
    %dma_start3A_427 = tpu.memref_slice %arg9[%add3A_418, %dma_start3A_426] : memref<43008x128xf32, #tpu.memory_space<hbm>> -> memref<168x128xf32, #tpu.memory_space<hbm>>
    %dma_start3A_428 = arith.constant 0 : i32
    %dma_start3A_429 = arith.constant 0 : i32
    %dma_start3A_430 = tpu.memref_slice %arg16[%dma_start3A_419, %dma_start3A_428, %dma_start3A_429] : memref<4x168x128xf32, #tpu.memory_space<vmem>> -> memref<1x168x128xf32, #tpu.memory_space<vmem>>
    %dma_start3A_431 = tpu.memref_squeeze %dma_start3A_430 : memref<1x168x128xf32, #tpu.memory_space<vmem>> -> memref<168x128xf32, #tpu.memory_space<vmem>>
    tpu.enqueue_dma source(%dma_start3A_431 : memref<168x128xf32, #tpu.memory_space<vmem>>) target(%dma_start3A_427 : memref<168x128xf32, #tpu.memory_space<hbm>>) target_semaphore(%arg21 : memref<!tpu.dma_semaphore, #tpu.memory_space<semaphore_mem>>)
    %dma_wait3A_432 = arith.constant 0 : i32
    %dma_wait3A_433 = arith.constant 0 : i32
    %dma_wait3A_434 = arith.constant 0 : i32
    %dma_wait3A_435 = tpu.memref_slice %arg16[%dma_wait3A_432, %dma_wait3A_433, %dma_wait3A_434] : memref<4x168x128xf32, #tpu.memory_space<vmem>> -> memref<1x168x128xf32, #tpu.memory_space<vmem>>
    %dma_wait3A_436 = tpu.memref_squeeze %dma_wait3A_435 : memref<1x168x128xf32, #tpu.memory_space<vmem>> -> memref<168x128xf32, #tpu.memory_space<vmem>>
    %dma_wait3A_437 = arith.constant 0 : i32
    %dma_wait3A_438 = tpu.memref_slice %arg9[%add3A_418, %dma_wait3A_437] : memref<43008x128xf32, #tpu.memory_space<hbm>> -> memref<168x128xf32, #tpu.memory_space<hbm>>
    %dma_wait3A_439 = arith.constant 0 : i32
    %dma_wait3A_440 = tpu.memref_slice %arg9[%add3A_418, %dma_wait3A_439] : memref<43008x128xf32, #tpu.memory_space<hbm>> -> memref<168x128xf32, #tpu.memory_space<hbm>>
    %dma_wait3A_441 = arith.constant 0 : i32
    %dma_wait3A_442 = arith.constant 0 : i32
    %dma_wait3A_443 = tpu.memref_slice %arg16[%dma_wait3A_432, %dma_wait3A_441, %dma_wait3A_442] : memref<4x168x128xf32, #tpu.memory_space<vmem>> -> memref<1x168x128xf32, #tpu.memory_space<vmem>>
    %dma_wait3A_444 = tpu.memref_squeeze %dma_wait3A_443 : memref<1x168x128xf32, #tpu.memory_space<vmem>> -> memref<168x128xf32, #tpu.memory_space<vmem>>
    tpu.wait_dma2 semaphore(%arg21 : memref<!tpu.dma_semaphore, #tpu.memory_space<semaphore_mem>>) src(%dma_wait3A_444 : memref<168x128xf32, #tpu.memory_space<vmem>>) dst(%dma_wait3A_440 : memref<168x128xf32, #tpu.memory_space<hbm>>)
    %add3A_445 = arith.constant 672 : i32
    %add3A_446 = arith.addi %mul3A_2, %add3A_445 : i32
    "tpu.region"() ({
      %run_scoped3A = tpu.sem_alloc : memref<!tpu.dma_semaphore, #tpu.memory_space<semaphore_mem>>
      %dma_start3A_1473 = tpu.memref_slice %arg5[%add3A_446] : memref<43008xi32, #tpu.memory_space<hbm>> -> memref<168xi32, #tpu.memory_space<hbm>>
      %dma_start3A_1474 = tpu.memref_slice %arg5[%add3A_446] : memref<43008xi32, #tpu.memory_space<hbm>> -> memref<168xi32, #tpu.memory_space<hbm>>
      tpu.enqueue_dma source(%dma_start3A_1474 : memref<168xi32, #tpu.memory_space<hbm>>) target(%arg12 : memref<168xi32, #tpu.memory_space<vmem>>) target_semaphore(%run_scoped3A : memref<!tpu.dma_semaphore, #tpu.memory_space<semaphore_mem>>)
      %dma_wait3A_1475 = tpu.memref_slice %arg5[%add3A_446] : memref<43008xi32, #tpu.memory_space<hbm>> -> memref<168xi32, #tpu.memory_space<hbm>>
      %dma_wait3A_1476 = tpu.memref_slice %arg5[%add3A_446] : memref<43008xi32, #tpu.memory_space<hbm>> -> memref<168xi32, #tpu.memory_space<hbm>>
      tpu.wait_dma2 semaphore(%run_scoped3A : memref<!tpu.dma_semaphore, #tpu.memory_space<semaphore_mem>>) src(%dma_wait3A_1476 : memref<168xi32, #tpu.memory_space<hbm>>) dst(%arg12 : memref<168xi32, #tpu.memory_space<vmem>>)
      tpu.yield
    }) : () -> ()
    %dma_start3A_447 = arith.constant 0 : i32
    %dma_start3A_448 = arith.constant 0 : i32
    %dma_start3A_449 = arith.constant 0 : i32
    %dma_start3A_450 = tpu.memref_slice %arg16[%dma_start3A_447, %dma_start3A_448, %dma_start3A_449] : memref<4x168x128xf32, #tpu.memory_space<vmem>> -> memref<1x168x128xf32, #tpu.memory_space<vmem>>
    %dma_start3A_451 = tpu.memref_squeeze %dma_start3A_450 : memref<1x168x128xf32, #tpu.memory_space<vmem>> -> memref<168x128xf32, #tpu.memory_space<vmem>>
    %dma_start3A_452 = arith.constant 0 : i32
    %dma_start3A_453 = arith.constant 0 : i32
    %dma_start3A_454 = tpu.memref_slice %arg2[%dma_start3A_452, %dma_start3A_453] : memref<4320x128xf32, #tpu.memory_space<hbm>> -> memref<4320x128xf32, #tpu.memory_space<hbm>>
    tpu.enqueue_indirect_dma source(%dma_start3A_454 : memref<4320x128xf32, #tpu.memory_space<hbm>>) target(%dma_start3A_451 : memref<168x128xf32, #tpu.memory_space<vmem>>) offsets(%arg12 : memref<168xi32, #tpu.memory_space<vmem>>) semaphore(%arg17 : memref<!tpu.dma_semaphore, #tpu.memory_space<semaphore_mem>>)
    %dma_wait3A_455 = arith.constant 1 : i32
    %dma_wait3A_456 = arith.constant 0 : i32
    %dma_wait3A_457 = arith.constant 0 : i32
    %dma_wait3A_458 = tpu.memref_slice %arg16[%dma_wait3A_455, %dma_wait3A_456, %dma_wait3A_457] : memref<4x168x128xf32, #tpu.memory_space<vmem>> -> memref<1x168x128xf32, #tpu.memory_space<vmem>>
    %dma_wait3A_459 = tpu.memref_squeeze %dma_wait3A_458 : memref<1x168x128xf32, #tpu.memory_space<vmem>> -> memref<168x128xf32, #tpu.memory_space<vmem>>
    %dma_wait3A_460 = arith.constant 0 : i32
    %dma_wait3A_461 = arith.constant 0 : i32
    %dma_wait3A_462 = tpu.memref_slice %arg2[%dma_wait3A_460, %dma_wait3A_461] : memref<4320x128xf32, #tpu.memory_space<hbm>> -> memref<4320x128xf32, #tpu.memory_space<hbm>>
    tpu.wait_indirect_dma semaphore(%arg18 : memref<!tpu.dma_semaphore, #tpu.memory_space<semaphore_mem>>) src(%dma_wait3A_462 : memref<4320x128xf32, #tpu.memory_space<hbm>>) dst(%dma_wait3A_459 : memref<168x128xf32, #tpu.memory_space<vmem>>)
    %add3A_463 = arith.constant 168 : i32
    %add3A_464 = arith.addi %mul3A_2, %add3A_463 : i32
    %dma_start3A_465 = arith.constant 1 : i32
    %dma_start3A_466 = arith.constant 0 : i32
    %dma_start3A_467 = arith.constant 0 : i32
    %dma_start3A_468 = tpu.memref_slice %arg16[%dma_start3A_465, %dma_start3A_466, %dma_start3A_467] : memref<4x168x128xf32, #tpu.memory_space<vmem>> -> memref<1x168x128xf32, #tpu.memory_space<vmem>>
    %dma_start3A_469 = tpu.memref_squeeze %dma_start3A_468 : memref<1x168x128xf32, #tpu.memory_space<vmem>> -> memref<168x128xf32, #tpu.memory_space<vmem>>
    %dma_start3A_470 = arith.constant 0 : i32
    %dma_start3A_471 = tpu.memref_slice %arg9[%add3A_464, %dma_start3A_470] : memref<43008x128xf32, #tpu.memory_space<hbm>> -> memref<168x128xf32, #tpu.memory_space<hbm>>
    %dma_start3A_472 = arith.constant 0 : i32
    %dma_start3A_473 = tpu.memref_slice %arg9[%add3A_464, %dma_start3A_472] : memref<43008x128xf32, #tpu.memory_space<hbm>> -> memref<168x128xf32, #tpu.memory_space<hbm>>
    %dma_start3A_474 = arith.constant 0 : i32
    %dma_start3A_475 = arith.constant 0 : i32
    %dma_start3A_476 = tpu.memref_slice %arg16[%dma_start3A_465, %dma_start3A_474, %dma_start3A_475] : memref<4x168x128xf32, #tpu.memory_space<vmem>> -> memref<1x168x128xf32, #tpu.memory_space<vmem>>
    %dma_start3A_477 = tpu.memref_squeeze %dma_start3A_476 : memref<1x168x128xf32, #tpu.memory_space<vmem>> -> memref<168x128xf32, #tpu.memory_space<vmem>>
    tpu.enqueue_dma source(%dma_start3A_477 : memref<168x128xf32, #tpu.memory_space<vmem>>) target(%dma_start3A_473 : memref<168x128xf32, #tpu.memory_space<hbm>>) target_semaphore(%arg22 : memref<!tpu.dma_semaphore, #tpu.memory_space<semaphore_mem>>)
    %dma_wait3A_478 = arith.constant 1 : i32
    %dma_wait3A_479 = arith.constant 0 : i32
    %dma_wait3A_480 = arith.constant 0 : i32
    %dma_wait3A_481 = tpu.memref_slice %arg16[%dma_wait3A_478, %dma_wait3A_479, %dma_wait3A_480] : memref<4x168x128xf32, #tpu.memory_space<vmem>> -> memref<1x168x128xf32, #tpu.memory_space<vmem>>
    %dma_wait3A_482 = tpu.memref_squeeze %dma_wait3A_481 : memref<1x168x128xf32, #tpu.memory_space<vmem>> -> memref<168x128xf32, #tpu.memory_space<vmem>>
    %dma_wait3A_483 = arith.constant 0 : i32
    %dma_wait3A_484 = tpu.memref_slice %arg9[%add3A_464, %dma_wait3A_483] : memref<43008x128xf32, #tpu.memory_space<hbm>> -> memref<168x128xf32, #tpu.memory_space<hbm>>
    %dma_wait3A_485 = arith.constant 0 : i32
    %dma_wait3A_486 = tpu.memref_slice %arg9[%add3A_464, %dma_wait3A_485] : memref<43008x128xf32, #tpu.memory_space<hbm>> -> memref<168x128xf32, #tpu.memory_space<hbm>>
    %dma_wait3A_487 = arith.constant 0 : i32
    %dma_wait3A_488 = arith.constant 0 : i32
    %dma_wait3A_489 = tpu.memref_slice %arg16[%dma_wait3A_478, %dma_wait3A_487, %dma_wait3A_488] : memref<4x168x128xf32, #tpu.memory_space<vmem>> -> memref<1x168x128xf32, #tpu.memory_space<vmem>>
    %dma_wait3A_490 = tpu.memref_squeeze %dma_wait3A_489 : memref<1x168x128xf32, #tpu.memory_space<vmem>> -> memref<168x128xf32, #tpu.memory_space<vmem>>
    tpu.wait_dma2 semaphore(%arg22 : memref<!tpu.dma_semaphore, #tpu.memory_space<semaphore_mem>>) src(%dma_wait3A_490 : memref<168x128xf32, #tpu.memory_space<vmem>>) dst(%dma_wait3A_486 : memref<168x128xf32, #tpu.memory_space<hbm>>)
    %add3A_491 = arith.constant 840 : i32
    %add3A_492 = arith.addi %mul3A_2, %add3A_491 : i32
    "tpu.region"() ({
      %run_scoped3A = tpu.sem_alloc : memref<!tpu.dma_semaphore, #tpu.memory_space<semaphore_mem>>
      %dma_start3A_1473 = tpu.memref_slice %arg5[%add3A_492] : memref<43008xi32, #tpu.memory_space<hbm>> -> memref<168xi32, #tpu.memory_space<hbm>>
      %dma_start3A_1474 = tpu.memref_slice %arg5[%add3A_492] : memref<43008xi32, #tpu.memory_space<hbm>> -> memref<168xi32, #tpu.memory_space<hbm>>
      tpu.enqueue_dma source(%dma_start3A_1474 : memref<168xi32, #tpu.memory_space<hbm>>) target(%arg13 : memref<168xi32, #tpu.memory_space<vmem>>) target_semaphore(%run_scoped3A : memref<!tpu.dma_semaphore, #tpu.memory_space<semaphore_mem>>)
      %dma_wait3A_1475 = tpu.memref_slice %arg5[%add3A_492] : memref<43008xi32, #tpu.memory_space<hbm>> -> memref<168xi32, #tpu.memory_space<hbm>>
      %dma_wait3A_1476 = tpu.memref_slice %arg5[%add3A_492] : memref<43008xi32, #tpu.memory_space<hbm>> -> memref<168xi32, #tpu.memory_space<hbm>>
      tpu.wait_dma2 semaphore(%run_scoped3A : memref<!tpu.dma_semaphore, #tpu.memory_space<semaphore_mem>>) src(%dma_wait3A_1476 : memref<168xi32, #tpu.memory_space<hbm>>) dst(%arg13 : memref<168xi32, #tpu.memory_space<vmem>>)
      tpu.yield
    }) : () -> ()
    %dma_start3A_493 = arith.constant 1 : i32
    %dma_start3A_494 = arith.constant 0 : i32
    %dma_start3A_495 = arith.constant 0 : i32
    %dma_start3A_496 = tpu.memref_slice %arg16[%dma_start3A_493, %dma_start3A_494, %dma_start3A_495] : memref<4x168x128xf32, #tpu.memory_space<vmem>> -> memref<1x168x128xf32, #tpu.memory_space<vmem>>
    %dma_start3A_497 = tpu.memref_squeeze %dma_start3A_496 : memref<1x168x128xf32, #tpu.memory_space<vmem>> -> memref<168x128xf32, #tpu.memory_space<vmem>>
    %dma_start3A_498 = arith.constant 0 : i32
    %dma_start3A_499 = arith.constant 0 : i32
    %dma_start3A_500 = tpu.memref_slice %arg2[%dma_start3A_498, %dma_start3A_499] : memref<4320x128xf32, #tpu.memory_space<hbm>> -> memref<4320x128xf32, #tpu.memory_space<hbm>>
    tpu.enqueue_indirect_dma source(%dma_start3A_500 : memref<4320x128xf32, #tpu.memory_space<hbm>>) target(%dma_start3A_497 : memref<168x128xf32, #tpu.memory_space<vmem>>) offsets(%arg13 : memref<168xi32, #tpu.memory_space<vmem>>) semaphore(%arg18 : memref<!tpu.dma_semaphore, #tpu.memory_space<semaphore_mem>>)
    %dma_wait3A_501 = arith.constant 2 : i32
    %dma_wait3A_502 = arith.constant 0 : i32
    %dma_wait3A_503 = arith.constant 0 : i32
    %dma_wait3A_504 = tpu.memref_slice %arg16[%dma_wait3A_501, %dma_wait3A_502, %dma_wait3A_503] : memref<4x168x128xf32, #tpu.memory_space<vmem>> -> memref<1x168x128xf32, #tpu.memory_space<vmem>>
    %dma_wait3A_505 = tpu.memref_squeeze %dma_wait3A_504 : memref<1x168x128xf32, #tpu.memory_space<vmem>> -> memref<168x128xf32, #tpu.memory_space<vmem>>
    %dma_wait3A_506 = arith.constant 0 : i32
    %dma_wait3A_507 = arith.constant 0 : i32
    %dma_wait3A_508 = tpu.memref_slice %arg2[%dma_wait3A_506, %dma_wait3A_507] : memref<4320x128xf32, #tpu.memory_space<hbm>> -> memref<4320x128xf32, #tpu.memory_space<hbm>>
    tpu.wait_indirect_dma semaphore(%arg19 : memref<!tpu.dma_semaphore, #tpu.memory_space<semaphore_mem>>) src(%dma_wait3A_508 : memref<4320x128xf32, #tpu.memory_space<hbm>>) dst(%dma_wait3A_505 : memref<168x128xf32, #tpu.memory_space<vmem>>)
    %add3A_509 = arith.constant 336 : i32
    %add3A_510 = arith.addi %mul3A_2, %add3A_509 : i32
    %dma_start3A_511 = arith.constant 2 : i32
    %dma_start3A_512 = arith.constant 0 : i32
    %dma_start3A_513 = arith.constant 0 : i32
    %dma_start3A_514 = tpu.memref_slice %arg16[%dma_start3A_511, %dma_start3A_512, %dma_start3A_513] : memref<4x168x128xf32, #tpu.memory_space<vmem>> -> memref<1x168x128xf32, #tpu.memory_space<vmem>>
    %dma_start3A_515 = tpu.memref_squeeze %dma_start3A_514 : memref<1x168x128xf32, #tpu.memory_space<vmem>> -> memref<168x128xf32, #tpu.memory_space<vmem>>
    %dma_start3A_516 = arith.constant 0 : i32
    %dma_start3A_517 = tpu.memref_slice %arg9[%add3A_510, %dma_start3A_516] : memref<43008x128xf32, #tpu.memory_space<hbm>> -> memref<168x128xf32, #tpu.memory_space<hbm>>
    %dma_start3A_518 = arith.constant 0 : i32
    %dma_start3A_519 = tpu.memref_slice %arg9[%add3A_510, %dma_start3A_518] : memref<43008x128xf32, #tpu.memory_space<hbm>> -> memref<168x128xf32, #tpu.memory_space<hbm>>
    %dma_start3A_520 = arith.constant 0 : i32
    %dma_start3A_521 = arith.constant 0 : i32
    %dma_start3A_522 = tpu.memref_slice %arg16[%dma_start3A_511, %dma_start3A_520, %dma_start3A_521] : memref<4x168x128xf32, #tpu.memory_space<vmem>> -> memref<1x168x128xf32, #tpu.memory_space<vmem>>
    %dma_start3A_523 = tpu.memref_squeeze %dma_start3A_522 : memref<1x168x128xf32, #tpu.memory_space<vmem>> -> memref<168x128xf32, #tpu.memory_space<vmem>>
    tpu.enqueue_dma source(%dma_start3A_523 : memref<168x128xf32, #tpu.memory_space<vmem>>) target(%dma_start3A_519 : memref<168x128xf32, #tpu.memory_space<hbm>>) target_semaphore(%arg23 : memref<!tpu.dma_semaphore, #tpu.memory_space<semaphore_mem>>)
    %dma_wait3A_524 = arith.constant 2 : i32
    %dma_wait3A_525 = arith.constant 0 : i32
    %dma_wait3A_526 = arith.constant 0 : i32
    %dma_wait3A_527 = tpu.memref_slice %arg16[%dma_wait3A_524, %dma_wait3A_525, %dma_wait3A_526] : memref<4x168x128xf32, #tpu.memory_space<vmem>> -> memref<1x168x128xf32, #tpu.memory_space<vmem>>
    %dma_wait3A_528 = tpu.memref_squeeze %dma_wait3A_527 : memref<1x168x128xf32, #tpu.memory_space<vmem>> -> memref<168x128xf32, #tpu.memory_space<vmem>>
    %dma_wait3A_529 = arith.constant 0 : i32
    %dma_wait3A_530 = tpu.memref_slice %arg9[%add3A_510, %dma_wait3A_529] : memref<43008x128xf32, #tpu.memory_space<hbm>> -> memref<168x128xf32, #tpu.memory_space<hbm>>
    %dma_wait3A_531 = arith.constant 0 : i32
    %dma_wait3A_532 = tpu.memref_slice %arg9[%add3A_510, %dma_wait3A_531] : memref<43008x128xf32, #tpu.memory_space<hbm>> -> memref<168x128xf32, #tpu.memory_space<hbm>>
    %dma_wait3A_533 = arith.constant 0 : i32
    %dma_wait3A_534 = arith.constant 0 : i32
    %dma_wait3A_535 = tpu.memref_slice %arg16[%dma_wait3A_524, %dma_wait3A_533, %dma_wait3A_534] : memref<4x168x128xf32, #tpu.memory_space<vmem>> -> memref<1x168x128xf32, #tpu.memory_space<vmem>>
    %dma_wait3A_536 = tpu.memref_squeeze %dma_wait3A_535 : memref<1x168x128xf32, #tpu.memory_space<vmem>> -> memref<168x128xf32, #tpu.memory_space<vmem>>
    tpu.wait_dma2 semaphore(%arg23 : memref<!tpu.dma_semaphore, #tpu.memory_space<semaphore_mem>>) src(%dma_wait3A_536 : memref<168x128xf32, #tpu.memory_space<vmem>>) dst(%dma_wait3A_532 : memref<168x128xf32, #tpu.memory_space<hbm>>)
    %add3A_537 = arith.constant 1008 : i32
    %add3A_538 = arith.addi %mul3A_2, %add3A_537 : i32
    "tpu.region"() ({
      %run_scoped3A = tpu.sem_alloc : memref<!tpu.dma_semaphore, #tpu.memory_space<semaphore_mem>>
      %dma_start3A_1473 = tpu.memref_slice %arg5[%add3A_538] : memref<43008xi32, #tpu.memory_space<hbm>> -> memref<168xi32, #tpu.memory_space<hbm>>
      %dma_start3A_1474 = tpu.memref_slice %arg5[%add3A_538] : memref<43008xi32, #tpu.memory_space<hbm>> -> memref<168xi32, #tpu.memory_space<hbm>>
      tpu.enqueue_dma source(%dma_start3A_1474 : memref<168xi32, #tpu.memory_space<hbm>>) target(%arg14 : memref<168xi32, #tpu.memory_space<vmem>>) target_semaphore(%run_scoped3A : memref<!tpu.dma_semaphore, #tpu.memory_space<semaphore_mem>>)
      %dma_wait3A_1475 = tpu.memref_slice %arg5[%add3A_538] : memref<43008xi32, #tpu.memory_space<hbm>> -> memref<168xi32, #tpu.memory_space<hbm>>
      %dma_wait3A_1476 = tpu.memref_slice %arg5[%add3A_538] : memref<43008xi32, #tpu.memory_space<hbm>> -> memref<168xi32, #tpu.memory_space<hbm>>
      tpu.wait_dma2 semaphore(%run_scoped3A : memref<!tpu.dma_semaphore, #tpu.memory_space<semaphore_mem>>) src(%dma_wait3A_1476 : memref<168xi32, #tpu.memory_space<hbm>>) dst(%arg14 : memref<168xi32, #tpu.memory_space<vmem>>)
      tpu.yield
    }) : () -> ()
    %dma_start3A_539 = arith.constant 2 : i32
    %dma_start3A_540 = arith.constant 0 : i32
    %dma_start3A_541 = arith.constant 0 : i32
    %dma_start3A_542 = tpu.memref_slice %arg16[%dma_start3A_539, %dma_start3A_540, %dma_start3A_541] : memref<4x168x128xf32, #tpu.memory_space<vmem>> -> memref<1x168x128xf32, #tpu.memory_space<vmem>>
    %dma_start3A_543 = tpu.memref_squeeze %dma_start3A_542 : memref<1x168x128xf32, #tpu.memory_space<vmem>> -> memref<168x128xf32, #tpu.memory_space<vmem>>
    %dma_start3A_544 = arith.constant 0 : i32
    %dma_start3A_545 = arith.constant 0 : i32
    %dma_start3A_546 = tpu.memref_slice %arg2[%dma_start3A_544, %dma_start3A_545] : memref<4320x128xf32, #tpu.memory_space<hbm>> -> memref<4320x128xf32, #tpu.memory_space<hbm>>
    tpu.enqueue_indirect_dma source(%dma_start3A_546 : memref<4320x128xf32, #tpu.memory_space<hbm>>) target(%dma_start3A_543 : memref<168x128xf32, #tpu.memory_space<vmem>>) offsets(%arg14 : memref<168xi32, #tpu.memory_space<vmem>>) semaphore(%arg19 : memref<!tpu.dma_semaphore, #tpu.memory_space<semaphore_mem>>)
    %dma_wait3A_547 = arith.constant 3 : i32
    %dma_wait3A_548 = arith.constant 0 : i32
    %dma_wait3A_549 = arith.constant 0 : i32
    %dma_wait3A_550 = tpu.memref_slice %arg16[%dma_wait3A_547, %dma_wait3A_548, %dma_wait3A_549] : memref<4x168x128xf32, #tpu.memory_space<vmem>> -> memref<1x168x128xf32, #tpu.memory_space<vmem>>
    %dma_wait3A_551 = tpu.memref_squeeze %dma_wait3A_550 : memref<1x168x128xf32, #tpu.memory_space<vmem>> -> memref<168x128xf32, #tpu.memory_space<vmem>>
    %dma_wait3A_552 = arith.constant 0 : i32
    %dma_wait3A_553 = arith.constant 0 : i32
    %dma_wait3A_554 = tpu.memref_slice %arg2[%dma_wait3A_552, %dma_wait3A_553] : memref<4320x128xf32, #tpu.memory_space<hbm>> -> memref<4320x128xf32, #tpu.memory_space<hbm>>
    tpu.wait_indirect_dma semaphore(%arg20 : memref<!tpu.dma_semaphore, #tpu.memory_space<semaphore_mem>>) src(%dma_wait3A_554 : memref<4320x128xf32, #tpu.memory_space<hbm>>) dst(%dma_wait3A_551 : memref<168x128xf32, #tpu.memory_space<vmem>>)
    %add3A_555 = arith.constant 504 : i32
    %add3A_556 = arith.addi %mul3A_2, %add3A_555 : i32
    %dma_start3A_557 = arith.constant 3 : i32
    %dma_start3A_558 = arith.constant 0 : i32
    %dma_start3A_559 = arith.constant 0 : i32
    %dma_start3A_560 = tpu.memref_slice %arg16[%dma_start3A_557, %dma_start3A_558, %dma_start3A_559] : memref<4x168x128xf32, #tpu.memory_space<vmem>> -> memref<1x168x128xf32, #tpu.memory_space<vmem>>
    %dma_start3A_561 = tpu.memref_squeeze %dma_start3A_560 : memref<1x168x128xf32, #tpu.memory_space<vmem>> -> memref<168x128xf32, #tpu.memory_space<vmem>>
    %dma_start3A_562 = arith.constant 0 : i32
    %dma_start3A_563 = tpu.memref_slice %arg9[%add3A_556, %dma_start3A_562] : memref<43008x128xf32, #tpu.memory_space<hbm>> -> memref<168x128xf32, #tpu.memory_space<hbm>>
    %dma_start3A_564 = arith.constant 0 : i32
    %dma_start3A_565 = tpu.memref_slice %arg9[%add3A_556, %dma_start3A_564] : memref<43008x128xf32, #tpu.memory_space<hbm>> -> memref<168x128xf32, #tpu.memory_space<hbm>>
    %dma_start3A_566 = arith.constant 0 : i32
    %dma_start3A_567 = arith.constant 0 : i32
    %dma_start3A_568 = tpu.memref_slice %arg16[%dma_start3A_557, %dma_start3A_566, %dma_start3A_567] : memref<4x168x128xf32, #tpu.memory_space<vmem>> -> memref<1x168x128xf32, #tpu.memory_space<vmem>>
    %dma_start3A_569 = tpu.memref_squeeze %dma_start3A_568 : memref<1x168x128xf32, #tpu.memory_space<vmem>> -> memref<168x128xf32, #tpu.memory_space<vmem>>
    tpu.enqueue_dma source(%dma_start3A_569 : memref<168x128xf32, #tpu.memory_space<vmem>>) target(%dma_start3A_565 : memref<168x128xf32, #tpu.memory_space<hbm>>) target_semaphore(%arg24 : memref<!tpu.dma_semaphore, #tpu.memory_space<semaphore_mem>>)
    %dma_wait3A_570 = arith.constant 3 : i32
    %dma_wait3A_571 = arith.constant 0 : i32
    %dma_wait3A_572 = arith.constant 0 : i32
    %dma_wait3A_573 = tpu.memref_slice %arg16[%dma_wait3A_570, %dma_wait3A_571, %dma_wait3A_572] : memref<4x168x128xf32, #tpu.memory_space<vmem>> -> memref<1x168x128xf32, #tpu.memory_space<vmem>>
    %dma_wait3A_574 = tpu.memref_squeeze %dma_wait3A_573 : memref<1x168x128xf32, #tpu.memory_space<vmem>> -> memref<168x128xf32, #tpu.memory_space<vmem>>
    %dma_wait3A_575 = arith.constant 0 : i32
    %dma_wait3A_576 = tpu.memref_slice %arg9[%add3A_556, %dma_wait3A_575] : memref<43008x128xf32, #tpu.memory_space<hbm>> -> memref<168x128xf32, #tpu.memory_space<hbm>>
    %dma_wait3A_577 = arith.constant 0 : i32
    %dma_wait3A_578 = tpu.memref_slice %arg9[%add3A_556, %dma_wait3A_577] : memref<43008x128xf32, #tpu.memory_space<hbm>> -> memref<168x128xf32, #tpu.memory_space<hbm>>
    %dma_wait3A_579 = arith.constant 0 : i32
    %dma_wait3A_580 = arith.constant 0 : i32
    %dma_wait3A_581 = tpu.memref_slice %arg16[%dma_wait3A_570, %dma_wait3A_579, %dma_wait3A_580] : memref<4x168x128xf32, #tpu.memory_space<vmem>> -> memref<1x168x128xf32, #tpu.memory_space<vmem>>
    %dma_wait3A_582 = tpu.memref_squeeze %dma_wait3A_581 : memref<1x168x128xf32, #tpu.memory_space<vmem>> -> memref<168x128xf32, #tpu.memory_space<vmem>>
    tpu.wait_dma2 semaphore(%arg24 : memref<!tpu.dma_semaphore, #tpu.memory_space<semaphore_mem>>) src(%dma_wait3A_582 : memref<168x128xf32, #tpu.memory_space<vmem>>) dst(%dma_wait3A_578 : memref<168x128xf32, #tpu.memory_space<hbm>>)
    %add3A_583 = arith.constant 1176 : i32
    %add3A_584 = arith.addi %mul3A_2, %add3A_583 : i32
    "tpu.region"() ({
      %run_scoped3A = tpu.sem_alloc : memref<!tpu.dma_semaphore, #tpu.memory_space<semaphore_mem>>
      %dma_start3A_1473 = tpu.memref_slice %arg5[%add3A_584] : memref<43008xi32, #tpu.memory_space<hbm>> -> memref<168xi32, #tpu.memory_space<hbm>>
      %dma_start3A_1474 = tpu.memref_slice %arg5[%add3A_584] : memref<43008xi32, #tpu.memory_space<hbm>> -> memref<168xi32, #tpu.memory_space<hbm>>
      tpu.enqueue_dma source(%dma_start3A_1474 : memref<168xi32, #tpu.memory_space<hbm>>) target(%arg15 : memref<168xi32, #tpu.memory_space<vmem>>) target_semaphore(%run_scoped3A : memref<!tpu.dma_semaphore, #tpu.memory_space<semaphore_mem>>)
      %dma_wait3A_1475 = tpu.memref_slice %arg5[%add3A_584] : memref<43008xi32, #tpu.memory_space<hbm>> -> memref<168xi32, #tpu.memory_space<hbm>>
      %dma_wait3A_1476 = tpu.memref_slice %arg5[%add3A_584] : memref<43008xi32, #tpu.memory_space<hbm>> -> memref<168xi32, #tpu.memory_space<hbm>>
      tpu.wait_dma2 semaphore(%run_scoped3A : memref<!tpu.dma_semaphore, #tpu.memory_space<semaphore_mem>>) src(%dma_wait3A_1476 : memref<168xi32, #tpu.memory_space<hbm>>) dst(%arg15 : memref<168xi32, #tpu.memory_space<vmem>>)
      tpu.yield
    }) : () -> ()
    %dma_start3A_585 = arith.constant 3 : i32
    %dma_start3A_586 = arith.constant 0 : i32
    %dma_start3A_587 = arith.constant 0 : i32
    %dma_start3A_588 = tpu.memref_slice %arg16[%dma_start3A_585, %dma_start3A_586, %dma_start3A_587] : memref<4x168x128xf32, #tpu.memory_space<vmem>> -> memref<1x168x128xf32, #tpu.memory_space<vmem>>
    %dma_start3A_589 = tpu.memref_squeeze %dma_start3A_588 : memref<1x168x128xf32, #tpu.memory_space<vmem>> -> memref<168x128xf32, #tpu.memory_space<vmem>>
    %dma_start3A_590 = arith.constant 0 : i32
    %dma_start3A_591 = arith.constant 0 : i32
    %dma_start3A_592 = tpu.memref_slice %arg2[%dma_start3A_590, %dma_start3A_591] : memref<4320x128xf32, #tpu.memory_space<hbm>> -> memref<4320x128xf32, #tpu.memory_space<hbm>>
    tpu.enqueue_indirect_dma source(%dma_start3A_592 : memref<4320x128xf32, #tpu.memory_space<hbm>>) target(%dma_start3A_589 : memref<168x128xf32, #tpu.memory_space<vmem>>) offsets(%arg15 : memref<168xi32, #tpu.memory_space<vmem>>) semaphore(%arg20 : memref<!tpu.dma_semaphore, #tpu.memory_space<semaphore_mem>>)
    %dma_wait3A_593 = arith.constant 0 : i32
    %dma_wait3A_594 = arith.constant 0 : i32
    %dma_wait3A_595 = arith.constant 0 : i32
    %dma_wait3A_596 = tpu.memref_slice %arg16[%dma_wait3A_593, %dma_wait3A_594, %dma_wait3A_595] : memref<4x168x128xf32, #tpu.memory_space<vmem>> -> memref<1x168x128xf32, #tpu.memory_space<vmem>>
    %dma_wait3A_597 = tpu.memref_squeeze %dma_wait3A_596 : memref<1x168x128xf32, #tpu.memory_space<vmem>> -> memref<168x128xf32, #tpu.memory_space<vmem>>
    %dma_wait3A_598 = arith.constant 0 : i32
    %dma_wait3A_599 = arith.constant 0 : i32
    %dma_wait3A_600 = tpu.memref_slice %arg2[%dma_wait3A_598, %dma_wait3A_599] : memref<4320x128xf32, #tpu.memory_space<hbm>> -> memref<4320x128xf32, #tpu.memory_space<hbm>>
    tpu.wait_indirect_dma semaphore(%arg17 : memref<!tpu.dma_semaphore, #tpu.memory_space<semaphore_mem>>) src(%dma_wait3A_600 : memref<4320x128xf32, #tpu.memory_space<hbm>>) dst(%dma_wait3A_597 : memref<168x128xf32, #tpu.memory_space<vmem>>)
    %add3A_601 = arith.constant 672 : i32
    %add3A_602 = arith.addi %mul3A_2, %add3A_601 : i32
    %dma_start3A_603 = arith.constant 0 : i32
    %dma_start3A_604 = arith.constant 0 : i32
    %dma_start3A_605 = arith.constant 0 : i32
    %dma_start3A_606 = tpu.memref_slice %arg16[%dma_start3A_603, %dma_start3A_604, %dma_start3A_605] : memref<4x168x128xf32, #tpu.memory_space<vmem>> -> memref<1x168x128xf32, #tpu.memory_space<vmem>>
    %dma_start3A_607 = tpu.memref_squeeze %dma_start3A_606 : memref<1x168x128xf32, #tpu.memory_space<vmem>> -> memref<168x128xf32, #tpu.memory_space<vmem>>
    %dma_start3A_608 = arith.constant 0 : i32
    %dma_start3A_609 = tpu.memref_slice %arg9[%add3A_602, %dma_start3A_608] : memref<43008x128xf32, #tpu.memory_space<hbm>> -> memref<168x128xf32, #tpu.memory_space<hbm>>
    %dma_start3A_610 = arith.constant 0 : i32
    %dma_start3A_611 = tpu.memref_slice %arg9[%add3A_602, %dma_start3A_610] : memref<43008x128xf32, #tpu.memory_space<hbm>> -> memref<168x128xf32, #tpu.memory_space<hbm>>
    %dma_start3A_612 = arith.constant 0 : i32
    %dma_start3A_613 = arith.constant 0 : i32
    %dma_start3A_614 = tpu.memref_slice %arg16[%dma_start3A_603, %dma_start3A_612, %dma_start3A_613] : memref<4x168x128xf32, #tpu.memory_space<vmem>> -> memref<1x168x128xf32, #tpu.memory_space<vmem>>
    %dma_start3A_615 = tpu.memref_squeeze %dma_start3A_614 : memref<1x168x128xf32, #tpu.memory_space<vmem>> -> memref<168x128xf32, #tpu.memory_space<vmem>>
    tpu.enqueue_dma source(%dma_start3A_615 : memref<168x128xf32, #tpu.memory_space<vmem>>) target(%dma_start3A_611 : memref<168x128xf32, #tpu.memory_space<hbm>>) target_semaphore(%arg21 : memref<!tpu.dma_semaphore, #tpu.memory_space<semaphore_mem>>)
    %dma_wait3A_616 = arith.constant 0 : i32
    %dma_wait3A_617 = arith.constant 0 : i32
    %dma_wait3A_618 = arith.constant 0 : i32
    %dma_wait3A_619 = tpu.memref_slice %arg16[%dma_wait3A_616, %dma_wait3A_617, %dma_wait3A_618] : memref<4x168x128xf32, #tpu.memory_space<vmem>> -> memref<1x168x128xf32, #tpu.memory_space<vmem>>
    %dma_wait3A_620 = tpu.memref_squeeze %dma_wait3A_619 : memref<1x168x128xf32, #tpu.memory_space<vmem>> -> memref<168x128xf32, #tpu.memory_space<vmem>>
    %dma_wait3A_621 = arith.constant 0 : i32
    %dma_wait3A_622 = tpu.memref_slice %arg9[%add3A_602, %dma_wait3A_621] : memref<43008x128xf32, #tpu.memory_space<hbm>> -> memref<168x128xf32, #tpu.memory_space<hbm>>
    %dma_wait3A_623 = arith.constant 0 : i32
    %dma_wait3A_624 = tpu.memref_slice %arg9[%add3A_602, %dma_wait3A_623] : memref<43008x128xf32, #tpu.memory_space<hbm>> -> memref<168x128xf32, #tpu.memory_space<hbm>>
    %dma_wait3A_625 = arith.constant 0 : i32
    %dma_wait3A_626 = arith.constant 0 : i32
    %dma_wait3A_627 = tpu.memref_slice %arg16[%dma_wait3A_616, %dma_wait3A_625, %dma_wait3A_626] : memref<4x168x128xf32, #tpu.memory_space<vmem>> -> memref<1x168x128xf32, #tpu.memory_space<vmem>>
    %dma_wait3A_628 = tpu.memref_squeeze %dma_wait3A_627 : memref<1x168x128xf32, #tpu.memory_space<vmem>> -> memref<168x128xf32, #tpu.memory_space<vmem>>
    tpu.wait_dma2 semaphore(%arg21 : memref<!tpu.dma_semaphore, #tpu.memory_space<semaphore_mem>>) src(%dma_wait3A_628 : memref<168x128xf32, #tpu.memory_space<vmem>>) dst(%dma_wait3A_624 : memref<168x128xf32, #tpu.memory_space<hbm>>)
    %add3A_629 = arith.constant 0 : i32
    %add3A_630 = arith.addi %mul3A_2, %add3A_629 : i32
    "tpu.region"() ({
      %run_scoped3A = tpu.sem_alloc : memref<!tpu.dma_semaphore, #tpu.memory_space<semaphore_mem>>
      %dma_start3A_1473 = tpu.memref_slice %arg6[%add3A_630] : memref<43008xi32, #tpu.memory_space<hbm>> -> memref<168xi32, #tpu.memory_space<hbm>>
      %dma_start3A_1474 = tpu.memref_slice %arg6[%add3A_630] : memref<43008xi32, #tpu.memory_space<hbm>> -> memref<168xi32, #tpu.memory_space<hbm>>
      tpu.enqueue_dma source(%dma_start3A_1474 : memref<168xi32, #tpu.memory_space<hbm>>) target(%arg12 : memref<168xi32, #tpu.memory_space<vmem>>) target_semaphore(%run_scoped3A : memref<!tpu.dma_semaphore, #tpu.memory_space<semaphore_mem>>)
      %dma_wait3A_1475 = tpu.memref_slice %arg6[%add3A_630] : memref<43008xi32, #tpu.memory_space<hbm>> -> memref<168xi32, #tpu.memory_space<hbm>>
      %dma_wait3A_1476 = tpu.memref_slice %arg6[%add3A_630] : memref<43008xi32, #tpu.memory_space<hbm>> -> memref<168xi32, #tpu.memory_space<hbm>>
      tpu.wait_dma2 semaphore(%run_scoped3A : memref<!tpu.dma_semaphore, #tpu.memory_space<semaphore_mem>>) src(%dma_wait3A_1476 : memref<168xi32, #tpu.memory_space<hbm>>) dst(%arg12 : memref<168xi32, #tpu.memory_space<vmem>>)
      tpu.yield
    }) : () -> ()
    %dma_start3A_631 = arith.constant 0 : i32
    %dma_start3A_632 = arith.constant 0 : i32
    %dma_start3A_633 = arith.constant 0 : i32
    %dma_start3A_634 = tpu.memref_slice %arg16[%dma_start3A_631, %dma_start3A_632, %dma_start3A_633] : memref<4x168x128xf32, #tpu.memory_space<vmem>> -> memref<1x168x128xf32, #tpu.memory_space<vmem>>
    %dma_start3A_635 = tpu.memref_squeeze %dma_start3A_634 : memref<1x168x128xf32, #tpu.memory_space<vmem>> -> memref<168x128xf32, #tpu.memory_space<vmem>>
    %dma_start3A_636 = arith.constant 0 : i32
    %dma_start3A_637 = arith.constant 0 : i32
    %dma_start3A_638 = tpu.memref_slice %arg3[%dma_start3A_636, %dma_start3A_637] : memref<4320x128xf32, #tpu.memory_space<hbm>> -> memref<4320x128xf32, #tpu.memory_space<hbm>>
    tpu.enqueue_indirect_dma source(%dma_start3A_638 : memref<4320x128xf32, #tpu.memory_space<hbm>>) target(%dma_start3A_635 : memref<168x128xf32, #tpu.memory_space<vmem>>) offsets(%arg12 : memref<168xi32, #tpu.memory_space<vmem>>) semaphore(%arg17 : memref<!tpu.dma_semaphore, #tpu.memory_space<semaphore_mem>>)
    %dma_wait3A_639 = arith.constant 1 : i32
    %dma_wait3A_640 = arith.constant 0 : i32
    %dma_wait3A_641 = arith.constant 0 : i32
    %dma_wait3A_642 = tpu.memref_slice %arg16[%dma_wait3A_639, %dma_wait3A_640, %dma_wait3A_641] : memref<4x168x128xf32, #tpu.memory_space<vmem>> -> memref<1x168x128xf32, #tpu.memory_space<vmem>>
    %dma_wait3A_643 = tpu.memref_squeeze %dma_wait3A_642 : memref<1x168x128xf32, #tpu.memory_space<vmem>> -> memref<168x128xf32, #tpu.memory_space<vmem>>
    %dma_wait3A_644 = arith.constant 0 : i32
    %dma_wait3A_645 = arith.constant 0 : i32
    %dma_wait3A_646 = tpu.memref_slice %arg2[%dma_wait3A_644, %dma_wait3A_645] : memref<4320x128xf32, #tpu.memory_space<hbm>> -> memref<4320x128xf32, #tpu.memory_space<hbm>>
    tpu.wait_indirect_dma semaphore(%arg18 : memref<!tpu.dma_semaphore, #tpu.memory_space<semaphore_mem>>) src(%dma_wait3A_646 : memref<4320x128xf32, #tpu.memory_space<hbm>>) dst(%dma_wait3A_643 : memref<168x128xf32, #tpu.memory_space<vmem>>)
    %add3A_647 = arith.constant 840 : i32
    %add3A_648 = arith.addi %mul3A_2, %add3A_647 : i32
    %dma_start3A_649 = arith.constant 1 : i32
    %dma_start3A_650 = arith.constant 0 : i32
    %dma_start3A_651 = arith.constant 0 : i32
    %dma_start3A_652 = tpu.memref_slice %arg16[%dma_start3A_649, %dma_start3A_650, %dma_start3A_651] : memref<4x168x128xf32, #tpu.memory_space<vmem>> -> memref<1x168x128xf32, #tpu.memory_space<vmem>>
    %dma_start3A_653 = tpu.memref_squeeze %dma_start3A_652 : memref<1x168x128xf32, #tpu.memory_space<vmem>> -> memref<168x128xf32, #tpu.memory_space<vmem>>
    %dma_start3A_654 = arith.constant 0 : i32
    %dma_start3A_655 = tpu.memref_slice %arg9[%add3A_648, %dma_start3A_654] : memref<43008x128xf32, #tpu.memory_space<hbm>> -> memref<168x128xf32, #tpu.memory_space<hbm>>
    %dma_start3A_656 = arith.constant 0 : i32
    %dma_start3A_657 = tpu.memref_slice %arg9[%add3A_648, %dma_start3A_656] : memref<43008x128xf32, #tpu.memory_space<hbm>> -> memref<168x128xf32, #tpu.memory_space<hbm>>
    %dma_start3A_658 = arith.constant 0 : i32
    %dma_start3A_659 = arith.constant 0 : i32
    %dma_start3A_660 = tpu.memref_slice %arg16[%dma_start3A_649, %dma_start3A_658, %dma_start3A_659] : memref<4x168x128xf32, #tpu.memory_space<vmem>> -> memref<1x168x128xf32, #tpu.memory_space<vmem>>
    %dma_start3A_661 = tpu.memref_squeeze %dma_start3A_660 : memref<1x168x128xf32, #tpu.memory_space<vmem>> -> memref<168x128xf32, #tpu.memory_space<vmem>>
    tpu.enqueue_dma source(%dma_start3A_661 : memref<168x128xf32, #tpu.memory_space<vmem>>) target(%dma_start3A_657 : memref<168x128xf32, #tpu.memory_space<hbm>>) target_semaphore(%arg22 : memref<!tpu.dma_semaphore, #tpu.memory_space<semaphore_mem>>)
    %dma_wait3A_662 = arith.constant 1 : i32
    %dma_wait3A_663 = arith.constant 0 : i32
    %dma_wait3A_664 = arith.constant 0 : i32
    %dma_wait3A_665 = tpu.memref_slice %arg16[%dma_wait3A_662, %dma_wait3A_663, %dma_wait3A_664] : memref<4x168x128xf32, #tpu.memory_space<vmem>> -> memref<1x168x128xf32, #tpu.memory_space<vmem>>
    %dma_wait3A_666 = tpu.memref_squeeze %dma_wait3A_665 : memref<1x168x128xf32, #tpu.memory_space<vmem>> -> memref<168x128xf32, #tpu.memory_space<vmem>>
    %dma_wait3A_667 = arith.constant 0 : i32
    %dma_wait3A_668 = tpu.memref_slice %arg9[%add3A_648, %dma_wait3A_667] : memref<43008x128xf32, #tpu.memory_space<hbm>> -> memref<168x128xf32, #tpu.memory_space<hbm>>
    %dma_wait3A_669 = arith.constant 0 : i32
    %dma_wait3A_670 = tpu.memref_slice %arg9[%add3A_648, %dma_wait3A_669] : memref<43008x128xf32, #tpu.memory_space<hbm>> -> memref<168x128xf32, #tpu.memory_space<hbm>>
    %dma_wait3A_671 = arith.constant 0 : i32
    %dma_wait3A_672 = arith.constant 0 : i32
    %dma_wait3A_673 = tpu.memref_slice %arg16[%dma_wait3A_662, %dma_wait3A_671, %dma_wait3A_672] : memref<4x168x128xf32, #tpu.memory_space<vmem>> -> memref<1x168x128xf32, #tpu.memory_space<vmem>>
    %dma_wait3A_674 = tpu.memref_squeeze %dma_wait3A_673 : memref<1x168x128xf32, #tpu.memory_space<vmem>> -> memref<168x128xf32, #tpu.memory_space<vmem>>
    tpu.wait_dma2 semaphore(%arg22 : memref<!tpu.dma_semaphore, #tpu.memory_space<semaphore_mem>>) src(%dma_wait3A_674 : memref<168x128xf32, #tpu.memory_space<vmem>>) dst(%dma_wait3A_670 : memref<168x128xf32, #tpu.memory_space<hbm>>)
    %add3A_675 = arith.constant 168 : i32
    %add3A_676 = arith.addi %mul3A_2, %add3A_675 : i32
    "tpu.region"() ({
      %run_scoped3A = tpu.sem_alloc : memref<!tpu.dma_semaphore, #tpu.memory_space<semaphore_mem>>
      %dma_start3A_1473 = tpu.memref_slice %arg6[%add3A_676] : memref<43008xi32, #tpu.memory_space<hbm>> -> memref<168xi32, #tpu.memory_space<hbm>>
      %dma_start3A_1474 = tpu.memref_slice %arg6[%add3A_676] : memref<43008xi32, #tpu.memory_space<hbm>> -> memref<168xi32, #tpu.memory_space<hbm>>
      tpu.enqueue_dma source(%dma_start3A_1474 : memref<168xi32, #tpu.memory_space<hbm>>) target(%arg13 : memref<168xi32, #tpu.memory_space<vmem>>) target_semaphore(%run_scoped3A : memref<!tpu.dma_semaphore, #tpu.memory_space<semaphore_mem>>)
      %dma_wait3A_1475 = tpu.memref_slice %arg6[%add3A_676] : memref<43008xi32, #tpu.memory_space<hbm>> -> memref<168xi32, #tpu.memory_space<hbm>>
      %dma_wait3A_1476 = tpu.memref_slice %arg6[%add3A_676] : memref<43008xi32, #tpu.memory_space<hbm>> -> memref<168xi32, #tpu.memory_space<hbm>>
      tpu.wait_dma2 semaphore(%run_scoped3A : memref<!tpu.dma_semaphore, #tpu.memory_space<semaphore_mem>>) src(%dma_wait3A_1476 : memref<168xi32, #tpu.memory_space<hbm>>) dst(%arg13 : memref<168xi32, #tpu.memory_space<vmem>>)
      tpu.yield
    }) : () -> ()
    %dma_start3A_677 = arith.constant 1 : i32
    %dma_start3A_678 = arith.constant 0 : i32
    %dma_start3A_679 = arith.constant 0 : i32
    %dma_start3A_680 = tpu.memref_slice %arg16[%dma_start3A_677, %dma_start3A_678, %dma_start3A_679] : memref<4x168x128xf32, #tpu.memory_space<vmem>> -> memref<1x168x128xf32, #tpu.memory_space<vmem>>
    %dma_start3A_681 = tpu.memref_squeeze %dma_start3A_680 : memref<1x168x128xf32, #tpu.memory_space<vmem>> -> memref<168x128xf32, #tpu.memory_space<vmem>>
    %dma_start3A_682 = arith.constant 0 : i32
    %dma_start3A_683 = arith.constant 0 : i32
    %dma_start3A_684 = tpu.memref_slice %arg3[%dma_start3A_682, %dma_start3A_683] : memref<4320x128xf32, #tpu.memory_space<hbm>> -> memref<4320x128xf32, #tpu.memory_space<hbm>>
    tpu.enqueue_indirect_dma source(%dma_start3A_684 : memref<4320x128xf32, #tpu.memory_space<hbm>>) target(%dma_start3A_681 : memref<168x128xf32, #tpu.memory_space<vmem>>) offsets(%arg13 : memref<168xi32, #tpu.memory_space<vmem>>) semaphore(%arg18 : memref<!tpu.dma_semaphore, #tpu.memory_space<semaphore_mem>>)
    %dma_wait3A_685 = arith.constant 2 : i32
    %dma_wait3A_686 = arith.constant 0 : i32
    %dma_wait3A_687 = arith.constant 0 : i32
    %dma_wait3A_688 = tpu.memref_slice %arg16[%dma_wait3A_685, %dma_wait3A_686, %dma_wait3A_687] : memref<4x168x128xf32, #tpu.memory_space<vmem>> -> memref<1x168x128xf32, #tpu.memory_space<vmem>>
    %dma_wait3A_689 = tpu.memref_squeeze %dma_wait3A_688 : memref<1x168x128xf32, #tpu.memory_space<vmem>> -> memref<168x128xf32, #tpu.memory_space<vmem>>
    %dma_wait3A_690 = arith.constant 0 : i32
    %dma_wait3A_691 = arith.constant 0 : i32
    %dma_wait3A_692 = tpu.memref_slice %arg2[%dma_wait3A_690, %dma_wait3A_691] : memref<4320x128xf32, #tpu.memory_space<hbm>> -> memref<4320x128xf32, #tpu.memory_space<hbm>>
    tpu.wait_indirect_dma semaphore(%arg19 : memref<!tpu.dma_semaphore, #tpu.memory_space<semaphore_mem>>) src(%dma_wait3A_692 : memref<4320x128xf32, #tpu.memory_space<hbm>>) dst(%dma_wait3A_689 : memref<168x128xf32, #tpu.memory_space<vmem>>)
    %add3A_693 = arith.constant 1008 : i32
    %add3A_694 = arith.addi %mul3A_2, %add3A_693 : i32
    %dma_start3A_695 = arith.constant 2 : i32
    %dma_start3A_696 = arith.constant 0 : i32
    %dma_start3A_697 = arith.constant 0 : i32
    %dma_start3A_698 = tpu.memref_slice %arg16[%dma_start3A_695, %dma_start3A_696, %dma_start3A_697] : memref<4x168x128xf32, #tpu.memory_space<vmem>> -> memref<1x168x128xf32, #tpu.memory_space<vmem>>
    %dma_start3A_699 = tpu.memref_squeeze %dma_start3A_698 : memref<1x168x128xf32, #tpu.memory_space<vmem>> -> memref<168x128xf32, #tpu.memory_space<vmem>>
    %dma_start3A_700 = arith.constant 0 : i32
    %dma_start3A_701 = tpu.memref_slice %arg9[%add3A_694, %dma_start3A_700] : memref<43008x128xf32, #tpu.memory_space<hbm>> -> memref<168x128xf32, #tpu.memory_space<hbm>>
    %dma_start3A_702 = arith.constant 0 : i32
    %dma_start3A_703 = tpu.memref_slice %arg9[%add3A_694, %dma_start3A_702] : memref<43008x128xf32, #tpu.memory_space<hbm>> -> memref<168x128xf32, #tpu.memory_space<hbm>>
    %dma_start3A_704 = arith.constant 0 : i32
    %dma_start3A_705 = arith.constant 0 : i32
    %dma_start3A_706 = tpu.memref_slice %arg16[%dma_start3A_695, %dma_start3A_704, %dma_start3A_705] : memref<4x168x128xf32, #tpu.memory_space<vmem>> -> memref<1x168x128xf32, #tpu.memory_space<vmem>>
    %dma_start3A_707 = tpu.memref_squeeze %dma_start3A_706 : memref<1x168x128xf32, #tpu.memory_space<vmem>> -> memref<168x128xf32, #tpu.memory_space<vmem>>
    tpu.enqueue_dma source(%dma_start3A_707 : memref<168x128xf32, #tpu.memory_space<vmem>>) target(%dma_start3A_703 : memref<168x128xf32, #tpu.memory_space<hbm>>) target_semaphore(%arg23 : memref<!tpu.dma_semaphore, #tpu.memory_space<semaphore_mem>>)
    %dma_wait3A_708 = arith.constant 2 : i32
    %dma_wait3A_709 = arith.constant 0 : i32
    %dma_wait3A_710 = arith.constant 0 : i32
    %dma_wait3A_711 = tpu.memref_slice %arg16[%dma_wait3A_708, %dma_wait3A_709, %dma_wait3A_710] : memref<4x168x128xf32, #tpu.memory_space<vmem>> -> memref<1x168x128xf32, #tpu.memory_space<vmem>>
    %dma_wait3A_712 = tpu.memref_squeeze %dma_wait3A_711 : memref<1x168x128xf32, #tpu.memory_space<vmem>> -> memref<168x128xf32, #tpu.memory_space<vmem>>
    %dma_wait3A_713 = arith.constant 0 : i32
    %dma_wait3A_714 = tpu.memref_slice %arg9[%add3A_694, %dma_wait3A_713] : memref<43008x128xf32, #tpu.memory_space<hbm>> -> memref<168x128xf32, #tpu.memory_space<hbm>>
    %dma_wait3A_715 = arith.constant 0 : i32
    %dma_wait3A_716 = tpu.memref_slice %arg9[%add3A_694, %dma_wait3A_715] : memref<43008x128xf32, #tpu.memory_space<hbm>> -> memref<168x128xf32, #tpu.memory_space<hbm>>
    %dma_wait3A_717 = arith.constant 0 : i32
    %dma_wait3A_718 = arith.constant 0 : i32
    %dma_wait3A_719 = tpu.memref_slice %arg16[%dma_wait3A_708, %dma_wait3A_717, %dma_wait3A_718] : memref<4x168x128xf32, #tpu.memory_space<vmem>> -> memref<1x168x128xf32, #tpu.memory_space<vmem>>
    %dma_wait3A_720 = tpu.memref_squeeze %dma_wait3A_719 : memref<1x168x128xf32, #tpu.memory_space<vmem>> -> memref<168x128xf32, #tpu.memory_space<vmem>>
    tpu.wait_dma2 semaphore(%arg23 : memref<!tpu.dma_semaphore, #tpu.memory_space<semaphore_mem>>) src(%dma_wait3A_720 : memref<168x128xf32, #tpu.memory_space<vmem>>) dst(%dma_wait3A_716 : memref<168x128xf32, #tpu.memory_space<hbm>>)
    %add3A_721 = arith.constant 336 : i32
    %add3A_722 = arith.addi %mul3A_2, %add3A_721 : i32
    "tpu.region"() ({
      %run_scoped3A = tpu.sem_alloc : memref<!tpu.dma_semaphore, #tpu.memory_space<semaphore_mem>>
      %dma_start3A_1473 = tpu.memref_slice %arg6[%add3A_722] : memref<43008xi32, #tpu.memory_space<hbm>> -> memref<168xi32, #tpu.memory_space<hbm>>
      %dma_start3A_1474 = tpu.memref_slice %arg6[%add3A_722] : memref<43008xi32, #tpu.memory_space<hbm>> -> memref<168xi32, #tpu.memory_space<hbm>>
      tpu.enqueue_dma source(%dma_start3A_1474 : memref<168xi32, #tpu.memory_space<hbm>>) target(%arg14 : memref<168xi32, #tpu.memory_space<vmem>>) target_semaphore(%run_scoped3A : memref<!tpu.dma_semaphore, #tpu.memory_space<semaphore_mem>>)
      %dma_wait3A_1475 = tpu.memref_slice %arg6[%add3A_722] : memref<43008xi32, #tpu.memory_space<hbm>> -> memref<168xi32, #tpu.memory_space<hbm>>
      %dma_wait3A_1476 = tpu.memref_slice %arg6[%add3A_722] : memref<43008xi32, #tpu.memory_space<hbm>> -> memref<168xi32, #tpu.memory_space<hbm>>
      tpu.wait_dma2 semaphore(%run_scoped3A : memref<!tpu.dma_semaphore, #tpu.memory_space<semaphore_mem>>) src(%dma_wait3A_1476 : memref<168xi32, #tpu.memory_space<hbm>>) dst(%arg14 : memref<168xi32, #tpu.memory_space<vmem>>)
      tpu.yield
    }) : () -> ()
    %dma_start3A_723 = arith.constant 2 : i32
    %dma_start3A_724 = arith.constant 0 : i32
    %dma_start3A_725 = arith.constant 0 : i32
    %dma_start3A_726 = tpu.memref_slice %arg16[%dma_start3A_723, %dma_start3A_724, %dma_start3A_725] : memref<4x168x128xf32, #tpu.memory_space<vmem>> -> memref<1x168x128xf32, #tpu.memory_space<vmem>>
    %dma_start3A_727 = tpu.memref_squeeze %dma_start3A_726 : memref<1x168x128xf32, #tpu.memory_space<vmem>> -> memref<168x128xf32, #tpu.memory_space<vmem>>
    %dma_start3A_728 = arith.constant 0 : i32
    %dma_start3A_729 = arith.constant 0 : i32
    %dma_start3A_730 = tpu.memref_slice %arg3[%dma_start3A_728, %dma_start3A_729] : memref<4320x128xf32, #tpu.memory_space<hbm>> -> memref<4320x128xf32, #tpu.memory_space<hbm>>
    tpu.enqueue_indirect_dma source(%dma_start3A_730 : memref<4320x128xf32, #tpu.memory_space<hbm>>) target(%dma_start3A_727 : memref<168x128xf32, #tpu.memory_space<vmem>>) offsets(%arg14 : memref<168xi32, #tpu.memory_space<vmem>>) semaphore(%arg19 : memref<!tpu.dma_semaphore, #tpu.memory_space<semaphore_mem>>)
    %dma_wait3A_731 = arith.constant 3 : i32
    %dma_wait3A_732 = arith.constant 0 : i32
    %dma_wait3A_733 = arith.constant 0 : i32
    %dma_wait3A_734 = tpu.memref_slice %arg16[%dma_wait3A_731, %dma_wait3A_732, %dma_wait3A_733] : memref<4x168x128xf32, #tpu.memory_space<vmem>> -> memref<1x168x128xf32, #tpu.memory_space<vmem>>
    %dma_wait3A_735 = tpu.memref_squeeze %dma_wait3A_734 : memref<1x168x128xf32, #tpu.memory_space<vmem>> -> memref<168x128xf32, #tpu.memory_space<vmem>>
    %dma_wait3A_736 = arith.constant 0 : i32
    %dma_wait3A_737 = arith.constant 0 : i32
    %dma_wait3A_738 = tpu.memref_slice %arg2[%dma_wait3A_736, %dma_wait3A_737] : memref<4320x128xf32, #tpu.memory_space<hbm>> -> memref<4320x128xf32, #tpu.memory_space<hbm>>
    tpu.wait_indirect_dma semaphore(%arg20 : memref<!tpu.dma_semaphore, #tpu.memory_space<semaphore_mem>>) src(%dma_wait3A_738 : memref<4320x128xf32, #tpu.memory_space<hbm>>) dst(%dma_wait3A_735 : memref<168x128xf32, #tpu.memory_space<vmem>>)
    %add3A_739 = arith.constant 1176 : i32
    %add3A_740 = arith.addi %mul3A_2, %add3A_739 : i32
    %dma_start3A_741 = arith.constant 3 : i32
    %dma_start3A_742 = arith.constant 0 : i32
    %dma_start3A_743 = arith.constant 0 : i32
    %dma_start3A_744 = tpu.memref_slice %arg16[%dma_start3A_741, %dma_start3A_742, %dma_start3A_743] : memref<4x168x128xf32, #tpu.memory_space<vmem>> -> memref<1x168x128xf32, #tpu.memory_space<vmem>>
    %dma_start3A_745 = tpu.memref_squeeze %dma_start3A_744 : memref<1x168x128xf32, #tpu.memory_space<vmem>> -> memref<168x128xf32, #tpu.memory_space<vmem>>
    %dma_start3A_746 = arith.constant 0 : i32
    %dma_start3A_747 = tpu.memref_slice %arg9[%add3A_740, %dma_start3A_746] : memref<43008x128xf32, #tpu.memory_space<hbm>> -> memref<168x128xf32, #tpu.memory_space<hbm>>
    %dma_start3A_748 = arith.constant 0 : i32
    %dma_start3A_749 = tpu.memref_slice %arg9[%add3A_740, %dma_start3A_748] : memref<43008x128xf32, #tpu.memory_space<hbm>> -> memref<168x128xf32, #tpu.memory_space<hbm>>
    %dma_start3A_750 = arith.constant 0 : i32
    %dma_start3A_751 = arith.constant 0 : i32
    %dma_start3A_752 = tpu.memref_slice %arg16[%dma_start3A_741, %dma_start3A_750, %dma_start3A_751] : memref<4x168x128xf32, #tpu.memory_space<vmem>> -> memref<1x168x128xf32, #tpu.memory_space<vmem>>
    %dma_start3A_753 = tpu.memref_squeeze %dma_start3A_752 : memref<1x168x128xf32, #tpu.memory_space<vmem>> -> memref<168x128xf32, #tpu.memory_space<vmem>>
    tpu.enqueue_dma source(%dma_start3A_753 : memref<168x128xf32, #tpu.memory_space<vmem>>) target(%dma_start3A_749 : memref<168x128xf32, #tpu.memory_space<hbm>>) target_semaphore(%arg24 : memref<!tpu.dma_semaphore, #tpu.memory_space<semaphore_mem>>)
    %dma_wait3A_754 = arith.constant 3 : i32
    %dma_wait3A_755 = arith.constant 0 : i32
    %dma_wait3A_756 = arith.constant 0 : i32
    %dma_wait3A_757 = tpu.memref_slice %arg16[%dma_wait3A_754, %dma_wait3A_755, %dma_wait3A_756] : memref<4x168x128xf32, #tpu.memory_space<vmem>> -> memref<1x168x128xf32, #tpu.memory_space<vmem>>
    %dma_wait3A_758 = tpu.memref_squeeze %dma_wait3A_757 : memref<1x168x128xf32, #tpu.memory_space<vmem>> -> memref<168x128xf32, #tpu.memory_space<vmem>>
    %dma_wait3A_759 = arith.constant 0 : i32
    %dma_wait3A_760 = tpu.memref_slice %arg9[%add3A_740, %dma_wait3A_759] : memref<43008x128xf32, #tpu.memory_space<hbm>> -> memref<168x128xf32, #tpu.memory_space<hbm>>
    %dma_wait3A_761 = arith.constant 0 : i32
    %dma_wait3A_762 = tpu.memref_slice %arg9[%add3A_740, %dma_wait3A_761] : memref<43008x128xf32, #tpu.memory_space<hbm>> -> memref<168x128xf32, #tpu.memory_space<hbm>>
    %dma_wait3A_763 = arith.constant 0 : i32
    %dma_wait3A_764 = arith.constant 0 : i32
    %dma_wait3A_765 = tpu.memref_slice %arg16[%dma_wait3A_754, %dma_wait3A_763, %dma_wait3A_764] : memref<4x168x128xf32, #tpu.memory_space<vmem>> -> memref<1x168x128xf32, #tpu.memory_space<vmem>>
    %dma_wait3A_766 = tpu.memref_squeeze %dma_wait3A_765 : memref<1x168x128xf32, #tpu.memory_space<vmem>> -> memref<168x128xf32, #tpu.memory_space<vmem>>
    tpu.wait_dma2 semaphore(%arg24 : memref<!tpu.dma_semaphore, #tpu.memory_space<semaphore_mem>>) src(%dma_wait3A_766 : memref<168x128xf32, #tpu.memory_space<vmem>>) dst(%dma_wait3A_762 : memref<168x128xf32, #tpu.memory_space<hbm>>)
    %add3A_767 = arith.constant 504 : i32
    %add3A_768 = arith.addi %mul3A_2, %add3A_767 : i32
    "tpu.region"() ({
      %run_scoped3A = tpu.sem_alloc : memref<!tpu.dma_semaphore, #tpu.memory_space<semaphore_mem>>
      %dma_start3A_1473 = tpu.memref_slice %arg6[%add3A_768] : memref<43008xi32, #tpu.memory_space<hbm>> -> memref<168xi32, #tpu.memory_space<hbm>>
      %dma_start3A_1474 = tpu.memref_slice %arg6[%add3A_768] : memref<43008xi32, #tpu.memory_space<hbm>> -> memref<168xi32, #tpu.memory_space<hbm>>
      tpu.enqueue_dma source(%dma_start3A_1474 : memref<168xi32, #tpu.memory_space<hbm>>) target(%arg15 : memref<168xi32, #tpu.memory_space<vmem>>) target_semaphore(%run_scoped3A : memref<!tpu.dma_semaphore, #tpu.memory_space<semaphore_mem>>)
      %dma_wait3A_1475 = tpu.memref_slice %arg6[%add3A_768] : memref<43008xi32, #tpu.memory_space<hbm>> -> memref<168xi32, #tpu.memory_space<hbm>>
      %dma_wait3A_1476 = tpu.memref_slice %arg6[%add3A_768] : memref<43008xi32, #tpu.memory_space<hbm>> -> memref<168xi32, #tpu.memory_space<hbm>>
      tpu.wait_dma2 semaphore(%run_scoped3A : memref<!tpu.dma_semaphore, #tpu.memory_space<semaphore_mem>>) src(%dma_wait3A_1476 : memref<168xi32, #tpu.memory_space<hbm>>) dst(%arg15 : memref<168xi32, #tpu.memory_space<vmem>>)
      tpu.yield
    }) : () -> ()
    %dma_start3A_769 = arith.constant 3 : i32
    %dma_start3A_770 = arith.constant 0 : i32
    %dma_start3A_771 = arith.constant 0 : i32
    %dma_start3A_772 = tpu.memref_slice %arg16[%dma_start3A_769, %dma_start3A_770, %dma_start3A_771] : memref<4x168x128xf32, #tpu.memory_space<vmem>> -> memref<1x168x128xf32, #tpu.memory_space<vmem>>
    %dma_start3A_773 = tpu.memref_squeeze %dma_start3A_772 : memref<1x168x128xf32, #tpu.memory_space<vmem>> -> memref<168x128xf32, #tpu.memory_space<vmem>>
    %dma_start3A_774 = arith.constant 0 : i32
    %dma_start3A_775 = arith.constant 0 : i32
    %dma_start3A_776 = tpu.memref_slice %arg3[%dma_start3A_774, %dma_start3A_775] : memref<4320x128xf32, #tpu.memory_space<hbm>> -> memref<4320x128xf32, #tpu.memory_space<hbm>>
    tpu.enqueue_indirect_dma source(%dma_start3A_776 : memref<4320x128xf32, #tpu.memory_space<hbm>>) target(%dma_start3A_773 : memref<168x128xf32, #tpu.memory_space<vmem>>) offsets(%arg15 : memref<168xi32, #tpu.memory_space<vmem>>) semaphore(%arg20 : memref<!tpu.dma_semaphore, #tpu.memory_space<semaphore_mem>>)
    %dma_wait3A_777 = arith.constant 0 : i32
    %dma_wait3A_778 = arith.constant 0 : i32
    %dma_wait3A_779 = arith.constant 0 : i32
    %dma_wait3A_780 = tpu.memref_slice %arg16[%dma_wait3A_777, %dma_wait3A_778, %dma_wait3A_779] : memref<4x168x128xf32, #tpu.memory_space<vmem>> -> memref<1x168x128xf32, #tpu.memory_space<vmem>>
    %dma_wait3A_781 = tpu.memref_squeeze %dma_wait3A_780 : memref<1x168x128xf32, #tpu.memory_space<vmem>> -> memref<168x128xf32, #tpu.memory_space<vmem>>
    %dma_wait3A_782 = arith.constant 0 : i32
    %dma_wait3A_783 = arith.constant 0 : i32
    %dma_wait3A_784 = tpu.memref_slice %arg3[%dma_wait3A_782, %dma_wait3A_783] : memref<4320x128xf32, #tpu.memory_space<hbm>> -> memref<4320x128xf32, #tpu.memory_space<hbm>>
    tpu.wait_indirect_dma semaphore(%arg17 : memref<!tpu.dma_semaphore, #tpu.memory_space<semaphore_mem>>) src(%dma_wait3A_784 : memref<4320x128xf32, #tpu.memory_space<hbm>>) dst(%dma_wait3A_781 : memref<168x128xf32, #tpu.memory_space<vmem>>)
    %add3A_785 = arith.constant 0 : i32
    %add3A_786 = arith.addi %mul3A_2, %add3A_785 : i32
    %dma_start3A_787 = arith.constant 0 : i32
    %dma_start3A_788 = arith.constant 0 : i32
    %dma_start3A_789 = arith.constant 0 : i32
    %dma_start3A_790 = tpu.memref_slice %arg16[%dma_start3A_787, %dma_start3A_788, %dma_start3A_789] : memref<4x168x128xf32, #tpu.memory_space<vmem>> -> memref<1x168x128xf32, #tpu.memory_space<vmem>>
    %dma_start3A_791 = tpu.memref_squeeze %dma_start3A_790 : memref<1x168x128xf32, #tpu.memory_space<vmem>> -> memref<168x128xf32, #tpu.memory_space<vmem>>
    %dma_start3A_792 = arith.constant 0 : i32
    %dma_start3A_793 = tpu.memref_slice %arg10[%add3A_786, %dma_start3A_792] : memref<43008x128xf32, #tpu.memory_space<hbm>> -> memref<168x128xf32, #tpu.memory_space<hbm>>
    %dma_start3A_794 = arith.constant 0 : i32
    %dma_start3A_795 = tpu.memref_slice %arg10[%add3A_786, %dma_start3A_794] : memref<43008x128xf32, #tpu.memory_space<hbm>> -> memref<168x128xf32, #tpu.memory_space<hbm>>
    %dma_start3A_796 = arith.constant 0 : i32
    %dma_start3A_797 = arith.constant 0 : i32
    %dma_start3A_798 = tpu.memref_slice %arg16[%dma_start3A_787, %dma_start3A_796, %dma_start3A_797] : memref<4x168x128xf32, #tpu.memory_space<vmem>> -> memref<1x168x128xf32, #tpu.memory_space<vmem>>
    %dma_start3A_799 = tpu.memref_squeeze %dma_start3A_798 : memref<1x168x128xf32, #tpu.memory_space<vmem>> -> memref<168x128xf32, #tpu.memory_space<vmem>>
    tpu.enqueue_dma source(%dma_start3A_799 : memref<168x128xf32, #tpu.memory_space<vmem>>) target(%dma_start3A_795 : memref<168x128xf32, #tpu.memory_space<hbm>>) target_semaphore(%arg21 : memref<!tpu.dma_semaphore, #tpu.memory_space<semaphore_mem>>)
    %dma_wait3A_800 = arith.constant 0 : i32
    %dma_wait3A_801 = arith.constant 0 : i32
    %dma_wait3A_802 = arith.constant 0 : i32
    %dma_wait3A_803 = tpu.memref_slice %arg16[%dma_wait3A_800, %dma_wait3A_801, %dma_wait3A_802] : memref<4x168x128xf32, #tpu.memory_space<vmem>> -> memref<1x168x128xf32, #tpu.memory_space<vmem>>
    %dma_wait3A_804 = tpu.memref_squeeze %dma_wait3A_803 : memref<1x168x128xf32, #tpu.memory_space<vmem>> -> memref<168x128xf32, #tpu.memory_space<vmem>>
    %dma_wait3A_805 = arith.constant 0 : i32
    %dma_wait3A_806 = tpu.memref_slice %arg10[%add3A_786, %dma_wait3A_805] : memref<43008x128xf32, #tpu.memory_space<hbm>> -> memref<168x128xf32, #tpu.memory_space<hbm>>
    %dma_wait3A_807 = arith.constant 0 : i32
    %dma_wait3A_808 = tpu.memref_slice %arg10[%add3A_786, %dma_wait3A_807] : memref<43008x128xf32, #tpu.memory_space<hbm>> -> memref<168x128xf32, #tpu.memory_space<hbm>>
    %dma_wait3A_809 = arith.constant 0 : i32
    %dma_wait3A_810 = arith.constant 0 : i32
    %dma_wait3A_811 = tpu.memref_slice %arg16[%dma_wait3A_800, %dma_wait3A_809, %dma_wait3A_810] : memref<4x168x128xf32, #tpu.memory_space<vmem>> -> memref<1x168x128xf32, #tpu.memory_space<vmem>>
    %dma_wait3A_812 = tpu.memref_squeeze %dma_wait3A_811 : memref<1x168x128xf32, #tpu.memory_space<vmem>> -> memref<168x128xf32, #tpu.memory_space<vmem>>
    tpu.wait_dma2 semaphore(%arg21 : memref<!tpu.dma_semaphore, #tpu.memory_space<semaphore_mem>>) src(%dma_wait3A_812 : memref<168x128xf32, #tpu.memory_space<vmem>>) dst(%dma_wait3A_808 : memref<168x128xf32, #tpu.memory_space<hbm>>)
    %add3A_813 = arith.constant 672 : i32
    %add3A_814 = arith.addi %mul3A_2, %add3A_813 : i32
    "tpu.region"() ({
      %run_scoped3A = tpu.sem_alloc : memref<!tpu.dma_semaphore, #tpu.memory_space<semaphore_mem>>
      %dma_start3A_1473 = tpu.memref_slice %arg6[%add3A_814] : memref<43008xi32, #tpu.memory_space<hbm>> -> memref<168xi32, #tpu.memory_space<hbm>>
      %dma_start3A_1474 = tpu.memref_slice %arg6[%add3A_814] : memref<43008xi32, #tpu.memory_space<hbm>> -> memref<168xi32, #tpu.memory_space<hbm>>
      tpu.enqueue_dma source(%dma_start3A_1474 : memref<168xi32, #tpu.memory_space<hbm>>) target(%arg12 : memref<168xi32, #tpu.memory_space<vmem>>) target_semaphore(%run_scoped3A : memref<!tpu.dma_semaphore, #tpu.memory_space<semaphore_mem>>)
      %dma_wait3A_1475 = tpu.memref_slice %arg6[%add3A_814] : memref<43008xi32, #tpu.memory_space<hbm>> -> memref<168xi32, #tpu.memory_space<hbm>>
      %dma_wait3A_1476 = tpu.memref_slice %arg6[%add3A_814] : memref<43008xi32, #tpu.memory_space<hbm>> -> memref<168xi32, #tpu.memory_space<hbm>>
      tpu.wait_dma2 semaphore(%run_scoped3A : memref<!tpu.dma_semaphore, #tpu.memory_space<semaphore_mem>>) src(%dma_wait3A_1476 : memref<168xi32, #tpu.memory_space<hbm>>) dst(%arg12 : memref<168xi32, #tpu.memory_space<vmem>>)
      tpu.yield
    }) : () -> ()
    %dma_start3A_815 = arith.constant 0 : i32
    %dma_start3A_816 = arith.constant 0 : i32
    %dma_start3A_817 = arith.constant 0 : i32
    %dma_start3A_818 = tpu.memref_slice %arg16[%dma_start3A_815, %dma_start3A_816, %dma_start3A_817] : memref<4x168x128xf32, #tpu.memory_space<vmem>> -> memref<1x168x128xf32, #tpu.memory_space<vmem>>
    %dma_start3A_819 = tpu.memref_squeeze %dma_start3A_818 : memref<1x168x128xf32, #tpu.memory_space<vmem>> -> memref<168x128xf32, #tpu.memory_space<vmem>>
    %dma_start3A_820 = arith.constant 0 : i32
    %dma_start3A_821 = arith.constant 0 : i32
    %dma_start3A_822 = tpu.memref_slice %arg3[%dma_start3A_820, %dma_start3A_821] : memref<4320x128xf32, #tpu.memory_space<hbm>> -> memref<4320x128xf32, #tpu.memory_space<hbm>>
    tpu.enqueue_indirect_dma source(%dma_start3A_822 : memref<4320x128xf32, #tpu.memory_space<hbm>>) target(%dma_start3A_819 : memref<168x128xf32, #tpu.memory_space<vmem>>) offsets(%arg12 : memref<168xi32, #tpu.memory_space<vmem>>) semaphore(%arg17 : memref<!tpu.dma_semaphore, #tpu.memory_space<semaphore_mem>>)
    %dma_wait3A_823 = arith.constant 1 : i32
    %dma_wait3A_824 = arith.constant 0 : i32
    %dma_wait3A_825 = arith.constant 0 : i32
    %dma_wait3A_826 = tpu.memref_slice %arg16[%dma_wait3A_823, %dma_wait3A_824, %dma_wait3A_825] : memref<4x168x128xf32, #tpu.memory_space<vmem>> -> memref<1x168x128xf32, #tpu.memory_space<vmem>>
    %dma_wait3A_827 = tpu.memref_squeeze %dma_wait3A_826 : memref<1x168x128xf32, #tpu.memory_space<vmem>> -> memref<168x128xf32, #tpu.memory_space<vmem>>
    %dma_wait3A_828 = arith.constant 0 : i32
    %dma_wait3A_829 = arith.constant 0 : i32
    %dma_wait3A_830 = tpu.memref_slice %arg3[%dma_wait3A_828, %dma_wait3A_829] : memref<4320x128xf32, #tpu.memory_space<hbm>> -> memref<4320x128xf32, #tpu.memory_space<hbm>>
    tpu.wait_indirect_dma semaphore(%arg18 : memref<!tpu.dma_semaphore, #tpu.memory_space<semaphore_mem>>) src(%dma_wait3A_830 : memref<4320x128xf32, #tpu.memory_space<hbm>>) dst(%dma_wait3A_827 : memref<168x128xf32, #tpu.memory_space<vmem>>)
    %add3A_831 = arith.constant 168 : i32
    %add3A_832 = arith.addi %mul3A_2, %add3A_831 : i32
    %dma_start3A_833 = arith.constant 1 : i32
    %dma_start3A_834 = arith.constant 0 : i32
    %dma_start3A_835 = arith.constant 0 : i32
    %dma_start3A_836 = tpu.memref_slice %arg16[%dma_start3A_833, %dma_start3A_834, %dma_start3A_835] : memref<4x168x128xf32, #tpu.memory_space<vmem>> -> memref<1x168x128xf32, #tpu.memory_space<vmem>>
    %dma_start3A_837 = tpu.memref_squeeze %dma_start3A_836 : memref<1x168x128xf32, #tpu.memory_space<vmem>> -> memref<168x128xf32, #tpu.memory_space<vmem>>
    %dma_start3A_838 = arith.constant 0 : i32
    %dma_start3A_839 = tpu.memref_slice %arg10[%add3A_832, %dma_start3A_838] : memref<43008x128xf32, #tpu.memory_space<hbm>> -> memref<168x128xf32, #tpu.memory_space<hbm>>
    %dma_start3A_840 = arith.constant 0 : i32
    %dma_start3A_841 = tpu.memref_slice %arg10[%add3A_832, %dma_start3A_840] : memref<43008x128xf32, #tpu.memory_space<hbm>> -> memref<168x128xf32, #tpu.memory_space<hbm>>
    %dma_start3A_842 = arith.constant 0 : i32
    %dma_start3A_843 = arith.constant 0 : i32
    %dma_start3A_844 = tpu.memref_slice %arg16[%dma_start3A_833, %dma_start3A_842, %dma_start3A_843] : memref<4x168x128xf32, #tpu.memory_space<vmem>> -> memref<1x168x128xf32, #tpu.memory_space<vmem>>
    %dma_start3A_845 = tpu.memref_squeeze %dma_start3A_844 : memref<1x168x128xf32, #tpu.memory_space<vmem>> -> memref<168x128xf32, #tpu.memory_space<vmem>>
    tpu.enqueue_dma source(%dma_start3A_845 : memref<168x128xf32, #tpu.memory_space<vmem>>) target(%dma_start3A_841 : memref<168x128xf32, #tpu.memory_space<hbm>>) target_semaphore(%arg22 : memref<!tpu.dma_semaphore, #tpu.memory_space<semaphore_mem>>)
    %dma_wait3A_846 = arith.constant 1 : i32
    %dma_wait3A_847 = arith.constant 0 : i32
    %dma_wait3A_848 = arith.constant 0 : i32
    %dma_wait3A_849 = tpu.memref_slice %arg16[%dma_wait3A_846, %dma_wait3A_847, %dma_wait3A_848] : memref<4x168x128xf32, #tpu.memory_space<vmem>> -> memref<1x168x128xf32, #tpu.memory_space<vmem>>
    %dma_wait3A_850 = tpu.memref_squeeze %dma_wait3A_849 : memref<1x168x128xf32, #tpu.memory_space<vmem>> -> memref<168x128xf32, #tpu.memory_space<vmem>>
    %dma_wait3A_851 = arith.constant 0 : i32
    %dma_wait3A_852 = tpu.memref_slice %arg10[%add3A_832, %dma_wait3A_851] : memref<43008x128xf32, #tpu.memory_space<hbm>> -> memref<168x128xf32, #tpu.memory_space<hbm>>
    %dma_wait3A_853 = arith.constant 0 : i32
    %dma_wait3A_854 = tpu.memref_slice %arg10[%add3A_832, %dma_wait3A_853] : memref<43008x128xf32, #tpu.memory_space<hbm>> -> memref<168x128xf32, #tpu.memory_space<hbm>>
    %dma_wait3A_855 = arith.constant 0 : i32
    %dma_wait3A_856 = arith.constant 0 : i32
    %dma_wait3A_857 = tpu.memref_slice %arg16[%dma_wait3A_846, %dma_wait3A_855, %dma_wait3A_856] : memref<4x168x128xf32, #tpu.memory_space<vmem>> -> memref<1x168x128xf32, #tpu.memory_space<vmem>>
    %dma_wait3A_858 = tpu.memref_squeeze %dma_wait3A_857 : memref<1x168x128xf32, #tpu.memory_space<vmem>> -> memref<168x128xf32, #tpu.memory_space<vmem>>
    tpu.wait_dma2 semaphore(%arg22 : memref<!tpu.dma_semaphore, #tpu.memory_space<semaphore_mem>>) src(%dma_wait3A_858 : memref<168x128xf32, #tpu.memory_space<vmem>>) dst(%dma_wait3A_854 : memref<168x128xf32, #tpu.memory_space<hbm>>)
    %add3A_859 = arith.constant 840 : i32
    %add3A_860 = arith.addi %mul3A_2, %add3A_859 : i32
    "tpu.region"() ({
      %run_scoped3A = tpu.sem_alloc : memref<!tpu.dma_semaphore, #tpu.memory_space<semaphore_mem>>
      %dma_start3A_1473 = tpu.memref_slice %arg6[%add3A_860] : memref<43008xi32, #tpu.memory_space<hbm>> -> memref<168xi32, #tpu.memory_space<hbm>>
      %dma_start3A_1474 = tpu.memref_slice %arg6[%add3A_860] : memref<43008xi32, #tpu.memory_space<hbm>> -> memref<168xi32, #tpu.memory_space<hbm>>
      tpu.enqueue_dma source(%dma_start3A_1474 : memref<168xi32, #tpu.memory_space<hbm>>) target(%arg13 : memref<168xi32, #tpu.memory_space<vmem>>) target_semaphore(%run_scoped3A : memref<!tpu.dma_semaphore, #tpu.memory_space<semaphore_mem>>)
      %dma_wait3A_1475 = tpu.memref_slice %arg6[%add3A_860] : memref<43008xi32, #tpu.memory_space<hbm>> -> memref<168xi32, #tpu.memory_space<hbm>>
      %dma_wait3A_1476 = tpu.memref_slice %arg6[%add3A_860] : memref<43008xi32, #tpu.memory_space<hbm>> -> memref<168xi32, #tpu.memory_space<hbm>>
      tpu.wait_dma2 semaphore(%run_scoped3A : memref<!tpu.dma_semaphore, #tpu.memory_space<semaphore_mem>>) src(%dma_wait3A_1476 : memref<168xi32, #tpu.memory_space<hbm>>) dst(%arg13 : memref<168xi32, #tpu.memory_space<vmem>>)
      tpu.yield
    }) : () -> ()
    %dma_start3A_861 = arith.constant 1 : i32
    %dma_start3A_862 = arith.constant 0 : i32
    %dma_start3A_863 = arith.constant 0 : i32
    %dma_start3A_864 = tpu.memref_slice %arg16[%dma_start3A_861, %dma_start3A_862, %dma_start3A_863] : memref<4x168x128xf32, #tpu.memory_space<vmem>> -> memref<1x168x128xf32, #tpu.memory_space<vmem>>
    %dma_start3A_865 = tpu.memref_squeeze %dma_start3A_864 : memref<1x168x128xf32, #tpu.memory_space<vmem>> -> memref<168x128xf32, #tpu.memory_space<vmem>>
    %dma_start3A_866 = arith.constant 0 : i32
    %dma_start3A_867 = arith.constant 0 : i32
    %dma_start3A_868 = tpu.memref_slice %arg3[%dma_start3A_866, %dma_start3A_867] : memref<4320x128xf32, #tpu.memory_space<hbm>> -> memref<4320x128xf32, #tpu.memory_space<hbm>>
    tpu.enqueue_indirect_dma source(%dma_start3A_868 : memref<4320x128xf32, #tpu.memory_space<hbm>>) target(%dma_start3A_865 : memref<168x128xf32, #tpu.memory_space<vmem>>) offsets(%arg13 : memref<168xi32, #tpu.memory_space<vmem>>) semaphore(%arg18 : memref<!tpu.dma_semaphore, #tpu.memory_space<semaphore_mem>>)
    %dma_wait3A_869 = arith.constant 2 : i32
    %dma_wait3A_870 = arith.constant 0 : i32
    %dma_wait3A_871 = arith.constant 0 : i32
    %dma_wait3A_872 = tpu.memref_slice %arg16[%dma_wait3A_869, %dma_wait3A_870, %dma_wait3A_871] : memref<4x168x128xf32, #tpu.memory_space<vmem>> -> memref<1x168x128xf32, #tpu.memory_space<vmem>>
    %dma_wait3A_873 = tpu.memref_squeeze %dma_wait3A_872 : memref<1x168x128xf32, #tpu.memory_space<vmem>> -> memref<168x128xf32, #tpu.memory_space<vmem>>
    %dma_wait3A_874 = arith.constant 0 : i32
    %dma_wait3A_875 = arith.constant 0 : i32
    %dma_wait3A_876 = tpu.memref_slice %arg3[%dma_wait3A_874, %dma_wait3A_875] : memref<4320x128xf32, #tpu.memory_space<hbm>> -> memref<4320x128xf32, #tpu.memory_space<hbm>>
    tpu.wait_indirect_dma semaphore(%arg19 : memref<!tpu.dma_semaphore, #tpu.memory_space<semaphore_mem>>) src(%dma_wait3A_876 : memref<4320x128xf32, #tpu.memory_space<hbm>>) dst(%dma_wait3A_873 : memref<168x128xf32, #tpu.memory_space<vmem>>)
    %add3A_877 = arith.constant 336 : i32
    %add3A_878 = arith.addi %mul3A_2, %add3A_877 : i32
    %dma_start3A_879 = arith.constant 2 : i32
    %dma_start3A_880 = arith.constant 0 : i32
    %dma_start3A_881 = arith.constant 0 : i32
    %dma_start3A_882 = tpu.memref_slice %arg16[%dma_start3A_879, %dma_start3A_880, %dma_start3A_881] : memref<4x168x128xf32, #tpu.memory_space<vmem>> -> memref<1x168x128xf32, #tpu.memory_space<vmem>>
    %dma_start3A_883 = tpu.memref_squeeze %dma_start3A_882 : memref<1x168x128xf32, #tpu.memory_space<vmem>> -> memref<168x128xf32, #tpu.memory_space<vmem>>
    %dma_start3A_884 = arith.constant 0 : i32
    %dma_start3A_885 = tpu.memref_slice %arg10[%add3A_878, %dma_start3A_884] : memref<43008x128xf32, #tpu.memory_space<hbm>> -> memref<168x128xf32, #tpu.memory_space<hbm>>
    %dma_start3A_886 = arith.constant 0 : i32
    %dma_start3A_887 = tpu.memref_slice %arg10[%add3A_878, %dma_start3A_886] : memref<43008x128xf32, #tpu.memory_space<hbm>> -> memref<168x128xf32, #tpu.memory_space<hbm>>
    %dma_start3A_888 = arith.constant 0 : i32
    %dma_start3A_889 = arith.constant 0 : i32
    %dma_start3A_890 = tpu.memref_slice %arg16[%dma_start3A_879, %dma_start3A_888, %dma_start3A_889] : memref<4x168x128xf32, #tpu.memory_space<vmem>> -> memref<1x168x128xf32, #tpu.memory_space<vmem>>
    %dma_start3A_891 = tpu.memref_squeeze %dma_start3A_890 : memref<1x168x128xf32, #tpu.memory_space<vmem>> -> memref<168x128xf32, #tpu.memory_space<vmem>>
    tpu.enqueue_dma source(%dma_start3A_891 : memref<168x128xf32, #tpu.memory_space<vmem>>) target(%dma_start3A_887 : memref<168x128xf32, #tpu.memory_space<hbm>>) target_semaphore(%arg23 : memref<!tpu.dma_semaphore, #tpu.memory_space<semaphore_mem>>)
    %dma_wait3A_892 = arith.constant 2 : i32
    %dma_wait3A_893 = arith.constant 0 : i32
    %dma_wait3A_894 = arith.constant 0 : i32
    %dma_wait3A_895 = tpu.memref_slice %arg16[%dma_wait3A_892, %dma_wait3A_893, %dma_wait3A_894] : memref<4x168x128xf32, #tpu.memory_space<vmem>> -> memref<1x168x128xf32, #tpu.memory_space<vmem>>
    %dma_wait3A_896 = tpu.memref_squeeze %dma_wait3A_895 : memref<1x168x128xf32, #tpu.memory_space<vmem>> -> memref<168x128xf32, #tpu.memory_space<vmem>>
    %dma_wait3A_897 = arith.constant 0 : i32
    %dma_wait3A_898 = tpu.memref_slice %arg10[%add3A_878, %dma_wait3A_897] : memref<43008x128xf32, #tpu.memory_space<hbm>> -> memref<168x128xf32, #tpu.memory_space<hbm>>
    %dma_wait3A_899 = arith.constant 0 : i32
    %dma_wait3A_900 = tpu.memref_slice %arg10[%add3A_878, %dma_wait3A_899] : memref<43008x128xf32, #tpu.memory_space<hbm>> -> memref<168x128xf32, #tpu.memory_space<hbm>>
    %dma_wait3A_901 = arith.constant 0 : i32
    %dma_wait3A_902 = arith.constant 0 : i32
    %dma_wait3A_903 = tpu.memref_slice %arg16[%dma_wait3A_892, %dma_wait3A_901, %dma_wait3A_902] : memref<4x168x128xf32, #tpu.memory_space<vmem>> -> memref<1x168x128xf32, #tpu.memory_space<vmem>>
    %dma_wait3A_904 = tpu.memref_squeeze %dma_wait3A_903 : memref<1x168x128xf32, #tpu.memory_space<vmem>> -> memref<168x128xf32, #tpu.memory_space<vmem>>
    tpu.wait_dma2 semaphore(%arg23 : memref<!tpu.dma_semaphore, #tpu.memory_space<semaphore_mem>>) src(%dma_wait3A_904 : memref<168x128xf32, #tpu.memory_space<vmem>>) dst(%dma_wait3A_900 : memref<168x128xf32, #tpu.memory_space<hbm>>)
    %add3A_905 = arith.constant 1008 : i32
    %add3A_906 = arith.addi %mul3A_2, %add3A_905 : i32
    "tpu.region"() ({
      %run_scoped3A = tpu.sem_alloc : memref<!tpu.dma_semaphore, #tpu.memory_space<semaphore_mem>>
      %dma_start3A_1473 = tpu.memref_slice %arg6[%add3A_906] : memref<43008xi32, #tpu.memory_space<hbm>> -> memref<168xi32, #tpu.memory_space<hbm>>
      %dma_start3A_1474 = tpu.memref_slice %arg6[%add3A_906] : memref<43008xi32, #tpu.memory_space<hbm>> -> memref<168xi32, #tpu.memory_space<hbm>>
      tpu.enqueue_dma source(%dma_start3A_1474 : memref<168xi32, #tpu.memory_space<hbm>>) target(%arg14 : memref<168xi32, #tpu.memory_space<vmem>>) target_semaphore(%run_scoped3A : memref<!tpu.dma_semaphore, #tpu.memory_space<semaphore_mem>>)
      %dma_wait3A_1475 = tpu.memref_slice %arg6[%add3A_906] : memref<43008xi32, #tpu.memory_space<hbm>> -> memref<168xi32, #tpu.memory_space<hbm>>
      %dma_wait3A_1476 = tpu.memref_slice %arg6[%add3A_906] : memref<43008xi32, #tpu.memory_space<hbm>> -> memref<168xi32, #tpu.memory_space<hbm>>
      tpu.wait_dma2 semaphore(%run_scoped3A : memref<!tpu.dma_semaphore, #tpu.memory_space<semaphore_mem>>) src(%dma_wait3A_1476 : memref<168xi32, #tpu.memory_space<hbm>>) dst(%arg14 : memref<168xi32, #tpu.memory_space<vmem>>)
      tpu.yield
    }) : () -> ()
    %dma_start3A_907 = arith.constant 2 : i32
    %dma_start3A_908 = arith.constant 0 : i32
    %dma_start3A_909 = arith.constant 0 : i32
    %dma_start3A_910 = tpu.memref_slice %arg16[%dma_start3A_907, %dma_start3A_908, %dma_start3A_909] : memref<4x168x128xf32, #tpu.memory_space<vmem>> -> memref<1x168x128xf32, #tpu.memory_space<vmem>>
    %dma_start3A_911 = tpu.memref_squeeze %dma_start3A_910 : memref<1x168x128xf32, #tpu.memory_space<vmem>> -> memref<168x128xf32, #tpu.memory_space<vmem>>
    %dma_start3A_912 = arith.constant 0 : i32
    %dma_start3A_913 = arith.constant 0 : i32
    %dma_start3A_914 = tpu.memref_slice %arg3[%dma_start3A_912, %dma_start3A_913] : memref<4320x128xf32, #tpu.memory_space<hbm>> -> memref<4320x128xf32, #tpu.memory_space<hbm>>
    tpu.enqueue_indirect_dma source(%dma_start3A_914 : memref<4320x128xf32, #tpu.memory_space<hbm>>) target(%dma_start3A_911 : memref<168x128xf32, #tpu.memory_space<vmem>>) offsets(%arg14 : memref<168xi32, #tpu.memory_space<vmem>>) semaphore(%arg19 : memref<!tpu.dma_semaphore, #tpu.memory_space<semaphore_mem>>)
    %dma_wait3A_915 = arith.constant 3 : i32
    %dma_wait3A_916 = arith.constant 0 : i32
    %dma_wait3A_917 = arith.constant 0 : i32
    %dma_wait3A_918 = tpu.memref_slice %arg16[%dma_wait3A_915, %dma_wait3A_916, %dma_wait3A_917] : memref<4x168x128xf32, #tpu.memory_space<vmem>> -> memref<1x168x128xf32, #tpu.memory_space<vmem>>
    %dma_wait3A_919 = tpu.memref_squeeze %dma_wait3A_918 : memref<1x168x128xf32, #tpu.memory_space<vmem>> -> memref<168x128xf32, #tpu.memory_space<vmem>>
    %dma_wait3A_920 = arith.constant 0 : i32
    %dma_wait3A_921 = arith.constant 0 : i32
    %dma_wait3A_922 = tpu.memref_slice %arg3[%dma_wait3A_920, %dma_wait3A_921] : memref<4320x128xf32, #tpu.memory_space<hbm>> -> memref<4320x128xf32, #tpu.memory_space<hbm>>
    tpu.wait_indirect_dma semaphore(%arg20 : memref<!tpu.dma_semaphore, #tpu.memory_space<semaphore_mem>>) src(%dma_wait3A_922 : memref<4320x128xf32, #tpu.memory_space<hbm>>) dst(%dma_wait3A_919 : memref<168x128xf32, #tpu.memory_space<vmem>>)
    %add3A_923 = arith.constant 504 : i32
    %add3A_924 = arith.addi %mul3A_2, %add3A_923 : i32
    %dma_start3A_925 = arith.constant 3 : i32
    %dma_start3A_926 = arith.constant 0 : i32
    %dma_start3A_927 = arith.constant 0 : i32
    %dma_start3A_928 = tpu.memref_slice %arg16[%dma_start3A_925, %dma_start3A_926, %dma_start3A_927] : memref<4x168x128xf32, #tpu.memory_space<vmem>> -> memref<1x168x128xf32, #tpu.memory_space<vmem>>
    %dma_start3A_929 = tpu.memref_squeeze %dma_start3A_928 : memref<1x168x128xf32, #tpu.memory_space<vmem>> -> memref<168x128xf32, #tpu.memory_space<vmem>>
    %dma_start3A_930 = arith.constant 0 : i32
    %dma_start3A_931 = tpu.memref_slice %arg10[%add3A_924, %dma_start3A_930] : memref<43008x128xf32, #tpu.memory_space<hbm>> -> memref<168x128xf32, #tpu.memory_space<hbm>>
    %dma_start3A_932 = arith.constant 0 : i32
    %dma_start3A_933 = tpu.memref_slice %arg10[%add3A_924, %dma_start3A_932] : memref<43008x128xf32, #tpu.memory_space<hbm>> -> memref<168x128xf32, #tpu.memory_space<hbm>>
    %dma_start3A_934 = arith.constant 0 : i32
    %dma_start3A_935 = arith.constant 0 : i32
    %dma_start3A_936 = tpu.memref_slice %arg16[%dma_start3A_925, %dma_start3A_934, %dma_start3A_935] : memref<4x168x128xf32, #tpu.memory_space<vmem>> -> memref<1x168x128xf32, #tpu.memory_space<vmem>>
    %dma_start3A_937 = tpu.memref_squeeze %dma_start3A_936 : memref<1x168x128xf32, #tpu.memory_space<vmem>> -> memref<168x128xf32, #tpu.memory_space<vmem>>
    tpu.enqueue_dma source(%dma_start3A_937 : memref<168x128xf32, #tpu.memory_space<vmem>>) target(%dma_start3A_933 : memref<168x128xf32, #tpu.memory_space<hbm>>) target_semaphore(%arg24 : memref<!tpu.dma_semaphore, #tpu.memory_space<semaphore_mem>>)
    %dma_wait3A_938 = arith.constant 3 : i32
    %dma_wait3A_939 = arith.constant 0 : i32
    %dma_wait3A_940 = arith.constant 0 : i32
    %dma_wait3A_941 = tpu.memref_slice %arg16[%dma_wait3A_938, %dma_wait3A_939, %dma_wait3A_940] : memref<4x168x128xf32, #tpu.memory_space<vmem>> -> memref<1x168x128xf32, #tpu.memory_space<vmem>>
    %dma_wait3A_942 = tpu.memref_squeeze %dma_wait3A_941 : memref<1x168x128xf32, #tpu.memory_space<vmem>> -> memref<168x128xf32, #tpu.memory_space<vmem>>
    %dma_wait3A_943 = arith.constant 0 : i32
    %dma_wait3A_944 = tpu.memref_slice %arg10[%add3A_924, %dma_wait3A_943] : memref<43008x128xf32, #tpu.memory_space<hbm>> -> memref<168x128xf32, #tpu.memory_space<hbm>>
    %dma_wait3A_945 = arith.constant 0 : i32
    %dma_wait3A_946 = tpu.memref_slice %arg10[%add3A_924, %dma_wait3A_945] : memref<43008x128xf32, #tpu.memory_space<hbm>> -> memref<168x128xf32, #tpu.memory_space<hbm>>
    %dma_wait3A_947 = arith.constant 0 : i32
    %dma_wait3A_948 = arith.constant 0 : i32
    %dma_wait3A_949 = tpu.memref_slice %arg16[%dma_wait3A_938, %dma_wait3A_947, %dma_wait3A_948] : memref<4x168x128xf32, #tpu.memory_space<vmem>> -> memref<1x168x128xf32, #tpu.memory_space<vmem>>
    %dma_wait3A_950 = tpu.memref_squeeze %dma_wait3A_949 : memref<1x168x128xf32, #tpu.memory_space<vmem>> -> memref<168x128xf32, #tpu.memory_space<vmem>>
    tpu.wait_dma2 semaphore(%arg24 : memref<!tpu.dma_semaphore, #tpu.memory_space<semaphore_mem>>) src(%dma_wait3A_950 : memref<168x128xf32, #tpu.memory_space<vmem>>) dst(%dma_wait3A_946 : memref<168x128xf32, #tpu.memory_space<hbm>>)
    %add3A_951 = arith.constant 1176 : i32
    %add3A_952 = arith.addi %mul3A_2, %add3A_951 : i32
    "tpu.region"() ({
      %run_scoped3A = tpu.sem_alloc : memref<!tpu.dma_semaphore, #tpu.memory_space<semaphore_mem>>
      %dma_start3A_1473 = tpu.memref_slice %arg6[%add3A_952] : memref<43008xi32, #tpu.memory_space<hbm>> -> memref<168xi32, #tpu.memory_space<hbm>>
      %dma_start3A_1474 = tpu.memref_slice %arg6[%add3A_952] : memref<43008xi32, #tpu.memory_space<hbm>> -> memref<168xi32, #tpu.memory_space<hbm>>
      tpu.enqueue_dma source(%dma_start3A_1474 : memref<168xi32, #tpu.memory_space<hbm>>) target(%arg15 : memref<168xi32, #tpu.memory_space<vmem>>) target_semaphore(%run_scoped3A : memref<!tpu.dma_semaphore, #tpu.memory_space<semaphore_mem>>)
      %dma_wait3A_1475 = tpu.memref_slice %arg6[%add3A_952] : memref<43008xi32, #tpu.memory_space<hbm>> -> memref<168xi32, #tpu.memory_space<hbm>>
      %dma_wait3A_1476 = tpu.memref_slice %arg6[%add3A_952] : memref<43008xi32, #tpu.memory_space<hbm>> -> memref<168xi32, #tpu.memory_space<hbm>>
      tpu.wait_dma2 semaphore(%run_scoped3A : memref<!tpu.dma_semaphore, #tpu.memory_space<semaphore_mem>>) src(%dma_wait3A_1476 : memref<168xi32, #tpu.memory_space<hbm>>) dst(%arg15 : memref<168xi32, #tpu.memory_space<vmem>>)
      tpu.yield
    }) : () -> ()
    %dma_start3A_953 = arith.constant 3 : i32
    %dma_start3A_954 = arith.constant 0 : i32
    %dma_start3A_955 = arith.constant 0 : i32
    %dma_start3A_956 = tpu.memref_slice %arg16[%dma_start3A_953, %dma_start3A_954, %dma_start3A_955] : memref<4x168x128xf32, #tpu.memory_space<vmem>> -> memref<1x168x128xf32, #tpu.memory_space<vmem>>
    %dma_start3A_957 = tpu.memref_squeeze %dma_start3A_956 : memref<1x168x128xf32, #tpu.memory_space<vmem>> -> memref<168x128xf32, #tpu.memory_space<vmem>>
    %dma_start3A_958 = arith.constant 0 : i32
    %dma_start3A_959 = arith.constant 0 : i32
    %dma_start3A_960 = tpu.memref_slice %arg3[%dma_start3A_958, %dma_start3A_959] : memref<4320x128xf32, #tpu.memory_space<hbm>> -> memref<4320x128xf32, #tpu.memory_space<hbm>>
    tpu.enqueue_indirect_dma source(%dma_start3A_960 : memref<4320x128xf32, #tpu.memory_space<hbm>>) target(%dma_start3A_957 : memref<168x128xf32, #tpu.memory_space<vmem>>) offsets(%arg15 : memref<168xi32, #tpu.memory_space<vmem>>) semaphore(%arg20 : memref<!tpu.dma_semaphore, #tpu.memory_space<semaphore_mem>>)
    %dma_wait3A_961 = arith.constant 0 : i32
    %dma_wait3A_962 = arith.constant 0 : i32
    %dma_wait3A_963 = arith.constant 0 : i32
    %dma_wait3A_964 = tpu.memref_slice %arg16[%dma_wait3A_961, %dma_wait3A_962, %dma_wait3A_963] : memref<4x168x128xf32, #tpu.memory_space<vmem>> -> memref<1x168x128xf32, #tpu.memory_space<vmem>>
    %dma_wait3A_965 = tpu.memref_squeeze %dma_wait3A_964 : memref<1x168x128xf32, #tpu.memory_space<vmem>> -> memref<168x128xf32, #tpu.memory_space<vmem>>
    %dma_wait3A_966 = arith.constant 0 : i32
    %dma_wait3A_967 = arith.constant 0 : i32
    %dma_wait3A_968 = tpu.memref_slice %arg3[%dma_wait3A_966, %dma_wait3A_967] : memref<4320x128xf32, #tpu.memory_space<hbm>> -> memref<4320x128xf32, #tpu.memory_space<hbm>>
    tpu.wait_indirect_dma semaphore(%arg17 : memref<!tpu.dma_semaphore, #tpu.memory_space<semaphore_mem>>) src(%dma_wait3A_968 : memref<4320x128xf32, #tpu.memory_space<hbm>>) dst(%dma_wait3A_965 : memref<168x128xf32, #tpu.memory_space<vmem>>)
    %add3A_969 = arith.constant 672 : i32
    %add3A_970 = arith.addi %mul3A_2, %add3A_969 : i32
    %dma_start3A_971 = arith.constant 0 : i32
    %dma_start3A_972 = arith.constant 0 : i32
    %dma_start3A_973 = arith.constant 0 : i32
    %dma_start3A_974 = tpu.memref_slice %arg16[%dma_start3A_971, %dma_start3A_972, %dma_start3A_973] : memref<4x168x128xf32, #tpu.memory_space<vmem>> -> memref<1x168x128xf32, #tpu.memory_space<vmem>>
    %dma_start3A_975 = tpu.memref_squeeze %dma_start3A_974 : memref<1x168x128xf32, #tpu.memory_space<vmem>> -> memref<168x128xf32, #tpu.memory_space<vmem>>
    %dma_start3A_976 = arith.constant 0 : i32
    %dma_start3A_977 = tpu.memref_slice %arg10[%add3A_970, %dma_start3A_976] : memref<43008x128xf32, #tpu.memory_space<hbm>> -> memref<168x128xf32, #tpu.memory_space<hbm>>
    %dma_start3A_978 = arith.constant 0 : i32
    %dma_start3A_979 = tpu.memref_slice %arg10[%add3A_970, %dma_start3A_978] : memref<43008x128xf32, #tpu.memory_space<hbm>> -> memref<168x128xf32, #tpu.memory_space<hbm>>
    %dma_start3A_980 = arith.constant 0 : i32
    %dma_start3A_981 = arith.constant 0 : i32
    %dma_start3A_982 = tpu.memref_slice %arg16[%dma_start3A_971, %dma_start3A_980, %dma_start3A_981] : memref<4x168x128xf32, #tpu.memory_space<vmem>> -> memref<1x168x128xf32, #tpu.memory_space<vmem>>
    %dma_start3A_983 = tpu.memref_squeeze %dma_start3A_982 : memref<1x168x128xf32, #tpu.memory_space<vmem>> -> memref<168x128xf32, #tpu.memory_space<vmem>>
    tpu.enqueue_dma source(%dma_start3A_983 : memref<168x128xf32, #tpu.memory_space<vmem>>) target(%dma_start3A_979 : memref<168x128xf32, #tpu.memory_space<hbm>>) target_semaphore(%arg21 : memref<!tpu.dma_semaphore, #tpu.memory_space<semaphore_mem>>)
    %dma_wait3A_984 = arith.constant 0 : i32
    %dma_wait3A_985 = arith.constant 0 : i32
    %dma_wait3A_986 = arith.constant 0 : i32
    %dma_wait3A_987 = tpu.memref_slice %arg16[%dma_wait3A_984, %dma_wait3A_985, %dma_wait3A_986] : memref<4x168x128xf32, #tpu.memory_space<vmem>> -> memref<1x168x128xf32, #tpu.memory_space<vmem>>
    %dma_wait3A_988 = tpu.memref_squeeze %dma_wait3A_987 : memref<1x168x128xf32, #tpu.memory_space<vmem>> -> memref<168x128xf32, #tpu.memory_space<vmem>>
    %dma_wait3A_989 = arith.constant 0 : i32
    %dma_wait3A_990 = tpu.memref_slice %arg10[%add3A_970, %dma_wait3A_989] : memref<43008x128xf32, #tpu.memory_space<hbm>> -> memref<168x128xf32, #tpu.memory_space<hbm>>
    %dma_wait3A_991 = arith.constant 0 : i32
    %dma_wait3A_992 = tpu.memref_slice %arg10[%add3A_970, %dma_wait3A_991] : memref<43008x128xf32, #tpu.memory_space<hbm>> -> memref<168x128xf32, #tpu.memory_space<hbm>>
    %dma_wait3A_993 = arith.constant 0 : i32
    %dma_wait3A_994 = arith.constant 0 : i32
    %dma_wait3A_995 = tpu.memref_slice %arg16[%dma_wait3A_984, %dma_wait3A_993, %dma_wait3A_994] : memref<4x168x128xf32, #tpu.memory_space<vmem>> -> memref<1x168x128xf32, #tpu.memory_space<vmem>>
    %dma_wait3A_996 = tpu.memref_squeeze %dma_wait3A_995 : memref<1x168x128xf32, #tpu.memory_space<vmem>> -> memref<168x128xf32, #tpu.memory_space<vmem>>
    tpu.wait_dma2 semaphore(%arg21 : memref<!tpu.dma_semaphore, #tpu.memory_space<semaphore_mem>>) src(%dma_wait3A_996 : memref<168x128xf32, #tpu.memory_space<vmem>>) dst(%dma_wait3A_992 : memref<168x128xf32, #tpu.memory_space<hbm>>)
    %add3A_997 = arith.constant 0 : i32
    %add3A_998 = arith.addi %mul3A_2, %add3A_997 : i32
    "tpu.region"() ({
      %run_scoped3A = tpu.sem_alloc : memref<!tpu.dma_semaphore, #tpu.memory_space<semaphore_mem>>
      %dma_start3A_1473 = tpu.memref_slice %arg7[%add3A_998] : memref<43008xi32, #tpu.memory_space<hbm>> -> memref<168xi32, #tpu.memory_space<hbm>>
      %dma_start3A_1474 = tpu.memref_slice %arg7[%add3A_998] : memref<43008xi32, #tpu.memory_space<hbm>> -> memref<168xi32, #tpu.memory_space<hbm>>
      tpu.enqueue_dma source(%dma_start3A_1474 : memref<168xi32, #tpu.memory_space<hbm>>) target(%arg12 : memref<168xi32, #tpu.memory_space<vmem>>) target_semaphore(%run_scoped3A : memref<!tpu.dma_semaphore, #tpu.memory_space<semaphore_mem>>)
      %dma_wait3A_1475 = tpu.memref_slice %arg7[%add3A_998] : memref<43008xi32, #tpu.memory_space<hbm>> -> memref<168xi32, #tpu.memory_space<hbm>>
      %dma_wait3A_1476 = tpu.memref_slice %arg7[%add3A_998] : memref<43008xi32, #tpu.memory_space<hbm>> -> memref<168xi32, #tpu.memory_space<hbm>>
      tpu.wait_dma2 semaphore(%run_scoped3A : memref<!tpu.dma_semaphore, #tpu.memory_space<semaphore_mem>>) src(%dma_wait3A_1476 : memref<168xi32, #tpu.memory_space<hbm>>) dst(%arg12 : memref<168xi32, #tpu.memory_space<vmem>>)
      tpu.yield
    }) : () -> ()
    %dma_start3A_999 = arith.constant 0 : i32
    %dma_start3A_1000 = arith.constant 0 : i32
    %dma_start3A_1001 = arith.constant 0 : i32
    %dma_start3A_1002 = tpu.memref_slice %arg16[%dma_start3A_999, %dma_start3A_1000, %dma_start3A_1001] : memref<4x168x128xf32, #tpu.memory_space<vmem>> -> memref<1x168x128xf32, #tpu.memory_space<vmem>>
    %dma_start3A_1003 = tpu.memref_squeeze %dma_start3A_1002 : memref<1x168x128xf32, #tpu.memory_space<vmem>> -> memref<168x128xf32, #tpu.memory_space<vmem>>
    %dma_start3A_1004 = arith.constant 0 : i32
    %dma_start3A_1005 = arith.constant 0 : i32
    %dma_start3A_1006 = tpu.memref_slice %arg3[%dma_start3A_1004, %dma_start3A_1005] : memref<4320x128xf32, #tpu.memory_space<hbm>> -> memref<4320x128xf32, #tpu.memory_space<hbm>>
    tpu.enqueue_indirect_dma source(%dma_start3A_1006 : memref<4320x128xf32, #tpu.memory_space<hbm>>) target(%dma_start3A_1003 : memref<168x128xf32, #tpu.memory_space<vmem>>) offsets(%arg12 : memref<168xi32, #tpu.memory_space<vmem>>) semaphore(%arg17 : memref<!tpu.dma_semaphore, #tpu.memory_space<semaphore_mem>>)
    %dma_wait3A_1007 = arith.constant 1 : i32
    %dma_wait3A_1008 = arith.constant 0 : i32
    %dma_wait3A_1009 = arith.constant 0 : i32
    %dma_wait3A_1010 = tpu.memref_slice %arg16[%dma_wait3A_1007, %dma_wait3A_1008, %dma_wait3A_1009] : memref<4x168x128xf32, #tpu.memory_space<vmem>> -> memref<1x168x128xf32, #tpu.memory_space<vmem>>
    %dma_wait3A_1011 = tpu.memref_squeeze %dma_wait3A_1010 : memref<1x168x128xf32, #tpu.memory_space<vmem>> -> memref<168x128xf32, #tpu.memory_space<vmem>>
    %dma_wait3A_1012 = arith.constant 0 : i32
    %dma_wait3A_1013 = arith.constant 0 : i32
    %dma_wait3A_1014 = tpu.memref_slice %arg3[%dma_wait3A_1012, %dma_wait3A_1013] : memref<4320x128xf32, #tpu.memory_space<hbm>> -> memref<4320x128xf32, #tpu.memory_space<hbm>>
    tpu.wait_indirect_dma semaphore(%arg18 : memref<!tpu.dma_semaphore, #tpu.memory_space<semaphore_mem>>) src(%dma_wait3A_1014 : memref<4320x128xf32, #tpu.memory_space<hbm>>) dst(%dma_wait3A_1011 : memref<168x128xf32, #tpu.memory_space<vmem>>)
    %add3A_1015 = arith.constant 840 : i32
    %add3A_1016 = arith.addi %mul3A_2, %add3A_1015 : i32
    %dma_start3A_1017 = arith.constant 1 : i32
    %dma_start3A_1018 = arith.constant 0 : i32
    %dma_start3A_1019 = arith.constant 0 : i32
    %dma_start3A_1020 = tpu.memref_slice %arg16[%dma_start3A_1017, %dma_start3A_1018, %dma_start3A_1019] : memref<4x168x128xf32, #tpu.memory_space<vmem>> -> memref<1x168x128xf32, #tpu.memory_space<vmem>>
    %dma_start3A_1021 = tpu.memref_squeeze %dma_start3A_1020 : memref<1x168x128xf32, #tpu.memory_space<vmem>> -> memref<168x128xf32, #tpu.memory_space<vmem>>
    %dma_start3A_1022 = arith.constant 0 : i32
    %dma_start3A_1023 = tpu.memref_slice %arg10[%add3A_1016, %dma_start3A_1022] : memref<43008x128xf32, #tpu.memory_space<hbm>> -> memref<168x128xf32, #tpu.memory_space<hbm>>
    %dma_start3A_1024 = arith.constant 0 : i32
    %dma_start3A_1025 = tpu.memref_slice %arg10[%add3A_1016, %dma_start3A_1024] : memref<43008x128xf32, #tpu.memory_space<hbm>> -> memref<168x128xf32, #tpu.memory_space<hbm>>
    %dma_start3A_1026 = arith.constant 0 : i32
    %dma_start3A_1027 = arith.constant 0 : i32
    %dma_start3A_1028 = tpu.memref_slice %arg16[%dma_start3A_1017, %dma_start3A_1026, %dma_start3A_1027] : memref<4x168x128xf32, #tpu.memory_space<vmem>> -> memref<1x168x128xf32, #tpu.memory_space<vmem>>
    %dma_start3A_1029 = tpu.memref_squeeze %dma_start3A_1028 : memref<1x168x128xf32, #tpu.memory_space<vmem>> -> memref<168x128xf32, #tpu.memory_space<vmem>>
    tpu.enqueue_dma source(%dma_start3A_1029 : memref<168x128xf32, #tpu.memory_space<vmem>>) target(%dma_start3A_1025 : memref<168x128xf32, #tpu.memory_space<hbm>>) target_semaphore(%arg22 : memref<!tpu.dma_semaphore, #tpu.memory_space<semaphore_mem>>)
    %dma_wait3A_1030 = arith.constant 1 : i32
    %dma_wait3A_1031 = arith.constant 0 : i32
    %dma_wait3A_1032 = arith.constant 0 : i32
    %dma_wait3A_1033 = tpu.memref_slice %arg16[%dma_wait3A_1030, %dma_wait3A_1031, %dma_wait3A_1032] : memref<4x168x128xf32, #tpu.memory_space<vmem>> -> memref<1x168x128xf32, #tpu.memory_space<vmem>>
    %dma_wait3A_1034 = tpu.memref_squeeze %dma_wait3A_1033 : memref<1x168x128xf32, #tpu.memory_space<vmem>> -> memref<168x128xf32, #tpu.memory_space<vmem>>
    %dma_wait3A_1035 = arith.constant 0 : i32
    %dma_wait3A_1036 = tpu.memref_slice %arg10[%add3A_1016, %dma_wait3A_1035] : memref<43008x128xf32, #tpu.memory_space<hbm>> -> memref<168x128xf32, #tpu.memory_space<hbm>>
    %dma_wait3A_1037 = arith.constant 0 : i32
    %dma_wait3A_1038 = tpu.memref_slice %arg10[%add3A_1016, %dma_wait3A_1037] : memref<43008x128xf32, #tpu.memory_space<hbm>> -> memref<168x128xf32, #tpu.memory_space<hbm>>
    %dma_wait3A_1039 = arith.constant 0 : i32
    %dma_wait3A_1040 = arith.constant 0 : i32
    %dma_wait3A_1041 = tpu.memref_slice %arg16[%dma_wait3A_1030, %dma_wait3A_1039, %dma_wait3A_1040] : memref<4x168x128xf32, #tpu.memory_space<vmem>> -> memref<1x168x128xf32, #tpu.memory_space<vmem>>
    %dma_wait3A_1042 = tpu.memref_squeeze %dma_wait3A_1041 : memref<1x168x128xf32, #tpu.memory_space<vmem>> -> memref<168x128xf32, #tpu.memory_space<vmem>>
    tpu.wait_dma2 semaphore(%arg22 : memref<!tpu.dma_semaphore, #tpu.memory_space<semaphore_mem>>) src(%dma_wait3A_1042 : memref<168x128xf32, #tpu.memory_space<vmem>>) dst(%dma_wait3A_1038 : memref<168x128xf32, #tpu.memory_space<hbm>>)
    %add3A_1043 = arith.constant 168 : i32
    %add3A_1044 = arith.addi %mul3A_2, %add3A_1043 : i32
    "tpu.region"() ({
      %run_scoped3A = tpu.sem_alloc : memref<!tpu.dma_semaphore, #tpu.memory_space<semaphore_mem>>
      %dma_start3A_1473 = tpu.memref_slice %arg7[%add3A_1044] : memref<43008xi32, #tpu.memory_space<hbm>> -> memref<168xi32, #tpu.memory_space<hbm>>
      %dma_start3A_1474 = tpu.memref_slice %arg7[%add3A_1044] : memref<43008xi32, #tpu.memory_space<hbm>> -> memref<168xi32, #tpu.memory_space<hbm>>
      tpu.enqueue_dma source(%dma_start3A_1474 : memref<168xi32, #tpu.memory_space<hbm>>) target(%arg13 : memref<168xi32, #tpu.memory_space<vmem>>) target_semaphore(%run_scoped3A : memref<!tpu.dma_semaphore, #tpu.memory_space<semaphore_mem>>)
      %dma_wait3A_1475 = tpu.memref_slice %arg7[%add3A_1044] : memref<43008xi32, #tpu.memory_space<hbm>> -> memref<168xi32, #tpu.memory_space<hbm>>
      %dma_wait3A_1476 = tpu.memref_slice %arg7[%add3A_1044] : memref<43008xi32, #tpu.memory_space<hbm>> -> memref<168xi32, #tpu.memory_space<hbm>>
      tpu.wait_dma2 semaphore(%run_scoped3A : memref<!tpu.dma_semaphore, #tpu.memory_space<semaphore_mem>>) src(%dma_wait3A_1476 : memref<168xi32, #tpu.memory_space<hbm>>) dst(%arg13 : memref<168xi32, #tpu.memory_space<vmem>>)
      tpu.yield
    }) : () -> ()
    %dma_start3A_1045 = arith.constant 1 : i32
    %dma_start3A_1046 = arith.constant 0 : i32
    %dma_start3A_1047 = arith.constant 0 : i32
    %dma_start3A_1048 = tpu.memref_slice %arg16[%dma_start3A_1045, %dma_start3A_1046, %dma_start3A_1047] : memref<4x168x128xf32, #tpu.memory_space<vmem>> -> memref<1x168x128xf32, #tpu.memory_space<vmem>>
    %dma_start3A_1049 = tpu.memref_squeeze %dma_start3A_1048 : memref<1x168x128xf32, #tpu.memory_space<vmem>> -> memref<168x128xf32, #tpu.memory_space<vmem>>
    %dma_start3A_1050 = arith.constant 0 : i32
    %dma_start3A_1051 = arith.constant 0 : i32
    %dma_start3A_1052 = tpu.memref_slice %arg3[%dma_start3A_1050, %dma_start3A_1051] : memref<4320x128xf32, #tpu.memory_space<hbm>> -> memref<4320x128xf32, #tpu.memory_space<hbm>>
    tpu.enqueue_indirect_dma source(%dma_start3A_1052 : memref<4320x128xf32, #tpu.memory_space<hbm>>) target(%dma_start3A_1049 : memref<168x128xf32, #tpu.memory_space<vmem>>) offsets(%arg13 : memref<168xi32, #tpu.memory_space<vmem>>) semaphore(%arg18 : memref<!tpu.dma_semaphore, #tpu.memory_space<semaphore_mem>>)
    %dma_wait3A_1053 = arith.constant 2 : i32
    %dma_wait3A_1054 = arith.constant 0 : i32
    %dma_wait3A_1055 = arith.constant 0 : i32
    %dma_wait3A_1056 = tpu.memref_slice %arg16[%dma_wait3A_1053, %dma_wait3A_1054, %dma_wait3A_1055] : memref<4x168x128xf32, #tpu.memory_space<vmem>> -> memref<1x168x128xf32, #tpu.memory_space<vmem>>
    %dma_wait3A_1057 = tpu.memref_squeeze %dma_wait3A_1056 : memref<1x168x128xf32, #tpu.memory_space<vmem>> -> memref<168x128xf32, #tpu.memory_space<vmem>>
    %dma_wait3A_1058 = arith.constant 0 : i32
    %dma_wait3A_1059 = arith.constant 0 : i32
    %dma_wait3A_1060 = tpu.memref_slice %arg3[%dma_wait3A_1058, %dma_wait3A_1059] : memref<4320x128xf32, #tpu.memory_space<hbm>> -> memref<4320x128xf32, #tpu.memory_space<hbm>>
    tpu.wait_indirect_dma semaphore(%arg19 : memref<!tpu.dma_semaphore, #tpu.memory_space<semaphore_mem>>) src(%dma_wait3A_1060 : memref<4320x128xf32, #tpu.memory_space<hbm>>) dst(%dma_wait3A_1057 : memref<168x128xf32, #tpu.memory_space<vmem>>)
    %add3A_1061 = arith.constant 1008 : i32
    %add3A_1062 = arith.addi %mul3A_2, %add3A_1061 : i32
    %dma_start3A_1063 = arith.constant 2 : i32
    %dma_start3A_1064 = arith.constant 0 : i32
    %dma_start3A_1065 = arith.constant 0 : i32
    %dma_start3A_1066 = tpu.memref_slice %arg16[%dma_start3A_1063, %dma_start3A_1064, %dma_start3A_1065] : memref<4x168x128xf32, #tpu.memory_space<vmem>> -> memref<1x168x128xf32, #tpu.memory_space<vmem>>
    %dma_start3A_1067 = tpu.memref_squeeze %dma_start3A_1066 : memref<1x168x128xf32, #tpu.memory_space<vmem>> -> memref<168x128xf32, #tpu.memory_space<vmem>>
    %dma_start3A_1068 = arith.constant 0 : i32
    %dma_start3A_1069 = tpu.memref_slice %arg10[%add3A_1062, %dma_start3A_1068] : memref<43008x128xf32, #tpu.memory_space<hbm>> -> memref<168x128xf32, #tpu.memory_space<hbm>>
    %dma_start3A_1070 = arith.constant 0 : i32
    %dma_start3A_1071 = tpu.memref_slice %arg10[%add3A_1062, %dma_start3A_1070] : memref<43008x128xf32, #tpu.memory_space<hbm>> -> memref<168x128xf32, #tpu.memory_space<hbm>>
    %dma_start3A_1072 = arith.constant 0 : i32
    %dma_start3A_1073 = arith.constant 0 : i32
    %dma_start3A_1074 = tpu.memref_slice %arg16[%dma_start3A_1063, %dma_start3A_1072, %dma_start3A_1073] : memref<4x168x128xf32, #tpu.memory_space<vmem>> -> memref<1x168x128xf32, #tpu.memory_space<vmem>>
    %dma_start3A_1075 = tpu.memref_squeeze %dma_start3A_1074 : memref<1x168x128xf32, #tpu.memory_space<vmem>> -> memref<168x128xf32, #tpu.memory_space<vmem>>
    tpu.enqueue_dma source(%dma_start3A_1075 : memref<168x128xf32, #tpu.memory_space<vmem>>) target(%dma_start3A_1071 : memref<168x128xf32, #tpu.memory_space<hbm>>) target_semaphore(%arg23 : memref<!tpu.dma_semaphore, #tpu.memory_space<semaphore_mem>>)
    %dma_wait3A_1076 = arith.constant 2 : i32
    %dma_wait3A_1077 = arith.constant 0 : i32
    %dma_wait3A_1078 = arith.constant 0 : i32
    %dma_wait3A_1079 = tpu.memref_slice %arg16[%dma_wait3A_1076, %dma_wait3A_1077, %dma_wait3A_1078] : memref<4x168x128xf32, #tpu.memory_space<vmem>> -> memref<1x168x128xf32, #tpu.memory_space<vmem>>
    %dma_wait3A_1080 = tpu.memref_squeeze %dma_wait3A_1079 : memref<1x168x128xf32, #tpu.memory_space<vmem>> -> memref<168x128xf32, #tpu.memory_space<vmem>>
    %dma_wait3A_1081 = arith.constant 0 : i32
    %dma_wait3A_1082 = tpu.memref_slice %arg10[%add3A_1062, %dma_wait3A_1081] : memref<43008x128xf32, #tpu.memory_space<hbm>> -> memref<168x128xf32, #tpu.memory_space<hbm>>
    %dma_wait3A_1083 = arith.constant 0 : i32
    %dma_wait3A_1084 = tpu.memref_slice %arg10[%add3A_1062, %dma_wait3A_1083] : memref<43008x128xf32, #tpu.memory_space<hbm>> -> memref<168x128xf32, #tpu.memory_space<hbm>>
    %dma_wait3A_1085 = arith.constant 0 : i32
    %dma_wait3A_1086 = arith.constant 0 : i32
    %dma_wait3A_1087 = tpu.memref_slice %arg16[%dma_wait3A_1076, %dma_wait3A_1085, %dma_wait3A_1086] : memref<4x168x128xf32, #tpu.memory_space<vmem>> -> memref<1x168x128xf32, #tpu.memory_space<vmem>>
    %dma_wait3A_1088 = tpu.memref_squeeze %dma_wait3A_1087 : memref<1x168x128xf32, #tpu.memory_space<vmem>> -> memref<168x128xf32, #tpu.memory_space<vmem>>
    tpu.wait_dma2 semaphore(%arg23 : memref<!tpu.dma_semaphore, #tpu.memory_space<semaphore_mem>>) src(%dma_wait3A_1088 : memref<168x128xf32, #tpu.memory_space<vmem>>) dst(%dma_wait3A_1084 : memref<168x128xf32, #tpu.memory_space<hbm>>)
    %add3A_1089 = arith.constant 336 : i32
    %add3A_1090 = arith.addi %mul3A_2, %add3A_1089 : i32
    "tpu.region"() ({
      %run_scoped3A = tpu.sem_alloc : memref<!tpu.dma_semaphore, #tpu.memory_space<semaphore_mem>>
      %dma_start3A_1473 = tpu.memref_slice %arg7[%add3A_1090] : memref<43008xi32, #tpu.memory_space<hbm>> -> memref<168xi32, #tpu.memory_space<hbm>>
      %dma_start3A_1474 = tpu.memref_slice %arg7[%add3A_1090] : memref<43008xi32, #tpu.memory_space<hbm>> -> memref<168xi32, #tpu.memory_space<hbm>>
      tpu.enqueue_dma source(%dma_start3A_1474 : memref<168xi32, #tpu.memory_space<hbm>>) target(%arg14 : memref<168xi32, #tpu.memory_space<vmem>>) target_semaphore(%run_scoped3A : memref<!tpu.dma_semaphore, #tpu.memory_space<semaphore_mem>>)
      %dma_wait3A_1475 = tpu.memref_slice %arg7[%add3A_1090] : memref<43008xi32, #tpu.memory_space<hbm>> -> memref<168xi32, #tpu.memory_space<hbm>>
      %dma_wait3A_1476 = tpu.memref_slice %arg7[%add3A_1090] : memref<43008xi32, #tpu.memory_space<hbm>> -> memref<168xi32, #tpu.memory_space<hbm>>
      tpu.wait_dma2 semaphore(%run_scoped3A : memref<!tpu.dma_semaphore, #tpu.memory_space<semaphore_mem>>) src(%dma_wait3A_1476 : memref<168xi32, #tpu.memory_space<hbm>>) dst(%arg14 : memref<168xi32, #tpu.memory_space<vmem>>)
      tpu.yield
    }) : () -> ()
    %dma_start3A_1091 = arith.constant 2 : i32
    %dma_start3A_1092 = arith.constant 0 : i32
    %dma_start3A_1093 = arith.constant 0 : i32
    %dma_start3A_1094 = tpu.memref_slice %arg16[%dma_start3A_1091, %dma_start3A_1092, %dma_start3A_1093] : memref<4x168x128xf32, #tpu.memory_space<vmem>> -> memref<1x168x128xf32, #tpu.memory_space<vmem>>
    %dma_start3A_1095 = tpu.memref_squeeze %dma_start3A_1094 : memref<1x168x128xf32, #tpu.memory_space<vmem>> -> memref<168x128xf32, #tpu.memory_space<vmem>>
    %dma_start3A_1096 = arith.constant 0 : i32
    %dma_start3A_1097 = arith.constant 0 : i32
    %dma_start3A_1098 = tpu.memref_slice %arg3[%dma_start3A_1096, %dma_start3A_1097] : memref<4320x128xf32, #tpu.memory_space<hbm>> -> memref<4320x128xf32, #tpu.memory_space<hbm>>
    tpu.enqueue_indirect_dma source(%dma_start3A_1098 : memref<4320x128xf32, #tpu.memory_space<hbm>>) target(%dma_start3A_1095 : memref<168x128xf32, #tpu.memory_space<vmem>>) offsets(%arg14 : memref<168xi32, #tpu.memory_space<vmem>>) semaphore(%arg19 : memref<!tpu.dma_semaphore, #tpu.memory_space<semaphore_mem>>)
    %dma_wait3A_1099 = arith.constant 3 : i32
    %dma_wait3A_1100 = arith.constant 0 : i32
    %dma_wait3A_1101 = arith.constant 0 : i32
    %dma_wait3A_1102 = tpu.memref_slice %arg16[%dma_wait3A_1099, %dma_wait3A_1100, %dma_wait3A_1101] : memref<4x168x128xf32, #tpu.memory_space<vmem>> -> memref<1x168x128xf32, #tpu.memory_space<vmem>>
    %dma_wait3A_1103 = tpu.memref_squeeze %dma_wait3A_1102 : memref<1x168x128xf32, #tpu.memory_space<vmem>> -> memref<168x128xf32, #tpu.memory_space<vmem>>
    %dma_wait3A_1104 = arith.constant 0 : i32
    %dma_wait3A_1105 = arith.constant 0 : i32
    %dma_wait3A_1106 = tpu.memref_slice %arg3[%dma_wait3A_1104, %dma_wait3A_1105] : memref<4320x128xf32, #tpu.memory_space<hbm>> -> memref<4320x128xf32, #tpu.memory_space<hbm>>
    tpu.wait_indirect_dma semaphore(%arg20 : memref<!tpu.dma_semaphore, #tpu.memory_space<semaphore_mem>>) src(%dma_wait3A_1106 : memref<4320x128xf32, #tpu.memory_space<hbm>>) dst(%dma_wait3A_1103 : memref<168x128xf32, #tpu.memory_space<vmem>>)
    %add3A_1107 = arith.constant 1176 : i32
    %add3A_1108 = arith.addi %mul3A_2, %add3A_1107 : i32
    %dma_start3A_1109 = arith.constant 3 : i32
    %dma_start3A_1110 = arith.constant 0 : i32
    %dma_start3A_1111 = arith.constant 0 : i32
    %dma_start3A_1112 = tpu.memref_slice %arg16[%dma_start3A_1109, %dma_start3A_1110, %dma_start3A_1111] : memref<4x168x128xf32, #tpu.memory_space<vmem>> -> memref<1x168x128xf32, #tpu.memory_space<vmem>>
    %dma_start3A_1113 = tpu.memref_squeeze %dma_start3A_1112 : memref<1x168x128xf32, #tpu.memory_space<vmem>> -> memref<168x128xf32, #tpu.memory_space<vmem>>
    %dma_start3A_1114 = arith.constant 0 : i32
    %dma_start3A_1115 = tpu.memref_slice %arg10[%add3A_1108, %dma_start3A_1114] : memref<43008x128xf32, #tpu.memory_space<hbm>> -> memref<168x128xf32, #tpu.memory_space<hbm>>
    %dma_start3A_1116 = arith.constant 0 : i32
    %dma_start3A_1117 = tpu.memref_slice %arg10[%add3A_1108, %dma_start3A_1116] : memref<43008x128xf32, #tpu.memory_space<hbm>> -> memref<168x128xf32, #tpu.memory_space<hbm>>
    %dma_start3A_1118 = arith.constant 0 : i32
    %dma_start3A_1119 = arith.constant 0 : i32
    %dma_start3A_1120 = tpu.memref_slice %arg16[%dma_start3A_1109, %dma_start3A_1118, %dma_start3A_1119] : memref<4x168x128xf32, #tpu.memory_space<vmem>> -> memref<1x168x128xf32, #tpu.memory_space<vmem>>
    %dma_start3A_1121 = tpu.memref_squeeze %dma_start3A_1120 : memref<1x168x128xf32, #tpu.memory_space<vmem>> -> memref<168x128xf32, #tpu.memory_space<vmem>>
    tpu.enqueue_dma source(%dma_start3A_1121 : memref<168x128xf32, #tpu.memory_space<vmem>>) target(%dma_start3A_1117 : memref<168x128xf32, #tpu.memory_space<hbm>>) target_semaphore(%arg24 : memref<!tpu.dma_semaphore, #tpu.memory_space<semaphore_mem>>)
    %dma_wait3A_1122 = arith.constant 3 : i32
    %dma_wait3A_1123 = arith.constant 0 : i32
    %dma_wait3A_1124 = arith.constant 0 : i32
    %dma_wait3A_1125 = tpu.memref_slice %arg16[%dma_wait3A_1122, %dma_wait3A_1123, %dma_wait3A_1124] : memref<4x168x128xf32, #tpu.memory_space<vmem>> -> memref<1x168x128xf32, #tpu.memory_space<vmem>>
    %dma_wait3A_1126 = tpu.memref_squeeze %dma_wait3A_1125 : memref<1x168x128xf32, #tpu.memory_space<vmem>> -> memref<168x128xf32, #tpu.memory_space<vmem>>
    %dma_wait3A_1127 = arith.constant 0 : i32
    %dma_wait3A_1128 = tpu.memref_slice %arg10[%add3A_1108, %dma_wait3A_1127] : memref<43008x128xf32, #tpu.memory_space<hbm>> -> memref<168x128xf32, #tpu.memory_space<hbm>>
    %dma_wait3A_1129 = arith.constant 0 : i32
    %dma_wait3A_1130 = tpu.memref_slice %arg10[%add3A_1108, %dma_wait3A_1129] : memref<43008x128xf32, #tpu.memory_space<hbm>> -> memref<168x128xf32, #tpu.memory_space<hbm>>
    %dma_wait3A_1131 = arith.constant 0 : i32
    %dma_wait3A_1132 = arith.constant 0 : i32
    %dma_wait3A_1133 = tpu.memref_slice %arg16[%dma_wait3A_1122, %dma_wait3A_1131, %dma_wait3A_1132] : memref<4x168x128xf32, #tpu.memory_space<vmem>> -> memref<1x168x128xf32, #tpu.memory_space<vmem>>
    %dma_wait3A_1134 = tpu.memref_squeeze %dma_wait3A_1133 : memref<1x168x128xf32, #tpu.memory_space<vmem>> -> memref<168x128xf32, #tpu.memory_space<vmem>>
    tpu.wait_dma2 semaphore(%arg24 : memref<!tpu.dma_semaphore, #tpu.memory_space<semaphore_mem>>) src(%dma_wait3A_1134 : memref<168x128xf32, #tpu.memory_space<vmem>>) dst(%dma_wait3A_1130 : memref<168x128xf32, #tpu.memory_space<hbm>>)
    %add3A_1135 = arith.constant 504 : i32
    %add3A_1136 = arith.addi %mul3A_2, %add3A_1135 : i32
    "tpu.region"() ({
      %run_scoped3A = tpu.sem_alloc : memref<!tpu.dma_semaphore, #tpu.memory_space<semaphore_mem>>
      %dma_start3A_1473 = tpu.memref_slice %arg7[%add3A_1136] : memref<43008xi32, #tpu.memory_space<hbm>> -> memref<168xi32, #tpu.memory_space<hbm>>
      %dma_start3A_1474 = tpu.memref_slice %arg7[%add3A_1136] : memref<43008xi32, #tpu.memory_space<hbm>> -> memref<168xi32, #tpu.memory_space<hbm>>
      tpu.enqueue_dma source(%dma_start3A_1474 : memref<168xi32, #tpu.memory_space<hbm>>) target(%arg15 : memref<168xi32, #tpu.memory_space<vmem>>) target_semaphore(%run_scoped3A : memref<!tpu.dma_semaphore, #tpu.memory_space<semaphore_mem>>)
      %dma_wait3A_1475 = tpu.memref_slice %arg7[%add3A_1136] : memref<43008xi32, #tpu.memory_space<hbm>> -> memref<168xi32, #tpu.memory_space<hbm>>
      %dma_wait3A_1476 = tpu.memref_slice %arg7[%add3A_1136] : memref<43008xi32, #tpu.memory_space<hbm>> -> memref<168xi32, #tpu.memory_space<hbm>>
      tpu.wait_dma2 semaphore(%run_scoped3A : memref<!tpu.dma_semaphore, #tpu.memory_space<semaphore_mem>>) src(%dma_wait3A_1476 : memref<168xi32, #tpu.memory_space<hbm>>) dst(%arg15 : memref<168xi32, #tpu.memory_space<vmem>>)
      tpu.yield
    }) : () -> ()
    %dma_start3A_1137 = arith.constant 3 : i32
    %dma_start3A_1138 = arith.constant 0 : i32
    %dma_start3A_1139 = arith.constant 0 : i32
    %dma_start3A_1140 = tpu.memref_slice %arg16[%dma_start3A_1137, %dma_start3A_1138, %dma_start3A_1139] : memref<4x168x128xf32, #tpu.memory_space<vmem>> -> memref<1x168x128xf32, #tpu.memory_space<vmem>>
    %dma_start3A_1141 = tpu.memref_squeeze %dma_start3A_1140 : memref<1x168x128xf32, #tpu.memory_space<vmem>> -> memref<168x128xf32, #tpu.memory_space<vmem>>
    %dma_start3A_1142 = arith.constant 0 : i32
    %dma_start3A_1143 = arith.constant 0 : i32
    %dma_start3A_1144 = tpu.memref_slice %arg3[%dma_start3A_1142, %dma_start3A_1143] : memref<4320x128xf32, #tpu.memory_space<hbm>> -> memref<4320x128xf32, #tpu.memory_space<hbm>>
    tpu.enqueue_indirect_dma source(%dma_start3A_1144 : memref<4320x128xf32, #tpu.memory_space<hbm>>) target(%dma_start3A_1141 : memref<168x128xf32, #tpu.memory_space<vmem>>) offsets(%arg15 : memref<168xi32, #tpu.memory_space<vmem>>) semaphore(%arg20 : memref<!tpu.dma_semaphore, #tpu.memory_space<semaphore_mem>>)
    %dma_wait3A_1145 = arith.constant 0 : i32
    %dma_wait3A_1146 = arith.constant 0 : i32
    %dma_wait3A_1147 = arith.constant 0 : i32
    %dma_wait3A_1148 = tpu.memref_slice %arg16[%dma_wait3A_1145, %dma_wait3A_1146, %dma_wait3A_1147] : memref<4x168x128xf32, #tpu.memory_space<vmem>> -> memref<1x168x128xf32, #tpu.memory_space<vmem>>
    %dma_wait3A_1149 = tpu.memref_squeeze %dma_wait3A_1148 : memref<1x168x128xf32, #tpu.memory_space<vmem>> -> memref<168x128xf32, #tpu.memory_space<vmem>>
    %dma_wait3A_1150 = arith.constant 0 : i32
    %dma_wait3A_1151 = arith.constant 0 : i32
    %dma_wait3A_1152 = tpu.memref_slice %arg3[%dma_wait3A_1150, %dma_wait3A_1151] : memref<4320x128xf32, #tpu.memory_space<hbm>> -> memref<4320x128xf32, #tpu.memory_space<hbm>>
    tpu.wait_indirect_dma semaphore(%arg17 : memref<!tpu.dma_semaphore, #tpu.memory_space<semaphore_mem>>) src(%dma_wait3A_1152 : memref<4320x128xf32, #tpu.memory_space<hbm>>) dst(%dma_wait3A_1149 : memref<168x128xf32, #tpu.memory_space<vmem>>)
    %add3A_1153 = arith.constant 0 : i32
    %add3A_1154 = arith.addi %mul3A_2, %add3A_1153 : i32
    %dma_start3A_1155 = arith.constant 0 : i32
    %dma_start3A_1156 = arith.constant 0 : i32
    %dma_start3A_1157 = arith.constant 0 : i32
    %dma_start3A_1158 = tpu.memref_slice %arg16[%dma_start3A_1155, %dma_start3A_1156, %dma_start3A_1157] : memref<4x168x128xf32, #tpu.memory_space<vmem>> -> memref<1x168x128xf32, #tpu.memory_space<vmem>>
    %dma_start3A_1159 = tpu.memref_squeeze %dma_start3A_1158 : memref<1x168x128xf32, #tpu.memory_space<vmem>> -> memref<168x128xf32, #tpu.memory_space<vmem>>
    %dma_start3A_1160 = arith.constant 0 : i32
    %dma_start3A_1161 = tpu.memref_slice %arg11[%add3A_1154, %dma_start3A_1160] : memref<43008x128xf32, #tpu.memory_space<hbm>> -> memref<168x128xf32, #tpu.memory_space<hbm>>
    %dma_start3A_1162 = arith.constant 0 : i32
    %dma_start3A_1163 = tpu.memref_slice %arg11[%add3A_1154, %dma_start3A_1162] : memref<43008x128xf32, #tpu.memory_space<hbm>> -> memref<168x128xf32, #tpu.memory_space<hbm>>
    %dma_start3A_1164 = arith.constant 0 : i32
    %dma_start3A_1165 = arith.constant 0 : i32
    %dma_start3A_1166 = tpu.memref_slice %arg16[%dma_start3A_1155, %dma_start3A_1164, %dma_start3A_1165] : memref<4x168x128xf32, #tpu.memory_space<vmem>> -> memref<1x168x128xf32, #tpu.memory_space<vmem>>
    %dma_start3A_1167 = tpu.memref_squeeze %dma_start3A_1166 : memref<1x168x128xf32, #tpu.memory_space<vmem>> -> memref<168x128xf32, #tpu.memory_space<vmem>>
    tpu.enqueue_dma source(%dma_start3A_1167 : memref<168x128xf32, #tpu.memory_space<vmem>>) target(%dma_start3A_1163 : memref<168x128xf32, #tpu.memory_space<hbm>>) target_semaphore(%arg21 : memref<!tpu.dma_semaphore, #tpu.memory_space<semaphore_mem>>)
    %dma_wait3A_1168 = arith.constant 0 : i32
    %dma_wait3A_1169 = arith.constant 0 : i32
    %dma_wait3A_1170 = arith.constant 0 : i32
    %dma_wait3A_1171 = tpu.memref_slice %arg16[%dma_wait3A_1168, %dma_wait3A_1169, %dma_wait3A_1170] : memref<4x168x128xf32, #tpu.memory_space<vmem>> -> memref<1x168x128xf32, #tpu.memory_space<vmem>>
    %dma_wait3A_1172 = tpu.memref_squeeze %dma_wait3A_1171 : memref<1x168x128xf32, #tpu.memory_space<vmem>> -> memref<168x128xf32, #tpu.memory_space<vmem>>
    %dma_wait3A_1173 = arith.constant 0 : i32
    %dma_wait3A_1174 = tpu.memref_slice %arg11[%add3A_1154, %dma_wait3A_1173] : memref<43008x128xf32, #tpu.memory_space<hbm>> -> memref<168x128xf32, #tpu.memory_space<hbm>>
    %dma_wait3A_1175 = arith.constant 0 : i32
    %dma_wait3A_1176 = tpu.memref_slice %arg11[%add3A_1154, %dma_wait3A_1175] : memref<43008x128xf32, #tpu.memory_space<hbm>> -> memref<168x128xf32, #tpu.memory_space<hbm>>
    %dma_wait3A_1177 = arith.constant 0 : i32
    %dma_wait3A_1178 = arith.constant 0 : i32
    %dma_wait3A_1179 = tpu.memref_slice %arg16[%dma_wait3A_1168, %dma_wait3A_1177, %dma_wait3A_1178] : memref<4x168x128xf32, #tpu.memory_space<vmem>> -> memref<1x168x128xf32, #tpu.memory_space<vmem>>
    %dma_wait3A_1180 = tpu.memref_squeeze %dma_wait3A_1179 : memref<1x168x128xf32, #tpu.memory_space<vmem>> -> memref<168x128xf32, #tpu.memory_space<vmem>>
    tpu.wait_dma2 semaphore(%arg21 : memref<!tpu.dma_semaphore, #tpu.memory_space<semaphore_mem>>) src(%dma_wait3A_1180 : memref<168x128xf32, #tpu.memory_space<vmem>>) dst(%dma_wait3A_1176 : memref<168x128xf32, #tpu.memory_space<hbm>>)
    %add3A_1181 = arith.constant 672 : i32
    %add3A_1182 = arith.addi %mul3A_2, %add3A_1181 : i32
    "tpu.region"() ({
      %run_scoped3A = tpu.sem_alloc : memref<!tpu.dma_semaphore, #tpu.memory_space<semaphore_mem>>
      %dma_start3A_1473 = tpu.memref_slice %arg7[%add3A_1182] : memref<43008xi32, #tpu.memory_space<hbm>> -> memref<168xi32, #tpu.memory_space<hbm>>
      %dma_start3A_1474 = tpu.memref_slice %arg7[%add3A_1182] : memref<43008xi32, #tpu.memory_space<hbm>> -> memref<168xi32, #tpu.memory_space<hbm>>
      tpu.enqueue_dma source(%dma_start3A_1474 : memref<168xi32, #tpu.memory_space<hbm>>) target(%arg12 : memref<168xi32, #tpu.memory_space<vmem>>) target_semaphore(%run_scoped3A : memref<!tpu.dma_semaphore, #tpu.memory_space<semaphore_mem>>)
      %dma_wait3A_1475 = tpu.memref_slice %arg7[%add3A_1182] : memref<43008xi32, #tpu.memory_space<hbm>> -> memref<168xi32, #tpu.memory_space<hbm>>
      %dma_wait3A_1476 = tpu.memref_slice %arg7[%add3A_1182] : memref<43008xi32, #tpu.memory_space<hbm>> -> memref<168xi32, #tpu.memory_space<hbm>>
      tpu.wait_dma2 semaphore(%run_scoped3A : memref<!tpu.dma_semaphore, #tpu.memory_space<semaphore_mem>>) src(%dma_wait3A_1476 : memref<168xi32, #tpu.memory_space<hbm>>) dst(%arg12 : memref<168xi32, #tpu.memory_space<vmem>>)
      tpu.yield
    }) : () -> ()
    %dma_start3A_1183 = arith.constant 0 : i32
    %dma_start3A_1184 = arith.constant 0 : i32
    %dma_start3A_1185 = arith.constant 0 : i32
    %dma_start3A_1186 = tpu.memref_slice %arg16[%dma_start3A_1183, %dma_start3A_1184, %dma_start3A_1185] : memref<4x168x128xf32, #tpu.memory_space<vmem>> -> memref<1x168x128xf32, #tpu.memory_space<vmem>>
    %dma_start3A_1187 = tpu.memref_squeeze %dma_start3A_1186 : memref<1x168x128xf32, #tpu.memory_space<vmem>> -> memref<168x128xf32, #tpu.memory_space<vmem>>
    %dma_start3A_1188 = arith.constant 0 : i32
    %dma_start3A_1189 = arith.constant 0 : i32
    %dma_start3A_1190 = tpu.memref_slice %arg3[%dma_start3A_1188, %dma_start3A_1189] : memref<4320x128xf32, #tpu.memory_space<hbm>> -> memref<4320x128xf32, #tpu.memory_space<hbm>>
    tpu.enqueue_indirect_dma source(%dma_start3A_1190 : memref<4320x128xf32, #tpu.memory_space<hbm>>) target(%dma_start3A_1187 : memref<168x128xf32, #tpu.memory_space<vmem>>) offsets(%arg12 : memref<168xi32, #tpu.memory_space<vmem>>) semaphore(%arg17 : memref<!tpu.dma_semaphore, #tpu.memory_space<semaphore_mem>>)
    %dma_wait3A_1191 = arith.constant 1 : i32
    %dma_wait3A_1192 = arith.constant 0 : i32
    %dma_wait3A_1193 = arith.constant 0 : i32
    %dma_wait3A_1194 = tpu.memref_slice %arg16[%dma_wait3A_1191, %dma_wait3A_1192, %dma_wait3A_1193] : memref<4x168x128xf32, #tpu.memory_space<vmem>> -> memref<1x168x128xf32, #tpu.memory_space<vmem>>
    %dma_wait3A_1195 = tpu.memref_squeeze %dma_wait3A_1194 : memref<1x168x128xf32, #tpu.memory_space<vmem>> -> memref<168x128xf32, #tpu.memory_space<vmem>>
    %dma_wait3A_1196 = arith.constant 0 : i32
    %dma_wait3A_1197 = arith.constant 0 : i32
    %dma_wait3A_1198 = tpu.memref_slice %arg3[%dma_wait3A_1196, %dma_wait3A_1197] : memref<4320x128xf32, #tpu.memory_space<hbm>> -> memref<4320x128xf32, #tpu.memory_space<hbm>>
    tpu.wait_indirect_dma semaphore(%arg18 : memref<!tpu.dma_semaphore, #tpu.memory_space<semaphore_mem>>) src(%dma_wait3A_1198 : memref<4320x128xf32, #tpu.memory_space<hbm>>) dst(%dma_wait3A_1195 : memref<168x128xf32, #tpu.memory_space<vmem>>)
    %add3A_1199 = arith.constant 168 : i32
    %add3A_1200 = arith.addi %mul3A_2, %add3A_1199 : i32
    %dma_start3A_1201 = arith.constant 1 : i32
    %dma_start3A_1202 = arith.constant 0 : i32
    %dma_start3A_1203 = arith.constant 0 : i32
    %dma_start3A_1204 = tpu.memref_slice %arg16[%dma_start3A_1201, %dma_start3A_1202, %dma_start3A_1203] : memref<4x168x128xf32, #tpu.memory_space<vmem>> -> memref<1x168x128xf32, #tpu.memory_space<vmem>>
    %dma_start3A_1205 = tpu.memref_squeeze %dma_start3A_1204 : memref<1x168x128xf32, #tpu.memory_space<vmem>> -> memref<168x128xf32, #tpu.memory_space<vmem>>
    %dma_start3A_1206 = arith.constant 0 : i32
    %dma_start3A_1207 = tpu.memref_slice %arg11[%add3A_1200, %dma_start3A_1206] : memref<43008x128xf32, #tpu.memory_space<hbm>> -> memref<168x128xf32, #tpu.memory_space<hbm>>
    %dma_start3A_1208 = arith.constant 0 : i32
    %dma_start3A_1209 = tpu.memref_slice %arg11[%add3A_1200, %dma_start3A_1208] : memref<43008x128xf32, #tpu.memory_space<hbm>> -> memref<168x128xf32, #tpu.memory_space<hbm>>
    %dma_start3A_1210 = arith.constant 0 : i32
    %dma_start3A_1211 = arith.constant 0 : i32
    %dma_start3A_1212 = tpu.memref_slice %arg16[%dma_start3A_1201, %dma_start3A_1210, %dma_start3A_1211] : memref<4x168x128xf32, #tpu.memory_space<vmem>> -> memref<1x168x128xf32, #tpu.memory_space<vmem>>
    %dma_start3A_1213 = tpu.memref_squeeze %dma_start3A_1212 : memref<1x168x128xf32, #tpu.memory_space<vmem>> -> memref<168x128xf32, #tpu.memory_space<vmem>>
    tpu.enqueue_dma source(%dma_start3A_1213 : memref<168x128xf32, #tpu.memory_space<vmem>>) target(%dma_start3A_1209 : memref<168x128xf32, #tpu.memory_space<hbm>>) target_semaphore(%arg22 : memref<!tpu.dma_semaphore, #tpu.memory_space<semaphore_mem>>)
    %dma_wait3A_1214 = arith.constant 1 : i32
    %dma_wait3A_1215 = arith.constant 0 : i32
    %dma_wait3A_1216 = arith.constant 0 : i32
    %dma_wait3A_1217 = tpu.memref_slice %arg16[%dma_wait3A_1214, %dma_wait3A_1215, %dma_wait3A_1216] : memref<4x168x128xf32, #tpu.memory_space<vmem>> -> memref<1x168x128xf32, #tpu.memory_space<vmem>>
    %dma_wait3A_1218 = tpu.memref_squeeze %dma_wait3A_1217 : memref<1x168x128xf32, #tpu.memory_space<vmem>> -> memref<168x128xf32, #tpu.memory_space<vmem>>
    %dma_wait3A_1219 = arith.constant 0 : i32
    %dma_wait3A_1220 = tpu.memref_slice %arg11[%add3A_1200, %dma_wait3A_1219] : memref<43008x128xf32, #tpu.memory_space<hbm>> -> memref<168x128xf32, #tpu.memory_space<hbm>>
    %dma_wait3A_1221 = arith.constant 0 : i32
    %dma_wait3A_1222 = tpu.memref_slice %arg11[%add3A_1200, %dma_wait3A_1221] : memref<43008x128xf32, #tpu.memory_space<hbm>> -> memref<168x128xf32, #tpu.memory_space<hbm>>
    %dma_wait3A_1223 = arith.constant 0 : i32
    %dma_wait3A_1224 = arith.constant 0 : i32
    %dma_wait3A_1225 = tpu.memref_slice %arg16[%dma_wait3A_1214, %dma_wait3A_1223, %dma_wait3A_1224] : memref<4x168x128xf32, #tpu.memory_space<vmem>> -> memref<1x168x128xf32, #tpu.memory_space<vmem>>
    %dma_wait3A_1226 = tpu.memref_squeeze %dma_wait3A_1225 : memref<1x168x128xf32, #tpu.memory_space<vmem>> -> memref<168x128xf32, #tpu.memory_space<vmem>>
    tpu.wait_dma2 semaphore(%arg22 : memref<!tpu.dma_semaphore, #tpu.memory_space<semaphore_mem>>) src(%dma_wait3A_1226 : memref<168x128xf32, #tpu.memory_space<vmem>>) dst(%dma_wait3A_1222 : memref<168x128xf32, #tpu.memory_space<hbm>>)
    %add3A_1227 = arith.constant 840 : i32
    %add3A_1228 = arith.addi %mul3A_2, %add3A_1227 : i32
    "tpu.region"() ({
      %run_scoped3A = tpu.sem_alloc : memref<!tpu.dma_semaphore, #tpu.memory_space<semaphore_mem>>
      %dma_start3A_1473 = tpu.memref_slice %arg7[%add3A_1228] : memref<43008xi32, #tpu.memory_space<hbm>> -> memref<168xi32, #tpu.memory_space<hbm>>
      %dma_start3A_1474 = tpu.memref_slice %arg7[%add3A_1228] : memref<43008xi32, #tpu.memory_space<hbm>> -> memref<168xi32, #tpu.memory_space<hbm>>
      tpu.enqueue_dma source(%dma_start3A_1474 : memref<168xi32, #tpu.memory_space<hbm>>) target(%arg13 : memref<168xi32, #tpu.memory_space<vmem>>) target_semaphore(%run_scoped3A : memref<!tpu.dma_semaphore, #tpu.memory_space<semaphore_mem>>)
      %dma_wait3A_1475 = tpu.memref_slice %arg7[%add3A_1228] : memref<43008xi32, #tpu.memory_space<hbm>> -> memref<168xi32, #tpu.memory_space<hbm>>
      %dma_wait3A_1476 = tpu.memref_slice %arg7[%add3A_1228] : memref<43008xi32, #tpu.memory_space<hbm>> -> memref<168xi32, #tpu.memory_space<hbm>>
      tpu.wait_dma2 semaphore(%run_scoped3A : memref<!tpu.dma_semaphore, #tpu.memory_space<semaphore_mem>>) src(%dma_wait3A_1476 : memref<168xi32, #tpu.memory_space<hbm>>) dst(%arg13 : memref<168xi32, #tpu.memory_space<vmem>>)
      tpu.yield
    }) : () -> ()
    %dma_start3A_1229 = arith.constant 1 : i32
    %dma_start3A_1230 = arith.constant 0 : i32
    %dma_start3A_1231 = arith.constant 0 : i32
    %dma_start3A_1232 = tpu.memref_slice %arg16[%dma_start3A_1229, %dma_start3A_1230, %dma_start3A_1231] : memref<4x168x128xf32, #tpu.memory_space<vmem>> -> memref<1x168x128xf32, #tpu.memory_space<vmem>>
    %dma_start3A_1233 = tpu.memref_squeeze %dma_start3A_1232 : memref<1x168x128xf32, #tpu.memory_space<vmem>> -> memref<168x128xf32, #tpu.memory_space<vmem>>
    %dma_start3A_1234 = arith.constant 0 : i32
    %dma_start3A_1235 = arith.constant 0 : i32
    %dma_start3A_1236 = tpu.memref_slice %arg3[%dma_start3A_1234, %dma_start3A_1235] : memref<4320x128xf32, #tpu.memory_space<hbm>> -> memref<4320x128xf32, #tpu.memory_space<hbm>>
    tpu.enqueue_indirect_dma source(%dma_start3A_1236 : memref<4320x128xf32, #tpu.memory_space<hbm>>) target(%dma_start3A_1233 : memref<168x128xf32, #tpu.memory_space<vmem>>) offsets(%arg13 : memref<168xi32, #tpu.memory_space<vmem>>) semaphore(%arg18 : memref<!tpu.dma_semaphore, #tpu.memory_space<semaphore_mem>>)
    %dma_wait3A_1237 = arith.constant 2 : i32
    %dma_wait3A_1238 = arith.constant 0 : i32
    %dma_wait3A_1239 = arith.constant 0 : i32
    %dma_wait3A_1240 = tpu.memref_slice %arg16[%dma_wait3A_1237, %dma_wait3A_1238, %dma_wait3A_1239] : memref<4x168x128xf32, #tpu.memory_space<vmem>> -> memref<1x168x128xf32, #tpu.memory_space<vmem>>
    %dma_wait3A_1241 = tpu.memref_squeeze %dma_wait3A_1240 : memref<1x168x128xf32, #tpu.memory_space<vmem>> -> memref<168x128xf32, #tpu.memory_space<vmem>>
    %dma_wait3A_1242 = arith.constant 0 : i32
    %dma_wait3A_1243 = arith.constant 0 : i32
    %dma_wait3A_1244 = tpu.memref_slice %arg3[%dma_wait3A_1242, %dma_wait3A_1243] : memref<4320x128xf32, #tpu.memory_space<hbm>> -> memref<4320x128xf32, #tpu.memory_space<hbm>>
    tpu.wait_indirect_dma semaphore(%arg19 : memref<!tpu.dma_semaphore, #tpu.memory_space<semaphore_mem>>) src(%dma_wait3A_1244 : memref<4320x128xf32, #tpu.memory_space<hbm>>) dst(%dma_wait3A_1241 : memref<168x128xf32, #tpu.memory_space<vmem>>)
    %add3A_1245 = arith.constant 336 : i32
    %add3A_1246 = arith.addi %mul3A_2, %add3A_1245 : i32
    %dma_start3A_1247 = arith.constant 2 : i32
    %dma_start3A_1248 = arith.constant 0 : i32
    %dma_start3A_1249 = arith.constant 0 : i32
    %dma_start3A_1250 = tpu.memref_slice %arg16[%dma_start3A_1247, %dma_start3A_1248, %dma_start3A_1249] : memref<4x168x128xf32, #tpu.memory_space<vmem>> -> memref<1x168x128xf32, #tpu.memory_space<vmem>>
    %dma_start3A_1251 = tpu.memref_squeeze %dma_start3A_1250 : memref<1x168x128xf32, #tpu.memory_space<vmem>> -> memref<168x128xf32, #tpu.memory_space<vmem>>
    %dma_start3A_1252 = arith.constant 0 : i32
    %dma_start3A_1253 = tpu.memref_slice %arg11[%add3A_1246, %dma_start3A_1252] : memref<43008x128xf32, #tpu.memory_space<hbm>> -> memref<168x128xf32, #tpu.memory_space<hbm>>
    %dma_start3A_1254 = arith.constant 0 : i32
    %dma_start3A_1255 = tpu.memref_slice %arg11[%add3A_1246, %dma_start3A_1254] : memref<43008x128xf32, #tpu.memory_space<hbm>> -> memref<168x128xf32, #tpu.memory_space<hbm>>
    %dma_start3A_1256 = arith.constant 0 : i32
    %dma_start3A_1257 = arith.constant 0 : i32
    %dma_start3A_1258 = tpu.memref_slice %arg16[%dma_start3A_1247, %dma_start3A_1256, %dma_start3A_1257] : memref<4x168x128xf32, #tpu.memory_space<vmem>> -> memref<1x168x128xf32, #tpu.memory_space<vmem>>
    %dma_start3A_1259 = tpu.memref_squeeze %dma_start3A_1258 : memref<1x168x128xf32, #tpu.memory_space<vmem>> -> memref<168x128xf32, #tpu.memory_space<vmem>>
    tpu.enqueue_dma source(%dma_start3A_1259 : memref<168x128xf32, #tpu.memory_space<vmem>>) target(%dma_start3A_1255 : memref<168x128xf32, #tpu.memory_space<hbm>>) target_semaphore(%arg23 : memref<!tpu.dma_semaphore, #tpu.memory_space<semaphore_mem>>)
    %dma_wait3A_1260 = arith.constant 2 : i32
    %dma_wait3A_1261 = arith.constant 0 : i32
    %dma_wait3A_1262 = arith.constant 0 : i32
    %dma_wait3A_1263 = tpu.memref_slice %arg16[%dma_wait3A_1260, %dma_wait3A_1261, %dma_wait3A_1262] : memref<4x168x128xf32, #tpu.memory_space<vmem>> -> memref<1x168x128xf32, #tpu.memory_space<vmem>>
    %dma_wait3A_1264 = tpu.memref_squeeze %dma_wait3A_1263 : memref<1x168x128xf32, #tpu.memory_space<vmem>> -> memref<168x128xf32, #tpu.memory_space<vmem>>
    %dma_wait3A_1265 = arith.constant 0 : i32
    %dma_wait3A_1266 = tpu.memref_slice %arg11[%add3A_1246, %dma_wait3A_1265] : memref<43008x128xf32, #tpu.memory_space<hbm>> -> memref<168x128xf32, #tpu.memory_space<hbm>>
    %dma_wait3A_1267 = arith.constant 0 : i32
    %dma_wait3A_1268 = tpu.memref_slice %arg11[%add3A_1246, %dma_wait3A_1267] : memref<43008x128xf32, #tpu.memory_space<hbm>> -> memref<168x128xf32, #tpu.memory_space<hbm>>
    %dma_wait3A_1269 = arith.constant 0 : i32
    %dma_wait3A_1270 = arith.constant 0 : i32
    %dma_wait3A_1271 = tpu.memref_slice %arg16[%dma_wait3A_1260, %dma_wait3A_1269, %dma_wait3A_1270] : memref<4x168x128xf32, #tpu.memory_space<vmem>> -> memref<1x168x128xf32, #tpu.memory_space<vmem>>
    %dma_wait3A_1272 = tpu.memref_squeeze %dma_wait3A_1271 : memref<1x168x128xf32, #tpu.memory_space<vmem>> -> memref<168x128xf32, #tpu.memory_space<vmem>>
    tpu.wait_dma2 semaphore(%arg23 : memref<!tpu.dma_semaphore, #tpu.memory_space<semaphore_mem>>) src(%dma_wait3A_1272 : memref<168x128xf32, #tpu.memory_space<vmem>>) dst(%dma_wait3A_1268 : memref<168x128xf32, #tpu.memory_space<hbm>>)
    %add3A_1273 = arith.constant 1008 : i32
    %add3A_1274 = arith.addi %mul3A_2, %add3A_1273 : i32
    "tpu.region"() ({
      %run_scoped3A = tpu.sem_alloc : memref<!tpu.dma_semaphore, #tpu.memory_space<semaphore_mem>>
      %dma_start3A_1473 = tpu.memref_slice %arg7[%add3A_1274] : memref<43008xi32, #tpu.memory_space<hbm>> -> memref<168xi32, #tpu.memory_space<hbm>>
      %dma_start3A_1474 = tpu.memref_slice %arg7[%add3A_1274] : memref<43008xi32, #tpu.memory_space<hbm>> -> memref<168xi32, #tpu.memory_space<hbm>>
      tpu.enqueue_dma source(%dma_start3A_1474 : memref<168xi32, #tpu.memory_space<hbm>>) target(%arg14 : memref<168xi32, #tpu.memory_space<vmem>>) target_semaphore(%run_scoped3A : memref<!tpu.dma_semaphore, #tpu.memory_space<semaphore_mem>>)
      %dma_wait3A_1475 = tpu.memref_slice %arg7[%add3A_1274] : memref<43008xi32, #tpu.memory_space<hbm>> -> memref<168xi32, #tpu.memory_space<hbm>>
      %dma_wait3A_1476 = tpu.memref_slice %arg7[%add3A_1274] : memref<43008xi32, #tpu.memory_space<hbm>> -> memref<168xi32, #tpu.memory_space<hbm>>
      tpu.wait_dma2 semaphore(%run_scoped3A : memref<!tpu.dma_semaphore, #tpu.memory_space<semaphore_mem>>) src(%dma_wait3A_1476 : memref<168xi32, #tpu.memory_space<hbm>>) dst(%arg14 : memref<168xi32, #tpu.memory_space<vmem>>)
      tpu.yield
    }) : () -> ()
    %dma_start3A_1275 = arith.constant 2 : i32
    %dma_start3A_1276 = arith.constant 0 : i32
    %dma_start3A_1277 = arith.constant 0 : i32
    %dma_start3A_1278 = tpu.memref_slice %arg16[%dma_start3A_1275, %dma_start3A_1276, %dma_start3A_1277] : memref<4x168x128xf32, #tpu.memory_space<vmem>> -> memref<1x168x128xf32, #tpu.memory_space<vmem>>
    %dma_start3A_1279 = tpu.memref_squeeze %dma_start3A_1278 : memref<1x168x128xf32, #tpu.memory_space<vmem>> -> memref<168x128xf32, #tpu.memory_space<vmem>>
    %dma_start3A_1280 = arith.constant 0 : i32
    %dma_start3A_1281 = arith.constant 0 : i32
    %dma_start3A_1282 = tpu.memref_slice %arg3[%dma_start3A_1280, %dma_start3A_1281] : memref<4320x128xf32, #tpu.memory_space<hbm>> -> memref<4320x128xf32, #tpu.memory_space<hbm>>
    tpu.enqueue_indirect_dma source(%dma_start3A_1282 : memref<4320x128xf32, #tpu.memory_space<hbm>>) target(%dma_start3A_1279 : memref<168x128xf32, #tpu.memory_space<vmem>>) offsets(%arg14 : memref<168xi32, #tpu.memory_space<vmem>>) semaphore(%arg19 : memref<!tpu.dma_semaphore, #tpu.memory_space<semaphore_mem>>)
    %dma_wait3A_1283 = arith.constant 3 : i32
    %dma_wait3A_1284 = arith.constant 0 : i32
    %dma_wait3A_1285 = arith.constant 0 : i32
    %dma_wait3A_1286 = tpu.memref_slice %arg16[%dma_wait3A_1283, %dma_wait3A_1284, %dma_wait3A_1285] : memref<4x168x128xf32, #tpu.memory_space<vmem>> -> memref<1x168x128xf32, #tpu.memory_space<vmem>>
    %dma_wait3A_1287 = tpu.memref_squeeze %dma_wait3A_1286 : memref<1x168x128xf32, #tpu.memory_space<vmem>> -> memref<168x128xf32, #tpu.memory_space<vmem>>
    %dma_wait3A_1288 = arith.constant 0 : i32
    %dma_wait3A_1289 = arith.constant 0 : i32
    %dma_wait3A_1290 = tpu.memref_slice %arg3[%dma_wait3A_1288, %dma_wait3A_1289] : memref<4320x128xf32, #tpu.memory_space<hbm>> -> memref<4320x128xf32, #tpu.memory_space<hbm>>
    tpu.wait_indirect_dma semaphore(%arg20 : memref<!tpu.dma_semaphore, #tpu.memory_space<semaphore_mem>>) src(%dma_wait3A_1290 : memref<4320x128xf32, #tpu.memory_space<hbm>>) dst(%dma_wait3A_1287 : memref<168x128xf32, #tpu.memory_space<vmem>>)
    %add3A_1291 = arith.constant 504 : i32
    %add3A_1292 = arith.addi %mul3A_2, %add3A_1291 : i32
    %dma_start3A_1293 = arith.constant 3 : i32
    %dma_start3A_1294 = arith.constant 0 : i32
    %dma_start3A_1295 = arith.constant 0 : i32
    %dma_start3A_1296 = tpu.memref_slice %arg16[%dma_start3A_1293, %dma_start3A_1294, %dma_start3A_1295] : memref<4x168x128xf32, #tpu.memory_space<vmem>> -> memref<1x168x128xf32, #tpu.memory_space<vmem>>
    %dma_start3A_1297 = tpu.memref_squeeze %dma_start3A_1296 : memref<1x168x128xf32, #tpu.memory_space<vmem>> -> memref<168x128xf32, #tpu.memory_space<vmem>>
    %dma_start3A_1298 = arith.constant 0 : i32
    %dma_start3A_1299 = tpu.memref_slice %arg11[%add3A_1292, %dma_start3A_1298] : memref<43008x128xf32, #tpu.memory_space<hbm>> -> memref<168x128xf32, #tpu.memory_space<hbm>>
    %dma_start3A_1300 = arith.constant 0 : i32
    %dma_start3A_1301 = tpu.memref_slice %arg11[%add3A_1292, %dma_start3A_1300] : memref<43008x128xf32, #tpu.memory_space<hbm>> -> memref<168x128xf32, #tpu.memory_space<hbm>>
    %dma_start3A_1302 = arith.constant 0 : i32
    %dma_start3A_1303 = arith.constant 0 : i32
    %dma_start3A_1304 = tpu.memref_slice %arg16[%dma_start3A_1293, %dma_start3A_1302, %dma_start3A_1303] : memref<4x168x128xf32, #tpu.memory_space<vmem>> -> memref<1x168x128xf32, #tpu.memory_space<vmem>>
    %dma_start3A_1305 = tpu.memref_squeeze %dma_start3A_1304 : memref<1x168x128xf32, #tpu.memory_space<vmem>> -> memref<168x128xf32, #tpu.memory_space<vmem>>
    tpu.enqueue_dma source(%dma_start3A_1305 : memref<168x128xf32, #tpu.memory_space<vmem>>) target(%dma_start3A_1301 : memref<168x128xf32, #tpu.memory_space<hbm>>) target_semaphore(%arg24 : memref<!tpu.dma_semaphore, #tpu.memory_space<semaphore_mem>>)
    %dma_wait3A_1306 = arith.constant 3 : i32
    %dma_wait3A_1307 = arith.constant 0 : i32
    %dma_wait3A_1308 = arith.constant 0 : i32
    %dma_wait3A_1309 = tpu.memref_slice %arg16[%dma_wait3A_1306, %dma_wait3A_1307, %dma_wait3A_1308] : memref<4x168x128xf32, #tpu.memory_space<vmem>> -> memref<1x168x128xf32, #tpu.memory_space<vmem>>
    %dma_wait3A_1310 = tpu.memref_squeeze %dma_wait3A_1309 : memref<1x168x128xf32, #tpu.memory_space<vmem>> -> memref<168x128xf32, #tpu.memory_space<vmem>>
    %dma_wait3A_1311 = arith.constant 0 : i32
    %dma_wait3A_1312 = tpu.memref_slice %arg11[%add3A_1292, %dma_wait3A_1311] : memref<43008x128xf32, #tpu.memory_space<hbm>> -> memref<168x128xf32, #tpu.memory_space<hbm>>
    %dma_wait3A_1313 = arith.constant 0 : i32
    %dma_wait3A_1314 = tpu.memref_slice %arg11[%add3A_1292, %dma_wait3A_1313] : memref<43008x128xf32, #tpu.memory_space<hbm>> -> memref<168x128xf32, #tpu.memory_space<hbm>>
    %dma_wait3A_1315 = arith.constant 0 : i32
    %dma_wait3A_1316 = arith.constant 0 : i32
    %dma_wait3A_1317 = tpu.memref_slice %arg16[%dma_wait3A_1306, %dma_wait3A_1315, %dma_wait3A_1316] : memref<4x168x128xf32, #tpu.memory_space<vmem>> -> memref<1x168x128xf32, #tpu.memory_space<vmem>>
    %dma_wait3A_1318 = tpu.memref_squeeze %dma_wait3A_1317 : memref<1x168x128xf32, #tpu.memory_space<vmem>> -> memref<168x128xf32, #tpu.memory_space<vmem>>
    tpu.wait_dma2 semaphore(%arg24 : memref<!tpu.dma_semaphore, #tpu.memory_space<semaphore_mem>>) src(%dma_wait3A_1318 : memref<168x128xf32, #tpu.memory_space<vmem>>) dst(%dma_wait3A_1314 : memref<168x128xf32, #tpu.memory_space<hbm>>)
    %add3A_1319 = arith.constant 1176 : i32
    %add3A_1320 = arith.addi %mul3A_2, %add3A_1319 : i32
    "tpu.region"() ({
      %run_scoped3A = tpu.sem_alloc : memref<!tpu.dma_semaphore, #tpu.memory_space<semaphore_mem>>
      %dma_start3A_1473 = tpu.memref_slice %arg7[%add3A_1320] : memref<43008xi32, #tpu.memory_space<hbm>> -> memref<168xi32, #tpu.memory_space<hbm>>
      %dma_start3A_1474 = tpu.memref_slice %arg7[%add3A_1320] : memref<43008xi32, #tpu.memory_space<hbm>> -> memref<168xi32, #tpu.memory_space<hbm>>
      tpu.enqueue_dma source(%dma_start3A_1474 : memref<168xi32, #tpu.memory_space<hbm>>) target(%arg15 : memref<168xi32, #tpu.memory_space<vmem>>) target_semaphore(%run_scoped3A : memref<!tpu.dma_semaphore, #tpu.memory_space<semaphore_mem>>)
      %dma_wait3A_1475 = tpu.memref_slice %arg7[%add3A_1320] : memref<43008xi32, #tpu.memory_space<hbm>> -> memref<168xi32, #tpu.memory_space<hbm>>
      %dma_wait3A_1476 = tpu.memref_slice %arg7[%add3A_1320] : memref<43008xi32, #tpu.memory_space<hbm>> -> memref<168xi32, #tpu.memory_space<hbm>>
      tpu.wait_dma2 semaphore(%run_scoped3A : memref<!tpu.dma_semaphore, #tpu.memory_space<semaphore_mem>>) src(%dma_wait3A_1476 : memref<168xi32, #tpu.memory_space<hbm>>) dst(%arg15 : memref<168xi32, #tpu.memory_space<vmem>>)
      tpu.yield
    }) : () -> ()
    %dma_start3A_1321 = arith.constant 3 : i32
    %dma_start3A_1322 = arith.constant 0 : i32
    %dma_start3A_1323 = arith.constant 0 : i32
    %dma_start3A_1324 = tpu.memref_slice %arg16[%dma_start3A_1321, %dma_start3A_1322, %dma_start3A_1323] : memref<4x168x128xf32, #tpu.memory_space<vmem>> -> memref<1x168x128xf32, #tpu.memory_space<vmem>>
    %dma_start3A_1325 = tpu.memref_squeeze %dma_start3A_1324 : memref<1x168x128xf32, #tpu.memory_space<vmem>> -> memref<168x128xf32, #tpu.memory_space<vmem>>
    %dma_start3A_1326 = arith.constant 0 : i32
    %dma_start3A_1327 = arith.constant 0 : i32
    %dma_start3A_1328 = tpu.memref_slice %arg3[%dma_start3A_1326, %dma_start3A_1327] : memref<4320x128xf32, #tpu.memory_space<hbm>> -> memref<4320x128xf32, #tpu.memory_space<hbm>>
    tpu.enqueue_indirect_dma source(%dma_start3A_1328 : memref<4320x128xf32, #tpu.memory_space<hbm>>) target(%dma_start3A_1325 : memref<168x128xf32, #tpu.memory_space<vmem>>) offsets(%arg15 : memref<168xi32, #tpu.memory_space<vmem>>) semaphore(%arg20 : memref<!tpu.dma_semaphore, #tpu.memory_space<semaphore_mem>>)
    %dma_wait3A_1329 = arith.constant 0 : i32
    %dma_wait3A_1330 = arith.constant 0 : i32
    %dma_wait3A_1331 = arith.constant 0 : i32
    %dma_wait3A_1332 = tpu.memref_slice %arg16[%dma_wait3A_1329, %dma_wait3A_1330, %dma_wait3A_1331] : memref<4x168x128xf32, #tpu.memory_space<vmem>> -> memref<1x168x128xf32, #tpu.memory_space<vmem>>
    %dma_wait3A_1333 = tpu.memref_squeeze %dma_wait3A_1332 : memref<1x168x128xf32, #tpu.memory_space<vmem>> -> memref<168x128xf32, #tpu.memory_space<vmem>>
    %dma_wait3A_1334 = arith.constant 0 : i32
    %dma_wait3A_1335 = arith.constant 0 : i32
    %dma_wait3A_1336 = tpu.memref_slice %arg3[%dma_wait3A_1334, %dma_wait3A_1335] : memref<4320x128xf32, #tpu.memory_space<hbm>> -> memref<4320x128xf32, #tpu.memory_space<hbm>>
    tpu.wait_indirect_dma semaphore(%arg17 : memref<!tpu.dma_semaphore, #tpu.memory_space<semaphore_mem>>) src(%dma_wait3A_1336 : memref<4320x128xf32, #tpu.memory_space<hbm>>) dst(%dma_wait3A_1333 : memref<168x128xf32, #tpu.memory_space<vmem>>)
    %add3A_1337 = arith.constant 672 : i32
    %add3A_1338 = arith.addi %mul3A_2, %add3A_1337 : i32
    %dma_start3A_1339 = arith.constant 0 : i32
    %dma_start3A_1340 = arith.constant 0 : i32
    %dma_start3A_1341 = arith.constant 0 : i32
    %dma_start3A_1342 = tpu.memref_slice %arg16[%dma_start3A_1339, %dma_start3A_1340, %dma_start3A_1341] : memref<4x168x128xf32, #tpu.memory_space<vmem>> -> memref<1x168x128xf32, #tpu.memory_space<vmem>>
    %dma_start3A_1343 = tpu.memref_squeeze %dma_start3A_1342 : memref<1x168x128xf32, #tpu.memory_space<vmem>> -> memref<168x128xf32, #tpu.memory_space<vmem>>
    %dma_start3A_1344 = arith.constant 0 : i32
    %dma_start3A_1345 = tpu.memref_slice %arg11[%add3A_1338, %dma_start3A_1344] : memref<43008x128xf32, #tpu.memory_space<hbm>> -> memref<168x128xf32, #tpu.memory_space<hbm>>
    %dma_start3A_1346 = arith.constant 0 : i32
    %dma_start3A_1347 = tpu.memref_slice %arg11[%add3A_1338, %dma_start3A_1346] : memref<43008x128xf32, #tpu.memory_space<hbm>> -> memref<168x128xf32, #tpu.memory_space<hbm>>
    %dma_start3A_1348 = arith.constant 0 : i32
    %dma_start3A_1349 = arith.constant 0 : i32
    %dma_start3A_1350 = tpu.memref_slice %arg16[%dma_start3A_1339, %dma_start3A_1348, %dma_start3A_1349] : memref<4x168x128xf32, #tpu.memory_space<vmem>> -> memref<1x168x128xf32, #tpu.memory_space<vmem>>
    %dma_start3A_1351 = tpu.memref_squeeze %dma_start3A_1350 : memref<1x168x128xf32, #tpu.memory_space<vmem>> -> memref<168x128xf32, #tpu.memory_space<vmem>>
    tpu.enqueue_dma source(%dma_start3A_1351 : memref<168x128xf32, #tpu.memory_space<vmem>>) target(%dma_start3A_1347 : memref<168x128xf32, #tpu.memory_space<hbm>>) target_semaphore(%arg21 : memref<!tpu.dma_semaphore, #tpu.memory_space<semaphore_mem>>)
    %dma_wait3A_1352 = arith.constant 1 : i32
    %dma_wait3A_1353 = arith.constant 0 : i32
    %dma_wait3A_1354 = arith.constant 0 : i32
    %dma_wait3A_1355 = tpu.memref_slice %arg16[%dma_wait3A_1352, %dma_wait3A_1353, %dma_wait3A_1354] : memref<4x168x128xf32, #tpu.memory_space<vmem>> -> memref<1x168x128xf32, #tpu.memory_space<vmem>>
    %dma_wait3A_1356 = tpu.memref_squeeze %dma_wait3A_1355 : memref<1x168x128xf32, #tpu.memory_space<vmem>> -> memref<168x128xf32, #tpu.memory_space<vmem>>
    %dma_wait3A_1357 = arith.constant 0 : i32
    %dma_wait3A_1358 = arith.constant 0 : i32
    %dma_wait3A_1359 = tpu.memref_slice %arg3[%dma_wait3A_1357, %dma_wait3A_1358] : memref<4320x128xf32, #tpu.memory_space<hbm>> -> memref<4320x128xf32, #tpu.memory_space<hbm>>
    tpu.wait_indirect_dma semaphore(%arg18 : memref<!tpu.dma_semaphore, #tpu.memory_space<semaphore_mem>>) src(%dma_wait3A_1359 : memref<4320x128xf32, #tpu.memory_space<hbm>>) dst(%dma_wait3A_1356 : memref<168x128xf32, #tpu.memory_space<vmem>>)
    %add3A_1360 = arith.constant 840 : i32
    %add3A_1361 = arith.addi %mul3A_2, %add3A_1360 : i32
    %dma_start3A_1362 = arith.constant 1 : i32
    %dma_start3A_1363 = arith.constant 0 : i32
    %dma_start3A_1364 = arith.constant 0 : i32
    %dma_start3A_1365 = tpu.memref_slice %arg16[%dma_start3A_1362, %dma_start3A_1363, %dma_start3A_1364] : memref<4x168x128xf32, #tpu.memory_space<vmem>> -> memref<1x168x128xf32, #tpu.memory_space<vmem>>
    %dma_start3A_1366 = tpu.memref_squeeze %dma_start3A_1365 : memref<1x168x128xf32, #tpu.memory_space<vmem>> -> memref<168x128xf32, #tpu.memory_space<vmem>>
    %dma_start3A_1367 = arith.constant 0 : i32
    %dma_start3A_1368 = tpu.memref_slice %arg11[%add3A_1361, %dma_start3A_1367] : memref<43008x128xf32, #tpu.memory_space<hbm>> -> memref<168x128xf32, #tpu.memory_space<hbm>>
    %dma_start3A_1369 = arith.constant 0 : i32
    %dma_start3A_1370 = tpu.memref_slice %arg11[%add3A_1361, %dma_start3A_1369] : memref<43008x128xf32, #tpu.memory_space<hbm>> -> memref<168x128xf32, #tpu.memory_space<hbm>>
    %dma_start3A_1371 = arith.constant 0 : i32
    %dma_start3A_1372 = arith.constant 0 : i32
    %dma_start3A_1373 = tpu.memref_slice %arg16[%dma_start3A_1362, %dma_start3A_1371, %dma_start3A_1372] : memref<4x168x128xf32, #tpu.memory_space<vmem>> -> memref<1x168x128xf32, #tpu.memory_space<vmem>>
    %dma_start3A_1374 = tpu.memref_squeeze %dma_start3A_1373 : memref<1x168x128xf32, #tpu.memory_space<vmem>> -> memref<168x128xf32, #tpu.memory_space<vmem>>
    tpu.enqueue_dma source(%dma_start3A_1374 : memref<168x128xf32, #tpu.memory_space<vmem>>) target(%dma_start3A_1370 : memref<168x128xf32, #tpu.memory_space<hbm>>) target_semaphore(%arg22 : memref<!tpu.dma_semaphore, #tpu.memory_space<semaphore_mem>>)
    %dma_wait3A_1375 = arith.constant 2 : i32
    %dma_wait3A_1376 = arith.constant 0 : i32
    %dma_wait3A_1377 = arith.constant 0 : i32
    %dma_wait3A_1378 = tpu.memref_slice %arg16[%dma_wait3A_1375, %dma_wait3A_1376, %dma_wait3A_1377] : memref<4x168x128xf32, #tpu.memory_space<vmem>> -> memref<1x168x128xf32, #tpu.memory_space<vmem>>
    %dma_wait3A_1379 = tpu.memref_squeeze %dma_wait3A_1378 : memref<1x168x128xf32, #tpu.memory_space<vmem>> -> memref<168x128xf32, #tpu.memory_space<vmem>>
    %dma_wait3A_1380 = arith.constant 0 : i32
    %dma_wait3A_1381 = arith.constant 0 : i32
    %dma_wait3A_1382 = tpu.memref_slice %arg3[%dma_wait3A_1380, %dma_wait3A_1381] : memref<4320x128xf32, #tpu.memory_space<hbm>> -> memref<4320x128xf32, #tpu.memory_space<hbm>>
    tpu.wait_indirect_dma semaphore(%arg19 : memref<!tpu.dma_semaphore, #tpu.memory_space<semaphore_mem>>) src(%dma_wait3A_1382 : memref<4320x128xf32, #tpu.memory_space<hbm>>) dst(%dma_wait3A_1379 : memref<168x128xf32, #tpu.memory_space<vmem>>)
    %add3A_1383 = arith.constant 1008 : i32
    %add3A_1384 = arith.addi %mul3A_2, %add3A_1383 : i32
    %dma_start3A_1385 = arith.constant 2 : i32
    %dma_start3A_1386 = arith.constant 0 : i32
    %dma_start3A_1387 = arith.constant 0 : i32
    %dma_start3A_1388 = tpu.memref_slice %arg16[%dma_start3A_1385, %dma_start3A_1386, %dma_start3A_1387] : memref<4x168x128xf32, #tpu.memory_space<vmem>> -> memref<1x168x128xf32, #tpu.memory_space<vmem>>
    %dma_start3A_1389 = tpu.memref_squeeze %dma_start3A_1388 : memref<1x168x128xf32, #tpu.memory_space<vmem>> -> memref<168x128xf32, #tpu.memory_space<vmem>>
    %dma_start3A_1390 = arith.constant 0 : i32
    %dma_start3A_1391 = tpu.memref_slice %arg11[%add3A_1384, %dma_start3A_1390] : memref<43008x128xf32, #tpu.memory_space<hbm>> -> memref<168x128xf32, #tpu.memory_space<hbm>>
    %dma_start3A_1392 = arith.constant 0 : i32
    %dma_start3A_1393 = tpu.memref_slice %arg11[%add3A_1384, %dma_start3A_1392] : memref<43008x128xf32, #tpu.memory_space<hbm>> -> memref<168x128xf32, #tpu.memory_space<hbm>>
    %dma_start3A_1394 = arith.constant 0 : i32
    %dma_start3A_1395 = arith.constant 0 : i32
    %dma_start3A_1396 = tpu.memref_slice %arg16[%dma_start3A_1385, %dma_start3A_1394, %dma_start3A_1395] : memref<4x168x128xf32, #tpu.memory_space<vmem>> -> memref<1x168x128xf32, #tpu.memory_space<vmem>>
    %dma_start3A_1397 = tpu.memref_squeeze %dma_start3A_1396 : memref<1x168x128xf32, #tpu.memory_space<vmem>> -> memref<168x128xf32, #tpu.memory_space<vmem>>
    tpu.enqueue_dma source(%dma_start3A_1397 : memref<168x128xf32, #tpu.memory_space<vmem>>) target(%dma_start3A_1393 : memref<168x128xf32, #tpu.memory_space<hbm>>) target_semaphore(%arg23 : memref<!tpu.dma_semaphore, #tpu.memory_space<semaphore_mem>>)
    %dma_wait3A_1398 = arith.constant 3 : i32
    %dma_wait3A_1399 = arith.constant 0 : i32
    %dma_wait3A_1400 = arith.constant 0 : i32
    %dma_wait3A_1401 = tpu.memref_slice %arg16[%dma_wait3A_1398, %dma_wait3A_1399, %dma_wait3A_1400] : memref<4x168x128xf32, #tpu.memory_space<vmem>> -> memref<1x168x128xf32, #tpu.memory_space<vmem>>
    %dma_wait3A_1402 = tpu.memref_squeeze %dma_wait3A_1401 : memref<1x168x128xf32, #tpu.memory_space<vmem>> -> memref<168x128xf32, #tpu.memory_space<vmem>>
    %dma_wait3A_1403 = arith.constant 0 : i32
    %dma_wait3A_1404 = arith.constant 0 : i32
    %dma_wait3A_1405 = tpu.memref_slice %arg3[%dma_wait3A_1403, %dma_wait3A_1404] : memref<4320x128xf32, #tpu.memory_space<hbm>> -> memref<4320x128xf32, #tpu.memory_space<hbm>>
    tpu.wait_indirect_dma semaphore(%arg20 : memref<!tpu.dma_semaphore, #tpu.memory_space<semaphore_mem>>) src(%dma_wait3A_1405 : memref<4320x128xf32, #tpu.memory_space<hbm>>) dst(%dma_wait3A_1402 : memref<168x128xf32, #tpu.memory_space<vmem>>)
    %add3A_1406 = arith.constant 1176 : i32
    %add3A_1407 = arith.addi %mul3A_2, %add3A_1406 : i32
    %dma_start3A_1408 = arith.constant 3 : i32
    %dma_start3A_1409 = arith.constant 0 : i32
    %dma_start3A_1410 = arith.constant 0 : i32
    %dma_start3A_1411 = tpu.memref_slice %arg16[%dma_start3A_1408, %dma_start3A_1409, %dma_start3A_1410] : memref<4x168x128xf32, #tpu.memory_space<vmem>> -> memref<1x168x128xf32, #tpu.memory_space<vmem>>
    %dma_start3A_1412 = tpu.memref_squeeze %dma_start3A_1411 : memref<1x168x128xf32, #tpu.memory_space<vmem>> -> memref<168x128xf32, #tpu.memory_space<vmem>>
    %dma_start3A_1413 = arith.constant 0 : i32
    %dma_start3A_1414 = tpu.memref_slice %arg11[%add3A_1407, %dma_start3A_1413] : memref<43008x128xf32, #tpu.memory_space<hbm>> -> memref<168x128xf32, #tpu.memory_space<hbm>>
    %dma_start3A_1415 = arith.constant 0 : i32
    %dma_start3A_1416 = tpu.memref_slice %arg11[%add3A_1407, %dma_start3A_1415] : memref<43008x128xf32, #tpu.memory_space<hbm>> -> memref<168x128xf32, #tpu.memory_space<hbm>>
    %dma_start3A_1417 = arith.constant 0 : i32
    %dma_start3A_1418 = arith.constant 0 : i32
    %dma_start3A_1419 = tpu.memref_slice %arg16[%dma_start3A_1408, %dma_start3A_1417, %dma_start3A_1418] : memref<4x168x128xf32, #tpu.memory_space<vmem>> -> memref<1x168x128xf32, #tpu.memory_space<vmem>>
    %dma_start3A_1420 = tpu.memref_squeeze %dma_start3A_1419 : memref<1x168x128xf32, #tpu.memory_space<vmem>> -> memref<168x128xf32, #tpu.memory_space<vmem>>
    tpu.enqueue_dma source(%dma_start3A_1420 : memref<168x128xf32, #tpu.memory_space<vmem>>) target(%dma_start3A_1416 : memref<168x128xf32, #tpu.memory_space<hbm>>) target_semaphore(%arg24 : memref<!tpu.dma_semaphore, #tpu.memory_space<semaphore_mem>>)
    %dma_wait3A_1421 = arith.constant 0 : i32
    %dma_wait3A_1422 = arith.constant 0 : i32
    %dma_wait3A_1423 = arith.constant 0 : i32
    %dma_wait3A_1424 = tpu.memref_slice %arg16[%dma_wait3A_1421, %dma_wait3A_1422, %dma_wait3A_1423] : memref<4x168x128xf32, #tpu.memory_space<vmem>> -> memref<1x168x128xf32, #tpu.memory_space<vmem>>
    %dma_wait3A_1425 = tpu.memref_squeeze %dma_wait3A_1424 : memref<1x168x128xf32, #tpu.memory_space<vmem>> -> memref<168x128xf32, #tpu.memory_space<vmem>>
    %dma_wait3A_1426 = arith.constant 0 : i32
    %dma_wait3A_1427 = tpu.memref_slice %arg11[%add3A_1338, %dma_wait3A_1426] : memref<43008x128xf32, #tpu.memory_space<hbm>> -> memref<168x128xf32, #tpu.memory_space<hbm>>
    %dma_wait3A_1428 = arith.constant 0 : i32
    %dma_wait3A_1429 = tpu.memref_slice %arg11[%add3A_1338, %dma_wait3A_1428] : memref<43008x128xf32, #tpu.memory_space<hbm>> -> memref<168x128xf32, #tpu.memory_space<hbm>>
    %dma_wait3A_1430 = arith.constant 0 : i32
    %dma_wait3A_1431 = arith.constant 0 : i32
    %dma_wait3A_1432 = tpu.memref_slice %arg16[%dma_wait3A_1421, %dma_wait3A_1430, %dma_wait3A_1431] : memref<4x168x128xf32, #tpu.memory_space<vmem>> -> memref<1x168x128xf32, #tpu.memory_space<vmem>>
    %dma_wait3A_1433 = tpu.memref_squeeze %dma_wait3A_1432 : memref<1x168x128xf32, #tpu.memory_space<vmem>> -> memref<168x128xf32, #tpu.memory_space<vmem>>
    tpu.wait_dma2 semaphore(%arg21 : memref<!tpu.dma_semaphore, #tpu.memory_space<semaphore_mem>>) src(%dma_wait3A_1433 : memref<168x128xf32, #tpu.memory_space<vmem>>) dst(%dma_wait3A_1429 : memref<168x128xf32, #tpu.memory_space<hbm>>)
    %dma_wait3A_1434 = arith.constant 1 : i32
    %dma_wait3A_1435 = arith.constant 0 : i32
    %dma_wait3A_1436 = arith.constant 0 : i32
    %dma_wait3A_1437 = tpu.memref_slice %arg16[%dma_wait3A_1434, %dma_wait3A_1435, %dma_wait3A_1436] : memref<4x168x128xf32, #tpu.memory_space<vmem>> -> memref<1x168x128xf32, #tpu.memory_space<vmem>>
    %dma_wait3A_1438 = tpu.memref_squeeze %dma_wait3A_1437 : memref<1x168x128xf32, #tpu.memory_space<vmem>> -> memref<168x128xf32, #tpu.memory_space<vmem>>
    %dma_wait3A_1439 = arith.constant 0 : i32
    %dma_wait3A_1440 = tpu.memref_slice %arg11[%add3A_1361, %dma_wait3A_1439] : memref<43008x128xf32, #tpu.memory_space<hbm>> -> memref<168x128xf32, #tpu.memory_space<hbm>>
    %dma_wait3A_1441 = arith.constant 0 : i32
    %dma_wait3A_1442 = tpu.memref_slice %arg11[%add3A_1361, %dma_wait3A_1441] : memref<43008x128xf32, #tpu.memory_space<hbm>> -> memref<168x128xf32, #tpu.memory_space<hbm>>
    %dma_wait3A_1443 = arith.constant 0 : i32
    %dma_wait3A_1444 = arith.constant 0 : i32
    %dma_wait3A_1445 = tpu.memref_slice %arg16[%dma_wait3A_1434, %dma_wait3A_1443, %dma_wait3A_1444] : memref<4x168x128xf32, #tpu.memory_space<vmem>> -> memref<1x168x128xf32, #tpu.memory_space<vmem>>
    %dma_wait3A_1446 = tpu.memref_squeeze %dma_wait3A_1445 : memref<1x168x128xf32, #tpu.memory_space<vmem>> -> memref<168x128xf32, #tpu.memory_space<vmem>>
    tpu.wait_dma2 semaphore(%arg22 : memref<!tpu.dma_semaphore, #tpu.memory_space<semaphore_mem>>) src(%dma_wait3A_1446 : memref<168x128xf32, #tpu.memory_space<vmem>>) dst(%dma_wait3A_1442 : memref<168x128xf32, #tpu.memory_space<hbm>>)
    %dma_wait3A_1447 = arith.constant 2 : i32
    %dma_wait3A_1448 = arith.constant 0 : i32
    %dma_wait3A_1449 = arith.constant 0 : i32
    %dma_wait3A_1450 = tpu.memref_slice %arg16[%dma_wait3A_1447, %dma_wait3A_1448, %dma_wait3A_1449] : memref<4x168x128xf32, #tpu.memory_space<vmem>> -> memref<1x168x128xf32, #tpu.memory_space<vmem>>
    %dma_wait3A_1451 = tpu.memref_squeeze %dma_wait3A_1450 : memref<1x168x128xf32, #tpu.memory_space<vmem>> -> memref<168x128xf32, #tpu.memory_space<vmem>>
    %dma_wait3A_1452 = arith.constant 0 : i32
    %dma_wait3A_1453 = tpu.memref_slice %arg11[%add3A_1384, %dma_wait3A_1452] : memref<43008x128xf32, #tpu.memory_space<hbm>> -> memref<168x128xf32, #tpu.memory_space<hbm>>
    %dma_wait3A_1454 = arith.constant 0 : i32
    %dma_wait3A_1455 = tpu.memref_slice %arg11[%add3A_1384, %dma_wait3A_1454] : memref<43008x128xf32, #tpu.memory_space<hbm>> -> memref<168x128xf32, #tpu.memory_space<hbm>>
    %dma_wait3A_1456 = arith.constant 0 : i32
    %dma_wait3A_1457 = arith.constant 0 : i32
    %dma_wait3A_1458 = tpu.memref_slice %arg16[%dma_wait3A_1447, %dma_wait3A_1456, %dma_wait3A_1457] : memref<4x168x128xf32, #tpu.memory_space<vmem>> -> memref<1x168x128xf32, #tpu.memory_space<vmem>>
    %dma_wait3A_1459 = tpu.memref_squeeze %dma_wait3A_1458 : memref<1x168x128xf32, #tpu.memory_space<vmem>> -> memref<168x128xf32, #tpu.memory_space<vmem>>
    tpu.wait_dma2 semaphore(%arg23 : memref<!tpu.dma_semaphore, #tpu.memory_space<semaphore_mem>>) src(%dma_wait3A_1459 : memref<168x128xf32, #tpu.memory_space<vmem>>) dst(%dma_wait3A_1455 : memref<168x128xf32, #tpu.memory_space<hbm>>)
    %dma_wait3A_1460 = arith.constant 3 : i32
    %dma_wait3A_1461 = arith.constant 0 : i32
    %dma_wait3A_1462 = arith.constant 0 : i32
    %dma_wait3A_1463 = tpu.memref_slice %arg16[%dma_wait3A_1460, %dma_wait3A_1461, %dma_wait3A_1462] : memref<4x168x128xf32, #tpu.memory_space<vmem>> -> memref<1x168x128xf32, #tpu.memory_space<vmem>>
    %dma_wait3A_1464 = tpu.memref_squeeze %dma_wait3A_1463 : memref<1x168x128xf32, #tpu.memory_space<vmem>> -> memref<168x128xf32, #tpu.memory_space<vmem>>
    %dma_wait3A_1465 = arith.constant 0 : i32
    %dma_wait3A_1466 = tpu.memref_slice %arg11[%add3A_1407, %dma_wait3A_1465] : memref<43008x128xf32, #tpu.memory_space<hbm>> -> memref<168x128xf32, #tpu.memory_space<hbm>>
    %dma_wait3A_1467 = arith.constant 0 : i32
    %dma_wait3A_1468 = tpu.memref_slice %arg11[%add3A_1407, %dma_wait3A_1467] : memref<43008x128xf32, #tpu.memory_space<hbm>> -> memref<168x128xf32, #tpu.memory_space<hbm>>
    %dma_wait3A_1469 = arith.constant 0 : i32
    %dma_wait3A_1470 = arith.constant 0 : i32
    %dma_wait3A_1471 = tpu.memref_slice %arg16[%dma_wait3A_1460, %dma_wait3A_1469, %dma_wait3A_1470] : memref<4x168x128xf32, #tpu.memory_space<vmem>> -> memref<1x168x128xf32, #tpu.memory_space<vmem>>
    %dma_wait3A_1472 = tpu.memref_squeeze %dma_wait3A_1471 : memref<1x168x128xf32, #tpu.memory_space<vmem>> -> memref<168x128xf32, #tpu.memory_space<vmem>>
    tpu.wait_dma2 semaphore(%arg24 : memref<!tpu.dma_semaphore, #tpu.memory_space<semaphore_mem>>) src(%dma_wait3A_1472 : memref<168x128xf32, #tpu.memory_space<vmem>>) dst(%dma_wait3A_1468 : memref<168x128xf32, #tpu.memory_space<hbm>>)
    return
  }
}

module attributes {stable_mosaic.version = 14 : i64} {
  func.func @_tc_body(%arg0: memref<128x768xf32, #tpu.memory_space<vmem>>, %arg1: memref<36x768xf32, #tpu.memory_space<vmem>>, %arg2: memref<36x768xf32, #tpu.memory_space<vmem>>, %arg3: memref<128x336xi32, #tpu.memory_space<vmem>>, %arg4: memref<128x336xi32, #tpu.memory_space<vmem>>, %arg5: memref<128x336xi32, #tpu.memory_space<vmem>>, %arg6: memref<128x336xi32, #tpu.memory_space<vmem>>, %arg7: memref<8x128xf32, #tpu.memory_space<vmem>>) attributes {dimension_semantics = [], scalar_prefetch = 0 : i64, scratch_operands = 0 : i64, tpu.core_type = #tpu.core_type<tc>} {
    %get3A = arith.constant 0 : index
    %get3A_0 = arith.constant 0 : index
    %get3A_1 = vector.load %arg0[%get3A, %get3A_0] : memref<128x768xf32, #tpu.memory_space<vmem>>, vector<128x768xf32>
    %mul3A = arith.mulf %get3A_1, %get3A_1 : vector<128x768xf32>
    %reduce_sum3A = arith.constant dense<0.000000e+00> : vector<128xf32>
    %reduce_sum3A_2 = vector.multi_reduction <add>, %mul3A, %reduce_sum3A [1] : vector<128x768xf32> to vector<128xf32>
    %broadcast_in_dim3A = vector.shape_cast %reduce_sum3A_2 : vector<128xf32> to vector<128x1xf32>
    %sqrt3A = math.sqrt %broadcast_in_dim3A : vector<128x1xf32>
    %max3A = arith.constant 9.99999996E-13 : f32
    %max3A_3 = vector.broadcast %max3A : f32 to vector<128x1xf32>
    %max3A_4 = arith.maximumf %sqrt3A, %max3A_3 : vector<128x1xf32>
    %div3A = vector.broadcast %max3A_4 : vector<128x1xf32> to vector<128x768xf32>
    %div3A_5 = arith.divf %get3A_1, %div3A : vector<128x768xf32>
    %iota3A = tpu.iota {dimensions = array<i32: 1>} : vector<128x336xi32>
    %jit3A = arith.constant 56 : i32
    %div3A_6 = vector.broadcast %jit3A : i32 to vector<128x336xi32>
    %div3A_7 = arith.divsi %iota3A, %div3A_6 : vector<128x336xi32>
    %sign3A = arith.constant 0 : i32
    %sign3A_8 = vector.broadcast %sign3A : i32 to vector<128x336xi32>
    %sign3A_9 = arith.cmpi sgt, %iota3A, %sign3A_8 : vector<128x336xi32>
    %sign3A_10 = arith.extui %sign3A_9 : vector<128x336xi1> to vector<128x336xi32>
    %sign3A_11 = arith.constant 0 : i32
    %sign3A_12 = vector.broadcast %sign3A_11 : i32 to vector<128x336xi32>
    %sign3A_13 = arith.cmpi slt, %iota3A, %sign3A_12 : vector<128x336xi32>
    %sign3A_14 = arith.extui %sign3A_13 : vector<128x336xi1> to vector<128x336xi32>
    %sign3A_15 = arith.subi %sign3A_10, %sign3A_14 : vector<128x336xi32>
    %sign3A_16 = arith.constant 0 : i32
    %sign3A_17 = arith.cmpi sgt, %jit3A, %sign3A_16 : i32
    %sign3A_18 = arith.extui %sign3A_17 : i1 to i32
    %sign3A_19 = arith.constant 0 : i32
    %sign3A_20 = arith.cmpi slt, %jit3A, %sign3A_19 : i32
    %sign3A_21 = arith.extui %sign3A_20 : i1 to i32
    %sign3A_22 = arith.subi %sign3A_18, %sign3A_21 : i32
    %ne3A = vector.broadcast %sign3A_22 : i32 to vector<128x336xi32>
    %ne3A_23 = arith.cmpi ne, %sign3A_15, %ne3A : vector<128x336xi32>
    %rem3A = vector.broadcast %jit3A : i32 to vector<128x336xi32>
    %rem3A_24 = arith.remsi %iota3A, %rem3A : vector<128x336xi32>
    %ne3A_25 = arith.constant 0 : i32
    %ne3A_26 = vector.broadcast %ne3A_25 : i32 to vector<128x336xi32>
    %ne3A_27 = arith.cmpi ne, %rem3A_24, %ne3A_26 : vector<128x336xi32>
    %and3A = arith.andi %ne3A_23, %ne3A_27 : vector<128x336xi1>
    %sub3A = arith.constant 1 : i32
    %sub3A_28 = vector.broadcast %sub3A : i32 to vector<128x336xi32>
    %sub3A_29 = arith.subi %div3A_7, %sub3A_28 : vector<128x336xi32>
    %select_n3A = arith.select %and3A, %sub3A_29, %div3A_7 : vector<128x336xi1>, vector<128x336xi32>
    %jit3A_30 = arith.constant 56 : i32
    %eq3A = arith.constant 0 : i32
    %eq3A_31 = arith.cmpi eq, %jit3A_30, %eq3A : i32
    %jit3A_32 = arith.constant 1 : i32
    %select_n3A_33 = arith.select %eq3A_31, %jit3A_32, %jit3A_30 : i32
    %rem3A_34 = vector.broadcast %select_n3A_33 : i32 to vector<128x336xi32>
    %rem3A_35 = arith.remsi %iota3A, %rem3A_34 : vector<128x336xi32>
    %ne3A_36 = arith.constant 0 : i32
    %ne3A_37 = vector.broadcast %ne3A_36 : i32 to vector<128x336xi32>
    %ne3A_38 = arith.cmpi ne, %rem3A_35, %ne3A_37 : vector<128x336xi32>
    %lt3A = arith.constant 0 : i32
    %lt3A_39 = vector.broadcast %lt3A : i32 to vector<128x336xi32>
    %lt3A_40 = arith.cmpi slt, %rem3A_35, %lt3A_39 : vector<128x336xi32>
    %lt3A_41 = arith.constant 0 : i32
    %lt3A_42 = arith.cmpi slt, %select_n3A_33, %lt3A_41 : i32
    %ne3A_43 = vector.broadcast %lt3A_42 : i1 to vector<128x336xi1>
    %ne3A_44 = vector.broadcast %ne3A_43 : vector<128x336xi1> to vector<128x336xi1>
    %ne3A_45 = arith.xori %lt3A_40, %ne3A_44 : vector<128x336xi1>
    %and3A_46 = arith.andi %ne3A_45, %ne3A_38 : vector<128x336xi1>
    %add3A = vector.broadcast %select_n3A_33 : i32 to vector<128x336xi32>
    %add3A_47 = arith.addi %rem3A_35, %add3A : vector<128x336xi32>
    %select_n3A_48 = arith.select %and3A_46, %add3A_47, %rem3A_35 : vector<128x336xi1>, vector<128x336xi32>
    %jit3A_49 = arith.constant 10 : i32
    %div3A_50 = vector.broadcast %jit3A_49 : i32 to vector<128x336xi32>
    %div3A_51 = arith.divsi %select_n3A_48, %div3A_50 : vector<128x336xi32>
    %sign3A_52 = arith.constant 0 : i32
    %sign3A_53 = vector.broadcast %sign3A_52 : i32 to vector<128x336xi32>
    %sign3A_54 = arith.cmpi sgt, %select_n3A_48, %sign3A_53 : vector<128x336xi32>
    %sign3A_55 = arith.extui %sign3A_54 : vector<128x336xi1> to vector<128x336xi32>
    %sign3A_56 = arith.constant 0 : i32
    %sign3A_57 = vector.broadcast %sign3A_56 : i32 to vector<128x336xi32>
    %sign3A_58 = arith.cmpi slt, %select_n3A_48, %sign3A_57 : vector<128x336xi32>
    %sign3A_59 = arith.extui %sign3A_58 : vector<128x336xi1> to vector<128x336xi32>
    %sign3A_60 = arith.subi %sign3A_55, %sign3A_59 : vector<128x336xi32>
    %sign3A_61 = arith.constant 0 : i32
    %sign3A_62 = arith.cmpi sgt, %jit3A_49, %sign3A_61 : i32
    %sign3A_63 = arith.extui %sign3A_62 : i1 to i32
    %sign3A_64 = arith.constant 0 : i32
    %sign3A_65 = arith.cmpi slt, %jit3A_49, %sign3A_64 : i32
    %sign3A_66 = arith.extui %sign3A_65 : i1 to i32
    %sign3A_67 = arith.subi %sign3A_63, %sign3A_66 : i32
    %ne3A_68 = vector.broadcast %sign3A_67 : i32 to vector<128x336xi32>
    %ne3A_69 = arith.cmpi ne, %sign3A_60, %ne3A_68 : vector<128x336xi32>
    %rem3A_70 = vector.broadcast %jit3A_49 : i32 to vector<128x336xi32>
    %rem3A_71 = arith.remsi %select_n3A_48, %rem3A_70 : vector<128x336xi32>
    %ne3A_72 = arith.constant 0 : i32
    %ne3A_73 = vector.broadcast %ne3A_72 : i32 to vector<128x336xi32>
    %ne3A_74 = arith.cmpi ne, %rem3A_71, %ne3A_73 : vector<128x336xi32>
    %and3A_75 = arith.andi %ne3A_69, %ne3A_74 : vector<128x336xi1>
    %sub3A_76 = arith.constant 1 : i32
    %sub3A_77 = vector.broadcast %sub3A_76 : i32 to vector<128x336xi32>
    %sub3A_78 = arith.subi %div3A_51, %sub3A_77 : vector<128x336xi32>
    %select_n3A_79 = arith.select %and3A_75, %sub3A_78, %div3A_51 : vector<128x336xi1>, vector<128x336xi32>
    %lt3A_80 = arith.constant 50 : i32
    %lt3A_81 = vector.broadcast %lt3A_80 : i32 to vector<128x336xi32>
    %lt3A_82 = arith.cmpi slt, %select_n3A_48, %lt3A_81 : vector<128x336xi32>
    %jit3A_83 = arith.constant 10 : i32
    %eq3A_84 = arith.constant 0 : i32
    %eq3A_85 = arith.cmpi eq, %jit3A_83, %eq3A_84 : i32
    %jit3A_86 = arith.constant 1 : i32
    %select_n3A_87 = arith.select %eq3A_85, %jit3A_86, %jit3A_83 : i32
    %rem3A_88 = vector.broadcast %select_n3A_87 : i32 to vector<128x336xi32>
    %rem3A_89 = arith.remsi %select_n3A_48, %rem3A_88 : vector<128x336xi32>
    %ne3A_90 = arith.constant 0 : i32
    %ne3A_91 = vector.broadcast %ne3A_90 : i32 to vector<128x336xi32>
    %ne3A_92 = arith.cmpi ne, %rem3A_89, %ne3A_91 : vector<128x336xi32>
    %lt3A_93 = arith.constant 0 : i32
    %lt3A_94 = vector.broadcast %lt3A_93 : i32 to vector<128x336xi32>
    %lt3A_95 = arith.cmpi slt, %rem3A_89, %lt3A_94 : vector<128x336xi32>
    %lt3A_96 = arith.constant 0 : i32
    %lt3A_97 = arith.cmpi slt, %select_n3A_87, %lt3A_96 : i32
    %ne3A_98 = vector.broadcast %lt3A_97 : i1 to vector<128x336xi1>
    %ne3A_99 = vector.broadcast %ne3A_98 : vector<128x336xi1> to vector<128x336xi1>
    %ne3A_100 = arith.xori %lt3A_95, %ne3A_99 : vector<128x336xi1>
    %and3A_101 = arith.andi %ne3A_100, %ne3A_92 : vector<128x336xi1>
    %add3A_102 = vector.broadcast %select_n3A_87 : i32 to vector<128x336xi32>
    %add3A_103 = arith.addi %rem3A_89, %add3A_102 : vector<128x336xi32>
    %select_n3A_104 = arith.select %and3A_101, %add3A_103, %rem3A_89 : vector<128x336xi1>, vector<128x336xi32>
    %mul3A_105 = arith.constant 6 : i32
    %mul3A_106 = vector.broadcast %mul3A_105 : i32 to vector<128x336xi32>
    %mul3A_107 = arith.muli %select_n3A_104, %mul3A_106 : vector<128x336xi32>
    %add3A_108 = arith.addi %mul3A_107, %select_n3A : vector<128x336xi32>
    %iota3A_109 = tpu.iota {dimensions = array<i32: 0>} : vector<128x336xi32>
    %mul3A_110 = arith.constant 97 : i32
    %mul3A_111 = vector.broadcast %mul3A_110 : i32 to vector<128x336xi32>
    %mul3A_112 = arith.muli %iota3A_109, %mul3A_111 : vector<128x336xi32>
    %add3A_113 = arith.addi %iota3A, %mul3A_112 : vector<128x336xi32>
    %jit3A_114 = arith.constant 4320 : i32
    %eq3A_115 = arith.constant 0 : i32
    %eq3A_116 = arith.cmpi eq, %jit3A_114, %eq3A_115 : i32
    %jit3A_117 = arith.constant 1 : i32
    %select_n3A_118 = arith.select %eq3A_116, %jit3A_117, %jit3A_114 : i32
    %rem3A_119 = vector.broadcast %select_n3A_118 : i32 to vector<128x336xi32>
    %rem3A_120 = arith.remsi %add3A_113, %rem3A_119 : vector<128x336xi32>
    %ne3A_121 = arith.constant 0 : i32
    %ne3A_122 = vector.broadcast %ne3A_121 : i32 to vector<128x336xi32>
    %ne3A_123 = arith.cmpi ne, %rem3A_120, %ne3A_122 : vector<128x336xi32>
    %lt3A_124 = arith.constant 0 : i32
    %lt3A_125 = vector.broadcast %lt3A_124 : i32 to vector<128x336xi32>
    %lt3A_126 = arith.cmpi slt, %rem3A_120, %lt3A_125 : vector<128x336xi32>
    %lt3A_127 = arith.constant 0 : i32
    %lt3A_128 = arith.cmpi slt, %select_n3A_118, %lt3A_127 : i32
    %ne3A_129 = vector.broadcast %lt3A_128 : i1 to vector<128x336xi1>
    %ne3A_130 = vector.broadcast %ne3A_129 : vector<128x336xi1> to vector<128x336xi1>
    %ne3A_131 = arith.xori %lt3A_126, %ne3A_130 : vector<128x336xi1>
    %and3A_132 = arith.andi %ne3A_131, %ne3A_123 : vector<128x336xi1>
    %add3A_133 = vector.broadcast %select_n3A_118 : i32 to vector<128x336xi32>
    %add3A_134 = arith.addi %rem3A_120, %add3A_133 : vector<128x336xi32>
    %select_n3A_135 = arith.select %and3A_132, %add3A_134, %rem3A_120 : vector<128x336xi1>, vector<128x336xi32>
    %iota3A_136 = tpu.iota {dimensions = array<i32: 1>} : vector<128x36xi32>
    %convert_element_type3A = arith.sitofp %iota3A_136 : vector<128x36xi32> to vector<128x36xf32>
    %get3A_137 = arith.constant 0 : index
    %get3A_138 = arith.constant 0 : index
    %get3A_139 = vector.load %arg1[%get3A_137, %get3A_138] : memref<36x768xf32, #tpu.memory_space<vmem>>, vector<36x768xf32>
    %mul3A_140 = arith.mulf %get3A_139, %get3A_139 : vector<36x768xf32>
    %reduce_sum3A_141 = arith.constant dense<0.000000e+00> : vector<36xf32>
    %reduce_sum3A_142 = vector.multi_reduction <add>, %mul3A_140, %reduce_sum3A_141 [1] : vector<36x768xf32> to vector<36xf32>
    %broadcast_in_dim3A_143 = vector.shape_cast %reduce_sum3A_142 : vector<36xf32> to vector<36x1xf32>
    %sqrt3A_144 = math.sqrt %broadcast_in_dim3A_143 : vector<36x1xf32>
    %max3A_145 = arith.constant 9.99999996E-13 : f32
    %max3A_146 = vector.broadcast %max3A_145 : f32 to vector<36x1xf32>
    %max3A_147 = arith.maximumf %sqrt3A_144, %max3A_146 : vector<36x1xf32>
    %div3A_148 = vector.broadcast %max3A_147 : vector<36x1xf32> to vector<36x768xf32>
    %div3A_149 = arith.divf %get3A_139, %div3A_148 : vector<36x768xf32>
    %dot_general3A = arith.constant dense<0.000000e+00> : vector<128x36xf32>
    %dot_general3A_150 = tpu.matmul %div3A_5, %div3A_149, %dot_general3A {dimension_numbers = #tpu.dot_dimension_numbers<[1], [1], [0], [0], [0, 0, 1, 0], [], []>, transpose_lhs_hint = false} : vector<128x768xf32>, vector<36x768xf32>, vector<128x36xf32> -> vector<128x36xf32>
    %reduce_max3A = arith.constant dense<0xFF800000> : vector<128xf32>
    %reduce_max3A_151 = vector.multi_reduction <maximumf>, %dot_general3A_150, %reduce_max3A [1] : vector<128x36xf32> to vector<128xf32>
    %broadcast_in_dim3A_152 = vector.shape_cast %reduce_max3A_151 : vector<128xf32> to vector<128x1xf32>
    %eq3A_153 = vector.broadcast %broadcast_in_dim3A_152 : vector<128x1xf32> to vector<128x36xf32>
    %eq3A_154 = arith.cmpf oeq, %dot_general3A_150, %eq3A_153 : vector<128x36xf32>
    %jit3A_155 = arith.constant 3.600000e+01 : f32
    %broadcast_in_dim3A_156 = vector.broadcast %jit3A_155 : f32 to vector<128x36xf32>
    %select_n3A_157 = arith.select %eq3A_154, %convert_element_type3A, %broadcast_in_dim3A_156 : vector<128x36xi1>, vector<128x36xf32>
    %reduce_min3A = arith.constant dense<0x7F800000> : vector<128xf32>
    %reduce_min3A_158 = vector.multi_reduction <minimumf>, %select_n3A_157, %reduce_min3A [1] : vector<128x36xf32> to vector<128xf32>
    %broadcast_in_dim3A_159 = vector.shape_cast %reduce_min3A_158 : vector<128xf32> to vector<128x1xf32>
    %eq3A_160 = vector.broadcast %broadcast_in_dim3A_159 : vector<128x1xf32> to vector<128x36xf32>
    %eq3A_161 = arith.cmpf oeq, %convert_element_type3A, %eq3A_160 : vector<128x36xf32>
    %jit3A_162 = arith.constant 0xFF800000 : f32
    %broadcast_in_dim3A_163 = vector.broadcast %jit3A_162 : f32 to vector<128x36xf32>
    %select_n3A_164 = arith.select %eq3A_161, %broadcast_in_dim3A_163, %dot_general3A_150 : vector<128x36xi1>, vector<128x36xf32>
    %reduce_max3A_165 = arith.constant dense<0xFF800000> : vector<128xf32>
    %reduce_max3A_166 = vector.multi_reduction <maximumf>, %select_n3A_164, %reduce_max3A_165 [1] : vector<128x36xf32> to vector<128xf32>
    %broadcast_in_dim3A_167 = vector.shape_cast %reduce_max3A_166 : vector<128xf32> to vector<128x1xf32>
    %eq3A_168 = vector.broadcast %broadcast_in_dim3A_167 : vector<128x1xf32> to vector<128x36xf32>
    %eq3A_169 = arith.cmpf oeq, %select_n3A_164, %eq3A_168 : vector<128x36xf32>
    %jit3A_170 = arith.constant 3.600000e+01 : f32
    %broadcast_in_dim3A_171 = vector.broadcast %jit3A_170 : f32 to vector<128x36xf32>
    %select_n3A_172 = arith.select %eq3A_169, %convert_element_type3A, %broadcast_in_dim3A_171 : vector<128x36xi1>, vector<128x36xf32>
    %reduce_min3A_173 = arith.constant dense<0x7F800000> : vector<128xf32>
    %reduce_min3A_174 = vector.multi_reduction <minimumf>, %select_n3A_172, %reduce_min3A_173 [1] : vector<128x36xf32> to vector<128xf32>
    %broadcast_in_dim3A_175 = vector.shape_cast %reduce_min3A_174 : vector<128xf32> to vector<128x1xf32>
    %eq3A_176 = vector.broadcast %broadcast_in_dim3A_175 : vector<128x1xf32> to vector<128x36xf32>
    %eq3A_177 = arith.cmpf oeq, %convert_element_type3A, %eq3A_176 : vector<128x36xf32>
    %jit3A_178 = arith.constant 0xFF800000 : f32
    %broadcast_in_dim3A_179 = vector.broadcast %jit3A_178 : f32 to vector<128x36xf32>
    %select_n3A_180 = arith.select %eq3A_177, %broadcast_in_dim3A_179, %select_n3A_164 : vector<128x36xi1>, vector<128x36xf32>
    %reduce_max3A_181 = arith.constant dense<0xFF800000> : vector<128xf32>
    %reduce_max3A_182 = vector.multi_reduction <maximumf>, %select_n3A_180, %reduce_max3A_181 [1] : vector<128x36xf32> to vector<128xf32>
    %broadcast_in_dim3A_183 = vector.shape_cast %reduce_max3A_182 : vector<128xf32> to vector<128x1xf32>
    %eq3A_184 = vector.broadcast %broadcast_in_dim3A_183 : vector<128x1xf32> to vector<128x36xf32>
    %eq3A_185 = arith.cmpf oeq, %select_n3A_180, %eq3A_184 : vector<128x36xf32>
    %jit3A_186 = arith.constant 3.600000e+01 : f32
    %broadcast_in_dim3A_187 = vector.broadcast %jit3A_186 : f32 to vector<128x36xf32>
    %select_n3A_188 = arith.select %eq3A_185, %convert_element_type3A, %broadcast_in_dim3A_187 : vector<128x36xi1>, vector<128x36xf32>
    %reduce_min3A_189 = arith.constant dense<0x7F800000> : vector<128xf32>
    %reduce_min3A_190 = vector.multi_reduction <minimumf>, %select_n3A_188, %reduce_min3A_189 [1] : vector<128x36xf32> to vector<128xf32>
    %broadcast_in_dim3A_191 = vector.shape_cast %reduce_min3A_190 : vector<128xf32> to vector<128x1xf32>
    %eq3A_192 = vector.broadcast %broadcast_in_dim3A_191 : vector<128x1xf32> to vector<128x36xf32>
    %eq3A_193 = arith.cmpf oeq, %convert_element_type3A, %eq3A_192 : vector<128x36xf32>
    %jit3A_194 = arith.constant 0xFF800000 : f32
    %broadcast_in_dim3A_195 = vector.broadcast %jit3A_194 : f32 to vector<128x36xf32>
    %select_n3A_196 = arith.select %eq3A_193, %broadcast_in_dim3A_195, %select_n3A_180 : vector<128x36xi1>, vector<128x36xf32>
    %reduce_max3A_197 = arith.constant dense<0xFF800000> : vector<128xf32>
    %reduce_max3A_198 = vector.multi_reduction <maximumf>, %select_n3A_196, %reduce_max3A_197 [1] : vector<128x36xf32> to vector<128xf32>
    %broadcast_in_dim3A_199 = vector.shape_cast %reduce_max3A_198 : vector<128xf32> to vector<128x1xf32>
    %eq3A_200 = vector.broadcast %broadcast_in_dim3A_199 : vector<128x1xf32> to vector<128x36xf32>
    %eq3A_201 = arith.cmpf oeq, %select_n3A_196, %eq3A_200 : vector<128x36xf32>
    %jit3A_202 = arith.constant 3.600000e+01 : f32
    %broadcast_in_dim3A_203 = vector.broadcast %jit3A_202 : f32 to vector<128x36xf32>
    %select_n3A_204 = arith.select %eq3A_201, %convert_element_type3A, %broadcast_in_dim3A_203 : vector<128x36xi1>, vector<128x36xf32>
    %reduce_min3A_205 = arith.constant dense<0x7F800000> : vector<128xf32>
    %reduce_min3A_206 = vector.multi_reduction <minimumf>, %select_n3A_204, %reduce_min3A_205 [1] : vector<128x36xf32> to vector<128xf32>
    %broadcast_in_dim3A_207 = vector.shape_cast %reduce_min3A_206 : vector<128xf32> to vector<128x1xf32>
    %eq3A_208 = vector.broadcast %broadcast_in_dim3A_207 : vector<128x1xf32> to vector<128x36xf32>
    %eq3A_209 = arith.cmpf oeq, %convert_element_type3A, %eq3A_208 : vector<128x36xf32>
    %jit3A_210 = arith.constant 0xFF800000 : f32
    %broadcast_in_dim3A_211 = vector.broadcast %jit3A_210 : f32 to vector<128x36xf32>
    %select_n3A_212 = arith.select %eq3A_209, %broadcast_in_dim3A_211, %select_n3A_196 : vector<128x36xi1>, vector<128x36xf32>
    %reduce_max3A_213 = arith.constant dense<0xFF800000> : vector<128xf32>
    %reduce_max3A_214 = vector.multi_reduction <maximumf>, %select_n3A_212, %reduce_max3A_213 [1] : vector<128x36xf32> to vector<128xf32>
    %broadcast_in_dim3A_215 = vector.shape_cast %reduce_max3A_214 : vector<128xf32> to vector<128x1xf32>
    %eq3A_216 = vector.broadcast %broadcast_in_dim3A_215 : vector<128x1xf32> to vector<128x36xf32>
    %eq3A_217 = arith.cmpf oeq, %select_n3A_212, %eq3A_216 : vector<128x36xf32>
    %jit3A_218 = arith.constant 3.600000e+01 : f32
    %broadcast_in_dim3A_219 = vector.broadcast %jit3A_218 : f32 to vector<128x36xf32>
    %select_n3A_220 = arith.select %eq3A_217, %convert_element_type3A, %broadcast_in_dim3A_219 : vector<128x36xi1>, vector<128x36xf32>
    %reduce_min3A_221 = arith.constant dense<0x7F800000> : vector<128xf32>
    %reduce_min3A_222 = vector.multi_reduction <minimumf>, %select_n3A_220, %reduce_min3A_221 [1] : vector<128x36xf32> to vector<128xf32>
    %broadcast_in_dim3A_223 = vector.shape_cast %reduce_min3A_222 : vector<128xf32> to vector<128x1xf32>
    %reduce_sum3A_224 = arith.constant dense<0.000000e+00> : vector<36xf32>
    %reduce_sum3A_225 = vector.multi_reduction <add>, %dot_general3A_150, %reduce_sum3A_224 [0] : vector<128x36xf32> to vector<36xf32>
    %broadcast_in_dim3A_226 = vector.shape_cast %reduce_sum3A_225 : vector<36xf32> to vector<1x36xf32>
    %broadcast_in_dim3A_227 = arith.constant 0.000000e+00 : f32
    %broadcast_in_dim3A_228 = vector.broadcast %broadcast_in_dim3A_227 : f32 to vector<128x336xf32>
    %eq3A_229 = vector.broadcast %broadcast_in_dim3A_159 : vector<128x1xf32> to vector<128x36xf32>
    %eq3A_230 = arith.cmpf oeq, %convert_element_type3A, %eq3A_229 : vector<128x36xf32>
    %jit3A_231 = arith.constant 0.000000e+00 : f32
    %broadcast_in_dim3A_232 = vector.shape_cast %broadcast_in_dim3A_226 : vector<1x36xf32> to vector<1x36xf32>
    %broadcast_in_dim3A_233 = vector.broadcast %broadcast_in_dim3A_232 : vector<1x36xf32> to vector<128x36xf32>
    %broadcast_in_dim3A_234 = vector.broadcast %jit3A_231 : f32 to vector<128x36xf32>
    %select_n3A_235 = arith.select %eq3A_230, %broadcast_in_dim3A_233, %broadcast_in_dim3A_234 : vector<128x36xi1>, vector<128x36xf32>
    %reduce_sum3A_236 = vector.shape_cast %select_n3A_235 : vector<128x36xf32> to vector<1x128x36xf32>
    %reduce_sum3A_237 = arith.constant dense<0.000000e+00> : vector<1xf32>
    %reduce_sum3A_238 = vector.multi_reduction <add>, %reduce_sum3A_236, %reduce_sum3A_237 [1, 2] : vector<1x128x36xf32> to vector<1xf32>
    %reduce_sum3A_239 = vector.shape_cast %reduce_sum3A_238 : vector<1xf32> to vector<1x1x1xf32>
    %reduce_sum3A_240 = vector.extract %reduce_sum3A_239[0, 0, 0] : f32 from vector<1x1x1xf32>
    %add3A_241 = arith.constant 0.000000e+00 : f32
    %add3A_242 = arith.addf %add3A_241, %reduce_sum3A_240 : f32
    %eq3A_243 = arith.constant 0 : i32
    %eq3A_244 = vector.broadcast %eq3A_243 : i32 to vector<128x336xi32>
    %eq3A_245 = arith.cmpi eq, %select_n3A_79, %eq3A_244 : vector<128x336xi32>
    %broadcast_in_dim3A_246 = vector.shape_cast %broadcast_in_dim3A_159 : vector<128x1xf32> to vector<128x1xf32>
    %broadcast_in_dim3A_247 = vector.broadcast %broadcast_in_dim3A_246 : vector<128x1xf32> to vector<128x336xf32>
    %jit3A_248 = arith.constant 0.000000e+00 : f32
    %broadcast_in_dim3A_249 = vector.broadcast %jit3A_248 : f32 to vector<128x336xf32>
    %select_n3A_250 = arith.select %eq3A_245, %broadcast_in_dim3A_247, %broadcast_in_dim3A_249 : vector<128x336xi1>, vector<128x336xf32>
    %add3A_251 = arith.addf %broadcast_in_dim3A_228, %select_n3A_250 : vector<128x336xf32>
    %eq3A_252 = vector.broadcast %broadcast_in_dim3A_175 : vector<128x1xf32> to vector<128x36xf32>
    %eq3A_253 = arith.cmpf oeq, %convert_element_type3A, %eq3A_252 : vector<128x36xf32>
    %jit3A_254 = arith.constant 0.000000e+00 : f32
    %broadcast_in_dim3A_255 = vector.shape_cast %broadcast_in_dim3A_226 : vector<1x36xf32> to vector<1x36xf32>
    %broadcast_in_dim3A_256 = vector.broadcast %broadcast_in_dim3A_255 : vector<1x36xf32> to vector<128x36xf32>
    %broadcast_in_dim3A_257 = vector.broadcast %jit3A_254 : f32 to vector<128x36xf32>
    %select_n3A_258 = arith.select %eq3A_253, %broadcast_in_dim3A_256, %broadcast_in_dim3A_257 : vector<128x36xi1>, vector<128x36xf32>
    %reduce_sum3A_259 = vector.shape_cast %select_n3A_258 : vector<128x36xf32> to vector<1x128x36xf32>
    %reduce_sum3A_260 = arith.constant dense<0.000000e+00> : vector<1xf32>
    %reduce_sum3A_261 = vector.multi_reduction <add>, %reduce_sum3A_259, %reduce_sum3A_260 [1, 2] : vector<1x128x36xf32> to vector<1xf32>
    %reduce_sum3A_262 = vector.shape_cast %reduce_sum3A_261 : vector<1xf32> to vector<1x1x1xf32>
    %reduce_sum3A_263 = vector.extract %reduce_sum3A_262[0, 0, 0] : f32 from vector<1x1x1xf32>
    %add3A_264 = arith.addf %add3A_242, %reduce_sum3A_263 : f32
    %eq3A_265 = arith.constant 1 : i32
    %eq3A_266 = vector.broadcast %eq3A_265 : i32 to vector<128x336xi32>
    %eq3A_267 = arith.cmpi eq, %select_n3A_79, %eq3A_266 : vector<128x336xi32>
    %broadcast_in_dim3A_268 = vector.shape_cast %broadcast_in_dim3A_175 : vector<128x1xf32> to vector<128x1xf32>
    %broadcast_in_dim3A_269 = vector.broadcast %broadcast_in_dim3A_268 : vector<128x1xf32> to vector<128x336xf32>
    %jit3A_270 = arith.constant 0.000000e+00 : f32
    %broadcast_in_dim3A_271 = vector.broadcast %jit3A_270 : f32 to vector<128x336xf32>
    %select_n3A_272 = arith.select %eq3A_267, %broadcast_in_dim3A_269, %broadcast_in_dim3A_271 : vector<128x336xi1>, vector<128x336xf32>
    %add3A_273 = arith.addf %add3A_251, %select_n3A_272 : vector<128x336xf32>
    %eq3A_274 = vector.broadcast %broadcast_in_dim3A_191 : vector<128x1xf32> to vector<128x36xf32>
    %eq3A_275 = arith.cmpf oeq, %convert_element_type3A, %eq3A_274 : vector<128x36xf32>
    %jit3A_276 = arith.constant 0.000000e+00 : f32
    %broadcast_in_dim3A_277 = vector.shape_cast %broadcast_in_dim3A_226 : vector<1x36xf32> to vector<1x36xf32>
    %broadcast_in_dim3A_278 = vector.broadcast %broadcast_in_dim3A_277 : vector<1x36xf32> to vector<128x36xf32>
    %broadcast_in_dim3A_279 = vector.broadcast %jit3A_276 : f32 to vector<128x36xf32>
    %select_n3A_280 = arith.select %eq3A_275, %broadcast_in_dim3A_278, %broadcast_in_dim3A_279 : vector<128x36xi1>, vector<128x36xf32>
    %reduce_sum3A_281 = vector.shape_cast %select_n3A_280 : vector<128x36xf32> to vector<1x128x36xf32>
    %reduce_sum3A_282 = arith.constant dense<0.000000e+00> : vector<1xf32>
    %reduce_sum3A_283 = vector.multi_reduction <add>, %reduce_sum3A_281, %reduce_sum3A_282 [1, 2] : vector<1x128x36xf32> to vector<1xf32>
    %reduce_sum3A_284 = vector.shape_cast %reduce_sum3A_283 : vector<1xf32> to vector<1x1x1xf32>
    %reduce_sum3A_285 = vector.extract %reduce_sum3A_284[0, 0, 0] : f32 from vector<1x1x1xf32>
    %add3A_286 = arith.addf %add3A_264, %reduce_sum3A_285 : f32
    %eq3A_287 = arith.constant 2 : i32
    %eq3A_288 = vector.broadcast %eq3A_287 : i32 to vector<128x336xi32>
    %eq3A_289 = arith.cmpi eq, %select_n3A_79, %eq3A_288 : vector<128x336xi32>
    %broadcast_in_dim3A_290 = vector.shape_cast %broadcast_in_dim3A_191 : vector<128x1xf32> to vector<128x1xf32>
    %broadcast_in_dim3A_291 = vector.broadcast %broadcast_in_dim3A_290 : vector<128x1xf32> to vector<128x336xf32>
    %jit3A_292 = arith.constant 0.000000e+00 : f32
    %broadcast_in_dim3A_293 = vector.broadcast %jit3A_292 : f32 to vector<128x336xf32>
    %select_n3A_294 = arith.select %eq3A_289, %broadcast_in_dim3A_291, %broadcast_in_dim3A_293 : vector<128x336xi1>, vector<128x336xf32>
    %add3A_295 = arith.addf %add3A_273, %select_n3A_294 : vector<128x336xf32>
    %eq3A_296 = vector.broadcast %broadcast_in_dim3A_207 : vector<128x1xf32> to vector<128x36xf32>
    %eq3A_297 = arith.cmpf oeq, %convert_element_type3A, %eq3A_296 : vector<128x36xf32>
    %jit3A_298 = arith.constant 0.000000e+00 : f32
    %broadcast_in_dim3A_299 = vector.shape_cast %broadcast_in_dim3A_226 : vector<1x36xf32> to vector<1x36xf32>
    %broadcast_in_dim3A_300 = vector.broadcast %broadcast_in_dim3A_299 : vector<1x36xf32> to vector<128x36xf32>
    %broadcast_in_dim3A_301 = vector.broadcast %jit3A_298 : f32 to vector<128x36xf32>
    %select_n3A_302 = arith.select %eq3A_297, %broadcast_in_dim3A_300, %broadcast_in_dim3A_301 : vector<128x36xi1>, vector<128x36xf32>
    %reduce_sum3A_303 = vector.shape_cast %select_n3A_302 : vector<128x36xf32> to vector<1x128x36xf32>
    %reduce_sum3A_304 = arith.constant dense<0.000000e+00> : vector<1xf32>
    %reduce_sum3A_305 = vector.multi_reduction <add>, %reduce_sum3A_303, %reduce_sum3A_304 [1, 2] : vector<1x128x36xf32> to vector<1xf32>
    %reduce_sum3A_306 = vector.shape_cast %reduce_sum3A_305 : vector<1xf32> to vector<1x1x1xf32>
    %reduce_sum3A_307 = vector.extract %reduce_sum3A_306[0, 0, 0] : f32 from vector<1x1x1xf32>
    %add3A_308 = arith.addf %add3A_286, %reduce_sum3A_307 : f32
    %eq3A_309 = arith.constant 3 : i32
    %eq3A_310 = vector.broadcast %eq3A_309 : i32 to vector<128x336xi32>
    %eq3A_311 = arith.cmpi eq, %select_n3A_79, %eq3A_310 : vector<128x336xi32>
    %broadcast_in_dim3A_312 = vector.shape_cast %broadcast_in_dim3A_207 : vector<128x1xf32> to vector<128x1xf32>
    %broadcast_in_dim3A_313 = vector.broadcast %broadcast_in_dim3A_312 : vector<128x1xf32> to vector<128x336xf32>
    %jit3A_314 = arith.constant 0.000000e+00 : f32
    %broadcast_in_dim3A_315 = vector.broadcast %jit3A_314 : f32 to vector<128x336xf32>
    %select_n3A_316 = arith.select %eq3A_311, %broadcast_in_dim3A_313, %broadcast_in_dim3A_315 : vector<128x336xi1>, vector<128x336xf32>
    %add3A_317 = arith.addf %add3A_295, %select_n3A_316 : vector<128x336xf32>
    %eq3A_318 = vector.broadcast %broadcast_in_dim3A_223 : vector<128x1xf32> to vector<128x36xf32>
    %eq3A_319 = arith.cmpf oeq, %convert_element_type3A, %eq3A_318 : vector<128x36xf32>
    %jit3A_320 = arith.constant 0.000000e+00 : f32
    %broadcast_in_dim3A_321 = vector.shape_cast %broadcast_in_dim3A_226 : vector<1x36xf32> to vector<1x36xf32>
    %broadcast_in_dim3A_322 = vector.broadcast %broadcast_in_dim3A_321 : vector<1x36xf32> to vector<128x36xf32>
    %broadcast_in_dim3A_323 = vector.broadcast %jit3A_320 : f32 to vector<128x36xf32>
    %select_n3A_324 = arith.select %eq3A_319, %broadcast_in_dim3A_322, %broadcast_in_dim3A_323 : vector<128x36xi1>, vector<128x36xf32>
    %reduce_sum3A_325 = vector.shape_cast %select_n3A_324 : vector<128x36xf32> to vector<1x128x36xf32>
    %reduce_sum3A_326 = arith.constant dense<0.000000e+00> : vector<1xf32>
    %reduce_sum3A_327 = vector.multi_reduction <add>, %reduce_sum3A_325, %reduce_sum3A_326 [1, 2] : vector<1x128x36xf32> to vector<1xf32>
    %reduce_sum3A_328 = vector.shape_cast %reduce_sum3A_327 : vector<1xf32> to vector<1x1x1xf32>
    %reduce_sum3A_329 = vector.extract %reduce_sum3A_328[0, 0, 0] : f32 from vector<1x1x1xf32>
    %add3A_330 = arith.addf %add3A_308, %reduce_sum3A_329 : f32
    %eq3A_331 = arith.constant 4 : i32
    %eq3A_332 = vector.broadcast %eq3A_331 : i32 to vector<128x336xi32>
    %eq3A_333 = arith.cmpi eq, %select_n3A_79, %eq3A_332 : vector<128x336xi32>
    %broadcast_in_dim3A_334 = vector.shape_cast %broadcast_in_dim3A_223 : vector<128x1xf32> to vector<128x1xf32>
    %broadcast_in_dim3A_335 = vector.broadcast %broadcast_in_dim3A_334 : vector<128x1xf32> to vector<128x336xf32>
    %jit3A_336 = arith.constant 0.000000e+00 : f32
    %broadcast_in_dim3A_337 = vector.broadcast %jit3A_336 : f32 to vector<128x336xf32>
    %select_n3A_338 = arith.select %eq3A_333, %broadcast_in_dim3A_335, %broadcast_in_dim3A_337 : vector<128x336xi1>, vector<128x336xf32>
    %add3A_339 = arith.addf %add3A_317, %select_n3A_338 : vector<128x336xf32>
    %convert_element_type3A_340 = arith.fptosi %add3A_339 : vector<128x336xf32> to vector<128x336xi32>
    %mul3A_341 = arith.constant 120 : i32
    %mul3A_342 = vector.broadcast %mul3A_341 : i32 to vector<128x336xi32>
    %mul3A_343 = arith.muli %convert_element_type3A_340, %mul3A_342 : vector<128x336xi32>
    %add3A_344 = arith.addi %mul3A_343, %add3A_108 : vector<128x336xi32>
    %select_n3A_345 = arith.select %lt3A_82, %add3A_344, %select_n3A_135 : vector<128x336xi1>, vector<128x336xi32>
    %swap3A = arith.constant 0 : index
    %swap3A_346 = arith.constant 0 : index
    %swap3A_347 = vector.load %arg3[%swap3A, %swap3A_346] : memref<128x336xi32, #tpu.memory_space<vmem>>, vector<128x336xi32>
    tpu.vector_store %arg3[%swap3A, %swap3A_346], %select_n3A_345 {strides = array<i32>} : memref<128x336xi32, #tpu.memory_space<vmem>>, vector<128x336xi32>,
    %add3A_348 = arith.constant 60 : i32
    %add3A_349 = vector.broadcast %add3A_348 : i32 to vector<128x336xi32>
    %add3A_350 = arith.addi %add3A_344, %add3A_349 : vector<128x336xi32>
    %select_n3A_351 = arith.select %lt3A_82, %add3A_350, %select_n3A_135 : vector<128x336xi1>, vector<128x336xi32>
    %swap3A_352 = arith.constant 0 : index
    %swap3A_353 = arith.constant 0 : index
    %swap3A_354 = vector.load %arg4[%swap3A_352, %swap3A_353] : memref<128x336xi32, #tpu.memory_space<vmem>>, vector<128x336xi32>
    tpu.vector_store %arg4[%swap3A_352, %swap3A_353], %select_n3A_351 {strides = array<i32>} : memref<128x336xi32, #tpu.memory_space<vmem>>, vector<128x336xi32>,
    %div3A_355 = arith.constant 8.192000e+04 : f32
    %div3A_356 = arith.divf %add3A_330, %div3A_355 : f32
    %sub3A_357 = arith.constant 1.000000e+00 : f32
    %sub3A_358 = arith.subf %sub3A_357, %div3A_356 : f32
    %add3A_359 = arith.constant 0.000000e+00 : f32
    %add3A_360 = arith.addf %add3A_359, %sub3A_358 : f32
    %get3A_361 = arith.constant 0 : index
    %get3A_362 = arith.constant 0 : index
    %get3A_363 = vector.load %arg2[%get3A_361, %get3A_362] : memref<36x768xf32, #tpu.memory_space<vmem>>, vector<36x768xf32>
    %mul3A_364 = arith.mulf %get3A_363, %get3A_363 : vector<36x768xf32>
    %reduce_sum3A_365 = arith.constant dense<0.000000e+00> : vector<36xf32>
    %reduce_sum3A_366 = vector.multi_reduction <add>, %mul3A_364, %reduce_sum3A_365 [1] : vector<36x768xf32> to vector<36xf32>
    %broadcast_in_dim3A_367 = vector.shape_cast %reduce_sum3A_366 : vector<36xf32> to vector<36x1xf32>
    %sqrt3A_368 = math.sqrt %broadcast_in_dim3A_367 : vector<36x1xf32>
    %max3A_369 = arith.constant 9.99999996E-13 : f32
    %max3A_370 = vector.broadcast %max3A_369 : f32 to vector<36x1xf32>
    %max3A_371 = arith.maximumf %sqrt3A_368, %max3A_370 : vector<36x1xf32>
    %div3A_372 = vector.broadcast %max3A_371 : vector<36x1xf32> to vector<36x768xf32>
    %div3A_373 = arith.divf %get3A_363, %div3A_372 : vector<36x768xf32>
    %dot_general3A_374 = arith.constant dense<0.000000e+00> : vector<128x36xf32>
    %dot_general3A_375 = tpu.matmul %div3A_5, %div3A_373, %dot_general3A_374 {dimension_numbers = #tpu.dot_dimension_numbers<[1], [1], [0], [0], [0, 0, 1, 0], [], []>, transpose_lhs_hint = false} : vector<128x768xf32>, vector<36x768xf32>, vector<128x36xf32> -> vector<128x36xf32>
    %reduce_max3A_376 = arith.constant dense<0xFF800000> : vector<128xf32>
    %reduce_max3A_377 = vector.multi_reduction <maximumf>, %dot_general3A_375, %reduce_max3A_376 [1] : vector<128x36xf32> to vector<128xf32>
    %broadcast_in_dim3A_378 = vector.shape_cast %reduce_max3A_377 : vector<128xf32> to vector<128x1xf32>
    %eq3A_379 = vector.broadcast %broadcast_in_dim3A_378 : vector<128x1xf32> to vector<128x36xf32>
    %eq3A_380 = arith.cmpf oeq, %dot_general3A_375, %eq3A_379 : vector<128x36xf32>
    %jit3A_381 = arith.constant 3.600000e+01 : f32
    %broadcast_in_dim3A_382 = vector.broadcast %jit3A_381 : f32 to vector<128x36xf32>
    %select_n3A_383 = arith.select %eq3A_380, %convert_element_type3A, %broadcast_in_dim3A_382 : vector<128x36xi1>, vector<128x36xf32>
    %reduce_min3A_384 = arith.constant dense<0x7F800000> : vector<128xf32>
    %reduce_min3A_385 = vector.multi_reduction <minimumf>, %select_n3A_383, %reduce_min3A_384 [1] : vector<128x36xf32> to vector<128xf32>
    %broadcast_in_dim3A_386 = vector.shape_cast %reduce_min3A_385 : vector<128xf32> to vector<128x1xf32>
    %eq3A_387 = vector.broadcast %broadcast_in_dim3A_386 : vector<128x1xf32> to vector<128x36xf32>
    %eq3A_388 = arith.cmpf oeq, %convert_element_type3A, %eq3A_387 : vector<128x36xf32>
    %jit3A_389 = arith.constant 0xFF800000 : f32
    %broadcast_in_dim3A_390 = vector.broadcast %jit3A_389 : f32 to vector<128x36xf32>
    %select_n3A_391 = arith.select %eq3A_388, %broadcast_in_dim3A_390, %dot_general3A_375 : vector<128x36xi1>, vector<128x36xf32>
    %reduce_max3A_392 = arith.constant dense<0xFF800000> : vector<128xf32>
    %reduce_max3A_393 = vector.multi_reduction <maximumf>, %select_n3A_391, %reduce_max3A_392 [1] : vector<128x36xf32> to vector<128xf32>
    %broadcast_in_dim3A_394 = vector.shape_cast %reduce_max3A_393 : vector<128xf32> to vector<128x1xf32>
    %eq3A_395 = vector.broadcast %broadcast_in_dim3A_394 : vector<128x1xf32> to vector<128x36xf32>
    %eq3A_396 = arith.cmpf oeq, %select_n3A_391, %eq3A_395 : vector<128x36xf32>
    %jit3A_397 = arith.constant 3.600000e+01 : f32
    %broadcast_in_dim3A_398 = vector.broadcast %jit3A_397 : f32 to vector<128x36xf32>
    %select_n3A_399 = arith.select %eq3A_396, %convert_element_type3A, %broadcast_in_dim3A_398 : vector<128x36xi1>, vector<128x36xf32>
    %reduce_min3A_400 = arith.constant dense<0x7F800000> : vector<128xf32>
    %reduce_min3A_401 = vector.multi_reduction <minimumf>, %select_n3A_399, %reduce_min3A_400 [1] : vector<128x36xf32> to vector<128xf32>
    %broadcast_in_dim3A_402 = vector.shape_cast %reduce_min3A_401 : vector<128xf32> to vector<128x1xf32>
    %eq3A_403 = vector.broadcast %broadcast_in_dim3A_402 : vector<128x1xf32> to vector<128x36xf32>
    %eq3A_404 = arith.cmpf oeq, %convert_element_type3A, %eq3A_403 : vector<128x36xf32>
    %jit3A_405 = arith.constant 0xFF800000 : f32
    %broadcast_in_dim3A_406 = vector.broadcast %jit3A_405 : f32 to vector<128x36xf32>
    %select_n3A_407 = arith.select %eq3A_404, %broadcast_in_dim3A_406, %select_n3A_391 : vector<128x36xi1>, vector<128x36xf32>
    %reduce_max3A_408 = arith.constant dense<0xFF800000> : vector<128xf32>
    %reduce_max3A_409 = vector.multi_reduction <maximumf>, %select_n3A_407, %reduce_max3A_408 [1] : vector<128x36xf32> to vector<128xf32>
    %broadcast_in_dim3A_410 = vector.shape_cast %reduce_max3A_409 : vector<128xf32> to vector<128x1xf32>
    %eq3A_411 = vector.broadcast %broadcast_in_dim3A_410 : vector<128x1xf32> to vector<128x36xf32>
    %eq3A_412 = arith.cmpf oeq, %select_n3A_407, %eq3A_411 : vector<128x36xf32>
    %jit3A_413 = arith.constant 3.600000e+01 : f32
    %broadcast_in_dim3A_414 = vector.broadcast %jit3A_413 : f32 to vector<128x36xf32>
    %select_n3A_415 = arith.select %eq3A_412, %convert_element_type3A, %broadcast_in_dim3A_414 : vector<128x36xi1>, vector<128x36xf32>
    %reduce_min3A_416 = arith.constant dense<0x7F800000> : vector<128xf32>
    %reduce_min3A_417 = vector.multi_reduction <minimumf>, %select_n3A_415, %reduce_min3A_416 [1] : vector<128x36xf32> to vector<128xf32>
    %broadcast_in_dim3A_418 = vector.shape_cast %reduce_min3A_417 : vector<128xf32> to vector<128x1xf32>
    %eq3A_419 = vector.broadcast %broadcast_in_dim3A_418 : vector<128x1xf32> to vector<128x36xf32>
    %eq3A_420 = arith.cmpf oeq, %convert_element_type3A, %eq3A_419 : vector<128x36xf32>
    %jit3A_421 = arith.constant 0xFF800000 : f32
    %broadcast_in_dim3A_422 = vector.broadcast %jit3A_421 : f32 to vector<128x36xf32>
    %select_n3A_423 = arith.select %eq3A_420, %broadcast_in_dim3A_422, %select_n3A_407 : vector<128x36xi1>, vector<128x36xf32>
    %reduce_max3A_424 = arith.constant dense<0xFF800000> : vector<128xf32>
    %reduce_max3A_425 = vector.multi_reduction <maximumf>, %select_n3A_423, %reduce_max3A_424 [1] : vector<128x36xf32> to vector<128xf32>
    %broadcast_in_dim3A_426 = vector.shape_cast %reduce_max3A_425 : vector<128xf32> to vector<128x1xf32>
    %eq3A_427 = vector.broadcast %broadcast_in_dim3A_426 : vector<128x1xf32> to vector<128x36xf32>
    %eq3A_428 = arith.cmpf oeq, %select_n3A_423, %eq3A_427 : vector<128x36xf32>
    %jit3A_429 = arith.constant 3.600000e+01 : f32
    %broadcast_in_dim3A_430 = vector.broadcast %jit3A_429 : f32 to vector<128x36xf32>
    %select_n3A_431 = arith.select %eq3A_428, %convert_element_type3A, %broadcast_in_dim3A_430 : vector<128x36xi1>, vector<128x36xf32>
    %reduce_min3A_432 = arith.constant dense<0x7F800000> : vector<128xf32>
    %reduce_min3A_433 = vector.multi_reduction <minimumf>, %select_n3A_431, %reduce_min3A_432 [1] : vector<128x36xf32> to vector<128xf32>
    %broadcast_in_dim3A_434 = vector.shape_cast %reduce_min3A_433 : vector<128xf32> to vector<128x1xf32>
    %eq3A_435 = vector.broadcast %broadcast_in_dim3A_434 : vector<128x1xf32> to vector<128x36xf32>
    %eq3A_436 = arith.cmpf oeq, %convert_element_type3A, %eq3A_435 : vector<128x36xf32>
    %jit3A_437 = arith.constant 0xFF800000 : f32
    %broadcast_in_dim3A_438 = vector.broadcast %jit3A_437 : f32 to vector<128x36xf32>
    %select_n3A_439 = arith.select %eq3A_436, %broadcast_in_dim3A_438, %select_n3A_423 : vector<128x36xi1>, vector<128x36xf32>
    %reduce_max3A_440 = arith.constant dense<0xFF800000> : vector<128xf32>
    %reduce_max3A_441 = vector.multi_reduction <maximumf>, %select_n3A_439, %reduce_max3A_440 [1] : vector<128x36xf32> to vector<128xf32>
    %broadcast_in_dim3A_442 = vector.shape_cast %reduce_max3A_441 : vector<128xf32> to vector<128x1xf32>
    %eq3A_443 = vector.broadcast %broadcast_in_dim3A_442 : vector<128x1xf32> to vector<128x36xf32>
    %eq3A_444 = arith.cmpf oeq, %select_n3A_439, %eq3A_443 : vector<128x36xf32>
    %jit3A_445 = arith.constant 3.600000e+01 : f32
    %broadcast_in_dim3A_446 = vector.broadcast %jit3A_445 : f32 to vector<128x36xf32>
    %select_n3A_447 = arith.select %eq3A_444, %convert_element_type3A, %broadcast_in_dim3A_446 : vector<128x36xi1>, vector<128x36xf32>
    %reduce_min3A_448 = arith.constant dense<0x7F800000> : vector<128xf32>
    %reduce_min3A_449 = vector.multi_reduction <minimumf>, %select_n3A_447, %reduce_min3A_448 [1] : vector<128x36xf32> to vector<128xf32>
    %broadcast_in_dim3A_450 = vector.shape_cast %reduce_min3A_449 : vector<128xf32> to vector<128x1xf32>
    %reduce_sum3A_451 = arith.constant dense<0.000000e+00> : vector<36xf32>
    %reduce_sum3A_452 = vector.multi_reduction <add>, %dot_general3A_375, %reduce_sum3A_451 [0] : vector<128x36xf32> to vector<36xf32>
    %broadcast_in_dim3A_453 = vector.shape_cast %reduce_sum3A_452 : vector<36xf32> to vector<1x36xf32>
    %broadcast_in_dim3A_454 = arith.constant 0.000000e+00 : f32
    %broadcast_in_dim3A_455 = vector.broadcast %broadcast_in_dim3A_454 : f32 to vector<128x336xf32>
    %eq3A_456 = vector.broadcast %broadcast_in_dim3A_386 : vector<128x1xf32> to vector<128x36xf32>
    %eq3A_457 = arith.cmpf oeq, %convert_element_type3A, %eq3A_456 : vector<128x36xf32>
    %jit3A_458 = arith.constant 0.000000e+00 : f32
    %broadcast_in_dim3A_459 = vector.shape_cast %broadcast_in_dim3A_453 : vector<1x36xf32> to vector<1x36xf32>
    %broadcast_in_dim3A_460 = vector.broadcast %broadcast_in_dim3A_459 : vector<1x36xf32> to vector<128x36xf32>
    %broadcast_in_dim3A_461 = vector.broadcast %jit3A_458 : f32 to vector<128x36xf32>
    %select_n3A_462 = arith.select %eq3A_457, %broadcast_in_dim3A_460, %broadcast_in_dim3A_461 : vector<128x36xi1>, vector<128x36xf32>
    %reduce_sum3A_463 = vector.shape_cast %select_n3A_462 : vector<128x36xf32> to vector<1x128x36xf32>
    %reduce_sum3A_464 = arith.constant dense<0.000000e+00> : vector<1xf32>
    %reduce_sum3A_465 = vector.multi_reduction <add>, %reduce_sum3A_463, %reduce_sum3A_464 [1, 2] : vector<1x128x36xf32> to vector<1xf32>
    %reduce_sum3A_466 = vector.shape_cast %reduce_sum3A_465 : vector<1xf32> to vector<1x1x1xf32>
    %reduce_sum3A_467 = vector.extract %reduce_sum3A_466[0, 0, 0] : f32 from vector<1x1x1xf32>
    %add3A_468 = arith.constant 0.000000e+00 : f32
    %add3A_469 = arith.addf %add3A_468, %reduce_sum3A_467 : f32
    %eq3A_470 = arith.constant 0 : i32
    %eq3A_471 = vector.broadcast %eq3A_470 : i32 to vector<128x336xi32>
    %eq3A_472 = arith.cmpi eq, %select_n3A_79, %eq3A_471 : vector<128x336xi32>
    %broadcast_in_dim3A_473 = vector.shape_cast %broadcast_in_dim3A_386 : vector<128x1xf32> to vector<128x1xf32>
    %broadcast_in_dim3A_474 = vector.broadcast %broadcast_in_dim3A_473 : vector<128x1xf32> to vector<128x336xf32>
    %jit3A_475 = arith.constant 0.000000e+00 : f32
    %broadcast_in_dim3A_476 = vector.broadcast %jit3A_475 : f32 to vector<128x336xf32>
    %select_n3A_477 = arith.select %eq3A_472, %broadcast_in_dim3A_474, %broadcast_in_dim3A_476 : vector<128x336xi1>, vector<128x336xf32>
    %add3A_478 = arith.addf %broadcast_in_dim3A_455, %select_n3A_477 : vector<128x336xf32>
    %eq3A_479 = vector.broadcast %broadcast_in_dim3A_402 : vector<128x1xf32> to vector<128x36xf32>
    %eq3A_480 = arith.cmpf oeq, %convert_element_type3A, %eq3A_479 : vector<128x36xf32>
    %jit3A_481 = arith.constant 0.000000e+00 : f32
    %broadcast_in_dim3A_482 = vector.shape_cast %broadcast_in_dim3A_453 : vector<1x36xf32> to vector<1x36xf32>
    %broadcast_in_dim3A_483 = vector.broadcast %broadcast_in_dim3A_482 : vector<1x36xf32> to vector<128x36xf32>
    %broadcast_in_dim3A_484 = vector.broadcast %jit3A_481 : f32 to vector<128x36xf32>
    %select_n3A_485 = arith.select %eq3A_480, %broadcast_in_dim3A_483, %broadcast_in_dim3A_484 : vector<128x36xi1>, vector<128x36xf32>
    %reduce_sum3A_486 = vector.shape_cast %select_n3A_485 : vector<128x36xf32> to vector<1x128x36xf32>
    %reduce_sum3A_487 = arith.constant dense<0.000000e+00> : vector<1xf32>
    %reduce_sum3A_488 = vector.multi_reduction <add>, %reduce_sum3A_486, %reduce_sum3A_487 [1, 2] : vector<1x128x36xf32> to vector<1xf32>
    %reduce_sum3A_489 = vector.shape_cast %reduce_sum3A_488 : vector<1xf32> to vector<1x1x1xf32>
    %reduce_sum3A_490 = vector.extract %reduce_sum3A_489[0, 0, 0] : f32 from vector<1x1x1xf32>
    %add3A_491 = arith.addf %add3A_469, %reduce_sum3A_490 : f32
    %eq3A_492 = arith.constant 1 : i32
    %eq3A_493 = vector.broadcast %eq3A_492 : i32 to vector<128x336xi32>
    %eq3A_494 = arith.cmpi eq, %select_n3A_79, %eq3A_493 : vector<128x336xi32>
    %broadcast_in_dim3A_495 = vector.shape_cast %broadcast_in_dim3A_402 : vector<128x1xf32> to vector<128x1xf32>
    %broadcast_in_dim3A_496 = vector.broadcast %broadcast_in_dim3A_495 : vector<128x1xf32> to vector<128x336xf32>
    %jit3A_497 = arith.constant 0.000000e+00 : f32
    %broadcast_in_dim3A_498 = vector.broadcast %jit3A_497 : f32 to vector<128x336xf32>
    %select_n3A_499 = arith.select %eq3A_494, %broadcast_in_dim3A_496, %broadcast_in_dim3A_498 : vector<128x336xi1>, vector<128x336xf32>
    %add3A_500 = arith.addf %add3A_478, %select_n3A_499 : vector<128x336xf32>
    %eq3A_501 = vector.broadcast %broadcast_in_dim3A_418 : vector<128x1xf32> to vector<128x36xf32>
    %eq3A_502 = arith.cmpf oeq, %convert_element_type3A, %eq3A_501 : vector<128x36xf32>
    %jit3A_503 = arith.constant 0.000000e+00 : f32
    %broadcast_in_dim3A_504 = vector.shape_cast %broadcast_in_dim3A_453 : vector<1x36xf32> to vector<1x36xf32>
    %broadcast_in_dim3A_505 = vector.broadcast %broadcast_in_dim3A_504 : vector<1x36xf32> to vector<128x36xf32>
    %broadcast_in_dim3A_506 = vector.broadcast %jit3A_503 : f32 to vector<128x36xf32>
    %select_n3A_507 = arith.select %eq3A_502, %broadcast_in_dim3A_505, %broadcast_in_dim3A_506 : vector<128x36xi1>, vector<128x36xf32>
    %reduce_sum3A_508 = vector.shape_cast %select_n3A_507 : vector<128x36xf32> to vector<1x128x36xf32>
    %reduce_sum3A_509 = arith.constant dense<0.000000e+00> : vector<1xf32>
    %reduce_sum3A_510 = vector.multi_reduction <add>, %reduce_sum3A_508, %reduce_sum3A_509 [1, 2] : vector<1x128x36xf32> to vector<1xf32>
    %reduce_sum3A_511 = vector.shape_cast %reduce_sum3A_510 : vector<1xf32> to vector<1x1x1xf32>
    %reduce_sum3A_512 = vector.extract %reduce_sum3A_511[0, 0, 0] : f32 from vector<1x1x1xf32>
    %add3A_513 = arith.addf %add3A_491, %reduce_sum3A_512 : f32
    %eq3A_514 = arith.constant 2 : i32
    %eq3A_515 = vector.broadcast %eq3A_514 : i32 to vector<128x336xi32>
    %eq3A_516 = arith.cmpi eq, %select_n3A_79, %eq3A_515 : vector<128x336xi32>
    %broadcast_in_dim3A_517 = vector.shape_cast %broadcast_in_dim3A_418 : vector<128x1xf32> to vector<128x1xf32>
    %broadcast_in_dim3A_518 = vector.broadcast %broadcast_in_dim3A_517 : vector<128x1xf32> to vector<128x336xf32>
    %jit3A_519 = arith.constant 0.000000e+00 : f32
    %broadcast_in_dim3A_520 = vector.broadcast %jit3A_519 : f32 to vector<128x336xf32>
    %select_n3A_521 = arith.select %eq3A_516, %broadcast_in_dim3A_518, %broadcast_in_dim3A_520 : vector<128x336xi1>, vector<128x336xf32>
    %add3A_522 = arith.addf %add3A_500, %select_n3A_521 : vector<128x336xf32>
    %eq3A_523 = vector.broadcast %broadcast_in_dim3A_434 : vector<128x1xf32> to vector<128x36xf32>
    %eq3A_524 = arith.cmpf oeq, %convert_element_type3A, %eq3A_523 : vector<128x36xf32>
    %jit3A_525 = arith.constant 0.000000e+00 : f32
    %broadcast_in_dim3A_526 = vector.shape_cast %broadcast_in_dim3A_453 : vector<1x36xf32> to vector<1x36xf32>
    %broadcast_in_dim3A_527 = vector.broadcast %broadcast_in_dim3A_526 : vector<1x36xf32> to vector<128x36xf32>
    %broadcast_in_dim3A_528 = vector.broadcast %jit3A_525 : f32 to vector<128x36xf32>
    %select_n3A_529 = arith.select %eq3A_524, %broadcast_in_dim3A_527, %broadcast_in_dim3A_528 : vector<128x36xi1>, vector<128x36xf32>
    %reduce_sum3A_530 = vector.shape_cast %select_n3A_529 : vector<128x36xf32> to vector<1x128x36xf32>
    %reduce_sum3A_531 = arith.constant dense<0.000000e+00> : vector<1xf32>
    %reduce_sum3A_532 = vector.multi_reduction <add>, %reduce_sum3A_530, %reduce_sum3A_531 [1, 2] : vector<1x128x36xf32> to vector<1xf32>
    %reduce_sum3A_533 = vector.shape_cast %reduce_sum3A_532 : vector<1xf32> to vector<1x1x1xf32>
    %reduce_sum3A_534 = vector.extract %reduce_sum3A_533[0, 0, 0] : f32 from vector<1x1x1xf32>
    %add3A_535 = arith.addf %add3A_513, %reduce_sum3A_534 : f32
    %eq3A_536 = arith.constant 3 : i32
    %eq3A_537 = vector.broadcast %eq3A_536 : i32 to vector<128x336xi32>
    %eq3A_538 = arith.cmpi eq, %select_n3A_79, %eq3A_537 : vector<128x336xi32>
    %broadcast_in_dim3A_539 = vector.shape_cast %broadcast_in_dim3A_434 : vector<128x1xf32> to vector<128x1xf32>
    %broadcast_in_dim3A_540 = vector.broadcast %broadcast_in_dim3A_539 : vector<128x1xf32> to vector<128x336xf32>
    %jit3A_541 = arith.constant 0.000000e+00 : f32
    %broadcast_in_dim3A_542 = vector.broadcast %jit3A_541 : f32 to vector<128x336xf32>
    %select_n3A_543 = arith.select %eq3A_538, %broadcast_in_dim3A_540, %broadcast_in_dim3A_542 : vector<128x336xi1>, vector<128x336xf32>
    %add3A_544 = arith.addf %add3A_522, %select_n3A_543 : vector<128x336xf32>
    %eq3A_545 = vector.broadcast %broadcast_in_dim3A_450 : vector<128x1xf32> to vector<128x36xf32>
    %eq3A_546 = arith.cmpf oeq, %convert_element_type3A, %eq3A_545 : vector<128x36xf32>
    %jit3A_547 = arith.constant 0.000000e+00 : f32
    %broadcast_in_dim3A_548 = vector.shape_cast %broadcast_in_dim3A_453 : vector<1x36xf32> to vector<1x36xf32>
    %broadcast_in_dim3A_549 = vector.broadcast %broadcast_in_dim3A_548 : vector<1x36xf32> to vector<128x36xf32>
    %broadcast_in_dim3A_550 = vector.broadcast %jit3A_547 : f32 to vector<128x36xf32>
    %select_n3A_551 = arith.select %eq3A_546, %broadcast_in_dim3A_549, %broadcast_in_dim3A_550 : vector<128x36xi1>, vector<128x36xf32>
    %reduce_sum3A_552 = vector.shape_cast %select_n3A_551 : vector<128x36xf32> to vector<1x128x36xf32>
    %reduce_sum3A_553 = arith.constant dense<0.000000e+00> : vector<1xf32>
    %reduce_sum3A_554 = vector.multi_reduction <add>, %reduce_sum3A_552, %reduce_sum3A_553 [1, 2] : vector<1x128x36xf32> to vector<1xf32>
    %reduce_sum3A_555 = vector.shape_cast %reduce_sum3A_554 : vector<1xf32> to vector<1x1x1xf32>
    %reduce_sum3A_556 = vector.extract %reduce_sum3A_555[0, 0, 0] : f32 from vector<1x1x1xf32>
    %add3A_557 = arith.addf %add3A_535, %reduce_sum3A_556 : f32
    %eq3A_558 = arith.constant 4 : i32
    %eq3A_559 = vector.broadcast %eq3A_558 : i32 to vector<128x336xi32>
    %eq3A_560 = arith.cmpi eq, %select_n3A_79, %eq3A_559 : vector<128x336xi32>
    %broadcast_in_dim3A_561 = vector.shape_cast %broadcast_in_dim3A_450 : vector<128x1xf32> to vector<128x1xf32>
    %broadcast_in_dim3A_562 = vector.broadcast %broadcast_in_dim3A_561 : vector<128x1xf32> to vector<128x336xf32>
    %jit3A_563 = arith.constant 0.000000e+00 : f32
    %broadcast_in_dim3A_564 = vector.broadcast %jit3A_563 : f32 to vector<128x336xf32>
    %select_n3A_565 = arith.select %eq3A_560, %broadcast_in_dim3A_562, %broadcast_in_dim3A_564 : vector<128x336xi1>, vector<128x336xf32>
    %add3A_566 = arith.addf %add3A_544, %select_n3A_565 : vector<128x336xf32>
    %convert_element_type3A_567 = arith.fptosi %add3A_566 : vector<128x336xf32> to vector<128x336xi32>
    %mul3A_568 = arith.constant 120 : i32
    %mul3A_569 = vector.broadcast %mul3A_568 : i32 to vector<128x336xi32>
    %mul3A_570 = arith.muli %convert_element_type3A_567, %mul3A_569 : vector<128x336xi32>
    %add3A_571 = arith.addi %mul3A_570, %add3A_108 : vector<128x336xi32>
    %select_n3A_572 = arith.select %lt3A_82, %add3A_571, %select_n3A_135 : vector<128x336xi1>, vector<128x336xi32>
    %swap3A_573 = arith.constant 0 : index
    %swap3A_574 = arith.constant 0 : index
    %swap3A_575 = vector.load %arg5[%swap3A_573, %swap3A_574] : memref<128x336xi32, #tpu.memory_space<vmem>>, vector<128x336xi32>
    tpu.vector_store %arg5[%swap3A_573, %swap3A_574], %select_n3A_572 {strides = array<i32>} : memref<128x336xi32, #tpu.memory_space<vmem>>, vector<128x336xi32>,
    %add3A_576 = arith.constant 60 : i32
    %add3A_577 = vector.broadcast %add3A_576 : i32 to vector<128x336xi32>
    %add3A_578 = arith.addi %add3A_571, %add3A_577 : vector<128x336xi32>
    %select_n3A_579 = arith.select %lt3A_82, %add3A_578, %select_n3A_135 : vector<128x336xi1>, vector<128x336xi32>
    %swap3A_580 = arith.constant 0 : index
    %swap3A_581 = arith.constant 0 : index
    %swap3A_582 = vector.load %arg6[%swap3A_580, %swap3A_581] : memref<128x336xi32, #tpu.memory_space<vmem>>, vector<128x336xi32>
    tpu.vector_store %arg6[%swap3A_580, %swap3A_581], %select_n3A_579 {strides = array<i32>} : memref<128x336xi32, #tpu.memory_space<vmem>>, vector<128x336xi32>,
    %div3A_583 = arith.constant 8.192000e+04 : f32
    %div3A_584 = arith.divf %add3A_557, %div3A_583 : f32
    %sub3A_585 = arith.constant 1.000000e+00 : f32
    %sub3A_586 = arith.subf %sub3A_585, %div3A_584 : f32
    %add3A_587 = arith.addf %add3A_360, %sub3A_586 : f32
    %div3A_588 = arith.constant 3.000000e+00 : f32
    %div3A_589 = arith.divf %add3A_587, %div3A_588 : f32
    %broadcast_in_dim3A_590 = vector.broadcast %div3A_589 : f32 to vector<8x128xf32>
    %swap3A_591 = arith.constant 0 : index
    %swap3A_592 = arith.constant 0 : index
    %swap3A_593 = vector.load %arg7[%swap3A_591, %swap3A_592] : memref<8x128xf32, #tpu.memory_space<vmem>>, vector<8x128xf32>
    tpu.vector_store %arg7[%swap3A_591, %swap3A_592], %broadcast_in_dim3A_590 {strides = array<i32>} : memref<8x128xf32, #tpu.memory_space<vmem>>, vector<8x128xf32>,
    return
  }
}

module attributes {stable_mosaic.version = 14 : i64} {
  func.func @_relayout_body(%arg0: i32, %arg1: memref<2688x128xf32, #tpu.memory_space<vmem>>, %arg2: memref<2688x128xf32, #tpu.memory_space<vmem>>, %arg3: memref<8x50x768xf32, #tpu.memory_space<vmem>>, %arg4: memref<8x50x768xf32, #tpu.memory_space<vmem>>) attributes {dimension_semantics = [#tpu.dimension_semantics<arbitrary>], iteration_bounds = array<i64: 16>, scalar_prefetch = 0 : i64, scratch_operands = 0 : i64, tpu.core_type = #tpu.core_type<tc>, window_params = [{transform_indices = @transform_0, window_bounds = array<i64: 2688, 128>}, {transform_indices = @transform_1, window_bounds = array<i64: 2688, 128>}, {transform_indices = @transform_2, window_bounds = array<i64: 8, 50, 768>}, {transform_indices = @transform_3, window_bounds = array<i64: 8, 50, 768>}]} {
    %get3A = arith.constant 0 : index
    %get3A_0 = arith.constant 0 : index
    %get3A_1 = vector.load %arg1[%get3A, %get3A_0] : memref<2688x128xf32, #tpu.memory_space<vmem>>, vector<50x128xf32>
    %swap3A = arith.constant 0 : index
    %swap3A_2 = arith.constant 0 : index
    %swap3A_3 = arith.constant 0 : index
    %swap3A_4 = vector.load %arg3[%swap3A, %swap3A_2, %swap3A_3] : memref<8x50x768xf32, #tpu.memory_space<vmem>>, vector<1x50x128xf32>
    %swap3A_5 = vector.shape_cast %swap3A_4 : vector<1x50x128xf32> to vector<50x128xf32>
    %swap3A_6 = vector.shape_cast %get3A_1 : vector<50x128xf32> to vector<1x50x128xf32>
    tpu.vector_store %arg3[%swap3A, %swap3A_2, %swap3A_3], %swap3A_6 {strides = array<i32>} : memref<8x50x768xf32, #tpu.memory_space<vmem>>, vector<1x50x128xf32>,
    %get3A_7 = arith.constant 56 : index
    %get3A_8 = arith.constant 0 : index
    %get3A_9 = vector.load %arg1[%get3A_7, %get3A_8] : memref<2688x128xf32, #tpu.memory_space<vmem>>, vector<50x128xf32>
    %swap3A_10 = arith.constant 0 : index
    %swap3A_11 = arith.constant 0 : index
    %swap3A_12 = arith.constant 128 : index
    %swap3A_13 = vector.load %arg3[%swap3A_10, %swap3A_11, %swap3A_12] : memref<8x50x768xf32, #tpu.memory_space<vmem>>, vector<1x50x128xf32>
    %swap3A_14 = vector.shape_cast %swap3A_13 : vector<1x50x128xf32> to vector<50x128xf32>
    %swap3A_15 = vector.shape_cast %get3A_9 : vector<50x128xf32> to vector<1x50x128xf32>
    tpu.vector_store %arg3[%swap3A_10, %swap3A_11, %swap3A_12], %swap3A_15 {strides = array<i32>} : memref<8x50x768xf32, #tpu.memory_space<vmem>>, vector<1x50x128xf32>,
    %get3A_16 = arith.constant 112 : index
    %get3A_17 = arith.constant 0 : index
    %get3A_18 = vector.load %arg1[%get3A_16, %get3A_17] : memref<2688x128xf32, #tpu.memory_space<vmem>>, vector<50x128xf32>
    %swap3A_19 = arith.constant 0 : index
    %swap3A_20 = arith.constant 0 : index
    %swap3A_21 = arith.constant 256 : index
    %swap3A_22 = vector.load %arg3[%swap3A_19, %swap3A_20, %swap3A_21] : memref<8x50x768xf32, #tpu.memory_space<vmem>>, vector<1x50x128xf32>
    %swap3A_23 = vector.shape_cast %swap3A_22 : vector<1x50x128xf32> to vector<50x128xf32>
    %swap3A_24 = vector.shape_cast %get3A_18 : vector<50x128xf32> to vector<1x50x128xf32>
    tpu.vector_store %arg3[%swap3A_19, %swap3A_20, %swap3A_21], %swap3A_24 {strides = array<i32>} : memref<8x50x768xf32, #tpu.memory_space<vmem>>, vector<1x50x128xf32>,
    %get3A_25 = arith.constant 168 : index
    %get3A_26 = arith.constant 0 : index
    %get3A_27 = vector.load %arg1[%get3A_25, %get3A_26] : memref<2688x128xf32, #tpu.memory_space<vmem>>, vector<50x128xf32>
    %swap3A_28 = arith.constant 0 : index
    %swap3A_29 = arith.constant 0 : index
    %swap3A_30 = arith.constant 384 : index
    %swap3A_31 = vector.load %arg3[%swap3A_28, %swap3A_29, %swap3A_30] : memref<8x50x768xf32, #tpu.memory_space<vmem>>, vector<1x50x128xf32>
    %swap3A_32 = vector.shape_cast %swap3A_31 : vector<1x50x128xf32> to vector<50x128xf32>
    %swap3A_33 = vector.shape_cast %get3A_27 : vector<50x128xf32> to vector<1x50x128xf32>
    tpu.vector_store %arg3[%swap3A_28, %swap3A_29, %swap3A_30], %swap3A_33 {strides = array<i32>} : memref<8x50x768xf32, #tpu.memory_space<vmem>>, vector<1x50x128xf32>,
    %get3A_34 = arith.constant 224 : index
    %get3A_35 = arith.constant 0 : index
    %get3A_36 = vector.load %arg1[%get3A_34, %get3A_35] : memref<2688x128xf32, #tpu.memory_space<vmem>>, vector<50x128xf32>
    %swap3A_37 = arith.constant 0 : index
    %swap3A_38 = arith.constant 0 : index
    %swap3A_39 = arith.constant 512 : index
    %swap3A_40 = vector.load %arg3[%swap3A_37, %swap3A_38, %swap3A_39] : memref<8x50x768xf32, #tpu.memory_space<vmem>>, vector<1x50x128xf32>
    %swap3A_41 = vector.shape_cast %swap3A_40 : vector<1x50x128xf32> to vector<50x128xf32>
    %swap3A_42 = vector.shape_cast %get3A_36 : vector<50x128xf32> to vector<1x50x128xf32>
    tpu.vector_store %arg3[%swap3A_37, %swap3A_38, %swap3A_39], %swap3A_42 {strides = array<i32>} : memref<8x50x768xf32, #tpu.memory_space<vmem>>, vector<1x50x128xf32>,
    %get3A_43 = arith.constant 280 : index
    %get3A_44 = arith.constant 0 : index
    %get3A_45 = vector.load %arg1[%get3A_43, %get3A_44] : memref<2688x128xf32, #tpu.memory_space<vmem>>, vector<50x128xf32>
    %swap3A_46 = arith.constant 0 : index
    %swap3A_47 = arith.constant 0 : index
    %swap3A_48 = arith.constant 640 : index
    %swap3A_49 = vector.load %arg3[%swap3A_46, %swap3A_47, %swap3A_48] : memref<8x50x768xf32, #tpu.memory_space<vmem>>, vector<1x50x128xf32>
    %swap3A_50 = vector.shape_cast %swap3A_49 : vector<1x50x128xf32> to vector<50x128xf32>
    %swap3A_51 = vector.shape_cast %get3A_45 : vector<50x128xf32> to vector<1x50x128xf32>
    tpu.vector_store %arg3[%swap3A_46, %swap3A_47, %swap3A_48], %swap3A_51 {strides = array<i32>} : memref<8x50x768xf32, #tpu.memory_space<vmem>>, vector<1x50x128xf32>,
    %get3A_52 = arith.constant 336 : index
    %get3A_53 = arith.constant 0 : index
    %get3A_54 = vector.load %arg1[%get3A_52, %get3A_53] : memref<2688x128xf32, #tpu.memory_space<vmem>>, vector<50x128xf32>
    %swap3A_55 = arith.constant 1 : index
    %swap3A_56 = arith.constant 0 : index
    %swap3A_57 = arith.constant 0 : index
    %swap3A_58 = vector.load %arg3[%swap3A_55, %swap3A_56, %swap3A_57] : memref<8x50x768xf32, #tpu.memory_space<vmem>>, vector<1x50x128xf32>
    %swap3A_59 = vector.shape_cast %swap3A_58 : vector<1x50x128xf32> to vector<50x128xf32>
    %swap3A_60 = vector.shape_cast %get3A_54 : vector<50x128xf32> to vector<1x50x128xf32>
    tpu.vector_store %arg3[%swap3A_55, %swap3A_56, %swap3A_57], %swap3A_60 {strides = array<i32>} : memref<8x50x768xf32, #tpu.memory_space<vmem>>, vector<1x50x128xf32>,
    %get3A_61 = arith.constant 392 : index
    %get3A_62 = arith.constant 0 : index
    %get3A_63 = vector.load %arg1[%get3A_61, %get3A_62] : memref<2688x128xf32, #tpu.memory_space<vmem>>, vector<50x128xf32>
    %swap3A_64 = arith.constant 1 : index
    %swap3A_65 = arith.constant 0 : index
    %swap3A_66 = arith.constant 128 : index
    %swap3A_67 = vector.load %arg3[%swap3A_64, %swap3A_65, %swap3A_66] : memref<8x50x768xf32, #tpu.memory_space<vmem>>, vector<1x50x128xf32>
    %swap3A_68 = vector.shape_cast %swap3A_67 : vector<1x50x128xf32> to vector<50x128xf32>
    %swap3A_69 = vector.shape_cast %get3A_63 : vector<50x128xf32> to vector<1x50x128xf32>
    tpu.vector_store %arg3[%swap3A_64, %swap3A_65, %swap3A_66], %swap3A_69 {strides = array<i32>} : memref<8x50x768xf32, #tpu.memory_space<vmem>>, vector<1x50x128xf32>,
    %get3A_70 = arith.constant 448 : index
    %get3A_71 = arith.constant 0 : index
    %get3A_72 = vector.load %arg1[%get3A_70, %get3A_71] : memref<2688x128xf32, #tpu.memory_space<vmem>>, vector<50x128xf32>
    %swap3A_73 = arith.constant 1 : index
    %swap3A_74 = arith.constant 0 : index
    %swap3A_75 = arith.constant 256 : index
    %swap3A_76 = vector.load %arg3[%swap3A_73, %swap3A_74, %swap3A_75] : memref<8x50x768xf32, #tpu.memory_space<vmem>>, vector<1x50x128xf32>
    %swap3A_77 = vector.shape_cast %swap3A_76 : vector<1x50x128xf32> to vector<50x128xf32>
    %swap3A_78 = vector.shape_cast %get3A_72 : vector<50x128xf32> to vector<1x50x128xf32>
    tpu.vector_store %arg3[%swap3A_73, %swap3A_74, %swap3A_75], %swap3A_78 {strides = array<i32>} : memref<8x50x768xf32, #tpu.memory_space<vmem>>, vector<1x50x128xf32>,
    %get3A_79 = arith.constant 504 : index
    %get3A_80 = arith.constant 0 : index
    %get3A_81 = vector.load %arg1[%get3A_79, %get3A_80] : memref<2688x128xf32, #tpu.memory_space<vmem>>, vector<50x128xf32>
    %swap3A_82 = arith.constant 1 : index
    %swap3A_83 = arith.constant 0 : index
    %swap3A_84 = arith.constant 384 : index
    %swap3A_85 = vector.load %arg3[%swap3A_82, %swap3A_83, %swap3A_84] : memref<8x50x768xf32, #tpu.memory_space<vmem>>, vector<1x50x128xf32>
    %swap3A_86 = vector.shape_cast %swap3A_85 : vector<1x50x128xf32> to vector<50x128xf32>
    %swap3A_87 = vector.shape_cast %get3A_81 : vector<50x128xf32> to vector<1x50x128xf32>
    tpu.vector_store %arg3[%swap3A_82, %swap3A_83, %swap3A_84], %swap3A_87 {strides = array<i32>} : memref<8x50x768xf32, #tpu.memory_space<vmem>>, vector<1x50x128xf32>,
    %get3A_88 = arith.constant 560 : index
    %get3A_89 = arith.constant 0 : index
    %get3A_90 = vector.load %arg1[%get3A_88, %get3A_89] : memref<2688x128xf32, #tpu.memory_space<vmem>>, vector<50x128xf32>
    %swap3A_91 = arith.constant 1 : index
    %swap3A_92 = arith.constant 0 : index
    %swap3A_93 = arith.constant 512 : index
    %swap3A_94 = vector.load %arg3[%swap3A_91, %swap3A_92, %swap3A_93] : memref<8x50x768xf32, #tpu.memory_space<vmem>>, vector<1x50x128xf32>
    %swap3A_95 = vector.shape_cast %swap3A_94 : vector<1x50x128xf32> to vector<50x128xf32>
    %swap3A_96 = vector.shape_cast %get3A_90 : vector<50x128xf32> to vector<1x50x128xf32>
    tpu.vector_store %arg3[%swap3A_91, %swap3A_92, %swap3A_93], %swap3A_96 {strides = array<i32>} : memref<8x50x768xf32, #tpu.memory_space<vmem>>, vector<1x50x128xf32>,
    %get3A_97 = arith.constant 616 : index
    %get3A_98 = arith.constant 0 : index
    %get3A_99 = vector.load %arg1[%get3A_97, %get3A_98] : memref<2688x128xf32, #tpu.memory_space<vmem>>, vector<50x128xf32>
    %swap3A_100 = arith.constant 1 : index
    %swap3A_101 = arith.constant 0 : index
    %swap3A_102 = arith.constant 640 : index
    %swap3A_103 = vector.load %arg3[%swap3A_100, %swap3A_101, %swap3A_102] : memref<8x50x768xf32, #tpu.memory_space<vmem>>, vector<1x50x128xf32>
    %swap3A_104 = vector.shape_cast %swap3A_103 : vector<1x50x128xf32> to vector<50x128xf32>
    %swap3A_105 = vector.shape_cast %get3A_99 : vector<50x128xf32> to vector<1x50x128xf32>
    tpu.vector_store %arg3[%swap3A_100, %swap3A_101, %swap3A_102], %swap3A_105 {strides = array<i32>} : memref<8x50x768xf32, #tpu.memory_space<vmem>>, vector<1x50x128xf32>,
    %get3A_106 = arith.constant 672 : index
    %get3A_107 = arith.constant 0 : index
    %get3A_108 = vector.load %arg1[%get3A_106, %get3A_107] : memref<2688x128xf32, #tpu.memory_space<vmem>>, vector<50x128xf32>
    %swap3A_109 = arith.constant 2 : index
    %swap3A_110 = arith.constant 0 : index
    %swap3A_111 = arith.constant 0 : index
    %swap3A_112 = vector.load %arg3[%swap3A_109, %swap3A_110, %swap3A_111] : memref<8x50x768xf32, #tpu.memory_space<vmem>>, vector<1x50x128xf32>
    %swap3A_113 = vector.shape_cast %swap3A_112 : vector<1x50x128xf32> to vector<50x128xf32>
    %swap3A_114 = vector.shape_cast %get3A_108 : vector<50x128xf32> to vector<1x50x128xf32>
    tpu.vector_store %arg3[%swap3A_109, %swap3A_110, %swap3A_111], %swap3A_114 {strides = array<i32>} : memref<8x50x768xf32, #tpu.memory_space<vmem>>, vector<1x50x128xf32>,
    %get3A_115 = arith.constant 728 : index
    %get3A_116 = arith.constant 0 : index
    %get3A_117 = vector.load %arg1[%get3A_115, %get3A_116] : memref<2688x128xf32, #tpu.memory_space<vmem>>, vector<50x128xf32>
    %swap3A_118 = arith.constant 2 : index
    %swap3A_119 = arith.constant 0 : index
    %swap3A_120 = arith.constant 128 : index
    %swap3A_121 = vector.load %arg3[%swap3A_118, %swap3A_119, %swap3A_120] : memref<8x50x768xf32, #tpu.memory_space<vmem>>, vector<1x50x128xf32>
    %swap3A_122 = vector.shape_cast %swap3A_121 : vector<1x50x128xf32> to vector<50x128xf32>
    %swap3A_123 = vector.shape_cast %get3A_117 : vector<50x128xf32> to vector<1x50x128xf32>
    tpu.vector_store %arg3[%swap3A_118, %swap3A_119, %swap3A_120], %swap3A_123 {strides = array<i32>} : memref<8x50x768xf32, #tpu.memory_space<vmem>>, vector<1x50x128xf32>,
    %get3A_124 = arith.constant 784 : index
    %get3A_125 = arith.constant 0 : index
    %get3A_126 = vector.load %arg1[%get3A_124, %get3A_125] : memref<2688x128xf32, #tpu.memory_space<vmem>>, vector<50x128xf32>
    %swap3A_127 = arith.constant 2 : index
    %swap3A_128 = arith.constant 0 : index
    %swap3A_129 = arith.constant 256 : index
    %swap3A_130 = vector.load %arg3[%swap3A_127, %swap3A_128, %swap3A_129] : memref<8x50x768xf32, #tpu.memory_space<vmem>>, vector<1x50x128xf32>
    %swap3A_131 = vector.shape_cast %swap3A_130 : vector<1x50x128xf32> to vector<50x128xf32>
    %swap3A_132 = vector.shape_cast %get3A_126 : vector<50x128xf32> to vector<1x50x128xf32>
    tpu.vector_store %arg3[%swap3A_127, %swap3A_128, %swap3A_129], %swap3A_132 {strides = array<i32>} : memref<8x50x768xf32, #tpu.memory_space<vmem>>, vector<1x50x128xf32>,
    %get3A_133 = arith.constant 840 : index
    %get3A_134 = arith.constant 0 : index
    %get3A_135 = vector.load %arg1[%get3A_133, %get3A_134] : memref<2688x128xf32, #tpu.memory_space<vmem>>, vector<50x128xf32>
    %swap3A_136 = arith.constant 2 : index
    %swap3A_137 = arith.constant 0 : index
    %swap3A_138 = arith.constant 384 : index
    %swap3A_139 = vector.load %arg3[%swap3A_136, %swap3A_137, %swap3A_138] : memref<8x50x768xf32, #tpu.memory_space<vmem>>, vector<1x50x128xf32>
    %swap3A_140 = vector.shape_cast %swap3A_139 : vector<1x50x128xf32> to vector<50x128xf32>
    %swap3A_141 = vector.shape_cast %get3A_135 : vector<50x128xf32> to vector<1x50x128xf32>
    tpu.vector_store %arg3[%swap3A_136, %swap3A_137, %swap3A_138], %swap3A_141 {strides = array<i32>} : memref<8x50x768xf32, #tpu.memory_space<vmem>>, vector<1x50x128xf32>,
    %get3A_142 = arith.constant 896 : index
    %get3A_143 = arith.constant 0 : index
    %get3A_144 = vector.load %arg1[%get3A_142, %get3A_143] : memref<2688x128xf32, #tpu.memory_space<vmem>>, vector<50x128xf32>
    %swap3A_145 = arith.constant 2 : index
    %swap3A_146 = arith.constant 0 : index
    %swap3A_147 = arith.constant 512 : index
    %swap3A_148 = vector.load %arg3[%swap3A_145, %swap3A_146, %swap3A_147] : memref<8x50x768xf32, #tpu.memory_space<vmem>>, vector<1x50x128xf32>
    %swap3A_149 = vector.shape_cast %swap3A_148 : vector<1x50x128xf32> to vector<50x128xf32>
    %swap3A_150 = vector.shape_cast %get3A_144 : vector<50x128xf32> to vector<1x50x128xf32>
    tpu.vector_store %arg3[%swap3A_145, %swap3A_146, %swap3A_147], %swap3A_150 {strides = array<i32>} : memref<8x50x768xf32, #tpu.memory_space<vmem>>, vector<1x50x128xf32>,
    %get3A_151 = arith.constant 952 : index
    %get3A_152 = arith.constant 0 : index
    %get3A_153 = vector.load %arg1[%get3A_151, %get3A_152] : memref<2688x128xf32, #tpu.memory_space<vmem>>, vector<50x128xf32>
    %swap3A_154 = arith.constant 2 : index
    %swap3A_155 = arith.constant 0 : index
    %swap3A_156 = arith.constant 640 : index
    %swap3A_157 = vector.load %arg3[%swap3A_154, %swap3A_155, %swap3A_156] : memref<8x50x768xf32, #tpu.memory_space<vmem>>, vector<1x50x128xf32>
    %swap3A_158 = vector.shape_cast %swap3A_157 : vector<1x50x128xf32> to vector<50x128xf32>
    %swap3A_159 = vector.shape_cast %get3A_153 : vector<50x128xf32> to vector<1x50x128xf32>
    tpu.vector_store %arg3[%swap3A_154, %swap3A_155, %swap3A_156], %swap3A_159 {strides = array<i32>} : memref<8x50x768xf32, #tpu.memory_space<vmem>>, vector<1x50x128xf32>,
    %get3A_160 = arith.constant 1008 : index
    %get3A_161 = arith.constant 0 : index
    %get3A_162 = vector.load %arg1[%get3A_160, %get3A_161] : memref<2688x128xf32, #tpu.memory_space<vmem>>, vector<50x128xf32>
    %swap3A_163 = arith.constant 3 : index
    %swap3A_164 = arith.constant 0 : index
    %swap3A_165 = arith.constant 0 : index
    %swap3A_166 = vector.load %arg3[%swap3A_163, %swap3A_164, %swap3A_165] : memref<8x50x768xf32, #tpu.memory_space<vmem>>, vector<1x50x128xf32>
    %swap3A_167 = vector.shape_cast %swap3A_166 : vector<1x50x128xf32> to vector<50x128xf32>
    %swap3A_168 = vector.shape_cast %get3A_162 : vector<50x128xf32> to vector<1x50x128xf32>
    tpu.vector_store %arg3[%swap3A_163, %swap3A_164, %swap3A_165], %swap3A_168 {strides = array<i32>} : memref<8x50x768xf32, #tpu.memory_space<vmem>>, vector<1x50x128xf32>,
    %get3A_169 = arith.constant 1064 : index
    %get3A_170 = arith.constant 0 : index
    %get3A_171 = vector.load %arg1[%get3A_169, %get3A_170] : memref<2688x128xf32, #tpu.memory_space<vmem>>, vector<50x128xf32>
    %swap3A_172 = arith.constant 3 : index
    %swap3A_173 = arith.constant 0 : index
    %swap3A_174 = arith.constant 128 : index
    %swap3A_175 = vector.load %arg3[%swap3A_172, %swap3A_173, %swap3A_174] : memref<8x50x768xf32, #tpu.memory_space<vmem>>, vector<1x50x128xf32>
    %swap3A_176 = vector.shape_cast %swap3A_175 : vector<1x50x128xf32> to vector<50x128xf32>
    %swap3A_177 = vector.shape_cast %get3A_171 : vector<50x128xf32> to vector<1x50x128xf32>
    tpu.vector_store %arg3[%swap3A_172, %swap3A_173, %swap3A_174], %swap3A_177 {strides = array<i32>} : memref<8x50x768xf32, #tpu.memory_space<vmem>>, vector<1x50x128xf32>,
    %get3A_178 = arith.constant 1120 : index
    %get3A_179 = arith.constant 0 : index
    %get3A_180 = vector.load %arg1[%get3A_178, %get3A_179] : memref<2688x128xf32, #tpu.memory_space<vmem>>, vector<50x128xf32>
    %swap3A_181 = arith.constant 3 : index
    %swap3A_182 = arith.constant 0 : index
    %swap3A_183 = arith.constant 256 : index
    %swap3A_184 = vector.load %arg3[%swap3A_181, %swap3A_182, %swap3A_183] : memref<8x50x768xf32, #tpu.memory_space<vmem>>, vector<1x50x128xf32>
    %swap3A_185 = vector.shape_cast %swap3A_184 : vector<1x50x128xf32> to vector<50x128xf32>
    %swap3A_186 = vector.shape_cast %get3A_180 : vector<50x128xf32> to vector<1x50x128xf32>
    tpu.vector_store %arg3[%swap3A_181, %swap3A_182, %swap3A_183], %swap3A_186 {strides = array<i32>} : memref<8x50x768xf32, #tpu.memory_space<vmem>>, vector<1x50x128xf32>,
    %get3A_187 = arith.constant 1176 : index
    %get3A_188 = arith.constant 0 : index
    %get3A_189 = vector.load %arg1[%get3A_187, %get3A_188] : memref<2688x128xf32, #tpu.memory_space<vmem>>, vector<50x128xf32>
    %swap3A_190 = arith.constant 3 : index
    %swap3A_191 = arith.constant 0 : index
    %swap3A_192 = arith.constant 384 : index
    %swap3A_193 = vector.load %arg3[%swap3A_190, %swap3A_191, %swap3A_192] : memref<8x50x768xf32, #tpu.memory_space<vmem>>, vector<1x50x128xf32>
    %swap3A_194 = vector.shape_cast %swap3A_193 : vector<1x50x128xf32> to vector<50x128xf32>
    %swap3A_195 = vector.shape_cast %get3A_189 : vector<50x128xf32> to vector<1x50x128xf32>
    tpu.vector_store %arg3[%swap3A_190, %swap3A_191, %swap3A_192], %swap3A_195 {strides = array<i32>} : memref<8x50x768xf32, #tpu.memory_space<vmem>>, vector<1x50x128xf32>,
    %get3A_196 = arith.constant 1232 : index
    %get3A_197 = arith.constant 0 : index
    %get3A_198 = vector.load %arg1[%get3A_196, %get3A_197] : memref<2688x128xf32, #tpu.memory_space<vmem>>, vector<50x128xf32>
    %swap3A_199 = arith.constant 3 : index
    %swap3A_200 = arith.constant 0 : index
    %swap3A_201 = arith.constant 512 : index
    %swap3A_202 = vector.load %arg3[%swap3A_199, %swap3A_200, %swap3A_201] : memref<8x50x768xf32, #tpu.memory_space<vmem>>, vector<1x50x128xf32>
    %swap3A_203 = vector.shape_cast %swap3A_202 : vector<1x50x128xf32> to vector<50x128xf32>
    %swap3A_204 = vector.shape_cast %get3A_198 : vector<50x128xf32> to vector<1x50x128xf32>
    tpu.vector_store %arg3[%swap3A_199, %swap3A_200, %swap3A_201], %swap3A_204 {strides = array<i32>} : memref<8x50x768xf32, #tpu.memory_space<vmem>>, vector<1x50x128xf32>,
    %get3A_205 = arith.constant 1288 : index
    %get3A_206 = arith.constant 0 : index
    %get3A_207 = vector.load %arg1[%get3A_205, %get3A_206] : memref<2688x128xf32, #tpu.memory_space<vmem>>, vector<50x128xf32>
    %swap3A_208 = arith.constant 3 : index
    %swap3A_209 = arith.constant 0 : index
    %swap3A_210 = arith.constant 640 : index
    %swap3A_211 = vector.load %arg3[%swap3A_208, %swap3A_209, %swap3A_210] : memref<8x50x768xf32, #tpu.memory_space<vmem>>, vector<1x50x128xf32>
    %swap3A_212 = vector.shape_cast %swap3A_211 : vector<1x50x128xf32> to vector<50x128xf32>
    %swap3A_213 = vector.shape_cast %get3A_207 : vector<50x128xf32> to vector<1x50x128xf32>
    tpu.vector_store %arg3[%swap3A_208, %swap3A_209, %swap3A_210], %swap3A_213 {strides = array<i32>} : memref<8x50x768xf32, #tpu.memory_space<vmem>>, vector<1x50x128xf32>,
    %get3A_214 = arith.constant 1344 : index
    %get3A_215 = arith.constant 0 : index
    %get3A_216 = vector.load %arg1[%get3A_214, %get3A_215] : memref<2688x128xf32, #tpu.memory_space<vmem>>, vector<50x128xf32>
    %swap3A_217 = arith.constant 4 : index
    %swap3A_218 = arith.constant 0 : index
    %swap3A_219 = arith.constant 0 : index
    %swap3A_220 = vector.load %arg3[%swap3A_217, %swap3A_218, %swap3A_219] : memref<8x50x768xf32, #tpu.memory_space<vmem>>, vector<1x50x128xf32>
    %swap3A_221 = vector.shape_cast %swap3A_220 : vector<1x50x128xf32> to vector<50x128xf32>
    %swap3A_222 = vector.shape_cast %get3A_216 : vector<50x128xf32> to vector<1x50x128xf32>
    tpu.vector_store %arg3[%swap3A_217, %swap3A_218, %swap3A_219], %swap3A_222 {strides = array<i32>} : memref<8x50x768xf32, #tpu.memory_space<vmem>>, vector<1x50x128xf32>,
    %get3A_223 = arith.constant 1400 : index
    %get3A_224 = arith.constant 0 : index
    %get3A_225 = vector.load %arg1[%get3A_223, %get3A_224] : memref<2688x128xf32, #tpu.memory_space<vmem>>, vector<50x128xf32>
    %swap3A_226 = arith.constant 4 : index
    %swap3A_227 = arith.constant 0 : index
    %swap3A_228 = arith.constant 128 : index
    %swap3A_229 = vector.load %arg3[%swap3A_226, %swap3A_227, %swap3A_228] : memref<8x50x768xf32, #tpu.memory_space<vmem>>, vector<1x50x128xf32>
    %swap3A_230 = vector.shape_cast %swap3A_229 : vector<1x50x128xf32> to vector<50x128xf32>
    %swap3A_231 = vector.shape_cast %get3A_225 : vector<50x128xf32> to vector<1x50x128xf32>
    tpu.vector_store %arg3[%swap3A_226, %swap3A_227, %swap3A_228], %swap3A_231 {strides = array<i32>} : memref<8x50x768xf32, #tpu.memory_space<vmem>>, vector<1x50x128xf32>,
    %get3A_232 = arith.constant 1456 : index
    %get3A_233 = arith.constant 0 : index
    %get3A_234 = vector.load %arg1[%get3A_232, %get3A_233] : memref<2688x128xf32, #tpu.memory_space<vmem>>, vector<50x128xf32>
    %swap3A_235 = arith.constant 4 : index
    %swap3A_236 = arith.constant 0 : index
    %swap3A_237 = arith.constant 256 : index
    %swap3A_238 = vector.load %arg3[%swap3A_235, %swap3A_236, %swap3A_237] : memref<8x50x768xf32, #tpu.memory_space<vmem>>, vector<1x50x128xf32>
    %swap3A_239 = vector.shape_cast %swap3A_238 : vector<1x50x128xf32> to vector<50x128xf32>
    %swap3A_240 = vector.shape_cast %get3A_234 : vector<50x128xf32> to vector<1x50x128xf32>
    tpu.vector_store %arg3[%swap3A_235, %swap3A_236, %swap3A_237], %swap3A_240 {strides = array<i32>} : memref<8x50x768xf32, #tpu.memory_space<vmem>>, vector<1x50x128xf32>,
    %get3A_241 = arith.constant 1512 : index
    %get3A_242 = arith.constant 0 : index
    %get3A_243 = vector.load %arg1[%get3A_241, %get3A_242] : memref<2688x128xf32, #tpu.memory_space<vmem>>, vector<50x128xf32>
    %swap3A_244 = arith.constant 4 : index
    %swap3A_245 = arith.constant 0 : index
    %swap3A_246 = arith.constant 384 : index
    %swap3A_247 = vector.load %arg3[%swap3A_244, %swap3A_245, %swap3A_246] : memref<8x50x768xf32, #tpu.memory_space<vmem>>, vector<1x50x128xf32>
    %swap3A_248 = vector.shape_cast %swap3A_247 : vector<1x50x128xf32> to vector<50x128xf32>
    %swap3A_249 = vector.shape_cast %get3A_243 : vector<50x128xf32> to vector<1x50x128xf32>
    tpu.vector_store %arg3[%swap3A_244, %swap3A_245, %swap3A_246], %swap3A_249 {strides = array<i32>} : memref<8x50x768xf32, #tpu.memory_space<vmem>>, vector<1x50x128xf32>,
    %get3A_250 = arith.constant 1568 : index
    %get3A_251 = arith.constant 0 : index
    %get3A_252 = vector.load %arg1[%get3A_250, %get3A_251] : memref<2688x128xf32, #tpu.memory_space<vmem>>, vector<50x128xf32>
    %swap3A_253 = arith.constant 4 : index
    %swap3A_254 = arith.constant 0 : index
    %swap3A_255 = arith.constant 512 : index
    %swap3A_256 = vector.load %arg3[%swap3A_253, %swap3A_254, %swap3A_255] : memref<8x50x768xf32, #tpu.memory_space<vmem>>, vector<1x50x128xf32>
    %swap3A_257 = vector.shape_cast %swap3A_256 : vector<1x50x128xf32> to vector<50x128xf32>
    %swap3A_258 = vector.shape_cast %get3A_252 : vector<50x128xf32> to vector<1x50x128xf32>
    tpu.vector_store %arg3[%swap3A_253, %swap3A_254, %swap3A_255], %swap3A_258 {strides = array<i32>} : memref<8x50x768xf32, #tpu.memory_space<vmem>>, vector<1x50x128xf32>,
    %get3A_259 = arith.constant 1624 : index
    %get3A_260 = arith.constant 0 : index
    %get3A_261 = vector.load %arg1[%get3A_259, %get3A_260] : memref<2688x128xf32, #tpu.memory_space<vmem>>, vector<50x128xf32>
    %swap3A_262 = arith.constant 4 : index
    %swap3A_263 = arith.constant 0 : index
    %swap3A_264 = arith.constant 640 : index
    %swap3A_265 = vector.load %arg3[%swap3A_262, %swap3A_263, %swap3A_264] : memref<8x50x768xf32, #tpu.memory_space<vmem>>, vector<1x50x128xf32>
    %swap3A_266 = vector.shape_cast %swap3A_265 : vector<1x50x128xf32> to vector<50x128xf32>
    %swap3A_267 = vector.shape_cast %get3A_261 : vector<50x128xf32> to vector<1x50x128xf32>
    tpu.vector_store %arg3[%swap3A_262, %swap3A_263, %swap3A_264], %swap3A_267 {strides = array<i32>} : memref<8x50x768xf32, #tpu.memory_space<vmem>>, vector<1x50x128xf32>,
    %get3A_268 = arith.constant 1680 : index
    %get3A_269 = arith.constant 0 : index
    %get3A_270 = vector.load %arg1[%get3A_268, %get3A_269] : memref<2688x128xf32, #tpu.memory_space<vmem>>, vector<50x128xf32>
    %swap3A_271 = arith.constant 5 : index
    %swap3A_272 = arith.constant 0 : index
    %swap3A_273 = arith.constant 0 : index
    %swap3A_274 = vector.load %arg3[%swap3A_271, %swap3A_272, %swap3A_273] : memref<8x50x768xf32, #tpu.memory_space<vmem>>, vector<1x50x128xf32>
    %swap3A_275 = vector.shape_cast %swap3A_274 : vector<1x50x128xf32> to vector<50x128xf32>
    %swap3A_276 = vector.shape_cast %get3A_270 : vector<50x128xf32> to vector<1x50x128xf32>
    tpu.vector_store %arg3[%swap3A_271, %swap3A_272, %swap3A_273], %swap3A_276 {strides = array<i32>} : memref<8x50x768xf32, #tpu.memory_space<vmem>>, vector<1x50x128xf32>,
    %get3A_277 = arith.constant 1736 : index
    %get3A_278 = arith.constant 0 : index
    %get3A_279 = vector.load %arg1[%get3A_277, %get3A_278] : memref<2688x128xf32, #tpu.memory_space<vmem>>, vector<50x128xf32>
    %swap3A_280 = arith.constant 5 : index
    %swap3A_281 = arith.constant 0 : index
    %swap3A_282 = arith.constant 128 : index
    %swap3A_283 = vector.load %arg3[%swap3A_280, %swap3A_281, %swap3A_282] : memref<8x50x768xf32, #tpu.memory_space<vmem>>, vector<1x50x128xf32>
    %swap3A_284 = vector.shape_cast %swap3A_283 : vector<1x50x128xf32> to vector<50x128xf32>
    %swap3A_285 = vector.shape_cast %get3A_279 : vector<50x128xf32> to vector<1x50x128xf32>
    tpu.vector_store %arg3[%swap3A_280, %swap3A_281, %swap3A_282], %swap3A_285 {strides = array<i32>} : memref<8x50x768xf32, #tpu.memory_space<vmem>>, vector<1x50x128xf32>,
    %get3A_286 = arith.constant 1792 : index
    %get3A_287 = arith.constant 0 : index
    %get3A_288 = vector.load %arg1[%get3A_286, %get3A_287] : memref<2688x128xf32, #tpu.memory_space<vmem>>, vector<50x128xf32>
    %swap3A_289 = arith.constant 5 : index
    %swap3A_290 = arith.constant 0 : index
    %swap3A_291 = arith.constant 256 : index
    %swap3A_292 = vector.load %arg3[%swap3A_289, %swap3A_290, %swap3A_291] : memref<8x50x768xf32, #tpu.memory_space<vmem>>, vector<1x50x128xf32>
    %swap3A_293 = vector.shape_cast %swap3A_292 : vector<1x50x128xf32> to vector<50x128xf32>
    %swap3A_294 = vector.shape_cast %get3A_288 : vector<50x128xf32> to vector<1x50x128xf32>
    tpu.vector_store %arg3[%swap3A_289, %swap3A_290, %swap3A_291], %swap3A_294 {strides = array<i32>} : memref<8x50x768xf32, #tpu.memory_space<vmem>>, vector<1x50x128xf32>,
    %get3A_295 = arith.constant 1848 : index
    %get3A_296 = arith.constant 0 : index
    %get3A_297 = vector.load %arg1[%get3A_295, %get3A_296] : memref<2688x128xf32, #tpu.memory_space<vmem>>, vector<50x128xf32>
    %swap3A_298 = arith.constant 5 : index
    %swap3A_299 = arith.constant 0 : index
    %swap3A_300 = arith.constant 384 : index
    %swap3A_301 = vector.load %arg3[%swap3A_298, %swap3A_299, %swap3A_300] : memref<8x50x768xf32, #tpu.memory_space<vmem>>, vector<1x50x128xf32>
    %swap3A_302 = vector.shape_cast %swap3A_301 : vector<1x50x128xf32> to vector<50x128xf32>
    %swap3A_303 = vector.shape_cast %get3A_297 : vector<50x128xf32> to vector<1x50x128xf32>
    tpu.vector_store %arg3[%swap3A_298, %swap3A_299, %swap3A_300], %swap3A_303 {strides = array<i32>} : memref<8x50x768xf32, #tpu.memory_space<vmem>>, vector<1x50x128xf32>,
    %get3A_304 = arith.constant 1904 : index
    %get3A_305 = arith.constant 0 : index
    %get3A_306 = vector.load %arg1[%get3A_304, %get3A_305] : memref<2688x128xf32, #tpu.memory_space<vmem>>, vector<50x128xf32>
    %swap3A_307 = arith.constant 5 : index
    %swap3A_308 = arith.constant 0 : index
    %swap3A_309 = arith.constant 512 : index
    %swap3A_310 = vector.load %arg3[%swap3A_307, %swap3A_308, %swap3A_309] : memref<8x50x768xf32, #tpu.memory_space<vmem>>, vector<1x50x128xf32>
    %swap3A_311 = vector.shape_cast %swap3A_310 : vector<1x50x128xf32> to vector<50x128xf32>
    %swap3A_312 = vector.shape_cast %get3A_306 : vector<50x128xf32> to vector<1x50x128xf32>
    tpu.vector_store %arg3[%swap3A_307, %swap3A_308, %swap3A_309], %swap3A_312 {strides = array<i32>} : memref<8x50x768xf32, #tpu.memory_space<vmem>>, vector<1x50x128xf32>,
    %get3A_313 = arith.constant 1960 : index
    %get3A_314 = arith.constant 0 : index
    %get3A_315 = vector.load %arg1[%get3A_313, %get3A_314] : memref<2688x128xf32, #tpu.memory_space<vmem>>, vector<50x128xf32>
    %swap3A_316 = arith.constant 5 : index
    %swap3A_317 = arith.constant 0 : index
    %swap3A_318 = arith.constant 640 : index
    %swap3A_319 = vector.load %arg3[%swap3A_316, %swap3A_317, %swap3A_318] : memref<8x50x768xf32, #tpu.memory_space<vmem>>, vector<1x50x128xf32>
    %swap3A_320 = vector.shape_cast %swap3A_319 : vector<1x50x128xf32> to vector<50x128xf32>
    %swap3A_321 = vector.shape_cast %get3A_315 : vector<50x128xf32> to vector<1x50x128xf32>
    tpu.vector_store %arg3[%swap3A_316, %swap3A_317, %swap3A_318], %swap3A_321 {strides = array<i32>} : memref<8x50x768xf32, #tpu.memory_space<vmem>>, vector<1x50x128xf32>,
    %get3A_322 = arith.constant 2016 : index
    %get3A_323 = arith.constant 0 : index
    %get3A_324 = vector.load %arg1[%get3A_322, %get3A_323] : memref<2688x128xf32, #tpu.memory_space<vmem>>, vector<50x128xf32>
    %swap3A_325 = arith.constant 6 : index
    %swap3A_326 = arith.constant 0 : index
    %swap3A_327 = arith.constant 0 : index
    %swap3A_328 = vector.load %arg3[%swap3A_325, %swap3A_326, %swap3A_327] : memref<8x50x768xf32, #tpu.memory_space<vmem>>, vector<1x50x128xf32>
    %swap3A_329 = vector.shape_cast %swap3A_328 : vector<1x50x128xf32> to vector<50x128xf32>
    %swap3A_330 = vector.shape_cast %get3A_324 : vector<50x128xf32> to vector<1x50x128xf32>
    tpu.vector_store %arg3[%swap3A_325, %swap3A_326, %swap3A_327], %swap3A_330 {strides = array<i32>} : memref<8x50x768xf32, #tpu.memory_space<vmem>>, vector<1x50x128xf32>,
    %get3A_331 = arith.constant 2072 : index
    %get3A_332 = arith.constant 0 : index
    %get3A_333 = vector.load %arg1[%get3A_331, %get3A_332] : memref<2688x128xf32, #tpu.memory_space<vmem>>, vector<50x128xf32>
    %swap3A_334 = arith.constant 6 : index
    %swap3A_335 = arith.constant 0 : index
    %swap3A_336 = arith.constant 128 : index
    %swap3A_337 = vector.load %arg3[%swap3A_334, %swap3A_335, %swap3A_336] : memref<8x50x768xf32, #tpu.memory_space<vmem>>, vector<1x50x128xf32>
    %swap3A_338 = vector.shape_cast %swap3A_337 : vector<1x50x128xf32> to vector<50x128xf32>
    %swap3A_339 = vector.shape_cast %get3A_333 : vector<50x128xf32> to vector<1x50x128xf32>
    tpu.vector_store %arg3[%swap3A_334, %swap3A_335, %swap3A_336], %swap3A_339 {strides = array<i32>} : memref<8x50x768xf32, #tpu.memory_space<vmem>>, vector<1x50x128xf32>,
    %get3A_340 = arith.constant 2128 : index
    %get3A_341 = arith.constant 0 : index
    %get3A_342 = vector.load %arg1[%get3A_340, %get3A_341] : memref<2688x128xf32, #tpu.memory_space<vmem>>, vector<50x128xf32>
    %swap3A_343 = arith.constant 6 : index
    %swap3A_344 = arith.constant 0 : index
    %swap3A_345 = arith.constant 256 : index
    %swap3A_346 = vector.load %arg3[%swap3A_343, %swap3A_344, %swap3A_345] : memref<8x50x768xf32, #tpu.memory_space<vmem>>, vector<1x50x128xf32>
    %swap3A_347 = vector.shape_cast %swap3A_346 : vector<1x50x128xf32> to vector<50x128xf32>
    %swap3A_348 = vector.shape_cast %get3A_342 : vector<50x128xf32> to vector<1x50x128xf32>
    tpu.vector_store %arg3[%swap3A_343, %swap3A_344, %swap3A_345], %swap3A_348 {strides = array<i32>} : memref<8x50x768xf32, #tpu.memory_space<vmem>>, vector<1x50x128xf32>,
    %get3A_349 = arith.constant 2184 : index
    %get3A_350 = arith.constant 0 : index
    %get3A_351 = vector.load %arg1[%get3A_349, %get3A_350] : memref<2688x128xf32, #tpu.memory_space<vmem>>, vector<50x128xf32>
    %swap3A_352 = arith.constant 6 : index
    %swap3A_353 = arith.constant 0 : index
    %swap3A_354 = arith.constant 384 : index
    %swap3A_355 = vector.load %arg3[%swap3A_352, %swap3A_353, %swap3A_354] : memref<8x50x768xf32, #tpu.memory_space<vmem>>, vector<1x50x128xf32>
    %swap3A_356 = vector.shape_cast %swap3A_355 : vector<1x50x128xf32> to vector<50x128xf32>
    %swap3A_357 = vector.shape_cast %get3A_351 : vector<50x128xf32> to vector<1x50x128xf32>
    tpu.vector_store %arg3[%swap3A_352, %swap3A_353, %swap3A_354], %swap3A_357 {strides = array<i32>} : memref<8x50x768xf32, #tpu.memory_space<vmem>>, vector<1x50x128xf32>,
    %get3A_358 = arith.constant 2240 : index
    %get3A_359 = arith.constant 0 : index
    %get3A_360 = vector.load %arg1[%get3A_358, %get3A_359] : memref<2688x128xf32, #tpu.memory_space<vmem>>, vector<50x128xf32>
    %swap3A_361 = arith.constant 6 : index
    %swap3A_362 = arith.constant 0 : index
    %swap3A_363 = arith.constant 512 : index
    %swap3A_364 = vector.load %arg3[%swap3A_361, %swap3A_362, %swap3A_363] : memref<8x50x768xf32, #tpu.memory_space<vmem>>, vector<1x50x128xf32>
    %swap3A_365 = vector.shape_cast %swap3A_364 : vector<1x50x128xf32> to vector<50x128xf32>
    %swap3A_366 = vector.shape_cast %get3A_360 : vector<50x128xf32> to vector<1x50x128xf32>
    tpu.vector_store %arg3[%swap3A_361, %swap3A_362, %swap3A_363], %swap3A_366 {strides = array<i32>} : memref<8x50x768xf32, #tpu.memory_space<vmem>>, vector<1x50x128xf32>,
    %get3A_367 = arith.constant 2296 : index
    %get3A_368 = arith.constant 0 : index
    %get3A_369 = vector.load %arg1[%get3A_367, %get3A_368] : memref<2688x128xf32, #tpu.memory_space<vmem>>, vector<50x128xf32>
    %swap3A_370 = arith.constant 6 : index
    %swap3A_371 = arith.constant 0 : index
    %swap3A_372 = arith.constant 640 : index
    %swap3A_373 = vector.load %arg3[%swap3A_370, %swap3A_371, %swap3A_372] : memref<8x50x768xf32, #tpu.memory_space<vmem>>, vector<1x50x128xf32>
    %swap3A_374 = vector.shape_cast %swap3A_373 : vector<1x50x128xf32> to vector<50x128xf32>
    %swap3A_375 = vector.shape_cast %get3A_369 : vector<50x128xf32> to vector<1x50x128xf32>
    tpu.vector_store %arg3[%swap3A_370, %swap3A_371, %swap3A_372], %swap3A_375 {strides = array<i32>} : memref<8x50x768xf32, #tpu.memory_space<vmem>>, vector<1x50x128xf32>,
    %get3A_376 = arith.constant 2352 : index
    %get3A_377 = arith.constant 0 : index
    %get3A_378 = vector.load %arg1[%get3A_376, %get3A_377] : memref<2688x128xf32, #tpu.memory_space<vmem>>, vector<50x128xf32>
    %swap3A_379 = arith.constant 7 : index
    %swap3A_380 = arith.constant 0 : index
    %swap3A_381 = arith.constant 0 : index
    %swap3A_382 = vector.load %arg3[%swap3A_379, %swap3A_380, %swap3A_381] : memref<8x50x768xf32, #tpu.memory_space<vmem>>, vector<1x50x128xf32>
    %swap3A_383 = vector.shape_cast %swap3A_382 : vector<1x50x128xf32> to vector<50x128xf32>
    %swap3A_384 = vector.shape_cast %get3A_378 : vector<50x128xf32> to vector<1x50x128xf32>
    tpu.vector_store %arg3[%swap3A_379, %swap3A_380, %swap3A_381], %swap3A_384 {strides = array<i32>} : memref<8x50x768xf32, #tpu.memory_space<vmem>>, vector<1x50x128xf32>,
    %get3A_385 = arith.constant 2408 : index
    %get3A_386 = arith.constant 0 : index
    %get3A_387 = vector.load %arg1[%get3A_385, %get3A_386] : memref<2688x128xf32, #tpu.memory_space<vmem>>, vector<50x128xf32>
    %swap3A_388 = arith.constant 7 : index
    %swap3A_389 = arith.constant 0 : index
    %swap3A_390 = arith.constant 128 : index
    %swap3A_391 = vector.load %arg3[%swap3A_388, %swap3A_389, %swap3A_390] : memref<8x50x768xf32, #tpu.memory_space<vmem>>, vector<1x50x128xf32>
    %swap3A_392 = vector.shape_cast %swap3A_391 : vector<1x50x128xf32> to vector<50x128xf32>
    %swap3A_393 = vector.shape_cast %get3A_387 : vector<50x128xf32> to vector<1x50x128xf32>
    tpu.vector_store %arg3[%swap3A_388, %swap3A_389, %swap3A_390], %swap3A_393 {strides = array<i32>} : memref<8x50x768xf32, #tpu.memory_space<vmem>>, vector<1x50x128xf32>,
    %get3A_394 = arith.constant 2464 : index
    %get3A_395 = arith.constant 0 : index
    %get3A_396 = vector.load %arg1[%get3A_394, %get3A_395] : memref<2688x128xf32, #tpu.memory_space<vmem>>, vector<50x128xf32>
    %swap3A_397 = arith.constant 7 : index
    %swap3A_398 = arith.constant 0 : index
    %swap3A_399 = arith.constant 256 : index
    %swap3A_400 = vector.load %arg3[%swap3A_397, %swap3A_398, %swap3A_399] : memref<8x50x768xf32, #tpu.memory_space<vmem>>, vector<1x50x128xf32>
    %swap3A_401 = vector.shape_cast %swap3A_400 : vector<1x50x128xf32> to vector<50x128xf32>
    %swap3A_402 = vector.shape_cast %get3A_396 : vector<50x128xf32> to vector<1x50x128xf32>
    tpu.vector_store %arg3[%swap3A_397, %swap3A_398, %swap3A_399], %swap3A_402 {strides = array<i32>} : memref<8x50x768xf32, #tpu.memory_space<vmem>>, vector<1x50x128xf32>,
    %get3A_403 = arith.constant 2520 : index
    %get3A_404 = arith.constant 0 : index
    %get3A_405 = vector.load %arg1[%get3A_403, %get3A_404] : memref<2688x128xf32, #tpu.memory_space<vmem>>, vector<50x128xf32>
    %swap3A_406 = arith.constant 7 : index
    %swap3A_407 = arith.constant 0 : index
    %swap3A_408 = arith.constant 384 : index
    %swap3A_409 = vector.load %arg3[%swap3A_406, %swap3A_407, %swap3A_408] : memref<8x50x768xf32, #tpu.memory_space<vmem>>, vector<1x50x128xf32>
    %swap3A_410 = vector.shape_cast %swap3A_409 : vector<1x50x128xf32> to vector<50x128xf32>
    %swap3A_411 = vector.shape_cast %get3A_405 : vector<50x128xf32> to vector<1x50x128xf32>
    tpu.vector_store %arg3[%swap3A_406, %swap3A_407, %swap3A_408], %swap3A_411 {strides = array<i32>} : memref<8x50x768xf32, #tpu.memory_space<vmem>>, vector<1x50x128xf32>,
    %get3A_412 = arith.constant 2576 : index
    %get3A_413 = arith.constant 0 : index
    %get3A_414 = vector.load %arg1[%get3A_412, %get3A_413] : memref<2688x128xf32, #tpu.memory_space<vmem>>, vector<50x128xf32>
    %swap3A_415 = arith.constant 7 : index
    %swap3A_416 = arith.constant 0 : index
    %swap3A_417 = arith.constant 512 : index
    %swap3A_418 = vector.load %arg3[%swap3A_415, %swap3A_416, %swap3A_417] : memref<8x50x768xf32, #tpu.memory_space<vmem>>, vector<1x50x128xf32>
    %swap3A_419 = vector.shape_cast %swap3A_418 : vector<1x50x128xf32> to vector<50x128xf32>
    %swap3A_420 = vector.shape_cast %get3A_414 : vector<50x128xf32> to vector<1x50x128xf32>
    tpu.vector_store %arg3[%swap3A_415, %swap3A_416, %swap3A_417], %swap3A_420 {strides = array<i32>} : memref<8x50x768xf32, #tpu.memory_space<vmem>>, vector<1x50x128xf32>,
    %get3A_421 = arith.constant 2632 : index
    %get3A_422 = arith.constant 0 : index
    %get3A_423 = vector.load %arg1[%get3A_421, %get3A_422] : memref<2688x128xf32, #tpu.memory_space<vmem>>, vector<50x128xf32>
    %swap3A_424 = arith.constant 7 : index
    %swap3A_425 = arith.constant 0 : index
    %swap3A_426 = arith.constant 640 : index
    %swap3A_427 = vector.load %arg3[%swap3A_424, %swap3A_425, %swap3A_426] : memref<8x50x768xf32, #tpu.memory_space<vmem>>, vector<1x50x128xf32>
    %swap3A_428 = vector.shape_cast %swap3A_427 : vector<1x50x128xf32> to vector<50x128xf32>
    %swap3A_429 = vector.shape_cast %get3A_423 : vector<50x128xf32> to vector<1x50x128xf32>
    tpu.vector_store %arg3[%swap3A_424, %swap3A_425, %swap3A_426], %swap3A_429 {strides = array<i32>} : memref<8x50x768xf32, #tpu.memory_space<vmem>>, vector<1x50x128xf32>,
    %get3A_430 = arith.constant 0 : index
    %get3A_431 = arith.constant 0 : index
    %get3A_432 = vector.load %arg2[%get3A_430, %get3A_431] : memref<2688x128xf32, #tpu.memory_space<vmem>>, vector<50x128xf32>
    %swap3A_433 = arith.constant 0 : index
    %swap3A_434 = arith.constant 0 : index
    %swap3A_435 = arith.constant 0 : index
    %swap3A_436 = vector.load %arg4[%swap3A_433, %swap3A_434, %swap3A_435] : memref<8x50x768xf32, #tpu.memory_space<vmem>>, vector<1x50x128xf32>
    %swap3A_437 = vector.shape_cast %swap3A_436 : vector<1x50x128xf32> to vector<50x128xf32>
    %swap3A_438 = vector.shape_cast %get3A_432 : vector<50x128xf32> to vector<1x50x128xf32>
    tpu.vector_store %arg4[%swap3A_433, %swap3A_434, %swap3A_435], %swap3A_438 {strides = array<i32>} : memref<8x50x768xf32, #tpu.memory_space<vmem>>, vector<1x50x128xf32>,
    %get3A_439 = arith.constant 56 : index
    %get3A_440 = arith.constant 0 : index
    %get3A_441 = vector.load %arg2[%get3A_439, %get3A_440] : memref<2688x128xf32, #tpu.memory_space<vmem>>, vector<50x128xf32>
    %swap3A_442 = arith.constant 0 : index
    %swap3A_443 = arith.constant 0 : index
    %swap3A_444 = arith.constant 128 : index
    %swap3A_445 = vector.load %arg4[%swap3A_442, %swap3A_443, %swap3A_444] : memref<8x50x768xf32, #tpu.memory_space<vmem>>, vector<1x50x128xf32>
    %swap3A_446 = vector.shape_cast %swap3A_445 : vector<1x50x128xf32> to vector<50x128xf32>
    %swap3A_447 = vector.shape_cast %get3A_441 : vector<50x128xf32> to vector<1x50x128xf32>
    tpu.vector_store %arg4[%swap3A_442, %swap3A_443, %swap3A_444], %swap3A_447 {strides = array<i32>} : memref<8x50x768xf32, #tpu.memory_space<vmem>>, vector<1x50x128xf32>,
    %get3A_448 = arith.constant 112 : index
    %get3A_449 = arith.constant 0 : index
    %get3A_450 = vector.load %arg2[%get3A_448, %get3A_449] : memref<2688x128xf32, #tpu.memory_space<vmem>>, vector<50x128xf32>
    %swap3A_451 = arith.constant 0 : index
    %swap3A_452 = arith.constant 0 : index
    %swap3A_453 = arith.constant 256 : index
    %swap3A_454 = vector.load %arg4[%swap3A_451, %swap3A_452, %swap3A_453] : memref<8x50x768xf32, #tpu.memory_space<vmem>>, vector<1x50x128xf32>
    %swap3A_455 = vector.shape_cast %swap3A_454 : vector<1x50x128xf32> to vector<50x128xf32>
    %swap3A_456 = vector.shape_cast %get3A_450 : vector<50x128xf32> to vector<1x50x128xf32>
    tpu.vector_store %arg4[%swap3A_451, %swap3A_452, %swap3A_453], %swap3A_456 {strides = array<i32>} : memref<8x50x768xf32, #tpu.memory_space<vmem>>, vector<1x50x128xf32>,
    %get3A_457 = arith.constant 168 : index
    %get3A_458 = arith.constant 0 : index
    %get3A_459 = vector.load %arg2[%get3A_457, %get3A_458] : memref<2688x128xf32, #tpu.memory_space<vmem>>, vector<50x128xf32>
    %swap3A_460 = arith.constant 0 : index
    %swap3A_461 = arith.constant 0 : index
    %swap3A_462 = arith.constant 384 : index
    %swap3A_463 = vector.load %arg4[%swap3A_460, %swap3A_461, %swap3A_462] : memref<8x50x768xf32, #tpu.memory_space<vmem>>, vector<1x50x128xf32>
    %swap3A_464 = vector.shape_cast %swap3A_463 : vector<1x50x128xf32> to vector<50x128xf32>
    %swap3A_465 = vector.shape_cast %get3A_459 : vector<50x128xf32> to vector<1x50x128xf32>
    tpu.vector_store %arg4[%swap3A_460, %swap3A_461, %swap3A_462], %swap3A_465 {strides = array<i32>} : memref<8x50x768xf32, #tpu.memory_space<vmem>>, vector<1x50x128xf32>,
    %get3A_466 = arith.constant 224 : index
    %get3A_467 = arith.constant 0 : index
    %get3A_468 = vector.load %arg2[%get3A_466, %get3A_467] : memref<2688x128xf32, #tpu.memory_space<vmem>>, vector<50x128xf32>
    %swap3A_469 = arith.constant 0 : index
    %swap3A_470 = arith.constant 0 : index
    %swap3A_471 = arith.constant 512 : index
    %swap3A_472 = vector.load %arg4[%swap3A_469, %swap3A_470, %swap3A_471] : memref<8x50x768xf32, #tpu.memory_space<vmem>>, vector<1x50x128xf32>
    %swap3A_473 = vector.shape_cast %swap3A_472 : vector<1x50x128xf32> to vector<50x128xf32>
    %swap3A_474 = vector.shape_cast %get3A_468 : vector<50x128xf32> to vector<1x50x128xf32>
    tpu.vector_store %arg4[%swap3A_469, %swap3A_470, %swap3A_471], %swap3A_474 {strides = array<i32>} : memref<8x50x768xf32, #tpu.memory_space<vmem>>, vector<1x50x128xf32>,
    %get3A_475 = arith.constant 280 : index
    %get3A_476 = arith.constant 0 : index
    %get3A_477 = vector.load %arg2[%get3A_475, %get3A_476] : memref<2688x128xf32, #tpu.memory_space<vmem>>, vector<50x128xf32>
    %swap3A_478 = arith.constant 0 : index
    %swap3A_479 = arith.constant 0 : index
    %swap3A_480 = arith.constant 640 : index
    %swap3A_481 = vector.load %arg4[%swap3A_478, %swap3A_479, %swap3A_480] : memref<8x50x768xf32, #tpu.memory_space<vmem>>, vector<1x50x128xf32>
    %swap3A_482 = vector.shape_cast %swap3A_481 : vector<1x50x128xf32> to vector<50x128xf32>
    %swap3A_483 = vector.shape_cast %get3A_477 : vector<50x128xf32> to vector<1x50x128xf32>
    tpu.vector_store %arg4[%swap3A_478, %swap3A_479, %swap3A_480], %swap3A_483 {strides = array<i32>} : memref<8x50x768xf32, #tpu.memory_space<vmem>>, vector<1x50x128xf32>,
    %get3A_484 = arith.constant 336 : index
    %get3A_485 = arith.constant 0 : index
    %get3A_486 = vector.load %arg2[%get3A_484, %get3A_485] : memref<2688x128xf32, #tpu.memory_space<vmem>>, vector<50x128xf32>
    %swap3A_487 = arith.constant 1 : index
    %swap3A_488 = arith.constant 0 : index
    %swap3A_489 = arith.constant 0 : index
    %swap3A_490 = vector.load %arg4[%swap3A_487, %swap3A_488, %swap3A_489] : memref<8x50x768xf32, #tpu.memory_space<vmem>>, vector<1x50x128xf32>
    %swap3A_491 = vector.shape_cast %swap3A_490 : vector<1x50x128xf32> to vector<50x128xf32>
    %swap3A_492 = vector.shape_cast %get3A_486 : vector<50x128xf32> to vector<1x50x128xf32>
    tpu.vector_store %arg4[%swap3A_487, %swap3A_488, %swap3A_489], %swap3A_492 {strides = array<i32>} : memref<8x50x768xf32, #tpu.memory_space<vmem>>, vector<1x50x128xf32>,
    %get3A_493 = arith.constant 392 : index
    %get3A_494 = arith.constant 0 : index
    %get3A_495 = vector.load %arg2[%get3A_493, %get3A_494] : memref<2688x128xf32, #tpu.memory_space<vmem>>, vector<50x128xf32>
    %swap3A_496 = arith.constant 1 : index
    %swap3A_497 = arith.constant 0 : index
    %swap3A_498 = arith.constant 128 : index
    %swap3A_499 = vector.load %arg4[%swap3A_496, %swap3A_497, %swap3A_498] : memref<8x50x768xf32, #tpu.memory_space<vmem>>, vector<1x50x128xf32>
    %swap3A_500 = vector.shape_cast %swap3A_499 : vector<1x50x128xf32> to vector<50x128xf32>
    %swap3A_501 = vector.shape_cast %get3A_495 : vector<50x128xf32> to vector<1x50x128xf32>
    tpu.vector_store %arg4[%swap3A_496, %swap3A_497, %swap3A_498], %swap3A_501 {strides = array<i32>} : memref<8x50x768xf32, #tpu.memory_space<vmem>>, vector<1x50x128xf32>,
    %get3A_502 = arith.constant 448 : index
    %get3A_503 = arith.constant 0 : index
    %get3A_504 = vector.load %arg2[%get3A_502, %get3A_503] : memref<2688x128xf32, #tpu.memory_space<vmem>>, vector<50x128xf32>
    %swap3A_505 = arith.constant 1 : index
    %swap3A_506 = arith.constant 0 : index
    %swap3A_507 = arith.constant 256 : index
    %swap3A_508 = vector.load %arg4[%swap3A_505, %swap3A_506, %swap3A_507] : memref<8x50x768xf32, #tpu.memory_space<vmem>>, vector<1x50x128xf32>
    %swap3A_509 = vector.shape_cast %swap3A_508 : vector<1x50x128xf32> to vector<50x128xf32>
    %swap3A_510 = vector.shape_cast %get3A_504 : vector<50x128xf32> to vector<1x50x128xf32>
    tpu.vector_store %arg4[%swap3A_505, %swap3A_506, %swap3A_507], %swap3A_510 {strides = array<i32>} : memref<8x50x768xf32, #tpu.memory_space<vmem>>, vector<1x50x128xf32>,
    %get3A_511 = arith.constant 504 : index
    %get3A_512 = arith.constant 0 : index
    %get3A_513 = vector.load %arg2[%get3A_511, %get3A_512] : memref<2688x128xf32, #tpu.memory_space<vmem>>, vector<50x128xf32>
    %swap3A_514 = arith.constant 1 : index
    %swap3A_515 = arith.constant 0 : index
    %swap3A_516 = arith.constant 384 : index
    %swap3A_517 = vector.load %arg4[%swap3A_514, %swap3A_515, %swap3A_516] : memref<8x50x768xf32, #tpu.memory_space<vmem>>, vector<1x50x128xf32>
    %swap3A_518 = vector.shape_cast %swap3A_517 : vector<1x50x128xf32> to vector<50x128xf32>
    %swap3A_519 = vector.shape_cast %get3A_513 : vector<50x128xf32> to vector<1x50x128xf32>
    tpu.vector_store %arg4[%swap3A_514, %swap3A_515, %swap3A_516], %swap3A_519 {strides = array<i32>} : memref<8x50x768xf32, #tpu.memory_space<vmem>>, vector<1x50x128xf32>,
    %get3A_520 = arith.constant 560 : index
    %get3A_521 = arith.constant 0 : index
    %get3A_522 = vector.load %arg2[%get3A_520, %get3A_521] : memref<2688x128xf32, #tpu.memory_space<vmem>>, vector<50x128xf32>
    %swap3A_523 = arith.constant 1 : index
    %swap3A_524 = arith.constant 0 : index
    %swap3A_525 = arith.constant 512 : index
    %swap3A_526 = vector.load %arg4[%swap3A_523, %swap3A_524, %swap3A_525] : memref<8x50x768xf32, #tpu.memory_space<vmem>>, vector<1x50x128xf32>
    %swap3A_527 = vector.shape_cast %swap3A_526 : vector<1x50x128xf32> to vector<50x128xf32>
    %swap3A_528 = vector.shape_cast %get3A_522 : vector<50x128xf32> to vector<1x50x128xf32>
    tpu.vector_store %arg4[%swap3A_523, %swap3A_524, %swap3A_525], %swap3A_528 {strides = array<i32>} : memref<8x50x768xf32, #tpu.memory_space<vmem>>, vector<1x50x128xf32>,
    %get3A_529 = arith.constant 616 : index
    %get3A_530 = arith.constant 0 : index
    %get3A_531 = vector.load %arg2[%get3A_529, %get3A_530] : memref<2688x128xf32, #tpu.memory_space<vmem>>, vector<50x128xf32>
    %swap3A_532 = arith.constant 1 : index
    %swap3A_533 = arith.constant 0 : index
    %swap3A_534 = arith.constant 640 : index
    %swap3A_535 = vector.load %arg4[%swap3A_532, %swap3A_533, %swap3A_534] : memref<8x50x768xf32, #tpu.memory_space<vmem>>, vector<1x50x128xf32>
    %swap3A_536 = vector.shape_cast %swap3A_535 : vector<1x50x128xf32> to vector<50x128xf32>
    %swap3A_537 = vector.shape_cast %get3A_531 : vector<50x128xf32> to vector<1x50x128xf32>
    tpu.vector_store %arg4[%swap3A_532, %swap3A_533, %swap3A_534], %swap3A_537 {strides = array<i32>} : memref<8x50x768xf32, #tpu.memory_space<vmem>>, vector<1x50x128xf32>,
    %get3A_538 = arith.constant 672 : index
    %get3A_539 = arith.constant 0 : index
    %get3A_540 = vector.load %arg2[%get3A_538, %get3A_539] : memref<2688x128xf32, #tpu.memory_space<vmem>>, vector<50x128xf32>
    %swap3A_541 = arith.constant 2 : index
    %swap3A_542 = arith.constant 0 : index
    %swap3A_543 = arith.constant 0 : index
    %swap3A_544 = vector.load %arg4[%swap3A_541, %swap3A_542, %swap3A_543] : memref<8x50x768xf32, #tpu.memory_space<vmem>>, vector<1x50x128xf32>
    %swap3A_545 = vector.shape_cast %swap3A_544 : vector<1x50x128xf32> to vector<50x128xf32>
    %swap3A_546 = vector.shape_cast %get3A_540 : vector<50x128xf32> to vector<1x50x128xf32>
    tpu.vector_store %arg4[%swap3A_541, %swap3A_542, %swap3A_543], %swap3A_546 {strides = array<i32>} : memref<8x50x768xf32, #tpu.memory_space<vmem>>, vector<1x50x128xf32>,
    %get3A_547 = arith.constant 728 : index
    %get3A_548 = arith.constant 0 : index
    %get3A_549 = vector.load %arg2[%get3A_547, %get3A_548] : memref<2688x128xf32, #tpu.memory_space<vmem>>, vector<50x128xf32>
    %swap3A_550 = arith.constant 2 : index
    %swap3A_551 = arith.constant 0 : index
    %swap3A_552 = arith.constant 128 : index
    %swap3A_553 = vector.load %arg4[%swap3A_550, %swap3A_551, %swap3A_552] : memref<8x50x768xf32, #tpu.memory_space<vmem>>, vector<1x50x128xf32>
    %swap3A_554 = vector.shape_cast %swap3A_553 : vector<1x50x128xf32> to vector<50x128xf32>
    %swap3A_555 = vector.shape_cast %get3A_549 : vector<50x128xf32> to vector<1x50x128xf32>
    tpu.vector_store %arg4[%swap3A_550, %swap3A_551, %swap3A_552], %swap3A_555 {strides = array<i32>} : memref<8x50x768xf32, #tpu.memory_space<vmem>>, vector<1x50x128xf32>,
    %get3A_556 = arith.constant 784 : index
    %get3A_557 = arith.constant 0 : index
    %get3A_558 = vector.load %arg2[%get3A_556, %get3A_557] : memref<2688x128xf32, #tpu.memory_space<vmem>>, vector<50x128xf32>
    %swap3A_559 = arith.constant 2 : index
    %swap3A_560 = arith.constant 0 : index
    %swap3A_561 = arith.constant 256 : index
    %swap3A_562 = vector.load %arg4[%swap3A_559, %swap3A_560, %swap3A_561] : memref<8x50x768xf32, #tpu.memory_space<vmem>>, vector<1x50x128xf32>
    %swap3A_563 = vector.shape_cast %swap3A_562 : vector<1x50x128xf32> to vector<50x128xf32>
    %swap3A_564 = vector.shape_cast %get3A_558 : vector<50x128xf32> to vector<1x50x128xf32>
    tpu.vector_store %arg4[%swap3A_559, %swap3A_560, %swap3A_561], %swap3A_564 {strides = array<i32>} : memref<8x50x768xf32, #tpu.memory_space<vmem>>, vector<1x50x128xf32>,
    %get3A_565 = arith.constant 840 : index
    %get3A_566 = arith.constant 0 : index
    %get3A_567 = vector.load %arg2[%get3A_565, %get3A_566] : memref<2688x128xf32, #tpu.memory_space<vmem>>, vector<50x128xf32>
    %swap3A_568 = arith.constant 2 : index
    %swap3A_569 = arith.constant 0 : index
    %swap3A_570 = arith.constant 384 : index
    %swap3A_571 = vector.load %arg4[%swap3A_568, %swap3A_569, %swap3A_570] : memref<8x50x768xf32, #tpu.memory_space<vmem>>, vector<1x50x128xf32>
    %swap3A_572 = vector.shape_cast %swap3A_571 : vector<1x50x128xf32> to vector<50x128xf32>
    %swap3A_573 = vector.shape_cast %get3A_567 : vector<50x128xf32> to vector<1x50x128xf32>
    tpu.vector_store %arg4[%swap3A_568, %swap3A_569, %swap3A_570], %swap3A_573 {strides = array<i32>} : memref<8x50x768xf32, #tpu.memory_space<vmem>>, vector<1x50x128xf32>,
    %get3A_574 = arith.constant 896 : index
    %get3A_575 = arith.constant 0 : index
    %get3A_576 = vector.load %arg2[%get3A_574, %get3A_575] : memref<2688x128xf32, #tpu.memory_space<vmem>>, vector<50x128xf32>
    %swap3A_577 = arith.constant 2 : index
    %swap3A_578 = arith.constant 0 : index
    %swap3A_579 = arith.constant 512 : index
    %swap3A_580 = vector.load %arg4[%swap3A_577, %swap3A_578, %swap3A_579] : memref<8x50x768xf32, #tpu.memory_space<vmem>>, vector<1x50x128xf32>
    %swap3A_581 = vector.shape_cast %swap3A_580 : vector<1x50x128xf32> to vector<50x128xf32>
    %swap3A_582 = vector.shape_cast %get3A_576 : vector<50x128xf32> to vector<1x50x128xf32>
    tpu.vector_store %arg4[%swap3A_577, %swap3A_578, %swap3A_579], %swap3A_582 {strides = array<i32>} : memref<8x50x768xf32, #tpu.memory_space<vmem>>, vector<1x50x128xf32>,
    %get3A_583 = arith.constant 952 : index
    %get3A_584 = arith.constant 0 : index
    %get3A_585 = vector.load %arg2[%get3A_583, %get3A_584] : memref<2688x128xf32, #tpu.memory_space<vmem>>, vector<50x128xf32>
    %swap3A_586 = arith.constant 2 : index
    %swap3A_587 = arith.constant 0 : index
    %swap3A_588 = arith.constant 640 : index
    %swap3A_589 = vector.load %arg4[%swap3A_586, %swap3A_587, %swap3A_588] : memref<8x50x768xf32, #tpu.memory_space<vmem>>, vector<1x50x128xf32>
    %swap3A_590 = vector.shape_cast %swap3A_589 : vector<1x50x128xf32> to vector<50x128xf32>
    %swap3A_591 = vector.shape_cast %get3A_585 : vector<50x128xf32> to vector<1x50x128xf32>
    tpu.vector_store %arg4[%swap3A_586, %swap3A_587, %swap3A_588], %swap3A_591 {strides = array<i32>} : memref<8x50x768xf32, #tpu.memory_space<vmem>>, vector<1x50x128xf32>,
    %get3A_592 = arith.constant 1008 : index
    %get3A_593 = arith.constant 0 : index
    %get3A_594 = vector.load %arg2[%get3A_592, %get3A_593] : memref<2688x128xf32, #tpu.memory_space<vmem>>, vector<50x128xf32>
    %swap3A_595 = arith.constant 3 : index
    %swap3A_596 = arith.constant 0 : index
    %swap3A_597 = arith.constant 0 : index
    %swap3A_598 = vector.load %arg4[%swap3A_595, %swap3A_596, %swap3A_597] : memref<8x50x768xf32, #tpu.memory_space<vmem>>, vector<1x50x128xf32>
    %swap3A_599 = vector.shape_cast %swap3A_598 : vector<1x50x128xf32> to vector<50x128xf32>
    %swap3A_600 = vector.shape_cast %get3A_594 : vector<50x128xf32> to vector<1x50x128xf32>
    tpu.vector_store %arg4[%swap3A_595, %swap3A_596, %swap3A_597], %swap3A_600 {strides = array<i32>} : memref<8x50x768xf32, #tpu.memory_space<vmem>>, vector<1x50x128xf32>,
    %get3A_601 = arith.constant 1064 : index
    %get3A_602 = arith.constant 0 : index
    %get3A_603 = vector.load %arg2[%get3A_601, %get3A_602] : memref<2688x128xf32, #tpu.memory_space<vmem>>, vector<50x128xf32>
    %swap3A_604 = arith.constant 3 : index
    %swap3A_605 = arith.constant 0 : index
    %swap3A_606 = arith.constant 128 : index
    %swap3A_607 = vector.load %arg4[%swap3A_604, %swap3A_605, %swap3A_606] : memref<8x50x768xf32, #tpu.memory_space<vmem>>, vector<1x50x128xf32>
    %swap3A_608 = vector.shape_cast %swap3A_607 : vector<1x50x128xf32> to vector<50x128xf32>
    %swap3A_609 = vector.shape_cast %get3A_603 : vector<50x128xf32> to vector<1x50x128xf32>
    tpu.vector_store %arg4[%swap3A_604, %swap3A_605, %swap3A_606], %swap3A_609 {strides = array<i32>} : memref<8x50x768xf32, #tpu.memory_space<vmem>>, vector<1x50x128xf32>,
    %get3A_610 = arith.constant 1120 : index
    %get3A_611 = arith.constant 0 : index
    %get3A_612 = vector.load %arg2[%get3A_610, %get3A_611] : memref<2688x128xf32, #tpu.memory_space<vmem>>, vector<50x128xf32>
    %swap3A_613 = arith.constant 3 : index
    %swap3A_614 = arith.constant 0 : index
    %swap3A_615 = arith.constant 256 : index
    %swap3A_616 = vector.load %arg4[%swap3A_613, %swap3A_614, %swap3A_615] : memref<8x50x768xf32, #tpu.memory_space<vmem>>, vector<1x50x128xf32>
    %swap3A_617 = vector.shape_cast %swap3A_616 : vector<1x50x128xf32> to vector<50x128xf32>
    %swap3A_618 = vector.shape_cast %get3A_612 : vector<50x128xf32> to vector<1x50x128xf32>
    tpu.vector_store %arg4[%swap3A_613, %swap3A_614, %swap3A_615], %swap3A_618 {strides = array<i32>} : memref<8x50x768xf32, #tpu.memory_space<vmem>>, vector<1x50x128xf32>,
    %get3A_619 = arith.constant 1176 : index
    %get3A_620 = arith.constant 0 : index
    %get3A_621 = vector.load %arg2[%get3A_619, %get3A_620] : memref<2688x128xf32, #tpu.memory_space<vmem>>, vector<50x128xf32>
    %swap3A_622 = arith.constant 3 : index
    %swap3A_623 = arith.constant 0 : index
    %swap3A_624 = arith.constant 384 : index
    %swap3A_625 = vector.load %arg4[%swap3A_622, %swap3A_623, %swap3A_624] : memref<8x50x768xf32, #tpu.memory_space<vmem>>, vector<1x50x128xf32>
    %swap3A_626 = vector.shape_cast %swap3A_625 : vector<1x50x128xf32> to vector<50x128xf32>
    %swap3A_627 = vector.shape_cast %get3A_621 : vector<50x128xf32> to vector<1x50x128xf32>
    tpu.vector_store %arg4[%swap3A_622, %swap3A_623, %swap3A_624], %swap3A_627 {strides = array<i32>} : memref<8x50x768xf32, #tpu.memory_space<vmem>>, vector<1x50x128xf32>,
    %get3A_628 = arith.constant 1232 : index
    %get3A_629 = arith.constant 0 : index
    %get3A_630 = vector.load %arg2[%get3A_628, %get3A_629] : memref<2688x128xf32, #tpu.memory_space<vmem>>, vector<50x128xf32>
    %swap3A_631 = arith.constant 3 : index
    %swap3A_632 = arith.constant 0 : index
    %swap3A_633 = arith.constant 512 : index
    %swap3A_634 = vector.load %arg4[%swap3A_631, %swap3A_632, %swap3A_633] : memref<8x50x768xf32, #tpu.memory_space<vmem>>, vector<1x50x128xf32>
    %swap3A_635 = vector.shape_cast %swap3A_634 : vector<1x50x128xf32> to vector<50x128xf32>
    %swap3A_636 = vector.shape_cast %get3A_630 : vector<50x128xf32> to vector<1x50x128xf32>
    tpu.vector_store %arg4[%swap3A_631, %swap3A_632, %swap3A_633], %swap3A_636 {strides = array<i32>} : memref<8x50x768xf32, #tpu.memory_space<vmem>>, vector<1x50x128xf32>,
    %get3A_637 = arith.constant 1288 : index
    %get3A_638 = arith.constant 0 : index
    %get3A_639 = vector.load %arg2[%get3A_637, %get3A_638] : memref<2688x128xf32, #tpu.memory_space<vmem>>, vector<50x128xf32>
    %swap3A_640 = arith.constant 3 : index
    %swap3A_641 = arith.constant 0 : index
    %swap3A_642 = arith.constant 640 : index
    %swap3A_643 = vector.load %arg4[%swap3A_640, %swap3A_641, %swap3A_642] : memref<8x50x768xf32, #tpu.memory_space<vmem>>, vector<1x50x128xf32>
    %swap3A_644 = vector.shape_cast %swap3A_643 : vector<1x50x128xf32> to vector<50x128xf32>
    %swap3A_645 = vector.shape_cast %get3A_639 : vector<50x128xf32> to vector<1x50x128xf32>
    tpu.vector_store %arg4[%swap3A_640, %swap3A_641, %swap3A_642], %swap3A_645 {strides = array<i32>} : memref<8x50x768xf32, #tpu.memory_space<vmem>>, vector<1x50x128xf32>,
    %get3A_646 = arith.constant 1344 : index
    %get3A_647 = arith.constant 0 : index
    %get3A_648 = vector.load %arg2[%get3A_646, %get3A_647] : memref<2688x128xf32, #tpu.memory_space<vmem>>, vector<50x128xf32>
    %swap3A_649 = arith.constant 4 : index
    %swap3A_650 = arith.constant 0 : index
    %swap3A_651 = arith.constant 0 : index
    %swap3A_652 = vector.load %arg4[%swap3A_649, %swap3A_650, %swap3A_651] : memref<8x50x768xf32, #tpu.memory_space<vmem>>, vector<1x50x128xf32>
    %swap3A_653 = vector.shape_cast %swap3A_652 : vector<1x50x128xf32> to vector<50x128xf32>
    %swap3A_654 = vector.shape_cast %get3A_648 : vector<50x128xf32> to vector<1x50x128xf32>
    tpu.vector_store %arg4[%swap3A_649, %swap3A_650, %swap3A_651], %swap3A_654 {strides = array<i32>} : memref<8x50x768xf32, #tpu.memory_space<vmem>>, vector<1x50x128xf32>,
    %get3A_655 = arith.constant 1400 : index
    %get3A_656 = arith.constant 0 : index
    %get3A_657 = vector.load %arg2[%get3A_655, %get3A_656] : memref<2688x128xf32, #tpu.memory_space<vmem>>, vector<50x128xf32>
    %swap3A_658 = arith.constant 4 : index
    %swap3A_659 = arith.constant 0 : index
    %swap3A_660 = arith.constant 128 : index
    %swap3A_661 = vector.load %arg4[%swap3A_658, %swap3A_659, %swap3A_660] : memref<8x50x768xf32, #tpu.memory_space<vmem>>, vector<1x50x128xf32>
    %swap3A_662 = vector.shape_cast %swap3A_661 : vector<1x50x128xf32> to vector<50x128xf32>
    %swap3A_663 = vector.shape_cast %get3A_657 : vector<50x128xf32> to vector<1x50x128xf32>
    tpu.vector_store %arg4[%swap3A_658, %swap3A_659, %swap3A_660], %swap3A_663 {strides = array<i32>} : memref<8x50x768xf32, #tpu.memory_space<vmem>>, vector<1x50x128xf32>,
    %get3A_664 = arith.constant 1456 : index
    %get3A_665 = arith.constant 0 : index
    %get3A_666 = vector.load %arg2[%get3A_664, %get3A_665] : memref<2688x128xf32, #tpu.memory_space<vmem>>, vector<50x128xf32>
    %swap3A_667 = arith.constant 4 : index
    %swap3A_668 = arith.constant 0 : index
    %swap3A_669 = arith.constant 256 : index
    %swap3A_670 = vector.load %arg4[%swap3A_667, %swap3A_668, %swap3A_669] : memref<8x50x768xf32, #tpu.memory_space<vmem>>, vector<1x50x128xf32>
    %swap3A_671 = vector.shape_cast %swap3A_670 : vector<1x50x128xf32> to vector<50x128xf32>
    %swap3A_672 = vector.shape_cast %get3A_666 : vector<50x128xf32> to vector<1x50x128xf32>
    tpu.vector_store %arg4[%swap3A_667, %swap3A_668, %swap3A_669], %swap3A_672 {strides = array<i32>} : memref<8x50x768xf32, #tpu.memory_space<vmem>>, vector<1x50x128xf32>,
    %get3A_673 = arith.constant 1512 : index
    %get3A_674 = arith.constant 0 : index
    %get3A_675 = vector.load %arg2[%get3A_673, %get3A_674] : memref<2688x128xf32, #tpu.memory_space<vmem>>, vector<50x128xf32>
    %swap3A_676 = arith.constant 4 : index
    %swap3A_677 = arith.constant 0 : index
    %swap3A_678 = arith.constant 384 : index
    %swap3A_679 = vector.load %arg4[%swap3A_676, %swap3A_677, %swap3A_678] : memref<8x50x768xf32, #tpu.memory_space<vmem>>, vector<1x50x128xf32>
    %swap3A_680 = vector.shape_cast %swap3A_679 : vector<1x50x128xf32> to vector<50x128xf32>
    %swap3A_681 = vector.shape_cast %get3A_675 : vector<50x128xf32> to vector<1x50x128xf32>
    tpu.vector_store %arg4[%swap3A_676, %swap3A_677, %swap3A_678], %swap3A_681 {strides = array<i32>} : memref<8x50x768xf32, #tpu.memory_space<vmem>>, vector<1x50x128xf32>,
    %get3A_682 = arith.constant 1568 : index
    %get3A_683 = arith.constant 0 : index
    %get3A_684 = vector.load %arg2[%get3A_682, %get3A_683] : memref<2688x128xf32, #tpu.memory_space<vmem>>, vector<50x128xf32>
    %swap3A_685 = arith.constant 4 : index
    %swap3A_686 = arith.constant 0 : index
    %swap3A_687 = arith.constant 512 : index
    %swap3A_688 = vector.load %arg4[%swap3A_685, %swap3A_686, %swap3A_687] : memref<8x50x768xf32, #tpu.memory_space<vmem>>, vector<1x50x128xf32>
    %swap3A_689 = vector.shape_cast %swap3A_688 : vector<1x50x128xf32> to vector<50x128xf32>
    %swap3A_690 = vector.shape_cast %get3A_684 : vector<50x128xf32> to vector<1x50x128xf32>
    tpu.vector_store %arg4[%swap3A_685, %swap3A_686, %swap3A_687], %swap3A_690 {strides = array<i32>} : memref<8x50x768xf32, #tpu.memory_space<vmem>>, vector<1x50x128xf32>,
    %get3A_691 = arith.constant 1624 : index
    %get3A_692 = arith.constant 0 : index
    %get3A_693 = vector.load %arg2[%get3A_691, %get3A_692] : memref<2688x128xf32, #tpu.memory_space<vmem>>, vector<50x128xf32>
    %swap3A_694 = arith.constant 4 : index
    %swap3A_695 = arith.constant 0 : index
    %swap3A_696 = arith.constant 640 : index
    %swap3A_697 = vector.load %arg4[%swap3A_694, %swap3A_695, %swap3A_696] : memref<8x50x768xf32, #tpu.memory_space<vmem>>, vector<1x50x128xf32>
    %swap3A_698 = vector.shape_cast %swap3A_697 : vector<1x50x128xf32> to vector<50x128xf32>
    %swap3A_699 = vector.shape_cast %get3A_693 : vector<50x128xf32> to vector<1x50x128xf32>
    tpu.vector_store %arg4[%swap3A_694, %swap3A_695, %swap3A_696], %swap3A_699 {strides = array<i32>} : memref<8x50x768xf32, #tpu.memory_space<vmem>>, vector<1x50x128xf32>,
    %get3A_700 = arith.constant 1680 : index
    %get3A_701 = arith.constant 0 : index
    %get3A_702 = vector.load %arg2[%get3A_700, %get3A_701] : memref<2688x128xf32, #tpu.memory_space<vmem>>, vector<50x128xf32>
    %swap3A_703 = arith.constant 5 : index
    %swap3A_704 = arith.constant 0 : index
    %swap3A_705 = arith.constant 0 : index
    %swap3A_706 = vector.load %arg4[%swap3A_703, %swap3A_704, %swap3A_705] : memref<8x50x768xf32, #tpu.memory_space<vmem>>, vector<1x50x128xf32>
    %swap3A_707 = vector.shape_cast %swap3A_706 : vector<1x50x128xf32> to vector<50x128xf32>
    %swap3A_708 = vector.shape_cast %get3A_702 : vector<50x128xf32> to vector<1x50x128xf32>
    tpu.vector_store %arg4[%swap3A_703, %swap3A_704, %swap3A_705], %swap3A_708 {strides = array<i32>} : memref<8x50x768xf32, #tpu.memory_space<vmem>>, vector<1x50x128xf32>,
    %get3A_709 = arith.constant 1736 : index
    %get3A_710 = arith.constant 0 : index
    %get3A_711 = vector.load %arg2[%get3A_709, %get3A_710] : memref<2688x128xf32, #tpu.memory_space<vmem>>, vector<50x128xf32>
    %swap3A_712 = arith.constant 5 : index
    %swap3A_713 = arith.constant 0 : index
    %swap3A_714 = arith.constant 128 : index
    %swap3A_715 = vector.load %arg4[%swap3A_712, %swap3A_713, %swap3A_714] : memref<8x50x768xf32, #tpu.memory_space<vmem>>, vector<1x50x128xf32>
    %swap3A_716 = vector.shape_cast %swap3A_715 : vector<1x50x128xf32> to vector<50x128xf32>
    %swap3A_717 = vector.shape_cast %get3A_711 : vector<50x128xf32> to vector<1x50x128xf32>
    tpu.vector_store %arg4[%swap3A_712, %swap3A_713, %swap3A_714], %swap3A_717 {strides = array<i32>} : memref<8x50x768xf32, #tpu.memory_space<vmem>>, vector<1x50x128xf32>,
    %get3A_718 = arith.constant 1792 : index
    %get3A_719 = arith.constant 0 : index
    %get3A_720 = vector.load %arg2[%get3A_718, %get3A_719] : memref<2688x128xf32, #tpu.memory_space<vmem>>, vector<50x128xf32>
    %swap3A_721 = arith.constant 5 : index
    %swap3A_722 = arith.constant 0 : index
    %swap3A_723 = arith.constant 256 : index
    %swap3A_724 = vector.load %arg4[%swap3A_721, %swap3A_722, %swap3A_723] : memref<8x50x768xf32, #tpu.memory_space<vmem>>, vector<1x50x128xf32>
    %swap3A_725 = vector.shape_cast %swap3A_724 : vector<1x50x128xf32> to vector<50x128xf32>
    %swap3A_726 = vector.shape_cast %get3A_720 : vector<50x128xf32> to vector<1x50x128xf32>
    tpu.vector_store %arg4[%swap3A_721, %swap3A_722, %swap3A_723], %swap3A_726 {strides = array<i32>} : memref<8x50x768xf32, #tpu.memory_space<vmem>>, vector<1x50x128xf32>,
    %get3A_727 = arith.constant 1848 : index
    %get3A_728 = arith.constant 0 : index
    %get3A_729 = vector.load %arg2[%get3A_727, %get3A_728] : memref<2688x128xf32, #tpu.memory_space<vmem>>, vector<50x128xf32>
    %swap3A_730 = arith.constant 5 : index
    %swap3A_731 = arith.constant 0 : index
    %swap3A_732 = arith.constant 384 : index
    %swap3A_733 = vector.load %arg4[%swap3A_730, %swap3A_731, %swap3A_732] : memref<8x50x768xf32, #tpu.memory_space<vmem>>, vector<1x50x128xf32>
    %swap3A_734 = vector.shape_cast %swap3A_733 : vector<1x50x128xf32> to vector<50x128xf32>
    %swap3A_735 = vector.shape_cast %get3A_729 : vector<50x128xf32> to vector<1x50x128xf32>
    tpu.vector_store %arg4[%swap3A_730, %swap3A_731, %swap3A_732], %swap3A_735 {strides = array<i32>} : memref<8x50x768xf32, #tpu.memory_space<vmem>>, vector<1x50x128xf32>,
    %get3A_736 = arith.constant 1904 : index
    %get3A_737 = arith.constant 0 : index
    %get3A_738 = vector.load %arg2[%get3A_736, %get3A_737] : memref<2688x128xf32, #tpu.memory_space<vmem>>, vector<50x128xf32>
    %swap3A_739 = arith.constant 5 : index
    %swap3A_740 = arith.constant 0 : index
    %swap3A_741 = arith.constant 512 : index
    %swap3A_742 = vector.load %arg4[%swap3A_739, %swap3A_740, %swap3A_741] : memref<8x50x768xf32, #tpu.memory_space<vmem>>, vector<1x50x128xf32>
    %swap3A_743 = vector.shape_cast %swap3A_742 : vector<1x50x128xf32> to vector<50x128xf32>
    %swap3A_744 = vector.shape_cast %get3A_738 : vector<50x128xf32> to vector<1x50x128xf32>
    tpu.vector_store %arg4[%swap3A_739, %swap3A_740, %swap3A_741], %swap3A_744 {strides = array<i32>} : memref<8x50x768xf32, #tpu.memory_space<vmem>>, vector<1x50x128xf32>,
    %get3A_745 = arith.constant 1960 : index
    %get3A_746 = arith.constant 0 : index
    %get3A_747 = vector.load %arg2[%get3A_745, %get3A_746] : memref<2688x128xf32, #tpu.memory_space<vmem>>, vector<50x128xf32>
    %swap3A_748 = arith.constant 5 : index
    %swap3A_749 = arith.constant 0 : index
    %swap3A_750 = arith.constant 640 : index
    %swap3A_751 = vector.load %arg4[%swap3A_748, %swap3A_749, %swap3A_750] : memref<8x50x768xf32, #tpu.memory_space<vmem>>, vector<1x50x128xf32>
    %swap3A_752 = vector.shape_cast %swap3A_751 : vector<1x50x128xf32> to vector<50x128xf32>
    %swap3A_753 = vector.shape_cast %get3A_747 : vector<50x128xf32> to vector<1x50x128xf32>
    tpu.vector_store %arg4[%swap3A_748, %swap3A_749, %swap3A_750], %swap3A_753 {strides = array<i32>} : memref<8x50x768xf32, #tpu.memory_space<vmem>>, vector<1x50x128xf32>,
    %get3A_754 = arith.constant 2016 : index
    %get3A_755 = arith.constant 0 : index
    %get3A_756 = vector.load %arg2[%get3A_754, %get3A_755] : memref<2688x128xf32, #tpu.memory_space<vmem>>, vector<50x128xf32>
    %swap3A_757 = arith.constant 6 : index
    %swap3A_758 = arith.constant 0 : index
    %swap3A_759 = arith.constant 0 : index
    %swap3A_760 = vector.load %arg4[%swap3A_757, %swap3A_758, %swap3A_759] : memref<8x50x768xf32, #tpu.memory_space<vmem>>, vector<1x50x128xf32>
    %swap3A_761 = vector.shape_cast %swap3A_760 : vector<1x50x128xf32> to vector<50x128xf32>
    %swap3A_762 = vector.shape_cast %get3A_756 : vector<50x128xf32> to vector<1x50x128xf32>
    tpu.vector_store %arg4[%swap3A_757, %swap3A_758, %swap3A_759], %swap3A_762 {strides = array<i32>} : memref<8x50x768xf32, #tpu.memory_space<vmem>>, vector<1x50x128xf32>,
    %get3A_763 = arith.constant 2072 : index
    %get3A_764 = arith.constant 0 : index
    %get3A_765 = vector.load %arg2[%get3A_763, %get3A_764] : memref<2688x128xf32, #tpu.memory_space<vmem>>, vector<50x128xf32>
    %swap3A_766 = arith.constant 6 : index
    %swap3A_767 = arith.constant 0 : index
    %swap3A_768 = arith.constant 128 : index
    %swap3A_769 = vector.load %arg4[%swap3A_766, %swap3A_767, %swap3A_768] : memref<8x50x768xf32, #tpu.memory_space<vmem>>, vector<1x50x128xf32>
    %swap3A_770 = vector.shape_cast %swap3A_769 : vector<1x50x128xf32> to vector<50x128xf32>
    %swap3A_771 = vector.shape_cast %get3A_765 : vector<50x128xf32> to vector<1x50x128xf32>
    tpu.vector_store %arg4[%swap3A_766, %swap3A_767, %swap3A_768], %swap3A_771 {strides = array<i32>} : memref<8x50x768xf32, #tpu.memory_space<vmem>>, vector<1x50x128xf32>,
    %get3A_772 = arith.constant 2128 : index
    %get3A_773 = arith.constant 0 : index
    %get3A_774 = vector.load %arg2[%get3A_772, %get3A_773] : memref<2688x128xf32, #tpu.memory_space<vmem>>, vector<50x128xf32>
    %swap3A_775 = arith.constant 6 : index
    %swap3A_776 = arith.constant 0 : index
    %swap3A_777 = arith.constant 256 : index
    %swap3A_778 = vector.load %arg4[%swap3A_775, %swap3A_776, %swap3A_777] : memref<8x50x768xf32, #tpu.memory_space<vmem>>, vector<1x50x128xf32>
    %swap3A_779 = vector.shape_cast %swap3A_778 : vector<1x50x128xf32> to vector<50x128xf32>
    %swap3A_780 = vector.shape_cast %get3A_774 : vector<50x128xf32> to vector<1x50x128xf32>
    tpu.vector_store %arg4[%swap3A_775, %swap3A_776, %swap3A_777], %swap3A_780 {strides = array<i32>} : memref<8x50x768xf32, #tpu.memory_space<vmem>>, vector<1x50x128xf32>,
    %get3A_781 = arith.constant 2184 : index
    %get3A_782 = arith.constant 0 : index
    %get3A_783 = vector.load %arg2[%get3A_781, %get3A_782] : memref<2688x128xf32, #tpu.memory_space<vmem>>, vector<50x128xf32>
    %swap3A_784 = arith.constant 6 : index
    %swap3A_785 = arith.constant 0 : index
    %swap3A_786 = arith.constant 384 : index
    %swap3A_787 = vector.load %arg4[%swap3A_784, %swap3A_785, %swap3A_786] : memref<8x50x768xf32, #tpu.memory_space<vmem>>, vector<1x50x128xf32>
    %swap3A_788 = vector.shape_cast %swap3A_787 : vector<1x50x128xf32> to vector<50x128xf32>
    %swap3A_789 = vector.shape_cast %get3A_783 : vector<50x128xf32> to vector<1x50x128xf32>
    tpu.vector_store %arg4[%swap3A_784, %swap3A_785, %swap3A_786], %swap3A_789 {strides = array<i32>} : memref<8x50x768xf32, #tpu.memory_space<vmem>>, vector<1x50x128xf32>,
    %get3A_790 = arith.constant 2240 : index
    %get3A_791 = arith.constant 0 : index
    %get3A_792 = vector.load %arg2[%get3A_790, %get3A_791] : memref<2688x128xf32, #tpu.memory_space<vmem>>, vector<50x128xf32>
    %swap3A_793 = arith.constant 6 : index
    %swap3A_794 = arith.constant 0 : index
    %swap3A_795 = arith.constant 512 : index
    %swap3A_796 = vector.load %arg4[%swap3A_793, %swap3A_794, %swap3A_795] : memref<8x50x768xf32, #tpu.memory_space<vmem>>, vector<1x50x128xf32>
    %swap3A_797 = vector.shape_cast %swap3A_796 : vector<1x50x128xf32> to vector<50x128xf32>
    %swap3A_798 = vector.shape_cast %get3A_792 : vector<50x128xf32> to vector<1x50x128xf32>
    tpu.vector_store %arg4[%swap3A_793, %swap3A_794, %swap3A_795], %swap3A_798 {strides = array<i32>} : memref<8x50x768xf32, #tpu.memory_space<vmem>>, vector<1x50x128xf32>,
    %get3A_799 = arith.constant 2296 : index
    %get3A_800 = arith.constant 0 : index
    %get3A_801 = vector.load %arg2[%get3A_799, %get3A_800] : memref<2688x128xf32, #tpu.memory_space<vmem>>, vector<50x128xf32>
    %swap3A_802 = arith.constant 6 : index
    %swap3A_803 = arith.constant 0 : index
    %swap3A_804 = arith.constant 640 : index
    %swap3A_805 = vector.load %arg4[%swap3A_802, %swap3A_803, %swap3A_804] : memref<8x50x768xf32, #tpu.memory_space<vmem>>, vector<1x50x128xf32>
    %swap3A_806 = vector.shape_cast %swap3A_805 : vector<1x50x128xf32> to vector<50x128xf32>
    %swap3A_807 = vector.shape_cast %get3A_801 : vector<50x128xf32> to vector<1x50x128xf32>
    tpu.vector_store %arg4[%swap3A_802, %swap3A_803, %swap3A_804], %swap3A_807 {strides = array<i32>} : memref<8x50x768xf32, #tpu.memory_space<vmem>>, vector<1x50x128xf32>,
    %get3A_808 = arith.constant 2352 : index
    %get3A_809 = arith.constant 0 : index
    %get3A_810 = vector.load %arg2[%get3A_808, %get3A_809] : memref<2688x128xf32, #tpu.memory_space<vmem>>, vector<50x128xf32>
    %swap3A_811 = arith.constant 7 : index
    %swap3A_812 = arith.constant 0 : index
    %swap3A_813 = arith.constant 0 : index
    %swap3A_814 = vector.load %arg4[%swap3A_811, %swap3A_812, %swap3A_813] : memref<8x50x768xf32, #tpu.memory_space<vmem>>, vector<1x50x128xf32>
    %swap3A_815 = vector.shape_cast %swap3A_814 : vector<1x50x128xf32> to vector<50x128xf32>
    %swap3A_816 = vector.shape_cast %get3A_810 : vector<50x128xf32> to vector<1x50x128xf32>
    tpu.vector_store %arg4[%swap3A_811, %swap3A_812, %swap3A_813], %swap3A_816 {strides = array<i32>} : memref<8x50x768xf32, #tpu.memory_space<vmem>>, vector<1x50x128xf32>,
    %get3A_817 = arith.constant 2408 : index
    %get3A_818 = arith.constant 0 : index
    %get3A_819 = vector.load %arg2[%get3A_817, %get3A_818] : memref<2688x128xf32, #tpu.memory_space<vmem>>, vector<50x128xf32>
    %swap3A_820 = arith.constant 7 : index
    %swap3A_821 = arith.constant 0 : index
    %swap3A_822 = arith.constant 128 : index
    %swap3A_823 = vector.load %arg4[%swap3A_820, %swap3A_821, %swap3A_822] : memref<8x50x768xf32, #tpu.memory_space<vmem>>, vector<1x50x128xf32>
    %swap3A_824 = vector.shape_cast %swap3A_823 : vector<1x50x128xf32> to vector<50x128xf32>
    %swap3A_825 = vector.shape_cast %get3A_819 : vector<50x128xf32> to vector<1x50x128xf32>
    tpu.vector_store %arg4[%swap3A_820, %swap3A_821, %swap3A_822], %swap3A_825 {strides = array<i32>} : memref<8x50x768xf32, #tpu.memory_space<vmem>>, vector<1x50x128xf32>,
    %get3A_826 = arith.constant 2464 : index
    %get3A_827 = arith.constant 0 : index
    %get3A_828 = vector.load %arg2[%get3A_826, %get3A_827] : memref<2688x128xf32, #tpu.memory_space<vmem>>, vector<50x128xf32>
    %swap3A_829 = arith.constant 7 : index
    %swap3A_830 = arith.constant 0 : index
    %swap3A_831 = arith.constant 256 : index
    %swap3A_832 = vector.load %arg4[%swap3A_829, %swap3A_830, %swap3A_831] : memref<8x50x768xf32, #tpu.memory_space<vmem>>, vector<1x50x128xf32>
    %swap3A_833 = vector.shape_cast %swap3A_832 : vector<1x50x128xf32> to vector<50x128xf32>
    %swap3A_834 = vector.shape_cast %get3A_828 : vector<50x128xf32> to vector<1x50x128xf32>
    tpu.vector_store %arg4[%swap3A_829, %swap3A_830, %swap3A_831], %swap3A_834 {strides = array<i32>} : memref<8x50x768xf32, #tpu.memory_space<vmem>>, vector<1x50x128xf32>,
    %get3A_835 = arith.constant 2520 : index
    %get3A_836 = arith.constant 0 : index
    %get3A_837 = vector.load %arg2[%get3A_835, %get3A_836] : memref<2688x128xf32, #tpu.memory_space<vmem>>, vector<50x128xf32>
    %swap3A_838 = arith.constant 7 : index
    %swap3A_839 = arith.constant 0 : index
    %swap3A_840 = arith.constant 384 : index
    %swap3A_841 = vector.load %arg4[%swap3A_838, %swap3A_839, %swap3A_840] : memref<8x50x768xf32, #tpu.memory_space<vmem>>, vector<1x50x128xf32>
    %swap3A_842 = vector.shape_cast %swap3A_841 : vector<1x50x128xf32> to vector<50x128xf32>
    %swap3A_843 = vector.shape_cast %get3A_837 : vector<50x128xf32> to vector<1x50x128xf32>
    tpu.vector_store %arg4[%swap3A_838, %swap3A_839, %swap3A_840], %swap3A_843 {strides = array<i32>} : memref<8x50x768xf32, #tpu.memory_space<vmem>>, vector<1x50x128xf32>,
    %get3A_844 = arith.constant 2576 : index
    %get3A_845 = arith.constant 0 : index
    %get3A_846 = vector.load %arg2[%get3A_844, %get3A_845] : memref<2688x128xf32, #tpu.memory_space<vmem>>, vector<50x128xf32>
    %swap3A_847 = arith.constant 7 : index
    %swap3A_848 = arith.constant 0 : index
    %swap3A_849 = arith.constant 512 : index
    %swap3A_850 = vector.load %arg4[%swap3A_847, %swap3A_848, %swap3A_849] : memref<8x50x768xf32, #tpu.memory_space<vmem>>, vector<1x50x128xf32>
    %swap3A_851 = vector.shape_cast %swap3A_850 : vector<1x50x128xf32> to vector<50x128xf32>
    %swap3A_852 = vector.shape_cast %get3A_846 : vector<50x128xf32> to vector<1x50x128xf32>
    tpu.vector_store %arg4[%swap3A_847, %swap3A_848, %swap3A_849], %swap3A_852 {strides = array<i32>} : memref<8x50x768xf32, #tpu.memory_space<vmem>>, vector<1x50x128xf32>,
    %get3A_853 = arith.constant 2632 : index
    %get3A_854 = arith.constant 0 : index
    %get3A_855 = vector.load %arg2[%get3A_853, %get3A_854] : memref<2688x128xf32, #tpu.memory_space<vmem>>, vector<50x128xf32>
    %swap3A_856 = arith.constant 7 : index
    %swap3A_857 = arith.constant 0 : index
    %swap3A_858 = arith.constant 640 : index
    %swap3A_859 = vector.load %arg4[%swap3A_856, %swap3A_857, %swap3A_858] : memref<8x50x768xf32, #tpu.memory_space<vmem>>, vector<1x50x128xf32>
    %swap3A_860 = vector.shape_cast %swap3A_859 : vector<1x50x128xf32> to vector<50x128xf32>
    %swap3A_861 = vector.shape_cast %get3A_855 : vector<50x128xf32> to vector<1x50x128xf32>
    tpu.vector_store %arg4[%swap3A_856, %swap3A_857, %swap3A_858], %swap3A_861 {strides = array<i32>} : memref<8x50x768xf32, #tpu.memory_space<vmem>>, vector<1x50x128xf32>,
    return
  }
  func.func @transform_0(%arg0: i32) -> (i32, i32) {
    %c0_i32 = arith.constant 0 : i32
    %c0_i32_0 = arith.constant 0 : i32
    return %arg0, %c0_i32 : i32, i32
  }
  func.func @transform_1(%arg0: i32) -> (i32, i32) {
    %c0_i32 = arith.constant 0 : i32
    %c0_i32_0 = arith.constant 0 : i32
    return %arg0, %c0_i32 : i32, i32
  }
  func.func @transform_2(%arg0: i32) -> (i32, i32, i32) {
    %c0_i32 = arith.constant 0 : i32
    %c0_i32_0 = arith.constant 0 : i32
    %c0_i32_1 = arith.constant 0 : i32
    return %arg0, %c0_i32, %c0_i32_0 : i32, i32, i32
  }
  func.func @transform_3(%arg0: i32) -> (i32, i32, i32) {
    %c0_i32 = arith.constant 0 : i32
    %c0_i32_0 = arith.constant 0 : i32
    %c0_i32_1 = arith.constant 0 : i32
    return %arg0, %c0_i32, %c0_i32_0 : i32, i32, i32
  }
}

</mosaic_0001>

<sc_bundles>
// kernel: kernel.6.cloned.1.call-start
scs
__scs_entry_jumppad:
0x0: {  	(pc) =	sbr.rel $0x88, $3  }
0x1: {  	(tag) =	ssettag $0x0;
	lr =	simm.s32 $0x1  }
0x2: {  	[smem:$0x3F9A] =	sst lr;
	_ =	strace $0xD0000000  }
0x3: {  	_ = 	snop  }
0x4: {  	_ = 	snop  }
0x5: {  	_ = 	snop  }
0x6: {  	_ = 	snop  }
0x7: {  	_ = 	snop  }
__scs_overlays_trampoline_lowered:
0x8: {  	[smem:$0x3FA9] =	sst s0  }
0x9: {  	[smem:$0x3FAA] =	sst s1  }
0xa: {  	[smem:$0x3FAB] =	sst s2  }
0xb: {  	[smem:$0x3FAC] =	sst s3  }
0xc: {  	[smem:$0x3FAD] =	sst s4  }
0xd: {  	[smem:$0x3FAE] =	sst s5  }
0xe: {  	[smem:$0x3FAF] =	sst s6  }
0xf: {  	[smem:$0x3FB0] =	sst s7  }
0x10: {  	[smem:$0x3FB1] =	sst s8  }
0x11: {  	[smem:$0x3FB2] =	sst s9;
	s0 =	simm.s32 @!p0 $0x0  }
0x12: {  	s1 =	sld [smem:$0x3F98];
	s0 =	simm.s32 @p0 $0x1  }
0x13: {  	[smem:$0x3FB3] =	sst s0;
	s0 =	simm.s32 @!p1 $0x0  }
0x14: {  	s2 =	sld [smem:$0x3F97];
	s0 =	simm.s32 @p1 $0x1  }
0x15: {  	[smem:$0x3FB4] =	sst s0;
	s0 =	simm.s32 @!p2 $0x0  }
0x16: {  	s3 =	sld [smem:$0x3FDB];
	s0 =	simm.s32 @p2 $0x1  }
0x17: {  	s4 =	simm.s32 $0x1BF5;
	[smem:$0x3FB6] =	sst s0  }
0x18: {  	s0 =	sld [smem:$0x3F99];
	_ =	swait.ge [sflag:s4], $0x0  }
0x19: {  	s7 =	sld [smem:$0x3F9A]  }
0x1a: {  	s8 =	sadd.s32 $0xFFFFE003, lr  }
0x1b: {  	s9 =	sadd.s32 $0xFFFFFEF7, lr;
	s5 =	simm.s32 $0xFFFFFFFF;
	p2 =	slt.u32 s8, $0xFFFFF086  }
0x1c: {  	p1 =	slt.u32 s9, $0xF7A;
	s5 =	simm.s32 @!p2 $0x0  }
0x1d: {  	s5 =	simm.s32 @p1 $0x1;
	p0 =	seq.s32 s7, s2  }
0x1e: {  	s7 =	smul.u32 @!p0 $0xF7A, s2;
	p2 =	seq.s32 @!p0 s5, $0x0  }
0x1f: {  	s9 =	smul.u32 $0xF7A, s1;
	s8 =	simm.s32 @!p0 $0x1BF5;
	p2 =	por !p2, p0  }
0x20: {  	[sflag:s8] =	ssyncset.s32 @!p0 $0xFFFFF086;
	s6 =	sadd.s32 @!p0 s3, s7;
	s7 =	simm.s32 @!p0 $0x108  }
0x21: {  	s3 =	sadd.s32 s3, s9;
	s6 =	sadd.s32 @!p0 $0x88, s6;
	s7 =	simm.s32 @p2 $0x1082  }
0x22: {  	[simem:s7], [sflag:s8] =	dma.local @!p0 [hbm:s6], $0xF7A  }
0x23: {  	s9 =	sor.u32 $0xD0000000, s2;
	s6 =	simm.s32 $0x108;
	_ =	swait.ge @!p0 [sflag:s8], $0x0  }
0x24: {  	s3 =	sadd.s32 $0x88, s3;
	s6 =	simm.s32 @!p1 $0x1082;
	[sflag:s4] =	ssyncset.s32 $0xFFFFF086  }
0x25: {  	[simem:s6], [sflag:s4] =	dma.local [hbm:s3], $0xF7A  }
0x26: {  	[smem:$0x3F9A] =	sst s1;
	(tag) =	ssettag s2;
	_ =	strace s9  }
0x27: {  	s1 =	sld [smem:$0x3FAA]  }
0x28: {  	s2 =	sld [smem:$0x3FAB]  }
0x29: {  	s4 =	sld [smem:$0x3FAD]  }
0x2a: {  	p0 =	seq.s32 s5, $0x0;
	s5 =	sld [smem:$0x3FAE]  }
0x2b: {  	s6 =	sld [smem:$0x3FAF]  }
0x2c: {  	s7 =	sld [smem:$0x3FB0]  }
0x2d: {  	s3 =	simm.s32 $0x108;
	s8 =	sld [smem:$0x3FB1]  }
0x2e: {  	s3 =	simm.s32 @!p0 $0x1082;
	s9 =	sld [smem:$0x3FB2]  }
0x2f: {  	lr =	sadd.s32 s0, s3;
	s0 =	sld [smem:$0x3FA9]  }
0x30: {  	s3 =	sld [smem:$0x3FAC]  }
0x31: {  	[smem:$0x3FB5] =	sst s10  }
0x32: {  	s10 =	sld [smem:$0x3FB3];
	_ =	sdelay $0x3  }
0x33: {  	p0 =	seq.s32 s10, $0x1;
	s10 =	sld [smem:$0x3FB5];
	_ =	sdelay $0x3  }
0x34: {  	[smem:$0x3FB5] =	sst s10  }
0x35: {  	s10 =	sld [smem:$0x3FB4];
	_ =	sdelay $0x3  }
0x36: {  	p1 =	seq.s32 s10, $0x1;
	s10 =	sld [smem:$0x3FB5];
	_ =	sdelay $0x3  }
0x37: {  	[smem:$0x3FB5] =	sst s10  }
0x38: {  	s10 =	sld [smem:$0x3FB6]  }
0x39: {  	_ = 	snop;
	(pc) =	sbr.ind lr, $3  }
0x3a: {  	_ = 	snop  }
0x3b: {  	_ = 	snop  }
0x3c: {  	p2 =	seq.s32 s10, $0x1;
	s10 =	sld [smem:$0x3FB5]  }
0x3d: {  	_ =	shalt  }
0x3e: {  	_ =	shalt  }
0x3f: {  	_ =	shalt  }
0x40: {  	_ =	shalt  }
0x41: {  	_ =	shalt  }
0x42: {  	_ =	shalt  }
0x43: {  	_ =	shalt  }
0x44: {  	_ =	shalt  }
0x45: {  	_ =	shalt  }
0x46: {  	_ =	shalt  }
0x47: {  	_ =	shalt  }
0x48: {  	_ =	shalt  }
0x49: {  	_ =	shalt  }
0x4a: {  	_ =	shalt  }
0x4b: {  	_ =	shalt  }
0x4c: {  	_ =	shalt  }
0x4d: {  	_ =	shalt  }
0x4e: {  	_ =	shalt  }
0x4f: {  	_ =	shalt  }
0x50: {  	_ =	shalt  }
0x51: {  	_ =	shalt  }
0x52: {  	_ =	shalt  }
0x53: {  	_ =	shalt  }
0x54: {  	_ =	shalt  }
0x55: {  	_ =	shalt  }
0x56: {  	_ =	shalt  }
0x57: {  	_ =	shalt  }
0x58: {  	_ =	shalt  }
0x59: {  	_ =	shalt  }
0x5a: {  	_ =	shalt  }
0x5b: {  	_ =	shalt  }
0x5c: {  	_ =	shalt  }
0x5d: {  	_ =	shalt  }
0x5e: {  	_ =	shalt  }
0x5f: {  	_ =	shalt  }
0x60: {  	_ =	shalt  }
0x61: {  	_ =	shalt  }
0x62: {  	_ =	shalt  }
0x63: {  	_ =	shalt  }
0x64: {  	_ =	shalt  }
0x65: {  	_ =	shalt  }
0x66: {  	_ =	shalt  }
0x67: {  	_ =	shalt  }
0x68: {  	_ =	shalt  }
0x69: {  	_ =	shalt  }
0x6a: {  	_ =	shalt  }
0x6b: {  	_ =	shalt  }
0x6c: {  	_ =	shalt  }
0x6d: {  	_ =	shalt  }
0x6e: {  	_ =	shalt  }
0x6f: {  	_ =	shalt  }
0x70: {  	_ =	shalt  }
0x71: {  	_ =	shalt  }
0x72: {  	_ =	shalt  }
0x73: {  	_ =	shalt  }
0x74: {  	_ =	shalt  }
0x75: {  	_ =	shalt  }
0x76: {  	_ =	shalt  }
0x77: {  	_ =	shalt  }
0x78: {  	_ =	shalt  }
0x79: {  	_ =	shalt  }
0x7a: {  	_ =	shalt  }
0x7b: {  	_ =	shalt  }
0x7c: {  	_ =	shalt  }
0x7d: {  	_ =	shalt  }
0x7e: {  	_ =	shalt  }
0x7f: {  	_ =	shalt  }
0x80: {  	_ =	shalt  }
0x81: {  	_ =	shalt  }
0x82: {  	_ =	shalt  }
0x83: {  	_ =	shalt  }
0x84: {  	_ =	shalt  }
0x85: {  	_ =	shalt  }
0x86: {  	_ =	shalt  }
0x87: {  	_ =	shalt  }
.Lfunc_end0:
.L_simem_size_0:
called_computation_lowered:
.L_overlay_start_0:
0x88: {  	s2 =	sld [smem:$0x3FD9]  }
0x89: {  	s3 =	sld [smem:$0x3FFE];
	_ =	sdelay $0x1  }
0x8a: {  	s1 =	srdreg.scid  }
0x8b: {  	s0 =	sand.u32 $0x1, s1  }
0x8c: {  	s14 =	sshll.u32 s0, $0xA;
	s2 =	sadd.s32 s3, s2  }
0x8d: {  	s2 =	sadd.s32 s2, s14  }
0x8e: {  	[smem:$0x3FC1] =	sst s2  }
0x8f: {  	_ = 	snop  }
0x90: {  	s2 =	sld [smem:$0x3FD0];
	_ =	sdelay $0x2  }
0x91: {  	s15 =	simm.s32 $0xA;
	s4 =	simm.s32 $0x10  }
0x92: {  	[smem:s4], [sflag:s15] =	dma.local [hbm:s2], $0x1  }
0x93: {  	_ =	swait.eq [sflag:s15], $0x1  }
0x94: {  	s16 =	sld [smem:$0x10]  }
0x95: {  	s17 =	sld [smem:$0x11]  }
0x96: {  	s5 =	sld [smem:$0x12]  }
0x97: {  	s6 =	sld [smem:$0x13];
	[sflag:s15] =	ssyncset.done $0x0  }
0x98: {  	s7 =	sld [smem:$0x16];
	[sflag:s15] =	ssyncadd.s32 $0xFFFFFFFF  }
0x99: {  	s18 =	sld [smem:$0x17];
	(tm) =	ssettm $0x1  }
0x9a: {  	s8 =	sld [smem:$0x3FFB];
	_ =	sdelay $0x3  }
0x9b: {  	_ =	strace s8  }
0x9c: {  	s8 =	sld [smem:$0x3FFC];
	_ =	sdelay $0x3  }
0x9d: {  	_ =	strace s8  }
0x9e: {  	s8 =	sld [smem:$0x3FFD];
	_ =	sdelay $0x3  }
0x9f: {  	_ =	strace s8  }
0xa0: {  	_ =	strace $0x8FFFFFFF  }
0xa1: {  	s19 =	sld [smem:$0x3FDB];
	_ =	sdelay $0x1  }
0xa2: {  	s9 =	simm.s32 $_scs_section_size  }
0xa3: {  	s10 =	simm.s32 $_size__tile_overlayer_lowered;
	s11 =	simm.s32 $_tile_overlayer_lowered  }
0xa4: {  	s22 =	simm.s32 $0x1BFF;
	s21 =	sshll.u32 s11, $0x1;
	s8 =	sadd.s32 s9, s19  }
0xa5: {  	s12 =	simm.s32 $0x0;
	s20 =	sshll.u32 s10, $0x1;
	s10 =	sadd.s32 s21, s8  }
0xa6: {  	[timem:s12], [sflag:s22] =	dma.local [hbm:s10], s20  }
0xa7: {  	_ =	swait.ge [sflag:s22], s20  }
0xa8: {  	s9 =	ssub.s32 $0x0, s20;
	[sflag:s22] =	ssyncset.done $0x0  }
0xa9: {  	[sflag:s22] =	ssyncadd.s32 s9;
	_ =	sdelay $0x1  }
0xaa: {  	s23 =	simm.s32 $0x1B8B  }
0xab: {  	_ =	swait.ge [sflag:s23], $0x1  }
0xac: {  	[sflag:s23] =	ssyncset.done $0x0  }
0xad: {  	s25 =	simm.s32 $0x1B8E;
	s24 =	sld [smem:$0x3FFE];
	[sflag:s23] =	ssyncadd.s32 $0xFFFFFFFF  }
0xae: {  	s26 =	simm.s32 $execute0_lowered;
	[smem:$0x3FD2] =	sst s25  }
0xaf: {  	s10 =	sshll.u32 s26, $0x1;
	_ =	strace $0x80000046;
	[dreg:$0x1] =	wrdreg $0xFFFFFFFF  }
0xb0: {  	s28 =	simm.s32 $_size_execute0_lowered;
	s8 =	sadd.s32 s8, s10;
	[dreg:$0x0] =	wrdreg $0x0  }
0xb1: {  	s10 =	sshll.u32 s28, $0x1;
	[dreg:$0x2] =	wrdreg s8  }
0xb2: {  	[dreg:$0x3] =	wrdreg s10  }
0xb3: {  	[dreg:$0x4] =	wrdreg $0xC0  }
0xb4: {  	_ =	task [dreg:s12], $0x5FFFF  }
0xb5: {  	[dreg:$0x1] =	wrdreg $0xFFFFFFFF  }
0xb6: {  	[dreg:$0x0] =	wrdreg $0x60  }
0xb7: {  	[dreg:$0x2] =	wrdreg s18  }
0xb8: {  	[dreg:$0x3] =	wrdreg s7  }
0xb9: {  	[dreg:$0x4] =	wrdreg s6  }
0xba: {  	[dreg:$0x5] =	wrdreg s5  }
0xbb: {  	[dreg:$0x6] =	wrdreg s17  }
0xbc: {  	[dreg:$0x7] =	wrdreg s16  }
0xbd: {  	[dreg:$0x8] =	wrdreg s24  }
0xbe: {  	[dreg:$0x9] =	wrdreg $0x9  }
0xbf: {  	_ =	task.clear_ibuf [dreg:s12], $0xAFFFF;
	_ =	strace $0x90000046  }
0xc0: {  	s29 =	simm.s32 $0x9;
	_ =	strace $0x80000048  }
0xc1: {  	_ =	swait.ge [sflag:s29], $0x1  }
0xc2: {  	[sflag:s29] =	ssyncadd.s32 $0xFFFFFFFF  }
0xc3: {  	_ =	strace $0x90000048  }
0xc4: {  	_ =	sfence  }
0xc5: {  	s30 =	sld [smem:$0x0];
	_ =	sdelay $0x2  }
0xc6: {  	s31 =	sshll.u32 s1, $0xD;
	s1 =	sshrl.u32 s1, $0x2  }
0xc7: {  	s3 =	sand.u32 $0x4000, s31;
	s1 =	sadd.s32 s1, s30  }
0xc8: {  	s0 =	sor.u32 s3, s0;
	s1 =	sshll.u32 s1, $0x11  }
0xc9: {  	s0 =	sor.u32 s1, s0  }
0xca: {  	s0 =	sadd.s32 $0x8F2B, s0  }
0xcb: {  	[sflag:s0] =	ssyncadd.remote.s32 $0x1  }
0xcc: {  	_ =	sfence.sel $0xFFFF  }
0xcd: {  	[dreg:$0x0] =	wrdreg $0xFFFFFFFF;
	(pc) =	sbr.abs _section_cstart, $3  }
0xce: {  	[dreg:$0x1] =	wrdreg $0xFFFFFFFF  }
0xcf: {  	_ =	task.clear_ibuf [dreg:s12], $0x2FFFF;
	_ =	strace $0x9FFFFFFF  }
0xd0: {  	(tm) =	ssettm $0x7FFFFFFF  }
0xd1: {  	_ =	shalt  }
tec
execute0_lowered:
.L_overlay_start_1:
0x0: {  	(tag) =	ssettag $0x1  }
0x1: {  	s31 =	rddreg [dreg:$0x0]  }
0x2: {  	s3 =	rddreg [dreg:$0x1]  }
0x3: {  	s0 =	rddreg [dreg:$0x2]  }
0x4: {  	s22 =	rddreg [dreg:$0x3]  }
0x5: {  	s1 =	srdreg.scid;
	s2 =	stileid.u32  }
0x6: {  	s6 =	rddreg [dreg:$0x4];
	s4 =	sand.u32 $0x1, s1;
	s2 =	sshll.u32 s2, $0x1  }
0x7: {  	s5 =	rddreg [dreg:$0x6];
	s7 =	sor.u32 s4, s2  }
0x8: {  	s1 =	rddreg [dreg:$0x5];
	s2 =	simm.s32 $0x0;
	s18 =	smul.u32 $0x540, s7  }
0x9: {  	s24 =	sadd.s32 $0x151C00, s5;
	[smem:$0x7FF] =	sst s2  }
0xa: {  	s7 =	smul.u32 $0x5400, s7;
	_ =	strace $0x80000047;
	s9 =	sshrl.u32 s18, $0x3  }
0xb: {  	s12 =	sadd.s32 $0xA8, s18;
	s15 =	sadd.s32 $0x150, s18;
	s17 =	sadd.s32 $0x1F8, s18  }
0xc: {  	s21 =	sadd.s32 s24, s7;
	s8 =	sadd.s32 s0, s9;
	s10 =	sshrl.u32 s12, $0x3  }
0xd: {  	s11 =	sshrl.u32 s15, $0x3;
	[dreg:$0xc] =	wrdreg s21;
	s12 =	sshll.u32 s12, $0x4  }
0xe: {  	s15 =	sshll.u32 s15, $0x4;
	[dreg:$0x8] =	wrdreg s8;
	s19 =	sadd.s32 s0, s10  }
0xf: {  	s21 =	sadd.s32 $0x3F0, s18;
	s13 =	sadd.s32 s0, s11;
	[dreg:$0x9] =	wrdreg s19  }
0x10: {  	s8 =	sshrl.u32 s17, $0x3;
	s16 =	sadd.s32 s24, s12;
	[dreg:$0xa] =	wrdreg s13  }
0x11: {  	s25 =	sadd.s32 s24, s15;
	s17 =	sshll.u32 s17, $0x4;
	[dreg:$0xe] =	wrdreg s16  }
0x12: {  	s20 =	sadd.s32 s0, s8;
	s19 =	sadd.s32 $0x2A0, s18;
	[dreg:$0x10] =	wrdreg s25  }
0x13: {  	s16 =	sshrl.u32 s21, $0x3;
	s25 =	sadd.s32 s24, s17;
	[dreg:$0xb] =	wrdreg s20  }
0x14: {  	s13 =	sshrl.u32 s19, $0x3;
	s26 =	sadd.s32 s0, s16;
	[dreg:$0x12] =	wrdreg s25  }
0x15: {  	s19 =	sshll.u32 s19, $0x4;
	s14 =	sadd.s32 s0, s13;
	[dreg:$0x11] =	wrdreg s26  }
0x16: {  	s25 =	sadd.s32 s24, s19;
	[dreg:$0xd] =	wrdreg s14  }
0x17: {  	s20 =	sadd.s32 $0x348, s18;
	s26 =	sadd.s32 s22, s9;
	[dreg:$0x14] =	wrdreg s25  }
0x18: {  	s14 =	sshrl.u32 s20, $0x3;
	[dreg:$0x15] =	wrdreg s26;
	s26 =	sadd.s32 s22, s10  }
0x19: {  	s20 =	sshll.u32 s20, $0x4;
	s23 =	sadd.s32 s0, s14;
	[dreg:$0x17] =	wrdreg s26  }
0x1a: {  	s25 =	sadd.s32 s24, s20;
	[dreg:$0xf] =	wrdreg s23  }
0x1b: {  	s21 =	sshll.u32 s21, $0x4;
	s26 =	sadd.s32 s22, s11;
	[dreg:$0x16] =	wrdreg s25  }
0x1c: {  	s23 =	sadd.s32 $0x498, s18;
	s25 =	sadd.s32 s24, s21;
	[dreg:$0x19] =	wrdreg s26  }
0x1d: {  	s18 =	sshrl.u32 s23, $0x3;
	[dreg:$0x18] =	wrdreg s25;
	s25 =	sadd.s32 s22, s8  }
0x1e: {  	s23 =	sshll.u32 s23, $0x4;
	s0 =	sadd.s32 s0, s18;
	[dreg:$0x1b] =	wrdreg s25  }
0x1f: {  	s24 =	sadd.s32 s24, s23;
	[dreg:$0x13] =	wrdreg s0  }
0x20: {  	s25 =	sadd.s32 s22, s13;
	[dreg:$0x1a] =	wrdreg s24  }
0x21: {  	s0 =	sadd.s32 $0x1F9C00, s5;
	[dreg:$0x1d] =	wrdreg s25;
	s25 =	sadd.s32 s22, s14  }
0x22: {  	s26 =	sadd.s32 s0, s7;
	[dreg:$0x1f] =	wrdreg s25  }
0x23: {  	s25 =	sadd.s32 s22, s16;
	[dreg:$0x1c] =	wrdreg s26  }
0x24: {  	s22 =	sadd.s32 s22, s18;
	[smem:$0x7E0] =	sst s25  }
0x25: {  	s24 =	sadd.s32 s0, s20;
	[smem:$0x7E2] =	sst s22  }
0x26: {  	s26 =	sadd.s32 s0, s12;
	[smem:$0x7E5] =	sst s24  }
0x27: {  	s25 =	sadd.s32 s0, s19;
	[dreg:$0x1e] =	wrdreg s26  }
0x28: {  	s24 =	sadd.s32 s6, s11;
	[smem:$0x7E3] =	sst s25  }
0x29: {  	s22 =	sadd.s32 s1, s11;
	[smem:$0x7E8] =	sst s24  }
0x2a: {  	s26 =	sadd.s32 s0, s15;
	[smem:$0x7F8] =	sst s22  }
0x2b: {  	s25 =	sadd.s32 s6, s10;
	[smem:$0x7DF] =	sst s26  }
0x2c: {  	s24 =	sadd.s32 s6, s13;
	[smem:$0x7E6] =	sst s25  }
0x2d: {  	s26 =	sadd.s32 s0, s17;
	[smem:$0x7EC] =	sst s24  }
0x2e: {  	s25 =	sadd.s32 s6, s8;
	[smem:$0x7E1] =	sst s26  }
0x2f: {  	s26 =	sadd.s32 s6, s9;
	[smem:$0x7EA] =	sst s25  }
0x30: {  	[smem:$0x7E4] =	sst s26;
	s26 =	sadd.s32 s0, s21;
	s0 =	sadd.s32 s0, s23  }
0x31: {  	[smem:$0x7E9] =	sst s0;
	s0 =	sadd.s32 $0x1C00, s5  }
0x32: {  	[smem:$0x7E7] =	sst s26;
	s26 =	sadd.s32 s0, s7  }
0x33: {  	s30 =	simm.s32 $0x100;
	s25 =	sadd.s32 s0, s12;
	[smem:$0x7EB] =	sst s26  }
0x34: {  	s28 =	simm.s32 $0x200;
	s24 =	sadd.s32 s0, s15;
	[smem:$0x7ED] =	sst s25  }
0x35: {  	p0 =	por $0x0, $0x0;
	s26 =	sadd.s32 s6, s14;
	[smem:$0x7EF] =	sst s24  }
0x36: {  	s4 =	ssub.s32 $0x2, s4;
	s25 =	sadd.s32 s6, s16;
	[smem:$0x7EE] =	sst s26  }
0x37: {  	s29 =	sadd.s32 s1, s14;
	s6 =	sadd.s32 s6, s18;
	[smem:$0x7F0] =	sst s25  }
0x38: {  	s11 =	sshrl.u32 s4, $0x1;
	s24 =	sadd.s32 s0, s19;
	[smem:$0x7F2] =	sst s6  }
0x39: {  	s22 =	ssub.s32 s4, s11;
	s26 =	sadd.s32 s0, s17;
	[smem:$0x7F3] =	sst s24  }
0x3a: {  	s11 =	simm.s32 $0x7;
	s25 =	sadd.s32 s1, s9;
	[smem:$0x7F1] =	sst s26  }
0x3b: {  	s14 =	simm.s32 $0x5800;
	s9 =	sadd.s32 s1, s10;
	[smem:$0x7F4] =	sst s25  }
0x3c: {  	s10 =	sadd.s32 s0, s21;
	s24 =	sadd.s32 $0xA9C00, s5;
	[smem:$0x7F6] =	sst s9  }
0x3d: {  	s6 =	sadd.s32 s1, s8;
	s26 =	sadd.s32 s0, s20;
	[smem:$0x7F7] =	sst s10  }
0x3e: {  	s0 =	sadd.s32 s0, s23;
	[smem:$0x7FA] =	sst s6;
	s8 =	sadd.s32 s24, s7  }
0x3f: {  	s10 =	sadd.s32 s1, s13;
	s13 =	sadd.s32 s24, s12;
	s25 =	sadd.s32 s1, s16  }
0x40: {  	s17 =	sadd.s32 s24, s17;
	s7 =	sadd.s32 s24, s19;
	s6 =	sadd.s32 s24, s20  }
0x41: {  	s5 =	sadd.s32 s24, s21;
	s4 =	sadd.s32 s24, s23;
	s19 =	simm.s32 $0xA8  }
0x42: {  	s16 =	simm.s32 $0x400;
	s23 =	simm.s32 $0x300;
	[smem:$0x7F5] =	sst s26  }
0x43: {  	[smem:$0x7F9] =	sst s0;
	s26 =	sadd.s32 s24, s15;
	s24 =	smax.u32 s22, $0x1  }
0x44: {  	s12 =	simm.s32 $0x6;
	[smem:$0x7FB] =	sst s8;
	p1 =	sne.s32 s24, $0x1  }
.Ltmp0:
0x45: {  	s21 =	simm.s32 $0x3;
	[smem:$0x7FC] =	sst s10;
	(pc) =	sbr.rel @!p1 .LBB2_3-.Ltmp0, $4  }
0x46: {  	s20 =	simm.s32 $0x4;
	s9 =	simm.s32 $0x8;
	[smem:$0x7FD] =	sst s13  }
0x47: {  	s15 =	sadd.s32 s1, s18;
	s18 =	simm.s32 $0x9;
	s13 =	simm.s32 $0xAC00  }
0x48: {  	s10 =	simm.s32 $0x10000;
	s22 =	simm.s32 $0x1;
	s8 =	simm.s32 $0x5  }
0x49: {  	s0 =	rddreg [dreg:$0x8];
	s1 =	sadd.s32 $0xFFFFFFFF, s24;
	s24 =	simm.s32 $0x2  }
0x4a: {  	[tilespmem:s2], [sflag:$0x9] =	stream.linear.gather [hbm4b:s0+s2], $0xA8, $0x38;
	[tilespmem:$0x15400] =	vst v63  }
0x4b: {  	_ =	swait.ge [sflag:s18], $0xA8  }
0x4c: {  	[sflag:s18] =	ssyncset.done $0x0  }
0x4d: {  	[sflag:s18] =	ssyncadd.s32 $0xFFFFFF58  }
0x4e: {  	[tilespmem:s16], [sflag:$0x1] =	stream.indirect.gather [hbm4b:s31+s19], $0x80, s2, s19, $0xb8;
	[tilespmem:$0x15400] =	vst v63  }
0x4f: {  	s0 =	rddreg [dreg:$0x9]  }
0x50: {  	[tilespmem:s30], [sflag:$0x9] =	stream.linear.gather [hbm4b:s0+s2], $0xA8, $0x38;
	[tilespmem:$0x15400] =	vst v63  }
0x51: {  	_ =	swait.ge [sflag:s18], $0xA8  }
0x52: {  	[sflag:s18] =	ssyncset.done $0x0  }
0x53: {  	[sflag:s18] =	ssyncadd.s32 $0xFFFFFF58  }
0x54: {  	[tilespmem:s14], [sflag:$0x2] =	stream.indirect.gather [hbm4b:s31+s19], $0x80, s30, s19, $0xb8;
	[tilespmem:$0x15400] =	vst v63  }
0x55: {  	s0 =	rddreg [dreg:$0xa]  }
0x56: {  	[tilespmem:s28], [sflag:$0x9] =	stream.linear.gather [hbm4b:s0+s2], $0xA8, $0x38;
	[tilespmem:$0x15400] =	vst v63  }
0x57: {  	_ =	swait.ge [sflag:s18], $0xA8  }
0x58: {  	[sflag:s18] =	ssyncset.done $0x0  }
0x59: {  	[sflag:s18] =	ssyncadd.s32 $0xFFFFFF58  }
0x5a: {  	[tilespmem:s13], [sflag:$0x3] =	stream.indirect.gather [hbm4b:s31+s19], $0x80, s28, s19, $0xb8;
	[tilespmem:$0x15400] =	vst v63  }
0x5b: {  	s0 =	rddreg [dreg:$0xb]  }
0x5c: {  	[tilespmem:s23], [sflag:$0x9] =	stream.linear.gather [hbm4b:s0+s2], $0xA8, $0x38;
	[tilespmem:$0x15400] =	vst v63  }
0x5d: {  	_ =	swait.ge [sflag:s18], $0xA8  }
0x5e: {  	[sflag:s18] =	ssyncset.done $0x0  }
0x5f: {  	[sflag:s18] =	ssyncadd.s32 $0xFFFFFF58  }
0x60: {  	[tilespmem:s10], [sflag:$0x4] =	stream.indirect.gather [hbm4b:s31+s19], $0x80, s23, s19, $0xb8;
	[tilespmem:$0x15400] =	vst v63  }
0x61: {  	_ =	swait.ge [sflag:s22], $0x5400  }
0x62: {  	[sflag:s22] =	ssyncset.done $0x0  }
0x63: {  	s0 =	rddreg [dreg:$0xc];
	[sflag:s22] =	ssyncadd.s32 $0xFFFFAC00  }
0x64: {  	[hbm4b:s0+s2] =	stream.linear.scatter [tilespmem:s16], [sflag:$0x5], $0x5400, $0x38;
	[tilespmem:$0x15400] =	vst v63  }
0x65: {  	_ =	swait.ge [sflag:s8], $0x5400  }
0x66: {  	[sflag:s8] =	ssyncset.done $0x0  }
0x67: {  	s0 =	rddreg [dreg:$0xd];
	[sflag:s8] =	ssyncadd.s32 $0xFFFFAC00  }
0x68: {  	[tilespmem:s2], [sflag:$0x9] =	stream.linear.gather [hbm4b:s0+s2], $0xA8, $0x38;
	[tilespmem:$0x15400] =	vst v63  }
0x69: {  	_ =	swait.ge [sflag:s18], $0xA8  }
0x6a: {  	[sflag:s18] =	ssyncset.done $0x0  }
0x6b: {  	[sflag:s18] =	ssyncadd.s32 $0xFFFFFF58  }
0x6c: {  	[tilespmem:s16], [sflag:$0x1] =	stream.indirect.gather [hbm4b:s31+s19], $0x80, s2, s19, $0xb8;
	[tilespmem:$0x15400] =	vst v63  }
0x6d: {  	_ =	swait.ge [sflag:s24], $0x5400  }
0x6e: {  	[sflag:s24] =	ssyncset.done $0x0  }
0x6f: {  	s0 =	rddreg [dreg:$0xe];
	[sflag:s24] =	ssyncadd.s32 $0xFFFFAC00  }
0x70: {  	[hbm4b:s0+s2] =	stream.linear.scatter [tilespmem:s14], [sflag:$0x6], $0x5400, $0x38;
	[tilespmem:$0x15400] =	vst v63  }
0x71: {  	_ =	swait.ge [sflag:s12], $0x5400  }
0x72: {  	[sflag:s12] =	ssyncset.done $0x0  }
0x73: {  	s0 =	rddreg [dreg:$0xf];
	[sflag:s12] =	ssyncadd.s32 $0xFFFFAC00  }
0x74: {  	[tilespmem:s30], [sflag:$0x9] =	stream.linear.gather [hbm4b:s0+s2], $0xA8, $0x38;
	[tilespmem:$0x15400] =	vst v63  }
0x75: {  	_ =	swait.ge [sflag:s18], $0xA8  }
0x76: {  	[sflag:s18] =	ssyncset.done $0x0  }
0x77: {  	[sflag:s18] =	ssyncadd.s32 $0xFFFFFF58  }
0x78: {  	[tilespmem:s14], [sflag:$0x2] =	stream.indirect.gather [hbm4b:s31+s19], $0x80, s30, s19, $0xb8;
	[tilespmem:$0x15400] =	vst v63  }
0x79: {  	_ =	swait.ge [sflag:s21], $0x5400  }
0x7a: {  	[sflag:s21] =	ssyncset.done $0x0  }
0x7b: {  	s0 =	rddreg [dreg:$0x10];
	[sflag:s21] =	ssyncadd.s32 $0xFFFFAC00  }
0x7c: {  	[hbm4b:s0+s2] =	stream.linear.scatter [tilespmem:s13], [sflag:$0x7], $0x5400, $0x38;
	[tilespmem:$0x15400] =	vst v63  }
0x7d: {  	_ =	swait.ge [sflag:s11], $0x5400  }
0x7e: {  	[sflag:s11] =	ssyncset.done $0x0  }
0x7f: {  	s0 =	rddreg [dreg:$0x11];
	[sflag:s11] =	ssyncadd.s32 $0xFFFFAC00  }
0x80: {  	[tilespmem:s28], [sflag:$0x9] =	stream.linear.gather [hbm4b:s0+s2], $0xA8, $0x38;
	[tilespmem:$0x15400] =	vst v63  }
0x81: {  	_ =	swait.ge [sflag:s18], $0xA8  }
0x82: {  	[sflag:s18] =	ssyncset.done $0x0  }
0x83: {  	[sflag:s18] =	ssyncadd.s32 $0xFFFFFF58  }
0x84: {  	[tilespmem:s13], [sflag:$0x3] =	stream.indirect.gather [hbm4b:s31+s19], $0x80, s28, s19, $0xb8;
	[tilespmem:$0x15400] =	vst v63  }
0x85: {  	_ =	swait.ge [sflag:s20], $0x5400  }
0x86: {  	[sflag:s20] =	ssyncset.done $0x0  }
0x87: {  	s0 =	rddreg [dreg:$0x12];
	[sflag:s20] =	ssyncadd.s32 $0xFFFFAC00  }
0x88: {  	[hbm4b:s0+s2] =	stream.linear.scatter [tilespmem:s10], [sflag:$0x8], $0x5400, $0x38;
	[tilespmem:$0x15400] =	vst v63  }
0x89: {  	_ =	swait.ge [sflag:s9], $0x5400  }
0x8a: {  	[sflag:s9] =	ssyncset.done $0x0  }
0x8b: {  	s0 =	rddreg [dreg:$0x13];
	[sflag:s9] =	ssyncadd.s32 $0xFFFFAC00  }
0x8c: {  	[tilespmem:s23], [sflag:$0x9] =	stream.linear.gather [hbm4b:s0+s2], $0xA8, $0x38;
	[tilespmem:$0x15400] =	vst v63  }
0x8d: {  	_ =	swait.ge [sflag:s18], $0xA8  }
0x8e: {  	[sflag:s18] =	ssyncset.done $0x0  }
0x8f: {  	[sflag:s18] =	ssyncadd.s32 $0xFFFFFF58  }
0x90: {  	[tilespmem:s10], [sflag:$0x4] =	stream.indirect.gather [hbm4b:s31+s19], $0x80, s23, s19, $0xb8;
	[tilespmem:$0x15400] =	vst v63  }
0x91: {  	_ =	swait.ge [sflag:s22], $0x5400  }
0x92: {  	[sflag:s22] =	ssyncset.done $0x0  }
0x93: {  	s0 =	rddreg [dreg:$0x14];
	[sflag:s22] =	ssyncadd.s32 $0xFFFFAC00  }
0x94: {  	[hbm4b:s0+s2] =	stream.linear.scatter [tilespmem:s16], [sflag:$0x5], $0x5400, $0x38;
	[tilespmem:$0x15400] =	vst v63  }
0x95: {  	_ =	swait.ge [sflag:s8], $0x5400  }
0x96: {  	[sflag:s8] =	ssyncset.done $0x0  }
0x97: {  	s0 =	rddreg [dreg:$0x15];
	[sflag:s8] =	ssyncadd.s32 $0xFFFFAC00  }
0x98: {  	[tilespmem:s2], [sflag:$0x9] =	stream.linear.gather [hbm4b:s0+s2], $0xA8, $0x38;
	[tilespmem:$0x15400] =	vst v63  }
0x99: {  	_ =	swait.ge [sflag:s18], $0xA8  }
0x9a: {  	[sflag:s18] =	ssyncset.done $0x0  }
0x9b: {  	[sflag:s18] =	ssyncadd.s32 $0xFFFFFF58  }
0x9c: {  	[tilespmem:s16], [sflag:$0x1] =	stream.indirect.gather [hbm4b:s31+s19], $0x80, s2, s19, $0xb8;
	[tilespmem:$0x15400] =	vst v63  }
0x9d: {  	_ =	swait.ge [sflag:s24], $0x5400  }
0x9e: {  	[sflag:s24] =	ssyncset.done $0x0  }
0x9f: {  	s0 =	rddreg [dreg:$0x16];
	[sflag:s24] =	ssyncadd.s32 $0xFFFFAC00  }
0xa0: {  	[hbm4b:s0+s2] =	stream.linear.scatter [tilespmem:s14], [sflag:$0x6], $0x5400, $0x38;
	[tilespmem:$0x15400] =	vst v63  }
0xa1: {  	_ =	swait.ge [sflag:s12], $0x5400  }
0xa2: {  	[sflag:s12] =	ssyncset.done $0x0  }
0xa3: {  	s0 =	rddreg [dreg:$0x17];
	[sflag:s12] =	ssyncadd.s32 $0xFFFFAC00  }
0xa4: {  	[tilespmem:s30], [sflag:$0x9] =	stream.linear.gather [hbm4b:s0+s2], $0xA8, $0x38;
	[tilespmem:$0x15400] =	vst v63  }
0xa5: {  	_ =	swait.ge [sflag:s18], $0xA8  }
0xa6: {  	[sflag:s18] =	ssyncset.done $0x0  }
0xa7: {  	[sflag:s18] =	ssyncadd.s32 $0xFFFFFF58  }
0xa8: {  	[tilespmem:s14], [sflag:$0x2] =	stream.indirect.gather [hbm4b:s31+s19], $0x80, s30, s19, $0xb8;
	[tilespmem:$0x15400] =	vst v63  }
0xa9: {  	_ =	swait.ge [sflag:s21], $0x5400  }
0xaa: {  	[sflag:s21] =	ssyncset.done $0x0  }
0xab: {  	s0 =	rddreg [dreg:$0x18];
	[sflag:s21] =	ssyncadd.s32 $0xFFFFAC00  }
0xac: {  	[hbm4b:s0+s2] =	stream.linear.scatter [tilespmem:s13], [sflag:$0x7], $0x5400, $0x38;
	[tilespmem:$0x15400] =	vst v63  }
0xad: {  	_ =	swait.ge [sflag:s11], $0x5400  }
0xae: {  	[sflag:s11] =	ssyncset.done $0x0  }
0xaf: {  	s0 =	rddreg [dreg:$0x19];
	[sflag:s11] =	ssyncadd.s32 $0xFFFFAC00  }
0xb0: {  	[tilespmem:s28], [sflag:$0x9] =	stream.linear.gather [hbm4b:s0+s2], $0xA8, $0x38;
	[tilespmem:$0x15400] =	vst v63  }
0xb1: {  	_ =	swait.ge [sflag:s18], $0xA8  }
0xb2: {  	[sflag:s18] =	ssyncset.done $0x0  }
0xb3: {  	[sflag:s18] =	ssyncadd.s32 $0xFFFFFF58  }
0xb4: {  	[tilespmem:s13], [sflag:$0x3] =	stream.indirect.gather [hbm4b:s31+s19], $0x80, s28, s19, $0xb8;
	[tilespmem:$0x15400] =	vst v63  }
0xb5: {  	_ =	swait.ge [sflag:s20], $0x5400  }
0xb6: {  	[sflag:s20] =	ssyncset.done $0x0  }
0xb7: {  	s0 =	rddreg [dreg:$0x1a];
	[sflag:s20] =	ssyncadd.s32 $0xFFFFAC00  }
0xb8: {  	[hbm4b:s0+s2] =	stream.linear.scatter [tilespmem:s10], [sflag:$0x8], $0x5400, $0x38;
	[tilespmem:$0x15400] =	vst v63  }
0xb9: {  	_ =	swait.ge [sflag:s9], $0x5400  }
0xba: {  	[sflag:s9] =	ssyncset.done $0x0  }
0xbb: {  	s0 =	rddreg [dreg:$0x1b];
	[sflag:s9] =	ssyncadd.s32 $0xFFFFAC00  }
0xbc: {  	[tilespmem:s23], [sflag:$0x9] =	stream.linear.gather [hbm4b:s0+s2], $0xA8, $0x38;
	[tilespmem:$0x15400] =	vst v63  }
0xbd: {  	_ =	swait.ge [sflag:s18], $0xA8  }
0xbe: {  	[sflag:s18] =	ssyncset.done $0x0  }
0xbf: {  	[sflag:s18] =	ssyncadd.s32 $0xFFFFFF58  }
0xc0: {  	[tilespmem:s10], [sflag:$0x4] =	stream.indirect.gather [hbm4b:s31+s19], $0x80, s23, s19, $0xb8;
	[tilespmem:$0x15400] =	vst v63  }
0xc1: {  	_ =	swait.ge [sflag:s22], $0x5400  }
0xc2: {  	[sflag:s22] =	ssyncset.done $0x0  }
0xc3: {  	s0 =	rddreg [dreg:$0x1c];
	[sflag:s22] =	ssyncadd.s32 $0xFFFFAC00  }
0xc4: {  	[hbm4b:s0+s2] =	stream.linear.scatter [tilespmem:s16], [sflag:$0x5], $0x5400, $0x38;
	[tilespmem:$0x15400] =	vst v63  }
0xc5: {  	_ =	swait.ge [sflag:s8], $0x5400  }
0xc6: {  	[sflag:s8] =	ssyncset.done $0x0  }
0xc7: {  	s0 =	rddreg [dreg:$0x1d];
	[sflag:s8] =	ssyncadd.s32 $0xFFFFAC00  }
0xc8: {  	[tilespmem:s2], [sflag:$0x9] =	stream.linear.gather [hbm4b:s0+s2], $0xA8, $0x38;
	[tilespmem:$0x15400] =	vst v63  }
0xc9: {  	_ =	swait.ge [sflag:s18], $0xA8  }
0xca: {  	[sflag:s18] =	ssyncset.done $0x0  }
0xcb: {  	[sflag:s18] =	ssyncadd.s32 $0xFFFFFF58  }
0xcc: {  	[tilespmem:s16], [sflag:$0x1] =	stream.indirect.gather [hbm4b:s31+s19], $0x80, s2, s19, $0xb8;
	[tilespmem:$0x15400] =	vst v63  }
0xcd: {  	_ =	swait.ge [sflag:s24], $0x5400  }
0xce: {  	[sflag:s24] =	ssyncset.done $0x0  }
0xcf: {  	s0 =	rddreg [dreg:$0x1e];
	[sflag:s24] =	ssyncadd.s32 $0xFFFFAC00  }
0xd0: {  	[hbm4b:s0+s2] =	stream.linear.scatter [tilespmem:s14], [sflag:$0x6], $0x5400, $0x38;
	[tilespmem:$0x15400] =	vst v63  }
0xd1: {  	_ =	swait.ge [sflag:s12], $0x5400  }
0xd2: {  	[sflag:s12] =	ssyncset.done $0x0  }
0xd3: {  	s0 =	rddreg [dreg:$0x1f];
	[sflag:s12] =	ssyncadd.s32 $0xFFFFAC00  }
0xd4: {  	[tilespmem:s30], [sflag:$0x9] =	stream.linear.gather [hbm4b:s0+s2], $0xA8, $0x38;
	[tilespmem:$0x15400] =	vst v63  }
0xd5: {  	_ =	swait.ge [sflag:s18], $0xA8  }
0xd6: {  	[sflag:s18] =	ssyncset.done $0x0  }
0xd7: {  	[sflag:s18] =	ssyncadd.s32 $0xFFFFFF58  }
0xd8: {  	[tilespmem:s14], [sflag:$0x2] =	stream.indirect.gather [hbm4b:s31+s19], $0x80, s30, s19, $0xb8;
	[tilespmem:$0x15400] =	vst v63  }
0xd9: {  	_ =	swait.ge [sflag:s21], $0x5400  }
0xda: {  	s0 =	sld [smem:$0x7DF]  }
0xdb: {  	[sflag:s21] =	ssyncset.done $0x0  }
0xdc: {  	[sflag:s21] =	ssyncadd.s32 $0xFFFFAC00  }
0xdd: {  	[hbm4b:s0+s2] =	stream.linear.scatter [tilespmem:s13], [sflag:$0x7], $0x5400, $0x38;
	[tilespmem:$0x15400] =	vst v63  }
0xde: {  	_ =	swait.ge [sflag:s11], $0x5400  }
0xdf: {  	s0 =	sld [smem:$0x7E0]  }
0xe0: {  	[sflag:s11] =	ssyncset.done $0x0  }
0xe1: {  	[sflag:s11] =	ssyncadd.s32 $0xFFFFAC00  }
0xe2: {  	[tilespmem:s28], [sflag:$0x9] =	stream.linear.gather [hbm4b:s0+s2], $0xA8, $0x38;
	[tilespmem:$0x15400] =	vst v63  }
0xe3: {  	_ =	swait.ge [sflag:s18], $0xA8  }
0xe4: {  	[sflag:s18] =	ssyncset.done $0x0  }
0xe5: {  	[sflag:s18] =	ssyncadd.s32 $0xFFFFFF58  }
0xe6: {  	[tilespmem:s13], [sflag:$0x3] =	stream.indirect.gather [hbm4b:s31+s19], $0x80, s28, s19, $0xb8;
	[tilespmem:$0x15400] =	vst v63  }
0xe7: {  	_ =	swait.ge [sflag:s20], $0x5400  }
0xe8: {  	s0 =	sld [smem:$0x7E1]  }
0xe9: {  	[sflag:s20] =	ssyncset.done $0x0  }
0xea: {  	[sflag:s20] =	ssyncadd.s32 $0xFFFFAC00  }
0xeb: {  	[hbm4b:s0+s2] =	stream.linear.scatter [tilespmem:s10], [sflag:$0x8], $0x5400, $0x38;
	[tilespmem:$0x15400] =	vst v63  }
0xec: {  	_ =	swait.ge [sflag:s9], $0x5400  }
0xed: {  	s0 =	sld [smem:$0x7E2]  }
0xee: {  	[sflag:s9] =	ssyncset.done $0x0  }
0xef: {  	[sflag:s9] =	ssyncadd.s32 $0xFFFFAC00  }
0xf0: {  	[tilespmem:s23], [sflag:$0x9] =	stream.linear.gather [hbm4b:s0+s2], $0xA8, $0x38;
	[tilespmem:$0x15400] =	vst v63  }
0xf1: {  	_ =	swait.ge [sflag:s18], $0xA8  }
0xf2: {  	[sflag:s18] =	ssyncset.done $0x0  }
0xf3: {  	[sflag:s18] =	ssyncadd.s32 $0xFFFFFF58  }
0xf4: {  	[tilespmem:s10], [sflag:$0x4] =	stream.indirect.gather [hbm4b:s31+s19], $0x80, s23, s19, $0xb8;
	[tilespmem:$0x15400] =	vst v63  }
0xf5: {  	_ =	swait.ge [sflag:s22], $0x5400  }
0xf6: {  	s0 =	sld [smem:$0x7E3]  }
0xf7: {  	[sflag:s22] =	ssyncset.done $0x0  }
0xf8: {  	[sflag:s22] =	ssyncadd.s32 $0xFFFFAC00  }
0xf9: {  	[hbm4b:s0+s2] =	stream.linear.scatter [tilespmem:s16], [sflag:$0x5], $0x5400, $0x38;
	[tilespmem:$0x15400] =	vst v63  }
0xfa: {  	_ =	swait.ge [sflag:s8], $0x5400  }
0xfb: {  	s0 =	sld [smem:$0x7E4]  }
0xfc: {  	[sflag:s8] =	ssyncset.done $0x0  }
0xfd: {  	[sflag:s8] =	ssyncadd.s32 $0xFFFFAC00  }
0xfe: {  	[tilespmem:s2], [sflag:$0x9] =	stream.linear.gather [hbm4b:s0+s2], $0xA8, $0x38;
	[tilespmem:$0x15400] =	vst v63  }
0xff: {  	_ =	swait.ge [sflag:s18], $0xA8  }
0x100: {  	[sflag:s18] =	ssyncset.done $0x0  }
0x101: {  	[sflag:s18] =	ssyncadd.s32 $0xFFFFFF58  }
0x102: {  	[tilespmem:s16], [sflag:$0x1] =	stream.indirect.gather [hbm4b:s3+s19], $0x80, s2, s19, $0xb8;
	[tilespmem:$0x15400] =	vst v63  }
0x103: {  	_ =	swait.ge [sflag:s24], $0x5400  }
0x104: {  	s0 =	sld [smem:$0x7E5]  }
0x105: {  	[sflag:s24] =	ssyncset.done $0x0  }
0x106: {  	[sflag:s24] =	ssyncadd.s32 $0xFFFFAC00  }
0x107: {  	[hbm4b:s0+s2] =	stream.linear.scatter [tilespmem:s14], [sflag:$0x6], $0x5400, $0x38;
	[tilespmem:$0x15400] =	vst v63  }
0x108: {  	_ =	swait.ge [sflag:s12], $0x5400  }
0x109: {  	s0 =	sld [smem:$0x7E6]  }
0x10a: {  	[sflag:s12] =	ssyncset.done $0x0  }
0x10b: {  	[sflag:s12] =	ssyncadd.s32 $0xFFFFAC00  }
0x10c: {  	[tilespmem:s30], [sflag:$0x9] =	stream.linear.gather [hbm4b:s0+s2], $0xA8, $0x38;
	[tilespmem:$0x15400] =	vst v63  }
0x10d: {  	_ =	swait.ge [sflag:s18], $0xA8  }
0x10e: {  	[sflag:s18] =	ssyncset.done $0x0  }
0x10f: {  	[sflag:s18] =	ssyncadd.s32 $0xFFFFFF58  }
0x110: {  	[tilespmem:s14], [sflag:$0x2] =	stream.indirect.gather [hbm4b:s3+s19], $0x80, s30, s19, $0xb8;
	[tilespmem:$0x15400] =	vst v63  }
0x111: {  	_ =	swait.ge [sflag:s21], $0x5400  }
0x112: {  	s0 =	sld [smem:$0x7E7]  }
0x113: {  	[sflag:s21] =	ssyncset.done $0x0  }
0x114: {  	[sflag:s21] =	ssyncadd.s32 $0xFFFFAC00  }
0x115: {  	[hbm4b:s0+s2] =	stream.linear.scatter [tilespmem:s13], [sflag:$0x7], $0x5400, $0x38;
	[tilespmem:$0x15400] =	vst v63  }
0x116: {  	_ =	swait.ge [sflag:s11], $0x5400  }
0x117: {  	s0 =	sld [smem:$0x7E8]  }
0x118: {  	[sflag:s11] =	ssyncset.done $0x0  }
0x119: {  	[sflag:s11] =	ssyncadd.s32 $0xFFFFAC00  }
0x11a: {  	[tilespmem:s28], [sflag:$0x9] =	stream.linear.gather [hbm4b:s0+s2], $0xA8, $0x38;
	[tilespmem:$0x15400] =	vst v63  }
0x11b: {  	_ =	swait.ge [sflag:s18], $0xA8  }
0x11c: {  	[sflag:s18] =	ssyncset.done $0x0  }
0x11d: {  	[sflag:s18] =	ssyncadd.s32 $0xFFFFFF58  }
0x11e: {  	[tilespmem:s13], [sflag:$0x3] =	stream.indirect.gather [hbm4b:s3+s19], $0x80, s28, s19, $0xb8;
	[tilespmem:$0x15400] =	vst v63  }
0x11f: {  	_ =	swait.ge [sflag:s20], $0x5400  }
0x120: {  	s0 =	sld [smem:$0x7E9]  }
0x121: {  	[sflag:s20] =	ssyncset.done $0x0  }
0x122: {  	[sflag:s20] =	ssyncadd.s32 $0xFFFFAC00  }
0x123: {  	[hbm4b:s0+s2] =	stream.linear.scatter [tilespmem:s10], [sflag:$0x8], $0x5400, $0x38;
	[tilespmem:$0x15400] =	vst v63  }
0x124: {  	_ =	swait.ge [sflag:s9], $0x5400  }
0x125: {  	s0 =	sld [smem:$0x7EA]  }
0x126: {  	[sflag:s9] =	ssyncset.done $0x0  }
0x127: {  	[sflag:s9] =	ssyncadd.s32 $0xFFFFAC00  }
0x128: {  	[tilespmem:s23], [sflag:$0x9] =	stream.linear.gather [hbm4b:s0+s2], $0xA8, $0x38;
	[tilespmem:$0x15400] =	vst v63  }
0x129: {  	_ =	swait.ge [sflag:s18], $0xA8  }
0x12a: {  	[sflag:s18] =	ssyncset.done $0x0  }
0x12b: {  	[sflag:s18] =	ssyncadd.s32 $0xFFFFFF58  }
0x12c: {  	[tilespmem:s10], [sflag:$0x4] =	stream.indirect.gather [hbm4b:s3+s19], $0x80, s23, s19, $0xb8;
	[tilespmem:$0x15400] =	vst v63  }
0x12d: {  	_ =	swait.ge [sflag:s22], $0x5400  }
0x12e: {  	s0 =	sld [smem:$0x7EB]  }
0x12f: {  	[sflag:s22] =	ssyncset.done $0x0  }
0x130: {  	[sflag:s22] =	ssyncadd.s32 $0xFFFFAC00  }
0x131: {  	[hbm4b:s0+s2] =	stream.linear.scatter [tilespmem:s16], [sflag:$0x5], $0x5400, $0x38;
	[tilespmem:$0x15400] =	vst v63  }
0x132: {  	_ =	swait.ge [sflag:s8], $0x5400  }
0x133: {  	s0 =	sld [smem:$0x7EC]  }
0x134: {  	[sflag:s8] =	ssyncset.done $0x0  }
0x135: {  	[sflag:s8] =	ssyncadd.s32 $0xFFFFAC00  }
0x136: {  	[tilespmem:s2], [sflag:$0x9] =	stream.linear.gather [hbm4b:s0+s2], $0xA8, $0x38;
	[tilespmem:$0x15400] =	vst v63  }
0x137: {  	_ =	swait.ge [sflag:s18], $0xA8  }
0x138: {  	[sflag:s18] =	ssyncset.done $0x0  }
0x139: {  	[sflag:s18] =	ssyncadd.s32 $0xFFFFFF58  }
0x13a: {  	[tilespmem:s16], [sflag:$0x1] =	stream.indirect.gather [hbm4b:s3+s19], $0x80, s2, s19, $0xb8;
	[tilespmem:$0x15400] =	vst v63  }
0x13b: {  	_ =	swait.ge [sflag:s24], $0x5400  }
0x13c: {  	s0 =	sld [smem:$0x7ED]  }
0x13d: {  	[sflag:s24] =	ssyncset.done $0x0  }
0x13e: {  	[sflag:s24] =	ssyncadd.s32 $0xFFFFAC00  }
0x13f: {  	[hbm4b:s0+s2] =	stream.linear.scatter [tilespmem:s14], [sflag:$0x6], $0x5400, $0x38;
	[tilespmem:$0x15400] =	vst v63  }
0x140: {  	_ =	swait.ge [sflag:s12], $0x5400  }
0x141: {  	s0 =	sld [smem:$0x7EE]  }
0x142: {  	[sflag:s12] =	ssyncset.done $0x0  }
0x143: {  	[sflag:s12] =	ssyncadd.s32 $0xFFFFAC00  }
0x144: {  	[tilespmem:s30], [sflag:$0x9] =	stream.linear.gather [hbm4b:s0+s2], $0xA8, $0x38;
	[tilespmem:$0x15400] =	vst v63  }
0x145: {  	_ =	swait.ge [sflag:s18], $0xA8  }
0x146: {  	[sflag:s18] =	ssyncset.done $0x0  }
0x147: {  	[sflag:s18] =	ssyncadd.s32 $0xFFFFFF58  }
0x148: {  	[tilespmem:s14], [sflag:$0x2] =	stream.indirect.gather [hbm4b:s3+s19], $0x80, s30, s19, $0xb8;
	[tilespmem:$0x15400] =	vst v63  }
0x149: {  	_ =	swait.ge [sflag:s21], $0x5400  }
0x14a: {  	s0 =	sld [smem:$0x7EF]  }
0x14b: {  	[sflag:s21] =	ssyncset.done $0x0  }
0x14c: {  	[sflag:s21] =	ssyncadd.s32 $0xFFFFAC00  }
0x14d: {  	[hbm4b:s0+s2] =	stream.linear.scatter [tilespmem:s13], [sflag:$0x7], $0x5400, $0x38;
	[tilespmem:$0x15400] =	vst v63  }
0x14e: {  	_ =	swait.ge [sflag:s11], $0x5400  }
0x14f: {  	s0 =	sld [smem:$0x7F0]  }
0x150: {  	[sflag:s11] =	ssyncset.done $0x0  }
0x151: {  	[sflag:s11] =	ssyncadd.s32 $0xFFFFAC00  }
0x152: {  	[tilespmem:s28], [sflag:$0x9] =	stream.linear.gather [hbm4b:s0+s2], $0xA8, $0x38;
	[tilespmem:$0x15400] =	vst v63  }
0x153: {  	_ =	swait.ge [sflag:s18], $0xA8  }
0x154: {  	[sflag:s18] =	ssyncset.done $0x0  }
0x155: {  	[sflag:s18] =	ssyncadd.s32 $0xFFFFFF58  }
0x156: {  	[tilespmem:s13], [sflag:$0x3] =	stream.indirect.gather [hbm4b:s3+s19], $0x80, s28, s19, $0xb8;
	[tilespmem:$0x15400] =	vst v63  }
0x157: {  	_ =	swait.ge [sflag:s20], $0x5400  }
0x158: {  	s0 =	sld [smem:$0x7F1]  }
0x159: {  	[sflag:s20] =	ssyncset.done $0x0  }
0x15a: {  	[sflag:s20] =	ssyncadd.s32 $0xFFFFAC00  }
0x15b: {  	[hbm4b:s0+s2] =	stream.linear.scatter [tilespmem:s10], [sflag:$0x8], $0x5400, $0x38;
	[tilespmem:$0x15400] =	vst v63  }
0x15c: {  	_ =	swait.ge [sflag:s9], $0x5400  }
0x15d: {  	s0 =	sld [smem:$0x7F2]  }
0x15e: {  	[sflag:s9] =	ssyncset.done $0x0  }
0x15f: {  	[sflag:s9] =	ssyncadd.s32 $0xFFFFAC00  }
0x160: {  	[tilespmem:s23], [sflag:$0x9] =	stream.linear.gather [hbm4b:s0+s2], $0xA8, $0x38;
	[tilespmem:$0x15400] =	vst v63  }
0x161: {  	_ =	swait.ge [sflag:s18], $0xA8  }
0x162: {  	[sflag:s18] =	ssyncset.done $0x0  }
0x163: {  	[sflag:s18] =	ssyncadd.s32 $0xFFFFFF58  }
0x164: {  	[tilespmem:s10], [sflag:$0x4] =	stream.indirect.gather [hbm4b:s3+s19], $0x80, s23, s19, $0xb8;
	[tilespmem:$0x15400] =	vst v63  }
0x165: {  	_ =	swait.ge [sflag:s22], $0x5400  }
0x166: {  	s0 =	sld [smem:$0x7F3]  }
0x167: {  	[sflag:s22] =	ssyncset.done $0x0  }
0x168: {  	[sflag:s22] =	ssyncadd.s32 $0xFFFFAC00  }
0x169: {  	[hbm4b:s0+s2] =	stream.linear.scatter [tilespmem:s16], [sflag:$0x5], $0x5400, $0x38;
	[tilespmem:$0x15400] =	vst v63  }
0x16a: {  	_ =	swait.ge [sflag:s8], $0x5400  }
0x16b: {  	s0 =	sld [smem:$0x7F4]  }
0x16c: {  	[sflag:s8] =	ssyncset.done $0x0  }
0x16d: {  	[sflag:s8] =	ssyncadd.s32 $0xFFFFAC00  }
0x16e: {  	[tilespmem:s2], [sflag:$0x9] =	stream.linear.gather [hbm4b:s0+s2], $0xA8, $0x38;
	[tilespmem:$0x15400] =	vst v63  }
0x16f: {  	_ =	swait.ge [sflag:s18], $0xA8  }
0x170: {  	[sflag:s18] =	ssyncset.done $0x0  }
0x171: {  	[sflag:s18] =	ssyncadd.s32 $0xFFFFFF58  }
0x172: {  	[tilespmem:s16], [sflag:$0x1] =	stream.indirect.gather [hbm4b:s3+s19], $0x80, s2, s19, $0xb8;
	[tilespmem:$0x15400] =	vst v63  }
0x173: {  	_ =	swait.ge [sflag:s24], $0x5400  }
0x174: {  	s0 =	sld [smem:$0x7F5]  }
0x175: {  	[sflag:s24] =	ssyncset.done $0x0  }
0x176: {  	[sflag:s24] =	ssyncadd.s32 $0xFFFFAC00  }
0x177: {  	[hbm4b:s0+s2] =	stream.linear.scatter [tilespmem:s14], [sflag:$0x6], $0x5400, $0x38;
	[tilespmem:$0x15400] =	vst v63  }
0x178: {  	_ =	swait.ge [sflag:s12], $0x5400  }
0x179: {  	s0 =	sld [smem:$0x7F6]  }
0x17a: {  	[sflag:s12] =	ssyncset.done $0x0  }
0x17b: {  	[sflag:s12] =	ssyncadd.s32 $0xFFFFAC00  }
0x17c: {  	[tilespmem:s30], [sflag:$0x9] =	stream.linear.gather [hbm4b:s0+s2], $0xA8, $0x38;
	[tilespmem:$0x15400] =	vst v63  }
0x17d: {  	_ =	swait.ge [sflag:s18], $0xA8  }
0x17e: {  	[sflag:s18] =	ssyncset.done $0x0  }
0x17f: {  	[sflag:s18] =	ssyncadd.s32 $0xFFFFFF58  }
0x180: {  	[tilespmem:s14], [sflag:$0x2] =	stream.indirect.gather [hbm4b:s3+s19], $0x80, s30, s19, $0xb8;
	[tilespmem:$0x15400] =	vst v63  }
0x181: {  	_ =	swait.ge [sflag:s21], $0x5400  }
0x182: {  	s0 =	sld [smem:$0x7F7]  }
0x183: {  	[sflag:s21] =	ssyncset.done $0x0  }
0x184: {  	[sflag:s21] =	ssyncadd.s32 $0xFFFFAC00  }
0x185: {  	[hbm4b:s0+s2] =	stream.linear.scatter [tilespmem:s13], [sflag:$0x7], $0x5400, $0x38;
	[tilespmem:$0x15400] =	vst v63  }
0x186: {  	_ =	swait.ge [sflag:s11], $0x5400  }
0x187: {  	s0 =	sld [smem:$0x7F8]  }
0x188: {  	[sflag:s11] =	ssyncset.done $0x0  }
0x189: {  	[sflag:s11] =	ssyncadd.s32 $0xFFFFAC00  }
0x18a: {  	[tilespmem:s28], [sflag:$0x9] =	stream.linear.gather [hbm4b:s0+s2], $0xA8, $0x38;
	[tilespmem:$0x15400] =	vst v63  }
0x18b: {  	_ =	swait.ge [sflag:s18], $0xA8  }
0x18c: {  	[sflag:s18] =	ssyncset.done $0x0  }
0x18d: {  	[sflag:s18] =	ssyncadd.s32 $0xFFFFFF58  }
0x18e: {  	[tilespmem:s13], [sflag:$0x3] =	stream.indirect.gather [hbm4b:s3+s19], $0x80, s28, s19, $0xb8;
	[tilespmem:$0x15400] =	vst v63  }
0x18f: {  	_ =	swait.ge [sflag:s20], $0x5400  }
0x190: {  	s0 =	sld [smem:$0x7F9]  }
0x191: {  	[sflag:s20] =	ssyncset.done $0x0  }
0x192: {  	[sflag:s20] =	ssyncadd.s32 $0xFFFFAC00  }
0x193: {  	[hbm4b:s0+s2] =	stream.linear.scatter [tilespmem:s10], [sflag:$0x8], $0x5400, $0x38;
	[tilespmem:$0x15400] =	vst v63  }
0x194: {  	_ =	swait.ge [sflag:s9], $0x5400  }
0x195: {  	s0 =	sld [smem:$0x7FA]  }
0x196: {  	[sflag:s9] =	ssyncset.done $0x0  }
0x197: {  	[sflag:s9] =	ssyncadd.s32 $0xFFFFAC00  }
0x198: {  	[tilespmem:s23], [sflag:$0x9] =	stream.linear.gather [hbm4b:s0+s2], $0xA8, $0x38;
	[tilespmem:$0x15400] =	vst v63  }
0x199: {  	_ =	swait.ge [sflag:s18], $0xA8  }
0x19a: {  	[sflag:s18] =	ssyncset.done $0x0  }
0x19b: {  	[sflag:s18] =	ssyncadd.s32 $0xFFFFFF58  }
0x19c: {  	[tilespmem:s10], [sflag:$0x4] =	stream.indirect.gather [hbm4b:s3+s19], $0x80, s23, s19, $0xb8;
	[tilespmem:$0x15400] =	vst v63  }
0x19d: {  	_ =	swait.ge [sflag:s22], $0x5400  }
0x19e: {  	s0 =	sld [smem:$0x7FB]  }
0x19f: {  	[sflag:s22] =	ssyncset.done $0x0  }
0x1a0: {  	[sflag:s22] =	ssyncadd.s32 $0xFFFFAC00  }
0x1a1: {  	[hbm4b:s0+s2] =	stream.linear.scatter [tilespmem:s16], [sflag:$0x5], $0x5400, $0x38;
	[tilespmem:$0x15400] =	vst v63  }
0x1a2: {  	_ =	swait.ge [sflag:s8], $0x5400  }
0x1a3: {  	s0 =	sld [smem:$0x7FC]  }
0x1a4: {  	[sflag:s8] =	ssyncset.done $0x0  }
0x1a5: {  	[sflag:s8] =	ssyncadd.s32 $0xFFFFAC00  }
0x1a6: {  	[tilespmem:s2], [sflag:$0x9] =	stream.linear.gather [hbm4b:s0+s2], $0xA8, $0x38;
	[tilespmem:$0x15400] =	vst v63  }
0x1a7: {  	_ =	swait.ge [sflag:s18], $0xA8  }
0x1a8: {  	[sflag:s18] =	ssyncset.done $0x0  }
0x1a9: {  	[sflag:s18] =	ssyncadd.s32 $0xFFFFFF58  }
0x1aa: {  	[tilespmem:s16], [sflag:$0x1] =	stream.indirect.gather [hbm4b:s3+s19], $0x80, s2, s19, $0xb8;
	[tilespmem:$0x15400] =	vst v63  }
0x1ab: {  	_ =	swait.ge [sflag:s24], $0x5400  }
0x1ac: {  	s0 =	sld [smem:$0x7FD]  }
0x1ad: {  	[sflag:s24] =	ssyncset.done $0x0  }
0x1ae: {  	[sflag:s24] =	ssyncadd.s32 $0xFFFFAC00  }
0x1af: {  	[hbm4b:s0+s2] =	stream.linear.scatter [tilespmem:s14], [sflag:$0x6], $0x5400, $0x38;
	[tilespmem:$0x15400] =	vst v63  }
0x1b0: {  	_ =	swait.ge [sflag:s12], $0x5400  }
0x1b1: {  	[sflag:s12] =	ssyncset.done $0x0  }
0x1b2: {  	[sflag:s12] =	ssyncadd.s32 $0xFFFFAC00  }
0x1b3: {  	[tilespmem:s30], [sflag:$0x9] =	stream.linear.gather [hbm4b:s29+s2], $0xA8, $0x38;
	[tilespmem:$0x15400] =	vst v63  }
0x1b4: {  	_ =	swait.ge [sflag:s18], $0xA8  }
0x1b5: {  	[sflag:s18] =	ssyncset.done $0x0  }
0x1b6: {  	[sflag:s18] =	ssyncadd.s32 $0xFFFFFF58  }
0x1b7: {  	[tilespmem:s14], [sflag:$0x2] =	stream.indirect.gather [hbm4b:s3+s19], $0x80, s30, s19, $0xb8;
	[tilespmem:$0x15400] =	vst v63  }
0x1b8: {  	_ =	swait.ge [sflag:s21], $0x5400  }
0x1b9: {  	[sflag:s21] =	ssyncset.done $0x0  }
0x1ba: {  	[sflag:s21] =	ssyncadd.s32 $0xFFFFAC00  }
0x1bb: {  	[hbm4b:s26+s2] =	stream.linear.scatter [tilespmem:s13], [sflag:$0x7], $0x5400, $0x38;
	[tilespmem:$0x15400] =	vst v63  }
0x1bc: {  	_ =	swait.ge [sflag:s11], $0x5400  }
0x1bd: {  	[sflag:s11] =	ssyncset.done $0x0  }
0x1be: {  	[sflag:s11] =	ssyncadd.s32 $0xFFFFAC00  }
0x1bf: {  	[tilespmem:s28], [sflag:$0x9] =	stream.linear.gather [hbm4b:s25+s2], $0xA8, $0x38;
	[tilespmem:$0x15400] =	vst v63  }
0x1c0: {  	_ =	swait.ge [sflag:s18], $0xA8  }
0x1c1: {  	[sflag:s18] =	ssyncset.done $0x0  }
0x1c2: {  	[sflag:s18] =	ssyncadd.s32 $0xFFFFFF58  }
0x1c3: {  	[tilespmem:s13], [sflag:$0x3] =	stream.indirect.gather [hbm4b:s3+s19], $0x80, s28, s19, $0xb8;
	[tilespmem:$0x15400] =	vst v63  }
0x1c4: {  	_ =	swait.ge [sflag:s20], $0x5400  }
0x1c5: {  	[sflag:s20] =	ssyncset.done $0x0  }
0x1c6: {  	[sflag:s20] =	ssyncadd.s32 $0xFFFFAC00  }
0x1c7: {  	[hbm4b:s17+s2] =	stream.linear.scatter [tilespmem:s10], [sflag:$0x8], $0x5400, $0x38;
	[tilespmem:$0x15400] =	vst v63  }
0x1c8: {  	_ =	swait.ge [sflag:s9], $0x5400  }
0x1c9: {  	[sflag:s9] =	ssyncset.done $0x0  }
0x1ca: {  	[sflag:s9] =	ssyncadd.s32 $0xFFFFAC00  }
0x1cb: {  	[tilespmem:s23], [sflag:$0x9] =	stream.linear.gather [hbm4b:s15+s2], $0xA8, $0x38;
	[tilespmem:$0x15400] =	vst v63  }
0x1cc: {  	_ =	swait.ge [sflag:s18], $0xA8  }
0x1cd: {  	[sflag:s18] =	ssyncset.done $0x0  }
0x1ce: {  	[sflag:s18] =	ssyncadd.s32 $0xFFFFFF58  }
0x1cf: {  	[tilespmem:s10], [sflag:$0x4] =	stream.indirect.gather [hbm4b:s3+s19], $0x80, s23, s19, $0xb8;
	[tilespmem:$0x15400] =	vst v63  }
0x1d0: {  	_ =	swait.ge [sflag:s22], $0x5400  }
0x1d1: {  	[sflag:s22] =	ssyncset.done $0x0  }
0x1d2: {  	[sflag:s22] =	ssyncadd.s32 $0xFFFFAC00  }
0x1d3: {  	[hbm4b:s7+s2] =	stream.linear.scatter [tilespmem:s16], [sflag:$0x5], $0x5400, $0x38;
	[tilespmem:$0x15400] =	vst v63  }
0x1d4: {  	_ =	swait.ge [sflag:s24], $0x5400  }
0x1d5: {  	[sflag:s24] =	ssyncset.done $0x0  }
0x1d6: {  	[sflag:s24] =	ssyncadd.s32 $0xFFFFAC00  }
0x1d7: {  	[hbm4b:s6+s2] =	stream.linear.scatter [tilespmem:s14], [sflag:$0x6], $0x5400, $0x38;
	[tilespmem:$0x15400] =	vst v63  }
0x1d8: {  	_ =	swait.ge [sflag:s21], $0x5400  }
0x1d9: {  	[sflag:s21] =	ssyncset.done $0x0  }
0x1da: {  	[sflag:s21] =	ssyncadd.s32 $0xFFFFAC00  }
0x1db: {  	[hbm4b:s5+s2] =	stream.linear.scatter [tilespmem:s13], [sflag:$0x7], $0x5400, $0x38;
	[tilespmem:$0x15400] =	vst v63  }
0x1dc: {  	_ =	swait.ge [sflag:s20], $0x5400  }
0x1dd: {  	[sflag:s20] =	ssyncset.done $0x0  }
0x1de: {  	[sflag:s20] =	ssyncadd.s32 $0xFFFFAC00  }
0x1df: {  	[hbm4b:s4+s2] =	stream.linear.scatter [tilespmem:s10], [sflag:$0x8], $0x5400, $0x38;
	[tilespmem:$0x15400] =	vst v63  }
0x1e0: {  	_ =	swait.ge [sflag:s8], $0x5400  }
0x1e1: {  	[sflag:s8] =	ssyncset.done $0x0  }
0x1e2: {  	[sflag:s8] =	ssyncadd.s32 $0xFFFFAC00  }
0x1e3: {  	_ =	swait.ge [sflag:s12], $0x5400  }
0x1e4: {  	[sflag:s12] =	ssyncset.done $0x0  }
0x1e5: {  	p1 =	sne.s32 s1, $0x1;
	[sflag:s12] =	ssyncadd.s32 $0xFFFFAC00  }
.Ltmp1:
0x1e6: {  	_ =	swait.ge [sflag:s11], $0x5400;
	(pc) =	sbr.rel @!p1 .LBB2_3-.Ltmp1, $4  }
0x1e7: {  	[sflag:s11] =	ssyncset.done $0x0  }
0x1e8: {  	[sflag:s11] =	ssyncadd.s32 $0xFFFFAC00  }
0x1e9: {  	s1 =	sadd.s32 $0xFFFFFFFF, s1;
	_ =	swait.ge [sflag:s9], $0x5400  }
0x1ea: {  	p0 =	por $0x1, $0x1;
	s0 =	rddreg [dreg:$0x8];
	[sflag:s9] =	ssyncset.done $0x0  }
.LBB2_2:
0x1eb: {  	[sflag:s9] =	ssyncadd.s32 $0xFFFFAC00  }
0x1ec: {  	[tilespmem:s2], [sflag:$0x9] =	stream.linear.gather [hbm4b:s0+s2], $0xA8, $0x38;
	[tilespmem:$0x15400] =	vst v63  }
0x1ed: {  	_ =	swait.ge [sflag:s18], $0xA8  }
0x1ee: {  	[sflag:s18] =	ssyncset.done $0x0  }
0x1ef: {  	[sflag:s18] =	ssyncadd.s32 $0xFFFFFF58  }
0x1f0: {  	[tilespmem:s16], [sflag:$0x1] =	stream.indirect.gather [hbm4b:s31+s19], $0x80, s2, s19, $0xb8;
	[tilespmem:$0x15400] =	vst v63  }
0x1f1: {  	s0 =	rddreg [dreg:$0x9]  }
0x1f2: {  	[tilespmem:s30], [sflag:$0x9] =	stream.linear.gather [hbm4b:s0+s2], $0xA8, $0x38;
	[tilespmem:$0x15400] =	vst v63  }
0x1f3: {  	_ =	swait.ge [sflag:s18], $0xA8  }
0x1f4: {  	[sflag:s18] =	ssyncset.done $0x0  }
0x1f5: {  	[sflag:s18] =	ssyncadd.s32 $0xFFFFFF58  }
0x1f6: {  	[tilespmem:s14], [sflag:$0x2] =	stream.indirect.gather [hbm4b:s31+s19], $0x80, s30, s19, $0xb8;
	[tilespmem:$0x15400] =	vst v63  }
0x1f7: {  	s0 =	rddreg [dreg:$0xa]  }
0x1f8: {  	[tilespmem:s28], [sflag:$0x9] =	stream.linear.gather [hbm4b:s0+s2], $0xA8, $0x38;
	[tilespmem:$0x15400] =	vst v63  }
0x1f9: {  	_ =	swait.ge [sflag:s18], $0xA8  }
0x1fa: {  	[sflag:s18] =	ssyncset.done $0x0  }
0x1fb: {  	[sflag:s18] =	ssyncadd.s32 $0xFFFFFF58  }
0x1fc: {  	[tilespmem:s13], [sflag:$0x3] =	stream.indirect.gather [hbm4b:s31+s19], $0x80, s28, s19, $0xb8;
	[tilespmem:$0x15400] =	vst v63  }
0x1fd: {  	s0 =	rddreg [dreg:$0xb]  }
0x1fe: {  	[tilespmem:s23], [sflag:$0x9] =	stream.linear.gather [hbm4b:s0+s2], $0xA8, $0x38;
	[tilespmem:$0x15400] =	vst v63  }
0x1ff: {  	_ =	swait.ge [sflag:s18], $0xA8  }
0x200: {  	[sflag:s18] =	ssyncset.done $0x0  }
0x201: {  	[sflag:s18] =	ssyncadd.s32 $0xFFFFFF58  }
0x202: {  	[tilespmem:s10], [sflag:$0x4] =	stream.indirect.gather [hbm4b:s31+s19], $0x80, s23, s19, $0xb8;
	[tilespmem:$0x15400] =	vst v63  }
0x203: {  	_ =	swait.ge [sflag:s22], $0x5400  }
0x204: {  	[sflag:s22] =	ssyncset.done $0x0  }
0x205: {  	s0 =	rddreg [dreg:$0xc];
	[sflag:s22] =	ssyncadd.s32 $0xFFFFAC00  }
0x206: {  	[hbm4b:s0+s2] =	stream.linear.scatter [tilespmem:s16], [sflag:$0x5], $0x5400, $0x38;
	[tilespmem:$0x15400] =	vst v63  }
0x207: {  	_ =	swait.ge [sflag:s8], $0x5400  }
0x208: {  	[sflag:s8] =	ssyncset.done $0x0  }
0x209: {  	s0 =	rddreg [dreg:$0xd];
	[sflag:s8] =	ssyncadd.s32 $0xFFFFAC00  }
0x20a: {  	[tilespmem:s2], [sflag:$0x9] =	stream.linear.gather [hbm4b:s0+s2], $0xA8, $0x38;
	[tilespmem:$0x15400] =	vst v63  }
0x20b: {  	_ =	swait.ge [sflag:s18], $0xA8  }
0x20c: {  	[sflag:s18] =	ssyncset.done $0x0  }
0x20d: {  	[sflag:s18] =	ssyncadd.s32 $0xFFFFFF58  }
0x20e: {  	[tilespmem:s16], [sflag:$0x1] =	stream.indirect.gather [hbm4b:s31+s19], $0x80, s2, s19, $0xb8;
	[tilespmem:$0x15400] =	vst v63  }
0x20f: {  	_ =	swait.ge [sflag:s24], $0x5400  }
0x210: {  	[sflag:s24] =	ssyncset.done $0x0  }
0x211: {  	s0 =	rddreg [dreg:$0xe];
	[sflag:s24] =	ssyncadd.s32 $0xFFFFAC00  }
0x212: {  	[hbm4b:s0+s2] =	stream.linear.scatter [tilespmem:s14], [sflag:$0x6], $0x5400, $0x38;
	[tilespmem:$0x15400] =	vst v63  }
0x213: {  	_ =	swait.ge [sflag:s12], $0x5400  }
0x214: {  	[sflag:s12] =	ssyncset.done $0x0  }
0x215: {  	s0 =	rddreg [dreg:$0xf];
	[sflag:s12] =	ssyncadd.s32 $0xFFFFAC00  }
0x216: {  	[tilespmem:s30], [sflag:$0x9] =	stream.linear.gather [hbm4b:s0+s2], $0xA8, $0x38;
	[tilespmem:$0x15400] =	vst v63  }
0x217: {  	_ =	swait.ge [sflag:s18], $0xA8  }
0x218: {  	[sflag:s18] =	ssyncset.done $0x0  }
0x219: {  	[sflag:s18] =	ssyncadd.s32 $0xFFFFFF58  }
0x21a: {  	[tilespmem:s14], [sflag:$0x2] =	stream.indirect.gather [hbm4b:s31+s19], $0x80, s30, s19, $0xb8;
	[tilespmem:$0x15400] =	vst v63  }
0x21b: {  	_ =	swait.ge [sflag:s21], $0x5400  }
0x21c: {  	[sflag:s21] =	ssyncset.done $0x0  }
0x21d: {  	s0 =	rddreg [dreg:$0x10];
	[sflag:s21] =	ssyncadd.s32 $0xFFFFAC00  }
0x21e: {  	[hbm4b:s0+s2] =	stream.linear.scatter [tilespmem:s13], [sflag:$0x7], $0x5400, $0x38;
	[tilespmem:$0x15400] =	vst v63  }
0x21f: {  	_ =	swait.ge [sflag:s11], $0x5400  }
0x220: {  	[sflag:s11] =	ssyncset.done $0x0  }
0x221: {  	s0 =	rddreg [dreg:$0x11];
	[sflag:s11] =	ssyncadd.s32 $0xFFFFAC00  }
0x222: {  	[tilespmem:s28], [sflag:$0x9] =	stream.linear.gather [hbm4b:s0+s2], $0xA8, $0x38;
	[tilespmem:$0x15400] =	vst v63  }
0x223: {  	_ =	swait.ge [sflag:s18], $0xA8  }
0x224: {  	[sflag:s18] =	ssyncset.done $0x0  }
0x225: {  	[sflag:s18] =	ssyncadd.s32 $0xFFFFFF58  }
0x226: {  	[tilespmem:s13], [sflag:$0x3] =	stream.indirect.gather [hbm4b:s31+s19], $0x80, s28, s19, $0xb8;
	[tilespmem:$0x15400] =	vst v63  }
0x227: {  	_ =	swait.ge [sflag:s20], $0x5400  }
0x228: {  	[sflag:s20] =	ssyncset.done $0x0  }
0x229: {  	s0 =	rddreg [dreg:$0x12];
	[sflag:s20] =	ssyncadd.s32 $0xFFFFAC00  }
0x22a: {  	[hbm4b:s0+s2] =	stream.linear.scatter [tilespmem:s10], [sflag:$0x8], $0x5400, $0x38;
	[tilespmem:$0x15400] =	vst v63  }
0x22b: {  	_ =	swait.ge [sflag:s9], $0x5400  }
0x22c: {  	[sflag:s9] =	ssyncset.done $0x0  }
0x22d: {  	s0 =	rddreg [dreg:$0x13];
	[sflag:s9] =	ssyncadd.s32 $0xFFFFAC00  }
0x22e: {  	[tilespmem:s23], [sflag:$0x9] =	stream.linear.gather [hbm4b:s0+s2], $0xA8, $0x38;
	[tilespmem:$0x15400] =	vst v63  }
0x22f: {  	_ =	swait.ge [sflag:s18], $0xA8  }
0x230: {  	[sflag:s18] =	ssyncset.done $0x0  }
0x231: {  	[sflag:s18] =	ssyncadd.s32 $0xFFFFFF58  }
0x232: {  	[tilespmem:s10], [sflag:$0x4] =	stream.indirect.gather [hbm4b:s31+s19], $0x80, s23, s19, $0xb8;
	[tilespmem:$0x15400] =	vst v63  }
0x233: {  	_ =	swait.ge [sflag:s22], $0x5400  }
0x234: {  	[sflag:s22] =	ssyncset.done $0x0  }
0x235: {  	s0 =	rddreg [dreg:$0x14];
	[sflag:s22] =	ssyncadd.s32 $0xFFFFAC00  }
0x236: {  	[hbm4b:s0+s2] =	stream.linear.scatter [tilespmem:s16], [sflag:$0x5], $0x5400, $0x38;
	[tilespmem:$0x15400] =	vst v63  }
0x237: {  	_ =	swait.ge [sflag:s8], $0x5400  }
0x238: {  	[sflag:s8] =	ssyncset.done $0x0  }
0x239: {  	s0 =	rddreg [dreg:$0x15];
	[sflag:s8] =	ssyncadd.s32 $0xFFFFAC00  }
0x23a: {  	[tilespmem:s2], [sflag:$0x9] =	stream.linear.gather [hbm4b:s0+s2], $0xA8, $0x38;
	[tilespmem:$0x15400] =	vst v63  }
0x23b: {  	_ =	swait.ge [sflag:s18], $0xA8  }
0x23c: {  	[sflag:s18] =	ssyncset.done $0x0  }
0x23d: {  	[sflag:s18] =	ssyncadd.s32 $0xFFFFFF58  }
0x23e: {  	[tilespmem:s16], [sflag:$0x1] =	stream.indirect.gather [hbm4b:s31+s19], $0x80, s2, s19, $0xb8;
	[tilespmem:$0x15400] =	vst v63  }
0x23f: {  	_ =	swait.ge [sflag:s24], $0x5400  }
0x240: {  	[sflag:s24] =	ssyncset.done $0x0  }
0x241: {  	s0 =	rddreg [dreg:$0x16];
	[sflag:s24] =	ssyncadd.s32 $0xFFFFAC00  }
0x242: {  	[hbm4b:s0+s2] =	stream.linear.scatter [tilespmem:s14], [sflag:$0x6], $0x5400, $0x38;
	[tilespmem:$0x15400] =	vst v63  }
0x243: {  	_ =	swait.ge [sflag:s12], $0x5400  }
0x244: {  	[sflag:s12] =	ssyncset.done $0x0  }
0x245: {  	s0 =	rddreg [dreg:$0x17];
	[sflag:s12] =	ssyncadd.s32 $0xFFFFAC00  }
0x246: {  	[tilespmem:s30], [sflag:$0x9] =	stream.linear.gather [hbm4b:s0+s2], $0xA8, $0x38;
	[tilespmem:$0x15400] =	vst v63  }
0x247: {  	_ =	swait.ge [sflag:s18], $0xA8  }
0x248: {  	[sflag:s18] =	ssyncset.done $0x0  }
0x249: {  	[sflag:s18] =	ssyncadd.s32 $0xFFFFFF58  }
0x24a: {  	[tilespmem:s14], [sflag:$0x2] =	stream.indirect.gather [hbm4b:s31+s19], $0x80, s30, s19, $0xb8;
	[tilespmem:$0x15400] =	vst v63  }
0x24b: {  	_ =	swait.ge [sflag:s21], $0x5400  }
0x24c: {  	[sflag:s21] =	ssyncset.done $0x0  }
0x24d: {  	s0 =	rddreg [dreg:$0x18];
	[sflag:s21] =	ssyncadd.s32 $0xFFFFAC00  }
0x24e: {  	[hbm4b:s0+s2] =	stream.linear.scatter [tilespmem:s13], [sflag:$0x7], $0x5400, $0x38;
	[tilespmem:$0x15400] =	vst v63  }
0x24f: {  	_ =	swait.ge [sflag:s11], $0x5400  }
0x250: {  	[sflag:s11] =	ssyncset.done $0x0  }
0x251: {  	s0 =	rddreg [dreg:$0x19];
	[sflag:s11] =	ssyncadd.s32 $0xFFFFAC00  }
0x252: {  	[tilespmem:s28], [sflag:$0x9] =	stream.linear.gather [hbm4b:s0+s2], $0xA8, $0x38;
	[tilespmem:$0x15400] =	vst v63  }
0x253: {  	_ =	swait.ge [sflag:s18], $0xA8  }
0x254: {  	[sflag:s18] =	ssyncset.done $0x0  }
0x255: {  	[sflag:s18] =	ssyncadd.s32 $0xFFFFFF58  }
0x256: {  	[tilespmem:s13], [sflag:$0x3] =	stream.indirect.gather [hbm4b:s31+s19], $0x80, s28, s19, $0xb8;
	[tilespmem:$0x15400] =	vst v63  }
0x257: {  	_ =	swait.ge [sflag:s20], $0x5400  }
0x258: {  	[sflag:s20] =	ssyncset.done $0x0  }
0x259: {  	s0 =	rddreg [dreg:$0x1a];
	[sflag:s20] =	ssyncadd.s32 $0xFFFFAC00  }
0x25a: {  	[hbm4b:s0+s2] =	stream.linear.scatter [tilespmem:s10], [sflag:$0x8], $0x5400, $0x38;
	[tilespmem:$0x15400] =	vst v63  }
0x25b: {  	_ =	swait.ge [sflag:s9], $0x5400  }
0x25c: {  	[sflag:s9] =	ssyncset.done $0x0  }
0x25d: {  	s0 =	rddreg [dreg:$0x1b];
	[sflag:s9] =	ssyncadd.s32 $0xFFFFAC00  }
0x25e: {  	[tilespmem:s23], [sflag:$0x9] =	stream.linear.gather [hbm4b:s0+s2], $0xA8, $0x38;
	[tilespmem:$0x15400] =	vst v63  }
0x25f: {  	_ =	swait.ge [sflag:s18], $0xA8  }
0x260: {  	[sflag:s18] =	ssyncset.done $0x0  }
0x261: {  	[sflag:s18] =	ssyncadd.s32 $0xFFFFFF58  }
0x262: {  	[tilespmem:s10], [sflag:$0x4] =	stream.indirect.gather [hbm4b:s31+s19], $0x80, s23, s19, $0xb8;
	[tilespmem:$0x15400] =	vst v63  }
0x263: {  	_ =	swait.ge [sflag:s22], $0x5400  }
0x264: {  	[sflag:s22] =	ssyncset.done $0x0  }
0x265: {  	s0 =	rddreg [dreg:$0x1c];
	[sflag:s22] =	ssyncadd.s32 $0xFFFFAC00  }
0x266: {  	[hbm4b:s0+s2] =	stream.linear.scatter [tilespmem:s16], [sflag:$0x5], $0x5400, $0x38;
	[tilespmem:$0x15400] =	vst v63  }
0x267: {  	_ =	swait.ge [sflag:s8], $0x5400  }
0x268: {  	[sflag:s8] =	ssyncset.done $0x0  }
0x269: {  	s0 =	rddreg [dreg:$0x1d];
	[sflag:s8] =	ssyncadd.s32 $0xFFFFAC00  }
0x26a: {  	[tilespmem:s2], [sflag:$0x9] =	stream.linear.gather [hbm4b:s0+s2], $0xA8, $0x38;
	[tilespmem:$0x15400] =	vst v63  }
0x26b: {  	_ =	swait.ge [sflag:s18], $0xA8  }
0x26c: {  	[sflag:s18] =	ssyncset.done $0x0  }
0x26d: {  	[sflag:s18] =	ssyncadd.s32 $0xFFFFFF58  }
0x26e: {  	[tilespmem:s16], [sflag:$0x1] =	stream.indirect.gather [hbm4b:s31+s19], $0x80, s2, s19, $0xb8;
	[tilespmem:$0x15400] =	vst v63  }
0x26f: {  	_ =	swait.ge [sflag:s24], $0x5400  }
0x270: {  	[sflag:s24] =	ssyncset.done $0x0  }
0x271: {  	s0 =	rddreg [dreg:$0x1e];
	[sflag:s24] =	ssyncadd.s32 $0xFFFFAC00  }
0x272: {  	[hbm4b:s0+s2] =	stream.linear.scatter [tilespmem:s14], [sflag:$0x6], $0x5400, $0x38;
	[tilespmem:$0x15400] =	vst v63  }
0x273: {  	_ =	swait.ge [sflag:s12], $0x5400  }
0x274: {  	[sflag:s12] =	ssyncset.done $0x0  }
0x275: {  	s0 =	rddreg [dreg:$0x1f];
	[sflag:s12] =	ssyncadd.s32 $0xFFFFAC00  }
0x276: {  	[tilespmem:s30], [sflag:$0x9] =	stream.linear.gather [hbm4b:s0+s2], $0xA8, $0x38;
	[tilespmem:$0x15400] =	vst v63  }
0x277: {  	_ =	swait.ge [sflag:s18], $0xA8  }
0x278: {  	[sflag:s18] =	ssyncset.done $0x0  }
0x279: {  	[sflag:s18] =	ssyncadd.s32 $0xFFFFFF58  }
0x27a: {  	[tilespmem:s14], [sflag:$0x2] =	stream.indirect.gather [hbm4b:s31+s19], $0x80, s30, s19, $0xb8;
	[tilespmem:$0x15400] =	vst v63  }
0x27b: {  	_ =	swait.ge [sflag:s21], $0x5400  }
0x27c: {  	s0 =	sld [smem:$0x7DF]  }
0x27d: {  	[sflag:s21] =	ssyncset.done $0x0  }
0x27e: {  	[sflag:s21] =	ssyncadd.s32 $0xFFFFAC00  }
0x27f: {  	[hbm4b:s0+s2] =	stream.linear.scatter [tilespmem:s13], [sflag:$0x7], $0x5400, $0x38;
	[tilespmem:$0x15400] =	vst v63  }
0x280: {  	_ =	swait.ge [sflag:s11], $0x5400  }
0x281: {  	s0 =	sld [smem:$0x7E0]  }
0x282: {  	[sflag:s11] =	ssyncset.done $0x0  }
0x283: {  	[sflag:s11] =	ssyncadd.s32 $0xFFFFAC00  }
0x284: {  	[tilespmem:s28], [sflag:$0x9] =	stream.linear.gather [hbm4b:s0+s2], $0xA8, $0x38;
	[tilespmem:$0x15400] =	vst v63  }
0x285: {  	_ =	swait.ge [sflag:s18], $0xA8  }
0x286: {  	[sflag:s18] =	ssyncset.done $0x0  }
0x287: {  	[sflag:s18] =	ssyncadd.s32 $0xFFFFFF58  }
0x288: {  	[tilespmem:s13], [sflag:$0x3] =	stream.indirect.gather [hbm4b:s31+s19], $0x80, s28, s19, $0xb8;
	[tilespmem:$0x15400] =	vst v63  }
0x289: {  	_ =	swait.ge [sflag:s20], $0x5400  }
0x28a: {  	s0 =	sld [smem:$0x7E1]  }
0x28b: {  	[sflag:s20] =	ssyncset.done $0x0  }
0x28c: {  	[sflag:s20] =	ssyncadd.s32 $0xFFFFAC00  }
0x28d: {  	[hbm4b:s0+s2] =	stream.linear.scatter [tilespmem:s10], [sflag:$0x8], $0x5400, $0x38;
	[tilespmem:$0x15400] =	vst v63  }
0x28e: {  	_ =	swait.ge [sflag:s9], $0x5400  }
0x28f: {  	s0 =	sld [smem:$0x7E2]  }
0x290: {  	[sflag:s9] =	ssyncset.done $0x0  }
0x291: {  	[sflag:s9] =	ssyncadd.s32 $0xFFFFAC00  }
0x292: {  	[tilespmem:s23], [sflag:$0x9] =	stream.linear.gather [hbm4b:s0+s2], $0xA8, $0x38;
	[tilespmem:$0x15400] =	vst v63  }
0x293: {  	_ =	swait.ge [sflag:s18], $0xA8  }
0x294: {  	[sflag:s18] =	ssyncset.done $0x0  }
0x295: {  	[sflag:s18] =	ssyncadd.s32 $0xFFFFFF58  }
0x296: {  	[tilespmem:s10], [sflag:$0x4] =	stream.indirect.gather [hbm4b:s31+s19], $0x80, s23, s19, $0xb8;
	[tilespmem:$0x15400] =	vst v63  }
0x297: {  	_ =	swait.ge [sflag:s22], $0x5400  }
0x298: {  	s0 =	sld [smem:$0x7E3]  }
0x299: {  	[sflag:s22] =	ssyncset.done $0x0  }
0x29a: {  	[sflag:s22] =	ssyncadd.s32 $0xFFFFAC00  }
0x29b: {  	[hbm4b:s0+s2] =	stream.linear.scatter [tilespmem:s16], [sflag:$0x5], $0x5400, $0x38;
	[tilespmem:$0x15400] =	vst v63  }
0x29c: {  	_ =	swait.ge [sflag:s8], $0x5400  }
0x29d: {  	s0 =	sld [smem:$0x7E4]  }
0x29e: {  	[sflag:s8] =	ssyncset.done $0x0  }
0x29f: {  	[sflag:s8] =	ssyncadd.s32 $0xFFFFAC00  }
0x2a0: {  	[tilespmem:s2], [sflag:$0x9] =	stream.linear.gather [hbm4b:s0+s2], $0xA8, $0x38;
	[tilespmem:$0x15400] =	vst v63  }
0x2a1: {  	_ =	swait.ge [sflag:s18], $0xA8  }
0x2a2: {  	[sflag:s18] =	ssyncset.done $0x0  }
0x2a3: {  	[sflag:s18] =	ssyncadd.s32 $0xFFFFFF58  }
0x2a4: {  	[tilespmem:s16], [sflag:$0x1] =	stream.indirect.gather [hbm4b:s3+s19], $0x80, s2, s19, $0xb8;
	[tilespmem:$0x15400] =	vst v63  }
0x2a5: {  	_ =	swait.ge [sflag:s24], $0x5400  }
0x2a6: {  	s0 =	sld [smem:$0x7E5]  }
0x2a7: {  	[sflag:s24] =	ssyncset.done $0x0  }
0x2a8: {  	[sflag:s24] =	ssyncadd.s32 $0xFFFFAC00  }
0x2a9: {  	[hbm4b:s0+s2] =	stream.linear.scatter [tilespmem:s14], [sflag:$0x6], $0x5400, $0x38;
	[tilespmem:$0x15400] =	vst v63  }
0x2aa: {  	_ =	swait.ge [sflag:s12], $0x5400  }
0x2ab: {  	s0 =	sld [smem:$0x7E6]  }
0x2ac: {  	[sflag:s12] =	ssyncset.done $0x0  }
0x2ad: {  	[sflag:s12] =	ssyncadd.s32 $0xFFFFAC00  }
0x2ae: {  	[tilespmem:s30], [sflag:$0x9] =	stream.linear.gather [hbm4b:s0+s2], $0xA8, $0x38;
	[tilespmem:$0x15400] =	vst v63  }
0x2af: {  	_ =	swait.ge [sflag:s18], $0xA8  }
0x2b0: {  	[sflag:s18] =	ssyncset.done $0x0  }
0x2b1: {  	[sflag:s18] =	ssyncadd.s32 $0xFFFFFF58  }
0x2b2: {  	[tilespmem:s14], [sflag:$0x2] =	stream.indirect.gather [hbm4b:s3+s19], $0x80, s30, s19, $0xb8;
	[tilespmem:$0x15400] =	vst v63  }
0x2b3: {  	_ =	swait.ge [sflag:s21], $0x5400  }
0x2b4: {  	s0 =	sld [smem:$0x7E7]  }
0x2b5: {  	[sflag:s21] =	ssyncset.done $0x0  }
0x2b6: {  	[sflag:s21] =	ssyncadd.s32 $0xFFFFAC00  }
0x2b7: {  	[hbm4b:s0+s2] =	stream.linear.scatter [tilespmem:s13], [sflag:$0x7], $0x5400, $0x38;
	[tilespmem:$0x15400] =	vst v63  }
0x2b8: {  	_ =	swait.ge [sflag:s11], $0x5400  }
0x2b9: {  	s0 =	sld [smem:$0x7E8]  }
0x2ba: {  	[sflag:s11] =	ssyncset.done $0x0  }
0x2bb: {  	[sflag:s11] =	ssyncadd.s32 $0xFFFFAC00  }
0x2bc: {  	[tilespmem:s28], [sflag:$0x9] =	stream.linear.gather [hbm4b:s0+s2], $0xA8, $0x38;
	[tilespmem:$0x15400] =	vst v63  }
0x2bd: {  	_ =	swait.ge [sflag:s18], $0xA8  }
0x2be: {  	[sflag:s18] =	ssyncset.done $0x0  }
0x2bf: {  	[sflag:s18] =	ssyncadd.s32 $0xFFFFFF58  }
0x2c0: {  	[tilespmem:s13], [sflag:$0x3] =	stream.indirect.gather [hbm4b:s3+s19], $0x80, s28, s19, $0xb8;
	[tilespmem:$0x15400] =	vst v63  }
0x2c1: {  	_ =	swait.ge [sflag:s20], $0x5400  }
0x2c2: {  	s0 =	sld [smem:$0x7E9]  }
0x2c3: {  	[sflag:s20] =	ssyncset.done $0x0  }
0x2c4: {  	[sflag:s20] =	ssyncadd.s32 $0xFFFFAC00  }
0x2c5: {  	[hbm4b:s0+s2] =	stream.linear.scatter [tilespmem:s10], [sflag:$0x8], $0x5400, $0x38;
	[tilespmem:$0x15400] =	vst v63  }
0x2c6: {  	_ =	swait.ge [sflag:s9], $0x5400  }
0x2c7: {  	s0 =	sld [smem:$0x7EA]  }
0x2c8: {  	[sflag:s9] =	ssyncset.done $0x0  }
0x2c9: {  	[sflag:s9] =	ssyncadd.s32 $0xFFFFAC00  }
0x2ca: {  	[tilespmem:s23], [sflag:$0x9] =	stream.linear.gather [hbm4b:s0+s2], $0xA8, $0x38;
	[tilespmem:$0x15400] =	vst v63  }
0x2cb: {  	_ =	swait.ge [sflag:s18], $0xA8  }
0x2cc: {  	[sflag:s18] =	ssyncset.done $0x0  }
0x2cd: {  	[sflag:s18] =	ssyncadd.s32 $0xFFFFFF58  }
0x2ce: {  	[tilespmem:s10], [sflag:$0x4] =	stream.indirect.gather [hbm4b:s3+s19], $0x80, s23, s19, $0xb8;
	[tilespmem:$0x15400] =	vst v63  }
0x2cf: {  	_ =	swait.ge [sflag:s22], $0x5400  }
0x2d0: {  	s0 =	sld [smem:$0x7EB]  }
0x2d1: {  	[sflag:s22] =	ssyncset.done $0x0  }
0x2d2: {  	[sflag:s22] =	ssyncadd.s32 $0xFFFFAC00  }
0x2d3: {  	[hbm4b:s0+s2] =	stream.linear.scatter [tilespmem:s16], [sflag:$0x5], $0x5400, $0x38;
	[tilespmem:$0x15400] =	vst v63  }
0x2d4: {  	_ =	swait.ge [sflag:s8], $0x5400  }
0x2d5: {  	s0 =	sld [smem:$0x7EC]  }
0x2d6: {  	[sflag:s8] =	ssyncset.done $0x0  }
0x2d7: {  	[sflag:s8] =	ssyncadd.s32 $0xFFFFAC00  }
0x2d8: {  	[tilespmem:s2], [sflag:$0x9] =	stream.linear.gather [hbm4b:s0+s2], $0xA8, $0x38;
	[tilespmem:$0x15400] =	vst v63  }
0x2d9: {  	_ =	swait.ge [sflag:s18], $0xA8  }
0x2da: {  	[sflag:s18] =	ssyncset.done $0x0  }
0x2db: {  	[sflag:s18] =	ssyncadd.s32 $0xFFFFFF58  }
0x2dc: {  	[tilespmem:s16], [sflag:$0x1] =	stream.indirect.gather [hbm4b:s3+s19], $0x80, s2, s19, $0xb8;
	[tilespmem:$0x15400] =	vst v63  }
0x2dd: {  	_ =	swait.ge [sflag:s24], $0x5400  }
0x2de: {  	s0 =	sld [smem:$0x7ED]  }
0x2df: {  	[sflag:s24] =	ssyncset.done $0x0  }
0x2e0: {  	[sflag:s24] =	ssyncadd.s32 $0xFFFFAC00  }
0x2e1: {  	[hbm4b:s0+s2] =	stream.linear.scatter [tilespmem:s14], [sflag:$0x6], $0x5400, $0x38;
	[tilespmem:$0x15400] =	vst v63  }
0x2e2: {  	_ =	swait.ge [sflag:s12], $0x5400  }
0x2e3: {  	s0 =	sld [smem:$0x7EE]  }
0x2e4: {  	[sflag:s12] =	ssyncset.done $0x0  }
0x2e5: {  	[sflag:s12] =	ssyncadd.s32 $0xFFFFAC00  }
0x2e6: {  	[tilespmem:s30], [sflag:$0x9] =	stream.linear.gather [hbm4b:s0+s2], $0xA8, $0x38;
	[tilespmem:$0x15400] =	vst v63  }
0x2e7: {  	_ =	swait.ge [sflag:s18], $0xA8  }
0x2e8: {  	[sflag:s18] =	ssyncset.done $0x0  }
0x2e9: {  	[sflag:s18] =	ssyncadd.s32 $0xFFFFFF58  }
0x2ea: {  	[tilespmem:s14], [sflag:$0x2] =	stream.indirect.gather [hbm4b:s3+s19], $0x80, s30, s19, $0xb8;
	[tilespmem:$0x15400] =	vst v63  }
0x2eb: {  	_ =	swait.ge [sflag:s21], $0x5400  }
0x2ec: {  	s0 =	sld [smem:$0x7EF]  }
0x2ed: {  	[sflag:s21] =	ssyncset.done $0x0  }
0x2ee: {  	[sflag:s21] =	ssyncadd.s32 $0xFFFFAC00  }
0x2ef: {  	[hbm4b:s0+s2] =	stream.linear.scatter [tilespmem:s13], [sflag:$0x7], $0x5400, $0x38;
	[tilespmem:$0x15400] =	vst v63  }
0x2f0: {  	_ =	swait.ge [sflag:s11], $0x5400  }
0x2f1: {  	s0 =	sld [smem:$0x7F0]  }
0x2f2: {  	[sflag:s11] =	ssyncset.done $0x0  }
0x2f3: {  	[sflag:s11] =	ssyncadd.s32 $0xFFFFAC00  }
0x2f4: {  	[tilespmem:s28], [sflag:$0x9] =	stream.linear.gather [hbm4b:s0+s2], $0xA8, $0x38;
	[tilespmem:$0x15400] =	vst v63  }
0x2f5: {  	_ =	swait.ge [sflag:s18], $0xA8  }
0x2f6: {  	[sflag:s18] =	ssyncset.done $0x0  }
0x2f7: {  	[sflag:s18] =	ssyncadd.s32 $0xFFFFFF58  }
0x2f8: {  	[tilespmem:s13], [sflag:$0x3] =	stream.indirect.gather [hbm4b:s3+s19], $0x80, s28, s19, $0xb8;
	[tilespmem:$0x15400] =	vst v63  }
0x2f9: {  	_ =	swait.ge [sflag:s20], $0x5400  }
0x2fa: {  	s0 =	sld [smem:$0x7F1]  }
0x2fb: {  	[sflag:s20] =	ssyncset.done $0x0  }
0x2fc: {  	[sflag:s20] =	ssyncadd.s32 $0xFFFFAC00  }
0x2fd: {  	[hbm4b:s0+s2] =	stream.linear.scatter [tilespmem:s10], [sflag:$0x8], $0x5400, $0x38;
	[tilespmem:$0x15400] =	vst v63  }
0x2fe: {  	_ =	swait.ge [sflag:s9], $0x5400  }
0x2ff: {  	s0 =	sld [smem:$0x7F2]  }
0x300: {  	[sflag:s9] =	ssyncset.done $0x0  }
0x301: {  	[sflag:s9] =	ssyncadd.s32 $0xFFFFAC00  }
0x302: {  	[tilespmem:s23], [sflag:$0x9] =	stream.linear.gather [hbm4b:s0+s2], $0xA8, $0x38;
	[tilespmem:$0x15400] =	vst v63  }
0x303: {  	_ =	swait.ge [sflag:s18], $0xA8  }
0x304: {  	[sflag:s18] =	ssyncset.done $0x0  }
0x305: {  	[sflag:s18] =	ssyncadd.s32 $0xFFFFFF58  }
0x306: {  	[tilespmem:s10], [sflag:$0x4] =	stream.indirect.gather [hbm4b:s3+s19], $0x80, s23, s19, $0xb8;
	[tilespmem:$0x15400] =	vst v63  }
0x307: {  	_ =	swait.ge [sflag:s22], $0x5400  }
0x308: {  	s0 =	sld [smem:$0x7F3]  }
0x309: {  	[sflag:s22] =	ssyncset.done $0x0  }
0x30a: {  	[sflag:s22] =	ssyncadd.s32 $0xFFFFAC00  }
0x30b: {  	[hbm4b:s0+s2] =	stream.linear.scatter [tilespmem:s16], [sflag:$0x5], $0x5400, $0x38;
	[tilespmem:$0x15400] =	vst v63  }
0x30c: {  	_ =	swait.ge [sflag:s8], $0x5400  }
0x30d: {  	s0 =	sld [smem:$0x7F4]  }
0x30e: {  	[sflag:s8] =	ssyncset.done $0x0  }
0x30f: {  	[sflag:s8] =	ssyncadd.s32 $0xFFFFAC00  }
0x310: {  	[tilespmem:s2], [sflag:$0x9] =	stream.linear.gather [hbm4b:s0+s2], $0xA8, $0x38;
	[tilespmem:$0x15400] =	vst v63  }
0x311: {  	_ =	swait.ge [sflag:s18], $0xA8  }
0x312: {  	[sflag:s18] =	ssyncset.done $0x0  }
0x313: {  	[sflag:s18] =	ssyncadd.s32 $0xFFFFFF58  }
0x314: {  	[tilespmem:s16], [sflag:$0x1] =	stream.indirect.gather [hbm4b:s3+s19], $0x80, s2, s19, $0xb8;
	[tilespmem:$0x15400] =	vst v63  }
0x315: {  	_ =	swait.ge [sflag:s24], $0x5400  }
0x316: {  	s0 =	sld [smem:$0x7F5]  }
0x317: {  	[sflag:s24] =	ssyncset.done $0x0  }
0x318: {  	[sflag:s24] =	ssyncadd.s32 $0xFFFFAC00  }
0x319: {  	[hbm4b:s0+s2] =	stream.linear.scatter [tilespmem:s14], [sflag:$0x6], $0x5400, $0x38;
	[tilespmem:$0x15400] =	vst v63  }
0x31a: {  	_ =	swait.ge [sflag:s12], $0x5400  }
0x31b: {  	s0 =	sld [smem:$0x7F6]  }
0x31c: {  	[sflag:s12] =	ssyncset.done $0x0  }
0x31d: {  	[sflag:s12] =	ssyncadd.s32 $0xFFFFAC00  }
0x31e: {  	[tilespmem:s30], [sflag:$0x9] =	stream.linear.gather [hbm4b:s0+s2], $0xA8, $0x38;
	[tilespmem:$0x15400] =	vst v63  }
0x31f: {  	_ =	swait.ge [sflag:s18], $0xA8  }
0x320: {  	[sflag:s18] =	ssyncset.done $0x0  }
0x321: {  	[sflag:s18] =	ssyncadd.s32 $0xFFFFFF58  }
0x322: {  	[tilespmem:s14], [sflag:$0x2] =	stream.indirect.gather [hbm4b:s3+s19], $0x80, s30, s19, $0xb8;
	[tilespmem:$0x15400] =	vst v63  }
0x323: {  	_ =	swait.ge [sflag:s21], $0x5400  }
0x324: {  	s0 =	sld [smem:$0x7F7]  }
0x325: {  	[sflag:s21] =	ssyncset.done $0x0  }
0x326: {  	[sflag:s21] =	ssyncadd.s32 $0xFFFFAC00  }
0x327: {  	[hbm4b:s0+s2] =	stream.linear.scatter [tilespmem:s13], [sflag:$0x7], $0x5400, $0x38;
	[tilespmem:$0x15400] =	vst v63  }
0x328: {  	_ =	swait.ge [sflag:s11], $0x5400  }
0x329: {  	s0 =	sld [smem:$0x7F8]  }
0x32a: {  	[sflag:s11] =	ssyncset.done $0x0  }
0x32b: {  	[sflag:s11] =	ssyncadd.s32 $0xFFFFAC00  }
0x32c: {  	[tilespmem:s28], [sflag:$0x9] =	stream.linear.gather [hbm4b:s0+s2], $0xA8, $0x38;
	[tilespmem:$0x15400] =	vst v63  }
0x32d: {  	_ =	swait.ge [sflag:s18], $0xA8  }
0x32e: {  	[sflag:s18] =	ssyncset.done $0x0  }
0x32f: {  	[sflag:s18] =	ssyncadd.s32 $0xFFFFFF58  }
0x330: {  	[tilespmem:s13], [sflag:$0x3] =	stream.indirect.gather [hbm4b:s3+s19], $0x80, s28, s19, $0xb8;
	[tilespmem:$0x15400] =	vst v63  }
0x331: {  	_ =	swait.ge [sflag:s20], $0x5400  }
0x332: {  	s0 =	sld [smem:$0x7F9]  }
0x333: {  	[sflag:s20] =	ssyncset.done $0x0  }
0x334: {  	[sflag:s20] =	ssyncadd.s32 $0xFFFFAC00  }
0x335: {  	[hbm4b:s0+s2] =	stream.linear.scatter [tilespmem:s10], [sflag:$0x8], $0x5400, $0x38;
	[tilespmem:$0x15400] =	vst v63  }
0x336: {  	_ =	swait.ge [sflag:s9], $0x5400  }
0x337: {  	s0 =	sld [smem:$0x7FA]  }
0x338: {  	[sflag:s9] =	ssyncset.done $0x0  }
0x339: {  	[sflag:s9] =	ssyncadd.s32 $0xFFFFAC00  }
0x33a: {  	[tilespmem:s23], [sflag:$0x9] =	stream.linear.gather [hbm4b:s0+s2], $0xA8, $0x38;
	[tilespmem:$0x15400] =	vst v63  }
0x33b: {  	_ =	swait.ge [sflag:s18], $0xA8  }
0x33c: {  	[sflag:s18] =	ssyncset.done $0x0  }
0x33d: {  	[sflag:s18] =	ssyncadd.s32 $0xFFFFFF58  }
0x33e: {  	[tilespmem:s10], [sflag:$0x4] =	stream.indirect.gather [hbm4b:s3+s19], $0x80, s23, s19, $0xb8;
	[tilespmem:$0x15400] =	vst v63  }
0x33f: {  	_ =	swait.ge [sflag:s22], $0x5400  }
0x340: {  	s0 =	sld [smem:$0x7FB]  }
0x341: {  	[sflag:s22] =	ssyncset.done $0x0  }
0x342: {  	[sflag:s22] =	ssyncadd.s32 $0xFFFFAC00  }
0x343: {  	[hbm4b:s0+s2] =	stream.linear.scatter [tilespmem:s16], [sflag:$0x5], $0x5400, $0x38;
	[tilespmem:$0x15400] =	vst v63  }
0x344: {  	_ =	swait.ge [sflag:s8], $0x5400  }
0x345: {  	s0 =	sld [smem:$0x7FC]  }
0x346: {  	[sflag:s8] =	ssyncset.done $0x0  }
0x347: {  	[sflag:s8] =	ssyncadd.s32 $0xFFFFAC00  }
0x348: {  	[tilespmem:s2], [sflag:$0x9] =	stream.linear.gather [hbm4b:s0+s2], $0xA8, $0x38;
	[tilespmem:$0x15400] =	vst v63  }
0x349: {  	_ =	swait.ge [sflag:s18], $0xA8  }
0x34a: {  	[sflag:s18] =	ssyncset.done $0x0  }
0x34b: {  	[sflag:s18] =	ssyncadd.s32 $0xFFFFFF58  }
0x34c: {  	[tilespmem:s16], [sflag:$0x1] =	stream.indirect.gather [hbm4b:s3+s19], $0x80, s2, s19, $0xb8;
	[tilespmem:$0x15400] =	vst v63  }
0x34d: {  	_ =	swait.ge [sflag:s24], $0x5400  }
0x34e: {  	s0 =	sld [smem:$0x7FD]  }
0x34f: {  	[sflag:s24] =	ssyncset.done $0x0  }
0x350: {  	[sflag:s24] =	ssyncadd.s32 $0xFFFFAC00  }
0x351: {  	[hbm4b:s0+s2] =	stream.linear.scatter [tilespmem:s14], [sflag:$0x6], $0x5400, $0x38;
	[tilespmem:$0x15400] =	vst v63  }
0x352: {  	_ =	swait.ge [sflag:s12], $0x5400  }
0x353: {  	[sflag:s12] =	ssyncset.done $0x0  }
0x354: {  	[sflag:s12] =	ssyncadd.s32 $0xFFFFAC00  }
0x355: {  	[tilespmem:s30], [sflag:$0x9] =	stream.linear.gather [hbm4b:s29+s2], $0xA8, $0x38;
	[tilespmem:$0x15400] =	vst v63  }
0x356: {  	_ =	swait.ge [sflag:s18], $0xA8  }
0x357: {  	[sflag:s18] =	ssyncset.done $0x0  }
0x358: {  	[sflag:s18] =	ssyncadd.s32 $0xFFFFFF58  }
0x359: {  	[tilespmem:s14], [sflag:$0x2] =	stream.indirect.gather [hbm4b:s3+s19], $0x80, s30, s19, $0xb8;
	[tilespmem:$0x15400] =	vst v63  }
0x35a: {  	_ =	swait.ge [sflag:s21], $0x5400  }
0x35b: {  	[sflag:s21] =	ssyncset.done $0x0  }
0x35c: {  	[sflag:s21] =	ssyncadd.s32 $0xFFFFAC00  }
0x35d: {  	[hbm4b:s26+s2] =	stream.linear.scatter [tilespmem:s13], [sflag:$0x7], $0x5400, $0x38;
	[tilespmem:$0x15400] =	vst v63  }
0x35e: {  	_ =	swait.ge [sflag:s11], $0x5400  }
0x35f: {  	[sflag:s11] =	ssyncset.done $0x0  }
0x360: {  	[sflag:s11] =	ssyncadd.s32 $0xFFFFAC00  }
0x361: {  	[tilespmem:s28], [sflag:$0x9] =	stream.linear.gather [hbm4b:s25+s2], $0xA8, $0x38;
	[tilespmem:$0x15400] =	vst v63  }
0x362: {  	_ =	swait.ge [sflag:s18], $0xA8  }
0x363: {  	[sflag:s18] =	ssyncset.done $0x0  }
0x364: {  	[sflag:s18] =	ssyncadd.s32 $0xFFFFFF58  }
0x365: {  	[tilespmem:s13], [sflag:$0x3] =	stream.indirect.gather [hbm4b:s3+s19], $0x80, s28, s19, $0xb8;
	[tilespmem:$0x15400] =	vst v63  }
0x366: {  	_ =	swait.ge [sflag:s20], $0x5400  }
0x367: {  	[sflag:s20] =	ssyncset.done $0x0  }
0x368: {  	[sflag:s20] =	ssyncadd.s32 $0xFFFFAC00  }
0x369: {  	[hbm4b:s17+s2] =	stream.linear.scatter [tilespmem:s10], [sflag:$0x8], $0x5400, $0x38;
	[tilespmem:$0x15400] =	vst v63  }
0x36a: {  	_ =	swait.ge [sflag:s9], $0x5400  }
0x36b: {  	[sflag:s9] =	ssyncset.done $0x0  }
0x36c: {  	[sflag:s9] =	ssyncadd.s32 $0xFFFFAC00  }
0x36d: {  	[tilespmem:s23], [sflag:$0x9] =	stream.linear.gather [hbm4b:s15+s2], $0xA8, $0x38;
	[tilespmem:$0x15400] =	vst v63  }
0x36e: {  	_ =	swait.ge [sflag:s18], $0xA8  }
0x36f: {  	[sflag:s18] =	ssyncset.done $0x0  }
0x370: {  	[sflag:s18] =	ssyncadd.s32 $0xFFFFFF58  }
0x371: {  	[tilespmem:s10], [sflag:$0x4] =	stream.indirect.gather [hbm4b:s3+s19], $0x80, s23, s19, $0xb8;
	[tilespmem:$0x15400] =	vst v63  }
0x372: {  	_ =	swait.ge [sflag:s22], $0x5400  }
0x373: {  	[sflag:s22] =	ssyncset.done $0x0  }
0x374: {  	[sflag:s22] =	ssyncadd.s32 $0xFFFFAC00  }
0x375: {  	[hbm4b:s7+s2] =	stream.linear.scatter [tilespmem:s16], [sflag:$0x5], $0x5400, $0x38;
	[tilespmem:$0x15400] =	vst v63  }
0x376: {  	_ =	swait.ge [sflag:s24], $0x5400  }
0x377: {  	[sflag:s24] =	ssyncset.done $0x0  }
0x378: {  	[sflag:s24] =	ssyncadd.s32 $0xFFFFAC00  }
0x379: {  	[hbm4b:s6+s2] =	stream.linear.scatter [tilespmem:s14], [sflag:$0x6], $0x5400, $0x38;
	[tilespmem:$0x15400] =	vst v63  }
0x37a: {  	_ =	swait.ge [sflag:s21], $0x5400  }
0x37b: {  	[sflag:s21] =	ssyncset.done $0x0  }
0x37c: {  	[sflag:s21] =	ssyncadd.s32 $0xFFFFAC00  }
0x37d: {  	[hbm4b:s5+s2] =	stream.linear.scatter [tilespmem:s13], [sflag:$0x7], $0x5400, $0x38;
	[tilespmem:$0x15400] =	vst v63  }
0x37e: {  	_ =	swait.ge [sflag:s20], $0x5400  }
0x37f: {  	[sflag:s20] =	ssyncset.done $0x0  }
0x380: {  	[sflag:s20] =	ssyncadd.s32 $0xFFFFAC00  }
0x381: {  	[hbm4b:s4+s2] =	stream.linear.scatter [tilespmem:s10], [sflag:$0x8], $0x5400, $0x38;
	[tilespmem:$0x15400] =	vst v63  }
0x382: {  	_ =	swait.ge [sflag:s8], $0x5400  }
0x383: {  	[sflag:s8] =	ssyncset.done $0x0  }
0x384: {  	[sflag:s8] =	ssyncadd.s32 $0xFFFFAC00  }
0x385: {  	_ =	swait.ge [sflag:s12], $0x5400  }
0x386: {  	[sflag:s12] =	ssyncset.done $0x0  }
0x387: {  	p1 =	sne.s32 s1, $0x1;
	[sflag:s12] =	ssyncadd.s32 $0xFFFFAC00  }
.Ltmp2:
0x388: {  	_ =	swait.ge [sflag:s11], $0x5400;
	(pc) =	sbr.rel @p1 .LBB2_2-.Ltmp2, $4  }
0x389: {  	[sflag:s11] =	ssyncset.done $0x0  }
0x38a: {  	[sflag:s11] =	ssyncadd.s32 $0xFFFFAC00  }
0x38b: {  	_ =	swait.ge [sflag:s9], $0x5400  }
0x38c: {  	s1 =	sadd.s32 $0xFFFFFFFF, s1;
	s0 =	rddreg [dreg:$0x8];
	[sflag:s9] =	ssyncset.done $0x0  }
.LBB2_3:
0x38d: {  	[sflag:s9] =	ssyncadd.s32 @p0 $0xFFFFAC00  }
0x38e: {  	[tilespmem:s2], [sflag:$0x9] =	stream.linear.gather [hbm4b:s0+s2], $0xA8, $0x38;
	[tilespmem:$0x15400] =	vst v63  }
0x38f: {  	_ =	swait.ge [sflag:s18], $0xA8  }
0x390: {  	[sflag:s18] =	ssyncset.done $0x0  }
0x391: {  	[sflag:s18] =	ssyncadd.s32 $0xFFFFFF58  }
0x392: {  	[tilespmem:s16], [sflag:$0x1] =	stream.indirect.gather [hbm4b:s31+s19], $0x80, s2, s19, $0xb8;
	[tilespmem:$0x15400] =	vst v63  }
0x393: {  	s1 =	rddreg [dreg:$0x9]  }
0x394: {  	[tilespmem:s30], [sflag:$0x9] =	stream.linear.gather [hbm4b:s1+s2], $0xA8, $0x38;
	[tilespmem:$0x15400] =	vst v63  }
0x395: {  	_ =	swait.ge [sflag:s18], $0xA8  }
0x396: {  	[sflag:s18] =	ssyncset.done $0x0  }
0x397: {  	[sflag:s18] =	ssyncadd.s32 $0xFFFFFF58  }
0x398: {  	[tilespmem:s14], [sflag:$0x2] =	stream.indirect.gather [hbm4b:s31+s19], $0x80, s30, s19, $0xb8;
	[tilespmem:$0x15400] =	vst v63  }
0x399: {  	s1 =	rddreg [dreg:$0xa]  }
0x39a: {  	[tilespmem:s28], [sflag:$0x9] =	stream.linear.gather [hbm4b:s1+s2], $0xA8, $0x38;
	[tilespmem:$0x15400] =	vst v63  }
0x39b: {  	_ =	swait.ge [sflag:s18], $0xA8  }
0x39c: {  	[sflag:s18] =	ssyncset.done $0x0  }
0x39d: {  	[sflag:s18] =	ssyncadd.s32 $0xFFFFFF58  }
0x39e: {  	[tilespmem:s13], [sflag:$0x3] =	stream.indirect.gather [hbm4b:s31+s19], $0x80, s28, s19, $0xb8;
	[tilespmem:$0x15400] =	vst v63  }
0x39f: {  	s1 =	rddreg [dreg:$0xb]  }
0x3a0: {  	[tilespmem:s23], [sflag:$0x9] =	stream.linear.gather [hbm4b:s1+s2], $0xA8, $0x38;
	[tilespmem:$0x15400] =	vst v63  }
0x3a1: {  	_ =	swait.ge [sflag:s18], $0xA8  }
0x3a2: {  	[sflag:s18] =	ssyncset.done $0x0  }
0x3a3: {  	[sflag:s18] =	ssyncadd.s32 $0xFFFFFF58  }
0x3a4: {  	[tilespmem:s10], [sflag:$0x4] =	stream.indirect.gather [hbm4b:s31+s19], $0x80, s23, s19, $0xb8;
	[tilespmem:$0x15400] =	vst v63  }
0x3a5: {  	_ =	swait.ge [sflag:s22], $0x5400  }
0x3a6: {  	[sflag:s22] =	ssyncset.done $0x0  }
0x3a7: {  	s1 =	rddreg [dreg:$0xc];
	[sflag:s22] =	ssyncadd.s32 $0xFFFFAC00  }
0x3a8: {  	[hbm4b:s1+s2] =	stream.linear.scatter [tilespmem:s16], [sflag:$0x5], $0x5400, $0x38;
	[tilespmem:$0x15400] =	vst v63  }
0x3a9: {  	_ =	swait.ge [sflag:s8], $0x5400  }
0x3aa: {  	[sflag:s8] =	ssyncset.done $0x0  }
0x3ab: {  	s1 =	rddreg [dreg:$0xd];
	[sflag:s8] =	ssyncadd.s32 $0xFFFFAC00  }
0x3ac: {  	[tilespmem:s2], [sflag:$0x9] =	stream.linear.gather [hbm4b:s1+s2], $0xA8, $0x38;
	[tilespmem:$0x15400] =	vst v63  }
0x3ad: {  	_ =	swait.ge [sflag:s18], $0xA8  }
0x3ae: {  	[sflag:s18] =	ssyncset.done $0x0  }
0x3af: {  	[sflag:s18] =	ssyncadd.s32 $0xFFFFFF58  }
0x3b0: {  	[tilespmem:s16], [sflag:$0x1] =	stream.indirect.gather [hbm4b:s31+s19], $0x80, s2, s19, $0xb8;
	[tilespmem:$0x15400] =	vst v63  }
0x3b1: {  	_ =	swait.ge [sflag:s24], $0x5400  }
0x3b2: {  	[sflag:s24] =	ssyncset.done $0x0  }
0x3b3: {  	s1 =	rddreg [dreg:$0xe];
	[sflag:s24] =	ssyncadd.s32 $0xFFFFAC00  }
0x3b4: {  	[hbm4b:s1+s2] =	stream.linear.scatter [tilespmem:s14], [sflag:$0x6], $0x5400, $0x38;
	[tilespmem:$0x15400] =	vst v63  }
0x3b5: {  	_ =	swait.ge [sflag:s12], $0x5400  }
0x3b6: {  	[sflag:s12] =	ssyncset.done $0x0  }
0x3b7: {  	s1 =	rddreg [dreg:$0xf];
	[sflag:s12] =	ssyncadd.s32 $0xFFFFAC00  }
0x3b8: {  	[tilespmem:s30], [sflag:$0x9] =	stream.linear.gather [hbm4b:s1+s2], $0xA8, $0x38;
	[tilespmem:$0x15400] =	vst v63  }
0x3b9: {  	_ =	swait.ge [sflag:s18], $0xA8  }
0x3ba: {  	[sflag:s18] =	ssyncset.done $0x0  }
0x3bb: {  	[sflag:s18] =	ssyncadd.s32 $0xFFFFFF58  }
0x3bc: {  	[tilespmem:s14], [sflag:$0x2] =	stream.indirect.gather [hbm4b:s31+s19], $0x80, s30, s19, $0xb8;
	[tilespmem:$0x15400] =	vst v63  }
0x3bd: {  	_ =	swait.ge [sflag:s21], $0x5400  }
0x3be: {  	[sflag:s21] =	ssyncset.done $0x0  }
0x3bf: {  	s1 =	rddreg [dreg:$0x10];
	[sflag:s21] =	ssyncadd.s32 $0xFFFFAC00  }
0x3c0: {  	[hbm4b:s1+s2] =	stream.linear.scatter [tilespmem:s13], [sflag:$0x7], $0x5400, $0x38;
	[tilespmem:$0x15400] =	vst v63  }
0x3c1: {  	_ =	swait.ge [sflag:s11], $0x5400  }
0x3c2: {  	[sflag:s11] =	ssyncset.done $0x0  }
0x3c3: {  	s1 =	rddreg [dreg:$0x11];
	[sflag:s11] =	ssyncadd.s32 $0xFFFFAC00  }
0x3c4: {  	[tilespmem:s28], [sflag:$0x9] =	stream.linear.gather [hbm4b:s1+s2], $0xA8, $0x38;
	[tilespmem:$0x15400] =	vst v63  }
0x3c5: {  	_ =	swait.ge [sflag:s18], $0xA8  }
0x3c6: {  	[sflag:s18] =	ssyncset.done $0x0  }
0x3c7: {  	[sflag:s18] =	ssyncadd.s32 $0xFFFFFF58  }
0x3c8: {  	[tilespmem:s13], [sflag:$0x3] =	stream.indirect.gather [hbm4b:s31+s19], $0x80, s28, s19, $0xb8;
	[tilespmem:$0x15400] =	vst v63  }
0x3c9: {  	_ =	swait.ge [sflag:s20], $0x5400  }
0x3ca: {  	[sflag:s20] =	ssyncset.done $0x0  }
0x3cb: {  	s1 =	rddreg [dreg:$0x12];
	[sflag:s20] =	ssyncadd.s32 $0xFFFFAC00  }
0x3cc: {  	[hbm4b:s1+s2] =	stream.linear.scatter [tilespmem:s10], [sflag:$0x8], $0x5400, $0x38;
	[tilespmem:$0x15400] =	vst v63  }
0x3cd: {  	_ =	swait.ge [sflag:s9], $0x5400  }
0x3ce: {  	[sflag:s9] =	ssyncset.done $0x0  }
0x3cf: {  	s1 =	rddreg [dreg:$0x13];
	[sflag:s9] =	ssyncadd.s32 $0xFFFFAC00  }
0x3d0: {  	[tilespmem:s23], [sflag:$0x9] =	stream.linear.gather [hbm4b:s1+s2], $0xA8, $0x38;
	[tilespmem:$0x15400] =	vst v63  }
0x3d1: {  	_ =	swait.ge [sflag:s18], $0xA8  }
0x3d2: {  	[sflag:s18] =	ssyncset.done $0x0  }
0x3d3: {  	[sflag:s18] =	ssyncadd.s32 $0xFFFFFF58  }
0x3d4: {  	[tilespmem:s10], [sflag:$0x4] =	stream.indirect.gather [hbm4b:s31+s19], $0x80, s23, s19, $0xb8;
	[tilespmem:$0x15400] =	vst v63  }
0x3d5: {  	_ =	swait.ge [sflag:s22], $0x5400  }
0x3d6: {  	[sflag:s22] =	ssyncset.done $0x0  }
0x3d7: {  	s1 =	rddreg [dreg:$0x14];
	[sflag:s22] =	ssyncadd.s32 $0xFFFFAC00  }
0x3d8: {  	[hbm4b:s1+s2] =	stream.linear.scatter [tilespmem:s16], [sflag:$0x5], $0x5400, $0x38;
	[tilespmem:$0x15400] =	vst v63  }
0x3d9: {  	_ =	swait.ge [sflag:s8], $0x5400  }
0x3da: {  	[sflag:s8] =	ssyncset.done $0x0  }
0x3db: {  	s1 =	rddreg [dreg:$0x15];
	[sflag:s8] =	ssyncadd.s32 $0xFFFFAC00  }
0x3dc: {  	[tilespmem:s2], [sflag:$0x9] =	stream.linear.gather [hbm4b:s1+s2], $0xA8, $0x38;
	[tilespmem:$0x15400] =	vst v63  }
0x3dd: {  	_ =	swait.ge [sflag:s18], $0xA8  }
0x3de: {  	[sflag:s18] =	ssyncset.done $0x0  }
0x3df: {  	[sflag:s18] =	ssyncadd.s32 $0xFFFFFF58  }
0x3e0: {  	[tilespmem:s16], [sflag:$0x1] =	stream.indirect.gather [hbm4b:s31+s19], $0x80, s2, s19, $0xb8;
	[tilespmem:$0x15400] =	vst v63  }
0x3e1: {  	_ =	swait.ge [sflag:s24], $0x5400  }
0x3e2: {  	[sflag:s24] =	ssyncset.done $0x0  }
0x3e3: {  	s1 =	rddreg [dreg:$0x16];
	[sflag:s24] =	ssyncadd.s32 $0xFFFFAC00  }
0x3e4: {  	[hbm4b:s1+s2] =	stream.linear.scatter [tilespmem:s14], [sflag:$0x6], $0x5400, $0x38;
	[tilespmem:$0x15400] =	vst v63  }
0x3e5: {  	_ =	swait.ge [sflag:s12], $0x5400  }
0x3e6: {  	[sflag:s12] =	ssyncset.done $0x0  }
0x3e7: {  	s1 =	rddreg [dreg:$0x17];
	[sflag:s12] =	ssyncadd.s32 $0xFFFFAC00  }
0x3e8: {  	[tilespmem:s30], [sflag:$0x9] =	stream.linear.gather [hbm4b:s1+s2], $0xA8, $0x38;
	[tilespmem:$0x15400] =	vst v63  }
0x3e9: {  	_ =	swait.ge [sflag:s18], $0xA8  }
0x3ea: {  	[sflag:s18] =	ssyncset.done $0x0  }
0x3eb: {  	[sflag:s18] =	ssyncadd.s32 $0xFFFFFF58  }
0x3ec: {  	[tilespmem:s14], [sflag:$0x2] =	stream.indirect.gather [hbm4b:s31+s19], $0x80, s30, s19, $0xb8;
	[tilespmem:$0x15400] =	vst v63  }
0x3ed: {  	_ =	swait.ge [sflag:s21], $0x5400  }
0x3ee: {  	[sflag:s21] =	ssyncset.done $0x0  }
0x3ef: {  	s1 =	rddreg [dreg:$0x18];
	[sflag:s21] =	ssyncadd.s32 $0xFFFFAC00  }
0x3f0: {  	[hbm4b:s1+s2] =	stream.linear.scatter [tilespmem:s13], [sflag:$0x7], $0x5400, $0x38;
	[tilespmem:$0x15400] =	vst v63  }
0x3f1: {  	_ =	swait.ge [sflag:s11], $0x5400  }
0x3f2: {  	[sflag:s11] =	ssyncset.done $0x0  }
0x3f3: {  	s1 =	rddreg [dreg:$0x19];
	[sflag:s11] =	ssyncadd.s32 $0xFFFFAC00  }
0x3f4: {  	[tilespmem:s28], [sflag:$0x9] =	stream.linear.gather [hbm4b:s1+s2], $0xA8, $0x38;
	[tilespmem:$0x15400] =	vst v63  }
0x3f5: {  	_ =	swait.ge [sflag:s18], $0xA8  }
0x3f6: {  	[sflag:s18] =	ssyncset.done $0x0  }
0x3f7: {  	[sflag:s18] =	ssyncadd.s32 $0xFFFFFF58  }
0x3f8: {  	[tilespmem:s13], [sflag:$0x3] =	stream.indirect.gather [hbm4b:s31+s19], $0x80, s28, s19, $0xb8;
	[tilespmem:$0x15400] =	vst v63  }
0x3f9: {  	_ =	swait.ge [sflag:s20], $0x5400  }
0x3fa: {  	[sflag:s20] =	ssyncset.done $0x0  }
0x3fb: {  	s1 =	rddreg [dreg:$0x1a];
	[sflag:s20] =	ssyncadd.s32 $0xFFFFAC00  }
0x3fc: {  	[hbm4b:s1+s2] =	stream.linear.scatter [tilespmem:s10], [sflag:$0x8], $0x5400, $0x38;
	[tilespmem:$0x15400] =	vst v63  }
0x3fd: {  	_ =	swait.ge [sflag:s9], $0x5400  }
0x3fe: {  	[sflag:s9] =	ssyncset.done $0x0  }
0x3ff: {  	s1 =	rddreg [dreg:$0x1b];
	[sflag:s9] =	ssyncadd.s32 $0xFFFFAC00  }
0x400: {  	[tilespmem:s23], [sflag:$0x9] =	stream.linear.gather [hbm4b:s1+s2], $0xA8, $0x38;
	[tilespmem:$0x15400] =	vst v63  }
0x401: {  	_ =	swait.ge [sflag:s18], $0xA8  }
0x402: {  	[sflag:s18] =	ssyncset.done $0x0  }
0x403: {  	[sflag:s18] =	ssyncadd.s32 $0xFFFFFF58  }
0x404: {  	[tilespmem:s10], [sflag:$0x4] =	stream.indirect.gather [hbm4b:s31+s19], $0x80, s23, s19, $0xb8;
	[tilespmem:$0x15400] =	vst v63  }
0x405: {  	_ =	swait.ge [sflag:s22], $0x5400  }
0x406: {  	[sflag:s22] =	ssyncset.done $0x0  }
0x407: {  	s1 =	rddreg [dreg:$0x1c];
	[sflag:s22] =	ssyncadd.s32 $0xFFFFAC00  }
0x408: {  	[hbm4b:s1+s2] =	stream.linear.scatter [tilespmem:s16], [sflag:$0x5], $0x5400, $0x38;
	[tilespmem:$0x15400] =	vst v63  }
0x409: {  	_ =	swait.ge [sflag:s8], $0x5400  }
0x40a: {  	[sflag:s8] =	ssyncset.done $0x0  }
0x40b: {  	s1 =	rddreg [dreg:$0x1d];
	[sflag:s8] =	ssyncadd.s32 $0xFFFFAC00  }
0x40c: {  	[tilespmem:s2], [sflag:$0x9] =	stream.linear.gather [hbm4b:s1+s2], $0xA8, $0x38;
	[tilespmem:$0x15400] =	vst v63  }
0x40d: {  	_ =	swait.ge [sflag:s18], $0xA8  }
0x40e: {  	[sflag:s18] =	ssyncset.done $0x0  }
0x40f: {  	[sflag:s18] =	ssyncadd.s32 $0xFFFFFF58  }
0x410: {  	[tilespmem:s16], [sflag:$0x1] =	stream.indirect.gather [hbm4b:s31+s19], $0x80, s2, s19, $0xb8;
	[tilespmem:$0x15400] =	vst v63  }
0x411: {  	_ =	swait.ge [sflag:s24], $0x5400  }
0x412: {  	[sflag:s24] =	ssyncset.done $0x0  }
0x413: {  	s1 =	rddreg [dreg:$0x1e];
	[sflag:s24] =	ssyncadd.s32 $0xFFFFAC00  }
0x414: {  	[hbm4b:s1+s2] =	stream.linear.scatter [tilespmem:s14], [sflag:$0x6], $0x5400, $0x38;
	[tilespmem:$0x15400] =	vst v63  }
0x415: {  	_ =	swait.ge [sflag:s12], $0x5400  }
0x416: {  	[sflag:s12] =	ssyncset.done $0x0  }
0x417: {  	s1 =	rddreg [dreg:$0x1f];
	[sflag:s12] =	ssyncadd.s32 $0xFFFFAC00  }
0x418: {  	[tilespmem:s30], [sflag:$0x9] =	stream.linear.gather [hbm4b:s1+s2], $0xA8, $0x38;
	[tilespmem:$0x15400] =	vst v63  }
0x419: {  	_ =	swait.ge [sflag:s18], $0xA8  }
0x41a: {  	[sflag:s18] =	ssyncset.done $0x0  }
0x41b: {  	[sflag:s18] =	ssyncadd.s32 $0xFFFFFF58  }
0x41c: {  	[tilespmem:s14], [sflag:$0x2] =	stream.indirect.gather [hbm4b:s31+s19], $0x80, s30, s19, $0xb8;
	[tilespmem:$0x15400] =	vst v63  }
0x41d: {  	_ =	swait.ge [sflag:s21], $0x5400  }
0x41e: {  	s1 =	sld [smem:$0x7DF]  }
0x41f: {  	[sflag:s21] =	ssyncset.done $0x0  }
0x420: {  	[sflag:s21] =	ssyncadd.s32 $0xFFFFAC00  }
0x421: {  	[hbm4b:s1+s2] =	stream.linear.scatter [tilespmem:s13], [sflag:$0x7], $0x5400, $0x38;
	[tilespmem:$0x15400] =	vst v63  }
0x422: {  	_ =	swait.ge [sflag:s11], $0x5400  }
0x423: {  	s1 =	sld [smem:$0x7E0]  }
0x424: {  	[sflag:s11] =	ssyncset.done $0x0  }
0x425: {  	[sflag:s11] =	ssyncadd.s32 $0xFFFFAC00  }
0x426: {  	[tilespmem:s28], [sflag:$0x9] =	stream.linear.gather [hbm4b:s1+s2], $0xA8, $0x38;
	[tilespmem:$0x15400] =	vst v63  }
0x427: {  	_ =	swait.ge [sflag:s18], $0xA8  }
0x428: {  	[sflag:s18] =	ssyncset.done $0x0  }
0x429: {  	[sflag:s18] =	ssyncadd.s32 $0xFFFFFF58  }
0x42a: {  	[tilespmem:s13], [sflag:$0x3] =	stream.indirect.gather [hbm4b:s31+s19], $0x80, s28, s19, $0xb8;
	[tilespmem:$0x15400] =	vst v63  }
0x42b: {  	_ =	swait.ge [sflag:s20], $0x5400  }
0x42c: {  	s1 =	sld [smem:$0x7E1]  }
0x42d: {  	[sflag:s20] =	ssyncset.done $0x0  }
0x42e: {  	[sflag:s20] =	ssyncadd.s32 $0xFFFFAC00  }
0x42f: {  	[hbm4b:s1+s2] =	stream.linear.scatter [tilespmem:s10], [sflag:$0x8], $0x5400, $0x38;
	[tilespmem:$0x15400] =	vst v63  }
0x430: {  	_ =	swait.ge [sflag:s9], $0x5400  }
0x431: {  	s1 =	sld [smem:$0x7E2]  }
0x432: {  	[sflag:s9] =	ssyncset.done $0x0  }
0x433: {  	[sflag:s9] =	ssyncadd.s32 $0xFFFFAC00  }
0x434: {  	[tilespmem:s23], [sflag:$0x9] =	stream.linear.gather [hbm4b:s1+s2], $0xA8, $0x38;
	[tilespmem:$0x15400] =	vst v63  }
0x435: {  	_ =	swait.ge [sflag:s18], $0xA8  }
0x436: {  	[sflag:s18] =	ssyncset.done $0x0  }
0x437: {  	[sflag:s18] =	ssyncadd.s32 $0xFFFFFF58  }
0x438: {  	[tilespmem:s10], [sflag:$0x4] =	stream.indirect.gather [hbm4b:s31+s19], $0x80, s23, s19, $0xb8;
	[tilespmem:$0x15400] =	vst v63  }
0x439: {  	_ =	swait.ge [sflag:s22], $0x5400  }
0x43a: {  	s1 =	sld [smem:$0x7E3]  }
0x43b: {  	[sflag:s22] =	ssyncset.done $0x0  }
0x43c: {  	[sflag:s22] =	ssyncadd.s32 $0xFFFFAC00  }
0x43d: {  	[hbm4b:s1+s2] =	stream.linear.scatter [tilespmem:s16], [sflag:$0x5], $0x5400, $0x38;
	[tilespmem:$0x15400] =	vst v63  }
0x43e: {  	_ =	swait.ge [sflag:s8], $0x5400  }
0x43f: {  	s31 =	sld [smem:$0x7E4]  }
0x440: {  	[sflag:s8] =	ssyncset.done $0x0  }
0x441: {  	[sflag:s8] =	ssyncadd.s32 $0xFFFFAC00  }
0x442: {  	[tilespmem:s2], [sflag:$0x9] =	stream.linear.gather [hbm4b:s31+s2], $0xA8, $0x38;
	[tilespmem:$0x15400] =	vst v63  }
0x443: {  	_ =	swait.ge [sflag:s18], $0xA8  }
0x444: {  	[sflag:s18] =	ssyncset.done $0x0  }
0x445: {  	[sflag:s18] =	ssyncadd.s32 $0xFFFFFF58  }
0x446: {  	[tilespmem:s16], [sflag:$0x1] =	stream.indirect.gather [hbm4b:s3+s19], $0x80, s2, s19, $0xb8;
	[tilespmem:$0x15400] =	vst v63  }
0x447: {  	_ =	swait.ge [sflag:s24], $0x5400  }
0x448: {  	s1 =	sld [smem:$0x7E5]  }
0x449: {  	[sflag:s24] =	ssyncset.done $0x0  }
0x44a: {  	[sflag:s24] =	ssyncadd.s32 $0xFFFFAC00  }
0x44b: {  	[hbm4b:s1+s2] =	stream.linear.scatter [tilespmem:s14], [sflag:$0x6], $0x5400, $0x38;
	[tilespmem:$0x15400] =	vst v63  }
0x44c: {  	_ =	swait.ge [sflag:s12], $0x5400  }
0x44d: {  	s31 =	sld [smem:$0x7E6]  }
0x44e: {  	[sflag:s12] =	ssyncset.done $0x0  }
0x44f: {  	[sflag:s12] =	ssyncadd.s32 $0xFFFFAC00  }
0x450: {  	[tilespmem:s30], [sflag:$0x9] =	stream.linear.gather [hbm4b:s31+s2], $0xA8, $0x38;
	[tilespmem:$0x15400] =	vst v63  }
0x451: {  	_ =	swait.ge [sflag:s18], $0xA8  }
0x452: {  	[sflag:s18] =	ssyncset.done $0x0  }
0x453: {  	[sflag:s18] =	ssyncadd.s32 $0xFFFFFF58  }
0x454: {  	[tilespmem:s14], [sflag:$0x2] =	stream.indirect.gather [hbm4b:s3+s19], $0x80, s30, s19, $0xb8;
	[tilespmem:$0x15400] =	vst v63  }
0x455: {  	_ =	swait.ge [sflag:s21], $0x5400  }
0x456: {  	s1 =	sld [smem:$0x7E7]  }
0x457: {  	[sflag:s21] =	ssyncset.done $0x0  }
0x458: {  	[sflag:s21] =	ssyncadd.s32 $0xFFFFAC00  }
0x459: {  	[hbm4b:s1+s2] =	stream.linear.scatter [tilespmem:s13], [sflag:$0x7], $0x5400, $0x38;
	[tilespmem:$0x15400] =	vst v63  }
0x45a: {  	_ =	swait.ge [sflag:s11], $0x5400  }
0x45b: {  	s31 =	sld [smem:$0x7E8]  }
0x45c: {  	[sflag:s11] =	ssyncset.done $0x0  }
0x45d: {  	[sflag:s11] =	ssyncadd.s32 $0xFFFFAC00  }
0x45e: {  	[tilespmem:s28], [sflag:$0x9] =	stream.linear.gather [hbm4b:s31+s2], $0xA8, $0x38;
	[tilespmem:$0x15400] =	vst v63  }
0x45f: {  	_ =	swait.ge [sflag:s18], $0xA8  }
0x460: {  	[sflag:s18] =	ssyncset.done $0x0  }
0x461: {  	[sflag:s18] =	ssyncadd.s32 $0xFFFFFF58  }
0x462: {  	[tilespmem:s13], [sflag:$0x3] =	stream.indirect.gather [hbm4b:s3+s19], $0x80, s28, s19, $0xb8;
	[tilespmem:$0x15400] =	vst v63  }
0x463: {  	_ =	swait.ge [sflag:s20], $0x5400  }
0x464: {  	s1 =	sld [smem:$0x7E9]  }
0x465: {  	[sflag:s20] =	ssyncset.done $0x0  }
0x466: {  	[sflag:s20] =	ssyncadd.s32 $0xFFFFAC00  }
0x467: {  	[hbm4b:s1+s2] =	stream.linear.scatter [tilespmem:s10], [sflag:$0x8], $0x5400, $0x38;
	[tilespmem:$0x15400] =	vst v63  }
0x468: {  	_ =	swait.ge [sflag:s9], $0x5400  }
0x469: {  	s31 =	sld [smem:$0x7EA]  }
0x46a: {  	[sflag:s9] =	ssyncset.done $0x0  }
0x46b: {  	[sflag:s9] =	ssyncadd.s32 $0xFFFFAC00  }
0x46c: {  	[tilespmem:s23], [sflag:$0x9] =	stream.linear.gather [hbm4b:s31+s2], $0xA8, $0x38;
	[tilespmem:$0x15400] =	vst v63  }
0x46d: {  	_ =	swait.ge [sflag:s18], $0xA8  }
0x46e: {  	[sflag:s18] =	ssyncset.done $0x0  }
0x46f: {  	[sflag:s18] =	ssyncadd.s32 $0xFFFFFF58  }
0x470: {  	[tilespmem:s10], [sflag:$0x4] =	stream.indirect.gather [hbm4b:s3+s19], $0x80, s23, s19, $0xb8;
	[tilespmem:$0x15400] =	vst v63  }
0x471: {  	_ =	swait.ge [sflag:s22], $0x5400  }
0x472: {  	s1 =	sld [smem:$0x7EB]  }
0x473: {  	[sflag:s22] =	ssyncset.done $0x0  }
0x474: {  	[sflag:s22] =	ssyncadd.s32 $0xFFFFAC00  }
0x475: {  	[hbm4b:s1+s2] =	stream.linear.scatter [tilespmem:s16], [sflag:$0x5], $0x5400, $0x38;
	[tilespmem:$0x15400] =	vst v63  }
0x476: {  	_ =	swait.ge [sflag:s8], $0x5400  }
0x477: {  	s31 =	sld [smem:$0x7EC]  }
0x478: {  	[sflag:s8] =	ssyncset.done $0x0  }
0x479: {  	[sflag:s8] =	ssyncadd.s32 $0xFFFFAC00  }
0x47a: {  	[tilespmem:s2], [sflag:$0x9] =	stream.linear.gather [hbm4b:s31+s2], $0xA8, $0x38;
	[tilespmem:$0x15400] =	vst v63  }
0x47b: {  	_ =	swait.ge [sflag:s18], $0xA8  }
0x47c: {  	[sflag:s18] =	ssyncset.done $0x0  }
0x47d: {  	[sflag:s18] =	ssyncadd.s32 $0xFFFFFF58  }
0x47e: {  	[tilespmem:s16], [sflag:$0x1] =	stream.indirect.gather [hbm4b:s3+s19], $0x80, s2, s19, $0xb8;
	[tilespmem:$0x15400] =	vst v63  }
0x47f: {  	_ =	swait.ge [sflag:s24], $0x5400  }
0x480: {  	s1 =	sld [smem:$0x7ED]  }
0x481: {  	[sflag:s24] =	ssyncset.done $0x0  }
0x482: {  	[sflag:s24] =	ssyncadd.s32 $0xFFFFAC00  }
0x483: {  	[hbm4b:s1+s2] =	stream.linear.scatter [tilespmem:s14], [sflag:$0x6], $0x5400, $0x38;
	[tilespmem:$0x15400] =	vst v63  }
0x484: {  	_ =	swait.ge [sflag:s12], $0x5400  }
0x485: {  	s31 =	sld [smem:$0x7EE]  }
0x486: {  	[sflag:s12] =	ssyncset.done $0x0  }
0x487: {  	[sflag:s12] =	ssyncadd.s32 $0xFFFFAC00  }
0x488: {  	[tilespmem:s30], [sflag:$0x9] =	stream.linear.gather [hbm4b:s31+s2], $0xA8, $0x38;
	[tilespmem:$0x15400] =	vst v63  }
0x489: {  	_ =	swait.ge [sflag:s18], $0xA8  }
0x48a: {  	[sflag:s18] =	ssyncset.done $0x0  }
0x48b: {  	[sflag:s18] =	ssyncadd.s32 $0xFFFFFF58  }
0x48c: {  	[tilespmem:s14], [sflag:$0x2] =	stream.indirect.gather [hbm4b:s3+s19], $0x80, s30, s19, $0xb8;
	[tilespmem:$0x15400] =	vst v63  }
0x48d: {  	_ =	swait.ge [sflag:s21], $0x5400  }
0x48e: {  	s1 =	sld [smem:$0x7EF]  }
0x48f: {  	[sflag:s21] =	ssyncset.done $0x0  }
0x490: {  	[sflag:s21] =	ssyncadd.s32 $0xFFFFAC00  }
0x491: {  	[hbm4b:s1+s2] =	stream.linear.scatter [tilespmem:s13], [sflag:$0x7], $0x5400, $0x38;
	[tilespmem:$0x15400] =	vst v63  }
0x492: {  	_ =	swait.ge [sflag:s11], $0x5400  }
0x493: {  	s31 =	sld [smem:$0x7F0]  }
0x494: {  	[sflag:s11] =	ssyncset.done $0x0  }
0x495: {  	[sflag:s11] =	ssyncadd.s32 $0xFFFFAC00  }
0x496: {  	[tilespmem:s28], [sflag:$0x9] =	stream.linear.gather [hbm4b:s31+s2], $0xA8, $0x38;
	[tilespmem:$0x15400] =	vst v63  }
0x497: {  	_ =	swait.ge [sflag:s18], $0xA8  }
0x498: {  	[sflag:s18] =	ssyncset.done $0x0  }
0x499: {  	[sflag:s18] =	ssyncadd.s32 $0xFFFFFF58  }
0x49a: {  	[tilespmem:s13], [sflag:$0x3] =	stream.indirect.gather [hbm4b:s3+s19], $0x80, s28, s19, $0xb8;
	[tilespmem:$0x15400] =	vst v63  }
0x49b: {  	_ =	swait.ge [sflag:s20], $0x5400  }
0x49c: {  	s1 =	sld [smem:$0x7F1]  }
0x49d: {  	[sflag:s20] =	ssyncset.done $0x0  }
0x49e: {  	[sflag:s20] =	ssyncadd.s32 $0xFFFFAC00  }
0x49f: {  	[hbm4b:s1+s2] =	stream.linear.scatter [tilespmem:s10], [sflag:$0x8], $0x5400, $0x38;
	[tilespmem:$0x15400] =	vst v63  }
0x4a0: {  	_ =	swait.ge [sflag:s9], $0x5400  }
0x4a1: {  	s31 =	sld [smem:$0x7F2]  }
0x4a2: {  	[sflag:s9] =	ssyncset.done $0x0  }
0x4a3: {  	[sflag:s9] =	ssyncadd.s32 $0xFFFFAC00  }
0x4a4: {  	[tilespmem:s23], [sflag:$0x9] =	stream.linear.gather [hbm4b:s31+s2], $0xA8, $0x38;
	[tilespmem:$0x15400] =	vst v63  }
0x4a5: {  	_ =	swait.ge [sflag:s18], $0xA8  }
0x4a6: {  	[sflag:s18] =	ssyncset.done $0x0  }
0x4a7: {  	[sflag:s18] =	ssyncadd.s32 $0xFFFFFF58  }
0x4a8: {  	[tilespmem:s10], [sflag:$0x4] =	stream.indirect.gather [hbm4b:s3+s19], $0x80, s23, s19, $0xb8;
	[tilespmem:$0x15400] =	vst v63  }
0x4a9: {  	_ =	swait.ge [sflag:s22], $0x5400  }
0x4aa: {  	s1 =	sld [smem:$0x7F3]  }
0x4ab: {  	[sflag:s22] =	ssyncset.done $0x0  }
0x4ac: {  	[sflag:s22] =	ssyncadd.s32 $0xFFFFAC00  }
0x4ad: {  	[hbm4b:s1+s2] =	stream.linear.scatter [tilespmem:s16], [sflag:$0x5], $0x5400, $0x38;
	[tilespmem:$0x15400] =	vst v63  }
0x4ae: {  	_ =	swait.ge [sflag:s8], $0x5400  }
0x4af: {  	s31 =	sld [smem:$0x7F4]  }
0x4b0: {  	[sflag:s8] =	ssyncset.done $0x0  }
0x4b1: {  	[sflag:s8] =	ssyncadd.s32 $0xFFFFAC00  }
0x4b2: {  	[tilespmem:s2], [sflag:$0x9] =	stream.linear.gather [hbm4b:s31+s2], $0xA8, $0x38;
	[tilespmem:$0x15400] =	vst v63  }
0x4b3: {  	_ =	swait.ge [sflag:s18], $0xA8  }
0x4b4: {  	[sflag:s18] =	ssyncset.done $0x0  }
0x4b5: {  	[sflag:s18] =	ssyncadd.s32 $0xFFFFFF58  }
0x4b6: {  	[tilespmem:s16], [sflag:$0x1] =	stream.indirect.gather [hbm4b:s3+s19], $0x80, s2, s19, $0xb8;
	[tilespmem:$0x15400] =	vst v63  }
0x4b7: {  	_ =	swait.ge [sflag:s24], $0x5400  }
0x4b8: {  	s1 =	sld [smem:$0x7F5]  }
0x4b9: {  	[sflag:s24] =	ssyncset.done $0x0  }
0x4ba: {  	[sflag:s24] =	ssyncadd.s32 $0xFFFFAC00  }
0x4bb: {  	[hbm4b:s1+s2] =	stream.linear.scatter [tilespmem:s14], [sflag:$0x6], $0x5400, $0x38;
	[tilespmem:$0x15400] =	vst v63  }
0x4bc: {  	_ =	swait.ge [sflag:s12], $0x5400  }
0x4bd: {  	s31 =	sld [smem:$0x7F6]  }
0x4be: {  	[sflag:s12] =	ssyncset.done $0x0  }
0x4bf: {  	[sflag:s12] =	ssyncadd.s32 $0xFFFFAC00  }
0x4c0: {  	[tilespmem:s30], [sflag:$0x9] =	stream.linear.gather [hbm4b:s31+s2], $0xA8, $0x38;
	[tilespmem:$0x15400] =	vst v63  }
0x4c1: {  	_ =	swait.ge [sflag:s18], $0xA8  }
0x4c2: {  	[sflag:s18] =	ssyncset.done $0x0  }
0x4c3: {  	[sflag:s18] =	ssyncadd.s32 $0xFFFFFF58  }
0x4c4: {  	[tilespmem:s14], [sflag:$0x2] =	stream.indirect.gather [hbm4b:s3+s19], $0x80, s30, s19, $0xb8;
	[tilespmem:$0x15400] =	vst v63  }
0x4c5: {  	_ =	swait.ge [sflag:s21], $0x5400  }
0x4c6: {  	s1 =	sld [smem:$0x7F7]  }
0x4c7: {  	[sflag:s21] =	ssyncset.done $0x0  }
0x4c8: {  	[sflag:s21] =	ssyncadd.s32 $0xFFFFAC00  }
0x4c9: {  	[hbm4b:s1+s2] =	stream.linear.scatter [tilespmem:s13], [sflag:$0x7], $0x5400, $0x38;
	[tilespmem:$0x15400] =	vst v63  }
0x4ca: {  	_ =	swait.ge [sflag:s11], $0x5400  }
0x4cb: {  	s31 =	sld [smem:$0x7F8]  }
0x4cc: {  	[sflag:s11] =	ssyncset.done $0x0  }
0x4cd: {  	[sflag:s11] =	ssyncadd.s32 $0xFFFFAC00  }
0x4ce: {  	[tilespmem:s28], [sflag:$0x9] =	stream.linear.gather [hbm4b:s31+s2], $0xA8, $0x38;
	[tilespmem:$0x15400] =	vst v63  }
0x4cf: {  	_ =	swait.ge [sflag:s18], $0xA8  }
0x4d0: {  	[sflag:s18] =	ssyncset.done $0x0  }
0x4d1: {  	[sflag:s18] =	ssyncadd.s32 $0xFFFFFF58  }
0x4d2: {  	[tilespmem:s13], [sflag:$0x3] =	stream.indirect.gather [hbm4b:s3+s19], $0x80, s28, s19, $0xb8;
	[tilespmem:$0x15400] =	vst v63  }
0x4d3: {  	_ =	swait.ge [sflag:s20], $0x5400  }
0x4d4: {  	s1 =	sld [smem:$0x7F9]  }
0x4d5: {  	[sflag:s20] =	ssyncset.done $0x0  }
0x4d6: {  	[sflag:s20] =	ssyncadd.s32 $0xFFFFAC00  }
0x4d7: {  	[hbm4b:s1+s2] =	stream.linear.scatter [tilespmem:s10], [sflag:$0x8], $0x5400, $0x38;
	[tilespmem:$0x15400] =	vst v63  }
0x4d8: {  	_ =	swait.ge [sflag:s9], $0x5400  }
0x4d9: {  	s31 =	sld [smem:$0x7FA]  }
0x4da: {  	[sflag:s9] =	ssyncset.done $0x0  }
0x4db: {  	[sflag:s9] =	ssyncadd.s32 $0xFFFFAC00  }
0x4dc: {  	[tilespmem:s23], [sflag:$0x9] =	stream.linear.gather [hbm4b:s31+s2], $0xA8, $0x38;
	[tilespmem:$0x15400] =	vst v63  }
0x4dd: {  	_ =	swait.ge [sflag:s18], $0xA8  }
0x4de: {  	[sflag:s18] =	ssyncset.done $0x0  }
0x4df: {  	[sflag:s18] =	ssyncadd.s32 $0xFFFFFF58  }
0x4e0: {  	[tilespmem:s10], [sflag:$0x4] =	stream.indirect.gather [hbm4b:s3+s19], $0x80, s23, s19, $0xb8;
	[tilespmem:$0x15400] =	vst v63  }
0x4e1: {  	_ =	swait.ge [sflag:s22], $0x5400  }
0x4e2: {  	s1 =	sld [smem:$0x7FB]  }
0x4e3: {  	[sflag:s22] =	ssyncset.done $0x0  }
0x4e4: {  	[sflag:s22] =	ssyncadd.s32 $0xFFFFAC00  }
0x4e5: {  	[hbm4b:s1+s2] =	stream.linear.scatter [tilespmem:s16], [sflag:$0x5], $0x5400, $0x38;
	[tilespmem:$0x15400] =	vst v63  }
0x4e6: {  	_ =	swait.ge [sflag:s8], $0x5400  }
0x4e7: {  	s31 =	sld [smem:$0x7FC]  }
0x4e8: {  	[sflag:s8] =	ssyncset.done $0x0  }
0x4e9: {  	[sflag:s8] =	ssyncadd.s32 $0xFFFFAC00  }
0x4ea: {  	[tilespmem:s2], [sflag:$0x9] =	stream.linear.gather [hbm4b:s31+s2], $0xA8, $0x38;
	[tilespmem:$0x15400] =	vst v63  }
0x4eb: {  	_ =	swait.ge [sflag:s18], $0xA8  }
0x4ec: {  	[sflag:s18] =	ssyncset.done $0x0  }
0x4ed: {  	[sflag:s18] =	ssyncadd.s32 $0xFFFFFF58  }
0x4ee: {  	[tilespmem:s16], [sflag:$0x1] =	stream.indirect.gather [hbm4b:s3+s19], $0x80, s2, s19, $0xb8;
	[tilespmem:$0x15400] =	vst v63  }
0x4ef: {  	_ =	swait.ge [sflag:s24], $0x5400  }
0x4f0: {  	s1 =	sld [smem:$0x7FD]  }
0x4f1: {  	[sflag:s24] =	ssyncset.done $0x0  }
0x4f2: {  	[sflag:s24] =	ssyncadd.s32 $0xFFFFAC00  }
0x4f3: {  	[hbm4b:s1+s2] =	stream.linear.scatter [tilespmem:s14], [sflag:$0x6], $0x5400, $0x38;
	[tilespmem:$0x15400] =	vst v63  }
0x4f4: {  	_ =	swait.ge [sflag:s12], $0x5400  }
0x4f5: {  	[sflag:s12] =	ssyncset.done $0x0  }
0x4f6: {  	[sflag:s12] =	ssyncadd.s32 $0xFFFFAC00  }
0x4f7: {  	[tilespmem:s30], [sflag:$0x9] =	stream.linear.gather [hbm4b:s29+s2], $0xA8, $0x38;
	[tilespmem:$0x15400] =	vst v63  }
0x4f8: {  	_ =	swait.ge [sflag:s18], $0xA8  }
0x4f9: {  	[sflag:s18] =	ssyncset.done $0x0  }
0x4fa: {  	[sflag:s18] =	ssyncadd.s32 $0xFFFFFF58  }
0x4fb: {  	[tilespmem:s14], [sflag:$0x2] =	stream.indirect.gather [hbm4b:s3+s19], $0x80, s30, s19, $0xb8;
	[tilespmem:$0x15400] =	vst v63  }
0x4fc: {  	_ =	swait.ge [sflag:s21], $0x5400  }
0x4fd: {  	[sflag:s21] =	ssyncset.done $0x0  }
0x4fe: {  	[sflag:s21] =	ssyncadd.s32 $0xFFFFAC00  }
0x4ff: {  	[hbm4b:s26+s2] =	stream.linear.scatter [tilespmem:s13], [sflag:$0x7], $0x5400, $0x38;
	[tilespmem:$0x15400] =	vst v63  }
0x500: {  	_ =	swait.ge [sflag:s11], $0x5400  }
0x501: {  	[sflag:s11] =	ssyncset.done $0x0  }
0x502: {  	[sflag:s11] =	ssyncadd.s32 $0xFFFFAC00  }
0x503: {  	[tilespmem:s28], [sflag:$0x9] =	stream.linear.gather [hbm4b:s25+s2], $0xA8, $0x38;
	[tilespmem:$0x15400] =	vst v63  }
0x504: {  	_ =	swait.ge [sflag:s18], $0xA8  }
0x505: {  	[sflag:s18] =	ssyncset.done $0x0  }
0x506: {  	[sflag:s18] =	ssyncadd.s32 $0xFFFFFF58  }
0x507: {  	[tilespmem:s13], [sflag:$0x3] =	stream.indirect.gather [hbm4b:s3+s19], $0x80, s28, s19, $0xb8;
	[tilespmem:$0x15400] =	vst v63  }
0x508: {  	_ =	swait.ge [sflag:s20], $0x5400  }
0x509: {  	[sflag:s20] =	ssyncset.done $0x0  }
0x50a: {  	[sflag:s20] =	ssyncadd.s32 $0xFFFFAC00  }
0x50b: {  	[hbm4b:s17+s2] =	stream.linear.scatter [tilespmem:s10], [sflag:$0x8], $0x5400, $0x38;
	[tilespmem:$0x15400] =	vst v63  }
0x50c: {  	_ =	swait.ge [sflag:s9], $0x5400  }
0x50d: {  	[sflag:s9] =	ssyncset.done $0x0  }
0x50e: {  	[sflag:s9] =	ssyncadd.s32 $0xFFFFAC00  }
0x50f: {  	[tilespmem:s23], [sflag:$0x9] =	stream.linear.gather [hbm4b:s15+s2], $0xA8, $0x38;
	[tilespmem:$0x15400] =	vst v63  }
0x510: {  	_ =	swait.ge [sflag:s18], $0xA8  }
0x511: {  	[sflag:s18] =	ssyncset.done $0x0  }
0x512: {  	[sflag:s18] =	ssyncadd.s32 $0xFFFFFF58  }
0x513: {  	[tilespmem:s10], [sflag:$0x4] =	stream.indirect.gather [hbm4b:s3+s19], $0x80, s23, s19, $0xb8;
	[tilespmem:$0x15400] =	vst v63  }
0x514: {  	_ =	swait.ge [sflag:s22], $0x5400  }
0x515: {  	[sflag:s22] =	ssyncset.done $0x0  }
0x516: {  	[sflag:s22] =	ssyncadd.s32 $0xFFFFAC00  }
0x517: {  	[hbm4b:s7+s2] =	stream.linear.scatter [tilespmem:s16], [sflag:$0x5], $0x5400, $0x38;
	[tilespmem:$0x15400] =	vst v63  }
0x518: {  	_ =	swait.ge [sflag:s24], $0x5400  }
0x519: {  	[sflag:s24] =	ssyncset.done $0x0  }
0x51a: {  	[sflag:s24] =	ssyncadd.s32 $0xFFFFAC00  }
0x51b: {  	[hbm4b:s6+s2] =	stream.linear.scatter [tilespmem:s14], [sflag:$0x6], $0x5400, $0x38;
	[tilespmem:$0x15400] =	vst v63  }
0x51c: {  	_ =	swait.ge [sflag:s21], $0x5400  }
0x51d: {  	[sflag:s21] =	ssyncset.done $0x0  }
0x51e: {  	[sflag:s21] =	ssyncadd.s32 $0xFFFFAC00  }
0x51f: {  	[hbm4b:s5+s2] =	stream.linear.scatter [tilespmem:s13], [sflag:$0x7], $0x5400, $0x38;
	[tilespmem:$0x15400] =	vst v63  }
0x520: {  	_ =	swait.ge [sflag:s20], $0x5400  }
0x521: {  	[sflag:s20] =	ssyncset.done $0x0  }
0x522: {  	[sflag:s20] =	ssyncadd.s32 $0xFFFFAC00  }
0x523: {  	[hbm4b:s4+s2] =	stream.linear.scatter [tilespmem:s10], [sflag:$0x8], $0x5400, $0x38;
	[tilespmem:$0x15400] =	vst v63  }
0x524: {  	_ =	swait.ge [sflag:s8], $0x5400  }
0x525: {  	[sflag:s8] =	ssyncset.done $0x0  }
0x526: {  	[sflag:s8] =	ssyncadd.s32 $0xFFFFAC00  }
0x527: {  	_ =	swait.ge [sflag:s12], $0x5400  }
0x528: {  	[sflag:s12] =	ssyncset.done $0x0  }
0x529: {  	[sflag:s12] =	ssyncadd.s32 $0xFFFFAC00  }
0x52a: {  	_ =	swait.ge [sflag:s11], $0x5400  }
0x52b: {  	[sflag:s11] =	ssyncset.done $0x0  }
0x52c: {  	[sflag:s11] =	ssyncadd.s32 $0xFFFFAC00  }
0x52d: {  	_ =	swait.ge [sflag:s9], $0x5400  }
0x52e: {  	[sflag:s9] =	ssyncset.done $0x0  }
0x52f: {  	[sflag:s9] =	ssyncadd.s32 $0xFFFFAC00  }
0x530: {  	_ =	sfence.sel $0x180000  }
0x531: {  	[bflag:$0x0] =	sbarrier.arrive $0xFFFF  }
0x532: {  	_ =	strace $0x90000047  }
0x533: {  	s31 =	stileid.u32;
	[bflag:$0x2] =	sbarrier.arrive $0xFFFF  }
0x534: {  	p0 =	sne.s32 s31, $0x0;
	s0 =	rddreg [dreg:$0x7]  }
0x535: {  	s0 =	sadd.s32 @!p0 $0x100000, s0  }
0x536: {  	[sflag:s0] =	ssyncadd.tile.s32 @!p0 $0x1;
	_ =	shalt  }
.Lfunc_end2:
_tile_overlayer_lowered:
.L_overlay_start_2:
0x537: {  	(tag) =	ssettag $0x2  }
0x538: {  	s0 =	rddreg [dreg:$0x0];
	s2 =	stileid.u32  }
0x539: {  	s1 =	rddreg [dreg:$0x1];
	p0 =	sne.s32 s2, $0x0  }
0x53a: {  	s3 =	rddreg [dreg:$0x2];
	[bflag:$0x3] =	sbarrier.arrive $0xFFFF;
	s2 =	simm.s32 @!p0 $0x1C09  }
0x53b: {  	[timem:s3], [sflag:s2] =	dma.local @!p0 [hbm:s0], s1  }
0x53c: {  	s0 =	simm.s32 @!p0 $0x9  }
0x53d: {  	_ =	swait.ge @!p0 [sflag:s0], s1  }
0x53e: {  	s1 =	ssub.s32 @!p0 $0x0, s1;
	[sflag:s0] =	ssyncset.done @!p0 $0x0  }
0x53f: {  	[sflag:s0] =	ssyncadd.s32 @!p0 s1  }
0x540: {  	[bflag:$0x3] =	sbarrier.arrive $0xFFFF  }
0x541: {  	_ =	shalt  }

</sc_bundles>
